<compile_context>
chip_gen: v7x
topology: tpu7x:2x2x1
jax: 0.10.2.dev20260603
libtpu: 0.0.44.dev20260713+nightly
codegen_flags: <defaults>
</compile_context>

<pallas_src>
import functools

import jax
import jax.numpy as jnp
from jax import lax
from jax.experimental import pallas as pl
from jax.experimental.pallas import tpu as pltpu
from jax.experimental.pallas import tpu_sc as plsc

_B = 4
_NC = 4096
_NF = 16384
_NPB = _NC // _B
_MPB = _NF // _B
_CIN = 96
_COUT = 48
_MT = 512
_CT = 512

_NW = 32
_PPW = _NF // _NW
_GP = 64
_NG = _PPW // _GP


def _f2_body(x_ref, g_ref, b_ref, w_ref, bias_ref, o_ref):
    x = x_ref[...]
    mu = jnp.mean(x, axis=1, keepdims=True)
    xc = x - mu
    var = jnp.mean(xc * xc, axis=1, keepdims=True)
    y = xc / jnp.sqrt(var + 1e-5) * g_ref[...] + b_ref[...]
    f2 = (jnp.dot(y, w_ref[...], preferred_element_type=jnp.float32,
                  precision=lax.Precision.HIGHEST)
          + bias_ref[...])
    o_ref[...] = jnp.concatenate(
        [f2, jnp.zeros((_CT, 128 - _COUT), jnp.float32)], axis=1)


def _f2_call(feats, g, b, w, bias):
    return pl.pallas_call(
        _f2_body,
        grid=(_NC // _CT,),
        in_specs=[
            pl.BlockSpec((_CT, _CIN), lambda i: (i, 0)),
            pl.BlockSpec((1, _CIN), lambda i: (0, 0)),
            pl.BlockSpec((1, _CIN), lambda i: (0, 0)),
            pl.BlockSpec((_CIN, _COUT), lambda i: (0, 0)),
            pl.BlockSpec((1, _COUT), lambda i: (0, 0)),
        ],
        out_specs=pl.BlockSpec((_CT, 128), lambda i: (i, 0)),
        out_shape=jax.ShapeDtypeStruct((_NC, 128), jnp.float32),
    )(feats, g, b, w, bias)


def _knn_body(sxyz_ref, cxyz_ref, sf_ref, g_ref, bln_ref, w1_ref, b1_ref,
              i0_ref, i1_ref, i2_ref, w0_ref, w1o_ref, w2_ref, skip_ref,
              b0=0):
    b = b0 + pl.program_id(0)
    fx = sxyz_ref[0, 0:1, :]
    fy = sxyz_ref[0, 1:2, :]
    fz = sxyz_ref[0, 2:3, :]
    cx = cxyz_ref[:, 0:1]
    cy = cxyz_ref[:, 1:2]
    cz = cxyz_ref[:, 2:3]
    dx = cx - fx
    dy = cy - fy
    dz = cz - fz
    d2 = dx * dx + dy * dy + dz * dz
    iotaf = lax.broadcasted_iota(jnp.int32, (_NPB, _MT), 0).astype(jnp.float32)

    idxs = []
    ws = []
    for k in range(3):
        minv = jnp.min(d2, axis=0, keepdims=True)
        cand = jnp.where(d2 == minv, iotaf, jnp.float32(_NPB))
        aminf = jnp.min(cand, axis=0, keepdims=True)
        if k < 2:
            d2 = jnp.where(iotaf == aminf, jnp.float32(jnp.inf), d2)
        dist = jnp.sqrt(jnp.maximum(minv, 1e-12))
        ws.append(1.0 / (dist + 1e-8))
        idxs.append(aminf)
    wsum = ws[0] + ws[1] + ws[2]
    ws = [w / wsum for w in ws]

    gidx = [i.astype(jnp.int32) + b * _NPB for i in idxs]
    i0_ref[...] = gidx[0].reshape(_MT)
    i1_ref[...] = gidx[1].reshape(_MT)
    i2_ref[...] = gidx[2].reshape(_MT)
    w0_ref[...] = ws[0].reshape(_MT)
    w1o_ref[...] = ws[1].reshape(_MT)
    w2_ref[...] = ws[2].reshape(_MT)

    x = sf_ref[...]
    mu = jnp.mean(x, axis=1, keepdims=True)
    xc = x - mu
    var = jnp.mean(xc * xc, axis=1, keepdims=True)
    y = xc / jnp.sqrt(var + 1e-5) * g_ref[...] + bln_ref[...]
    sk = (jnp.dot(y, w1_ref[...], preferred_element_type=jnp.float32,
                  precision=lax.Precision.HIGHEST)
          + b1_ref[...])
    skip_ref[...] = jnp.concatenate(
        [sk, jnp.zeros((_MT, 128 - _COUT), jnp.float32)], axis=1)


def _knn_call(sxyzT, cxyz8, sfeat, g, bln, w1, b1, b0, nb):
    nt = _MPB // _MT
    nh = nb * _MPB
    body = functools.partial(_knn_body, b0=b0)
    return pl.pallas_call(
        body,
        grid=(nb, nt),
        in_specs=[
            pl.BlockSpec((1, 8, _MT), lambda b, t: (0, 0, (b0 + b) * nt + t)),
            pl.BlockSpec((_NPB, 8), lambda b, t: (b0 + b, 0)),
            pl.BlockSpec((_MT, _COUT), lambda b, t: ((b0 + b) * nt + t, 0)),
            pl.BlockSpec((1, _COUT), lambda b, t: (0, 0)),
            pl.BlockSpec((1, _COUT), lambda b, t: (0, 0)),
            pl.BlockSpec((_COUT, _COUT), lambda b, t: (0, 0)),
            pl.BlockSpec((1, _COUT), lambda b, t: (0, 0)),
        ],
        out_specs=[
            pl.BlockSpec((_MT,), lambda b, t: (b * nt + t,)),
            pl.BlockSpec((_MT,), lambda b, t: (b * nt + t,)),
            pl.BlockSpec((_MT,), lambda b, t: (b * nt + t,)),
            pl.BlockSpec((_MT,), lambda b, t: (b * nt + t,)),
            pl.BlockSpec((_MT,), lambda b, t: (b * nt + t,)),
            pl.BlockSpec((_MT,), lambda b, t: (b * nt + t,)),
            pl.BlockSpec((_MT, 128), lambda b, t: (b * nt + t, 0)),
        ],
        out_shape=[
            jax.ShapeDtypeStruct((nh,), jnp.int32),
            jax.ShapeDtypeStruct((nh,), jnp.int32),
            jax.ShapeDtypeStruct((nh,), jnp.int32),
            jax.ShapeDtypeStruct((nh,), jnp.float32),
            jax.ShapeDtypeStruct((nh,), jnp.float32),
            jax.ShapeDtypeStruct((nh,), jnp.float32),
            jax.ShapeDtypeStruct((nh, 128), jnp.float32),
        ],
    )(sxyzT, cxyz8, sfeat, g, bln, w1, b1)


def _sc_combine(f2, idx3, w3, skip, npts):
    ppw = npts // _NW
    ng = ppw // _GP
    mesh = plsc.VectorSubcoreMesh(core_axis_name="c", subcore_axis_name="s")

    @functools.partial(
        pl.kernel,
        out_type=jax.ShapeDtypeStruct((npts * _COUT,), jnp.float32),
        mesh=mesh,
        scratch_types=[
            pltpu.VMEM((ppw,), jnp.int32),
            pltpu.VMEM((ppw,), jnp.int32),
            pltpu.VMEM((ppw,), jnp.int32),
            pltpu.VMEM((ppw,), jnp.float32),
            pltpu.VMEM((ppw,), jnp.float32),
            pltpu.VMEM((ppw,), jnp.float32),
            pltpu.VMEM((ppw,), jnp.int32),
            pltpu.VMEM((ppw * _COUT,), jnp.float32),
            pltpu.VMEM((_GP, 128), jnp.float32),
            pltpu.VMEM((_GP, 128), jnp.float32),
            pltpu.VMEM((_GP, 128), jnp.float32),
            pltpu.VMEM((_GP, 128), jnp.float32),
            pltpu.VMEM((_GP, 128), jnp.float32),
            pltpu.VMEM((_GP, 128), jnp.float32),
            pltpu.VMEM((_GP, 128), jnp.float32),
            pltpu.VMEM((_GP, 128), jnp.float32),
            pltpu.SemaphoreType.DMA,
            pltpu.SemaphoreType.DMA,
        ],
        compiler_params=pltpu.CompilerParams(needs_layout_passes=False),
    )
    def k(f2_hbm, i0_hbm, i1_hbm, i2_hbm, w0_hbm, w1_hbm, w2_hbm,
          skip_hbm, out_hbm,
          i0, i1, i2, w0v, w1v, w2v, ident, out_v,
          r0a, r1a, r2a, ska, r0b, r1b, r2b, skb, semA, semB):
        wid = lax.axis_index("s") * 2 + lax.axis_index("c")
        base = wid * ppw
        lane16 = lax.iota(jnp.int32, 16)
        for j in range(ppw // 16):
            ident[pl.ds(j * 16, 16)] = base + j * 16 + lane16
        pltpu.sync_copy(i0_hbm.at[pl.ds(base, ppw)], i0)
        pltpu.sync_copy(i1_hbm.at[pl.ds(base, ppw)], i1)
        pltpu.sync_copy(i2_hbm.at[pl.ds(base, ppw)], i2)
        pltpu.sync_copy(w0_hbm.at[pl.ds(base, ppw)], w0v)
        pltpu.sync_copy(w1_hbm.at[pl.ds(base, ppw)], w1v)
        pltpu.sync_copy(w2_hbm.at[pl.ds(base, ppw)], w2v)
        bufs = ((r0a, r1a, r2a, ska, semA), (r0b, r1b, r2b, skb, semB))

        def fire(g, bs):
            r0, r1, r2, sk, sem = bs
            sl = pl.ds(g * _GP, _GP)
            return (
                pltpu.async_copy(f2_hbm.at[i0.at[sl]], r0, sem),
                pltpu.async_copy(f2_hbm.at[i1.at[sl]], r1, sem),
                pltpu.async_copy(f2_hbm.at[i2.at[sl]], r2, sem),
                pltpu.async_copy(skip_hbm.at[ident.at[sl]], sk, sem),
            )

        pend = fire(0, bufs[0])
        for g in range(ng):
            for c in pend:
                c.wait()
            r0, r1, r2, sk, _ = bufs[g % 2]
            if g + 1 < ng:
                pend = fire(g + 1, bufs[(g + 1) % 2])

            def body(p, carry, g=g, r0=r0, r1=r1, r2=r2, sk=sk):
                pg = g * _GP + p
                pv = jnp.full((16,), pg, jnp.int32)
                w0 = plsc.load_gather(w0v, [pv])
                w1 = plsc.load_gather(w1v, [pv])
                w2 = plsc.load_gather(w2v, [pv])
                for c in range(_COUT // 16):
                    sl = pl.ds(c * 16, 16)
                    fsl = pl.ds(pg * _COUT + c * 16, 16)
                    acc = (w0 * r0[p, sl] + w1 * r1[p, sl] + w2 * r2[p, sl]
                           + sk[p, sl])
                    out_v[fsl] = acc
                return carry

            lax.fori_loop(0, _GP, body, 0)
        pltpu.sync_copy(out_v, out_hbm.at[pl.ds(base * _COUT, ppw * _COUT)])

    return k(f2, idx3[0], idx3[1], idx3[2], w3[0], w3[1], w3[2], skip)


def kernel(feats, xyz, support_xyz, offset, support_offset, support_feats,
           ln1_g, ln1_b, W1, b1, ln2_g, ln2_b, W2, b2):
    cxyz8 = jnp.pad(xyz, ((0, 0), (0, 5)))
    sxyzT = jnp.pad(support_xyz.T[None], ((0, 0), (0, 5), (0, 0)))
    f2 = _f2_call(feats, ln2_g.reshape(1, _CIN), ln2_b.reshape(1, _CIN),
                  W2, b2.reshape(1, _COUT))
    halves = []
    for b0 in (0, 1, 2, 3):
        i0a, i1a, i2a, w0a, w1a, w2a, skip = _knn_call(
            sxyzT, cxyz8, support_feats, ln1_g.reshape(1, _COUT),
            ln1_b.reshape(1, _COUT), W1, b1.reshape(1, _COUT), b0, 1)
        halves.append(_sc_combine(f2, (i0a, i1a, i2a), (w0a, w1a, w2a),
                                  skip, _NF // 4))
    out = jnp.concatenate(halves)
    return (out.reshape(_NF, _COUT), support_xyz, support_offset)

# --- scband reference (transcript-rebuilt; emitter-appended) ---
"""Pipeline reference for scband-upsample-25056839205742 (READ-ONLY COPY).

The authoritative reference and input builder live on the scoring server;
editing this copy changes nothing except your own understanding.
"""

import jax, jax.numpy as jnp
import numpy as np

N_COARSE = 4096
N_FINE = 16384
B = 4
C_IN = 96
C_OUT = 48


def _layer_norm(x, g, b, eps=1e-5):
    mu = jnp.mean(x, axis=-1, keepdims=True)
    var = jnp.mean((x - mu) ** 2, axis=-1, keepdims=True)
    return (x - mu) / jnp.sqrt(var + eps) * g + b


def _interpolation(xyz, support_xyz, feat, n_batch, k=3):
    # pointops.interpolation: for each support (fine) point, find k=3 nearest
    # coarse points within the same batch element, inverse-distance weighted sum.
    n = xyz.shape[0] // n_batch
    m = support_xyz.shape[0] // n_batch
    src = xyz.reshape(n_batch, n, 3)
    dst = support_xyz.reshape(n_batch, m, 3)
    ft = feat.reshape(n_batch, n, -1)
    d2 = jnp.sum((dst[:, :, None, :] - src[:, None, :, :]) ** 2, axis=-1)  # [B, m, n]
    neg, idx = jax.lax.top_k(-d2, k)  # nearest = largest negative distance
    dist = jnp.sqrt(jnp.maximum(-neg, 1e-12))
    w = 1.0 / (dist + 1e-8)
    w = w / jnp.sum(w, axis=-1, keepdims=True)
    gathered = jax.vmap(lambda f, i: f[i])(ft, idx)  # [B, m, k, C]
    out = jnp.sum(w[..., None] * gathered, axis=-2)  # [B, m, C]
    return out.reshape(support_xyz.shape[0], -1)


def setup_inputs(seed: int = 0) -> dict:
    key = jax.random.key(seed)
    ks = jax.random.split(key, 6)
    feats = jax.random.normal(ks[0], (N_COARSE, C_IN), dtype=jnp.float32)
    xyz = jax.random.uniform(ks[1], (N_COARSE, 3), dtype=jnp.float32)
    support_xyz = jax.random.uniform(ks[2], (N_FINE, 3), dtype=jnp.float32)
    support_feats = jax.random.normal(ks[3], (N_FINE, C_OUT), dtype=jnp.float32)
    offset = jnp.array([(N_COARSE // B) * (i + 1) for i in range(B)], dtype=jnp.int32)
    support_offset = jnp.array([(N_FINE // B) * (i + 1) for i in range(B)], dtype=jnp.int32)
    ln1_g = jnp.ones((C_OUT,), jnp.float32)
    ln1_b = jnp.zeros((C_OUT,), jnp.float32)
    W1 = jax.random.normal(ks[4], (C_OUT, C_OUT), dtype=jnp.float32) * (1.0 / np.sqrt(C_OUT))
    b1 = jnp.zeros((C_OUT,), jnp.float32)
    ln2_g = jnp.ones((C_IN,), jnp.float32)
    ln2_b = jnp.zeros((C_IN,), jnp.float32)
    W2 = jax.random.normal(ks[5], (C_IN, C_OUT), dtype=jnp.float32) * (1.0 / np.sqrt(C_IN))
    b2 = jnp.zeros((C_OUT,), jnp.float32)
    return {
        'feats': feats, 'xyz': xyz, 'support_xyz': support_xyz,
        'offset': offset, 'support_offset': support_offset,
        'support_feats': support_feats,
        'ln1_g': ln1_g, 'ln1_b': ln1_b, 'W1': W1, 'b1': b1,
        'ln2_g': ln2_g, 'ln2_b': ln2_b, 'W2': W2, 'b2': b2,
    }


def reference(feats, xyz, support_xyz, offset, support_offset, support_feats,
              ln1_g, ln1_b, W1, b1, ln2_g, ln2_b, W2, b2):
    n_batch = offset.shape[0]
    f2 = _layer_norm(feats, ln2_g, ln2_b) @ W2 + b2  # linear2(feats) -> [N_COARSE, C_OUT]
    interp = _interpolation(xyz, support_xyz, f2, n_batch, k=3)  # [N_FINE, C_OUT]
    out = _layer_norm(support_feats, ln1_g, ln1_b) @ W1 + b1 + interp
    return (out, support_xyz, support_offset)

if __name__ == "__main__":
    import jax
    _d = setup_inputs()
    print(jax.jit(kernel)(*tuple(_d.values())))

</pallas_src>

<mosaic_0001>
#map = affine_map<(d0, d1) -> (0, 0)>
#map1 = affine_map<(d0, d1) -> (0)>
module attributes {stable_mosaic.version = 14 : i64} {
  func.func @k(%arg0: i32, %arg1: i32, %arg2: memref<4096x128xf32, #tpu.memory_space<hbm>>, %arg3: memref<4096xi32, #tpu.memory_space<hbm>>, %arg4: memref<4096xi32, #tpu.memory_space<hbm>>, %arg5: memref<4096xi32, #tpu.memory_space<hbm>>, %arg6: memref<4096xf32, #tpu.memory_space<hbm>>, %arg7: memref<4096xf32, #tpu.memory_space<hbm>>, %arg8: memref<4096xf32, #tpu.memory_space<hbm>>, %arg9: memref<4096x128xf32, #tpu.memory_space<hbm>>, %arg10: memref<196608xf32, #tpu.memory_space<hbm>>, %arg11: memref<128xi32, #tpu.memory_space<vmem>>, %arg12: memref<128xi32, #tpu.memory_space<vmem>>, %arg13: memref<128xi32, #tpu.memory_space<vmem>>, %arg14: memref<128xf32, #tpu.memory_space<vmem>>, %arg15: memref<128xf32, #tpu.memory_space<vmem>>, %arg16: memref<128xf32, #tpu.memory_space<vmem>>, %arg17: memref<128xi32, #tpu.memory_space<vmem>>, %arg18: memref<6144xf32, #tpu.memory_space<vmem>>, %arg19: memref<64x128xf32, #tpu.memory_space<vmem>>, %arg20: memref<64x128xf32, #tpu.memory_space<vmem>>, %arg21: memref<64x128xf32, #tpu.memory_space<vmem>>, %arg22: memref<64x128xf32, #tpu.memory_space<vmem>>, %arg23: memref<64x128xf32, #tpu.memory_space<vmem>>, %arg24: memref<64x128xf32, #tpu.memory_space<vmem>>, %arg25: memref<64x128xf32, #tpu.memory_space<vmem>>, %arg26: memref<64x128xf32, #tpu.memory_space<vmem>>, %arg27: memref<!tpu.dma_semaphore, #tpu.memory_space<semaphore_mem>>, %arg28: memref<!tpu.dma_semaphore, #tpu.memory_space<semaphore_mem>>) attributes {dimension_semantics = [#tpu.dimension_semantics<core_parallel>, #tpu.dimension_semantics<subcore_parallel>], iteration_bounds = array<i64: 2, 16>, scalar_prefetch = 0 : i64, scratch_operands = 18 : i64, tpu.core_type = #tpu.core_type<sc_vector_subcore>, window_params = [{transform_indices = #map}, {transform_indices = #map1}, {transform_indices = #map1}, {transform_indices = #map1}, {transform_indices = #map1}, {transform_indices = #map1}, {transform_indices = #map1}, {transform_indices = #map}, {transform_indices = #map1}]} {
    %mul3A = arith.constant 2 : i32
    %mul3A_0 = arith.muli %arg1, %mul3A : i32
    %add3A = arith.addi %mul3A_0, %arg0 : i32
    %mul3A_1 = arith.constant 128 : i32
    %mul3A_2 = arith.muli %add3A, %mul3A_1 : i32
    %iota3A = tpu.iota {dimensions = array<i32: 0>} : vector<16xi32>
    %add3A_3 = arith.constant 0 : i32
    %add3A_4 = arith.addi %mul3A_2, %add3A_3 : i32
    %add3A_5 = vector.broadcast %add3A_4 : i32 to vector<16xi32>
    %add3A_6 = arith.addi %add3A_5, %iota3A : vector<16xi32>
    %swap3A = arith.constant 0 : index
    %swap3A_7 = tpu.vector_load %arg17[%swap3A] {strides = array<i32>} : memref<128xi32, #tpu.memory_space<vmem>>, vector<16xi32>,
    tpu.vector_store %arg17[%swap3A], %add3A_6 {strides = array<i32>} : memref<128xi32, #tpu.memory_space<vmem>>, vector<16xi32>,
    %add3A_8 = arith.constant 16 : i32
    %add3A_9 = arith.addi %mul3A_2, %add3A_8 : i32
    %add3A_10 = vector.broadcast %add3A_9 : i32 to vector<16xi32>
    %add3A_11 = arith.addi %add3A_10, %iota3A : vector<16xi32>
    %swap3A_12 = arith.constant 16 : index
    %swap3A_13 = tpu.vector_load %arg17[%swap3A_12] {strides = array<i32>} : memref<128xi32, #tpu.memory_space<vmem>>, vector<16xi32>,
    tpu.vector_store %arg17[%swap3A_12], %add3A_11 {strides = array<i32>} : memref<128xi32, #tpu.memory_space<vmem>>, vector<16xi32>,
    %add3A_14 = arith.constant 32 : i32
    %add3A_15 = arith.addi %mul3A_2, %add3A_14 : i32
    %add3A_16 = vector.broadcast %add3A_15 : i32 to vector<16xi32>
    %add3A_17 = arith.addi %add3A_16, %iota3A : vector<16xi32>
    %swap3A_18 = arith.constant 32 : index
    %swap3A_19 = tpu.vector_load %arg17[%swap3A_18] {strides = array<i32>} : memref<128xi32, #tpu.memory_space<vmem>>, vector<16xi32>,
    tpu.vector_store %arg17[%swap3A_18], %add3A_17 {strides = array<i32>} : memref<128xi32, #tpu.memory_space<vmem>>, vector<16xi32>,
    %add3A_20 = arith.constant 48 : i32
    %add3A_21 = arith.addi %mul3A_2, %add3A_20 : i32
    %add3A_22 = vector.broadcast %add3A_21 : i32 to vector<16xi32>
    %add3A_23 = arith.addi %add3A_22, %iota3A : vector<16xi32>
    %swap3A_24 = arith.constant 48 : index
    %swap3A_25 = tpu.vector_load %arg17[%swap3A_24] {strides = array<i32>} : memref<128xi32, #tpu.memory_space<vmem>>, vector<16xi32>,
    tpu.vector_store %arg17[%swap3A_24], %add3A_23 {strides = array<i32>} : memref<128xi32, #tpu.memory_space<vmem>>, vector<16xi32>,
    %add3A_26 = arith.constant 64 : i32
    %add3A_27 = arith.addi %mul3A_2, %add3A_26 : i32
    %add3A_28 = vector.broadcast %add3A_27 : i32 to vector<16xi32>
    %add3A_29 = arith.addi %add3A_28, %iota3A : vector<16xi32>
    %swap3A_30 = arith.constant 64 : index
    %swap3A_31 = tpu.vector_load %arg17[%swap3A_30] {strides = array<i32>} : memref<128xi32, #tpu.memory_space<vmem>>, vector<16xi32>,
    tpu.vector_store %arg17[%swap3A_30], %add3A_29 {strides = array<i32>} : memref<128xi32, #tpu.memory_space<vmem>>, vector<16xi32>,
    %add3A_32 = arith.constant 80 : i32
    %add3A_33 = arith.addi %mul3A_2, %add3A_32 : i32
    %add3A_34 = vector.broadcast %add3A_33 : i32 to vector<16xi32>
    %add3A_35 = arith.addi %add3A_34, %iota3A : vector<16xi32>
    %swap3A_36 = arith.constant 80 : index
    %swap3A_37 = tpu.vector_load %arg17[%swap3A_36] {strides = array<i32>} : memref<128xi32, #tpu.memory_space<vmem>>, vector<16xi32>,
    tpu.vector_store %arg17[%swap3A_36], %add3A_35 {strides = array<i32>} : memref<128xi32, #tpu.memory_space<vmem>>, vector<16xi32>,
    %add3A_38 = arith.constant 96 : i32
    %add3A_39 = arith.addi %mul3A_2, %add3A_38 : i32
    %add3A_40 = vector.broadcast %add3A_39 : i32 to vector<16xi32>
    %add3A_41 = arith.addi %add3A_40, %iota3A : vector<16xi32>
    %swap3A_42 = arith.constant 96 : index
    %swap3A_43 = tpu.vector_load %arg17[%swap3A_42] {strides = array<i32>} : memref<128xi32, #tpu.memory_space<vmem>>, vector<16xi32>,
    tpu.vector_store %arg17[%swap3A_42], %add3A_41 {strides = array<i32>} : memref<128xi32, #tpu.memory_space<vmem>>, vector<16xi32>,
    %add3A_44 = arith.constant 112 : i32
    %add3A_45 = arith.addi %mul3A_2, %add3A_44 : i32
    %add3A_46 = vector.broadcast %add3A_45 : i32 to vector<16xi32>
    %add3A_47 = arith.addi %add3A_46, %iota3A : vector<16xi32>
    %swap3A_48 = arith.constant 112 : index
    %swap3A_49 = tpu.vector_load %arg17[%swap3A_48] {strides = array<i32>} : memref<128xi32, #tpu.memory_space<vmem>>, vector<16xi32>,
    tpu.vector_store %arg17[%swap3A_48], %add3A_47 {strides = array<i32>} : memref<128xi32, #tpu.memory_space<vmem>>, vector<16xi32>,
    "tpu.region"() ({
      %run_scoped3A = tpu.sem_alloc : memref<!tpu.dma_semaphore, #tpu.memory_space<semaphore_mem>>
      %dma_start3A_141 = tpu.memref_slice %arg3[%mul3A_2] : memref<4096xi32, #tpu.memory_space<hbm>> -> memref<128xi32, #tpu.memory_space<hbm>>
      %dma_start3A_142 = tpu.memref_slice %arg3[%mul3A_2] : memref<4096xi32, #tpu.memory_space<hbm>> -> memref<128xi32, #tpu.memory_space<hbm>>
      tpu.enqueue_dma source(%dma_start3A_142 : memref<128xi32, #tpu.memory_space<hbm>>) target(%arg11 : memref<128xi32, #tpu.memory_space<vmem>>) target_semaphore(%run_scoped3A : memref<!tpu.dma_semaphore, #tpu.memory_space<semaphore_mem>>)
      %dma_wait3A_143 = tpu.memref_slice %arg3[%mul3A_2] : memref<4096xi32, #tpu.memory_space<hbm>> -> memref<128xi32, #tpu.memory_space<hbm>>
      %dma_wait3A_144 = tpu.memref_slice %arg3[%mul3A_2] : memref<4096xi32, #tpu.memory_space<hbm>> -> memref<128xi32, #tpu.memory_space<hbm>>
      tpu.wait_dma2 semaphore(%run_scoped3A : memref<!tpu.dma_semaphore, #tpu.memory_space<semaphore_mem>>) src(%dma_wait3A_144 : memref<128xi32, #tpu.memory_space<hbm>>) dst(%arg11 : memref<128xi32, #tpu.memory_space<vmem>>)
      tpu.yield
    }) : () -> ()
    "tpu.region"() ({
      %run_scoped3A = tpu.sem_alloc : memref<!tpu.dma_semaphore, #tpu.memory_space<semaphore_mem>>
      %dma_start3A_141 = tpu.memref_slice %arg4[%mul3A_2] : memref<4096xi32, #tpu.memory_space<hbm>> -> memref<128xi32, #tpu.memory_space<hbm>>
      %dma_start3A_142 = tpu.memref_slice %arg4[%mul3A_2] : memref<4096xi32, #tpu.memory_space<hbm>> -> memref<128xi32, #tpu.memory_space<hbm>>
      tpu.enqueue_dma source(%dma_start3A_142 : memref<128xi32, #tpu.memory_space<hbm>>) target(%arg12 : memref<128xi32, #tpu.memory_space<vmem>>) target_semaphore(%run_scoped3A : memref<!tpu.dma_semaphore, #tpu.memory_space<semaphore_mem>>)
      %dma_wait3A_143 = tpu.memref_slice %arg4[%mul3A_2] : memref<4096xi32, #tpu.memory_space<hbm>> -> memref<128xi32, #tpu.memory_space<hbm>>
      %dma_wait3A_144 = tpu.memref_slice %arg4[%mul3A_2] : memref<4096xi32, #tpu.memory_space<hbm>> -> memref<128xi32, #tpu.memory_space<hbm>>
      tpu.wait_dma2 semaphore(%run_scoped3A : memref<!tpu.dma_semaphore, #tpu.memory_space<semaphore_mem>>) src(%dma_wait3A_144 : memref<128xi32, #tpu.memory_space<hbm>>) dst(%arg12 : memref<128xi32, #tpu.memory_space<vmem>>)
      tpu.yield
    }) : () -> ()
    "tpu.region"() ({
      %run_scoped3A = tpu.sem_alloc : memref<!tpu.dma_semaphore, #tpu.memory_space<semaphore_mem>>
      %dma_start3A_141 = tpu.memref_slice %arg5[%mul3A_2] : memref<4096xi32, #tpu.memory_space<hbm>> -> memref<128xi32, #tpu.memory_space<hbm>>
      %dma_start3A_142 = tpu.memref_slice %arg5[%mul3A_2] : memref<4096xi32, #tpu.memory_space<hbm>> -> memref<128xi32, #tpu.memory_space<hbm>>
      tpu.enqueue_dma source(%dma_start3A_142 : memref<128xi32, #tpu.memory_space<hbm>>) target(%arg13 : memref<128xi32, #tpu.memory_space<vmem>>) target_semaphore(%run_scoped3A : memref<!tpu.dma_semaphore, #tpu.memory_space<semaphore_mem>>)
      %dma_wait3A_143 = tpu.memref_slice %arg5[%mul3A_2] : memref<4096xi32, #tpu.memory_space<hbm>> -> memref<128xi32, #tpu.memory_space<hbm>>
      %dma_wait3A_144 = tpu.memref_slice %arg5[%mul3A_2] : memref<4096xi32, #tpu.memory_space<hbm>> -> memref<128xi32, #tpu.memory_space<hbm>>
      tpu.wait_dma2 semaphore(%run_scoped3A : memref<!tpu.dma_semaphore, #tpu.memory_space<semaphore_mem>>) src(%dma_wait3A_144 : memref<128xi32, #tpu.memory_space<hbm>>) dst(%arg13 : memref<128xi32, #tpu.memory_space<vmem>>)
      tpu.yield
    }) : () -> ()
    "tpu.region"() ({
      %run_scoped3A = tpu.sem_alloc : memref<!tpu.dma_semaphore, #tpu.memory_space<semaphore_mem>>
      %dma_start3A_141 = tpu.memref_slice %arg6[%mul3A_2] : memref<4096xf32, #tpu.memory_space<hbm>> -> memref<128xf32, #tpu.memory_space<hbm>>
      %dma_start3A_142 = tpu.memref_slice %arg6[%mul3A_2] : memref<4096xf32, #tpu.memory_space<hbm>> -> memref<128xf32, #tpu.memory_space<hbm>>
      tpu.enqueue_dma source(%dma_start3A_142 : memref<128xf32, #tpu.memory_space<hbm>>) target(%arg14 : memref<128xf32, #tpu.memory_space<vmem>>) target_semaphore(%run_scoped3A : memref<!tpu.dma_semaphore, #tpu.memory_space<semaphore_mem>>)
      %dma_wait3A_143 = tpu.memref_slice %arg6[%mul3A_2] : memref<4096xf32, #tpu.memory_space<hbm>> -> memref<128xf32, #tpu.memory_space<hbm>>
      %dma_wait3A_144 = tpu.memref_slice %arg6[%mul3A_2] : memref<4096xf32, #tpu.memory_space<hbm>> -> memref<128xf32, #tpu.memory_space<hbm>>
      tpu.wait_dma2 semaphore(%run_scoped3A : memref<!tpu.dma_semaphore, #tpu.memory_space<semaphore_mem>>) src(%dma_wait3A_144 : memref<128xf32, #tpu.memory_space<hbm>>) dst(%arg14 : memref<128xf32, #tpu.memory_space<vmem>>)
      tpu.yield
    }) : () -> ()
    "tpu.region"() ({
      %run_scoped3A = tpu.sem_alloc : memref<!tpu.dma_semaphore, #tpu.memory_space<semaphore_mem>>
      %dma_start3A_141 = tpu.memref_slice %arg7[%mul3A_2] : memref<4096xf32, #tpu.memory_space<hbm>> -> memref<128xf32, #tpu.memory_space<hbm>>
      %dma_start3A_142 = tpu.memref_slice %arg7[%mul3A_2] : memref<4096xf32, #tpu.memory_space<hbm>> -> memref<128xf32, #tpu.memory_space<hbm>>
      tpu.enqueue_dma source(%dma_start3A_142 : memref<128xf32, #tpu.memory_space<hbm>>) target(%arg15 : memref<128xf32, #tpu.memory_space<vmem>>) target_semaphore(%run_scoped3A : memref<!tpu.dma_semaphore, #tpu.memory_space<semaphore_mem>>)
      %dma_wait3A_143 = tpu.memref_slice %arg7[%mul3A_2] : memref<4096xf32, #tpu.memory_space<hbm>> -> memref<128xf32, #tpu.memory_space<hbm>>
      %dma_wait3A_144 = tpu.memref_slice %arg7[%mul3A_2] : memref<4096xf32, #tpu.memory_space<hbm>> -> memref<128xf32, #tpu.memory_space<hbm>>
      tpu.wait_dma2 semaphore(%run_scoped3A : memref<!tpu.dma_semaphore, #tpu.memory_space<semaphore_mem>>) src(%dma_wait3A_144 : memref<128xf32, #tpu.memory_space<hbm>>) dst(%arg15 : memref<128xf32, #tpu.memory_space<vmem>>)
      tpu.yield
    }) : () -> ()
    "tpu.region"() ({
      %run_scoped3A = tpu.sem_alloc : memref<!tpu.dma_semaphore, #tpu.memory_space<semaphore_mem>>
      %dma_start3A_141 = tpu.memref_slice %arg8[%mul3A_2] : memref<4096xf32, #tpu.memory_space<hbm>> -> memref<128xf32, #tpu.memory_space<hbm>>
      %dma_start3A_142 = tpu.memref_slice %arg8[%mul3A_2] : memref<4096xf32, #tpu.memory_space<hbm>> -> memref<128xf32, #tpu.memory_space<hbm>>
      tpu.enqueue_dma source(%dma_start3A_142 : memref<128xf32, #tpu.memory_space<hbm>>) target(%arg16 : memref<128xf32, #tpu.memory_space<vmem>>) target_semaphore(%run_scoped3A : memref<!tpu.dma_semaphore, #tpu.memory_space<semaphore_mem>>)
      %dma_wait3A_143 = tpu.memref_slice %arg8[%mul3A_2] : memref<4096xf32, #tpu.memory_space<hbm>> -> memref<128xf32, #tpu.memory_space<hbm>>
      %dma_wait3A_144 = tpu.memref_slice %arg8[%mul3A_2] : memref<4096xf32, #tpu.memory_space<hbm>> -> memref<128xf32, #tpu.memory_space<hbm>>
      tpu.wait_dma2 semaphore(%run_scoped3A : memref<!tpu.dma_semaphore, #tpu.memory_space<semaphore_mem>>) src(%dma_wait3A_144 : memref<128xf32, #tpu.memory_space<hbm>>) dst(%arg16 : memref<128xf32, #tpu.memory_space<vmem>>)
      tpu.yield
    }) : () -> ()
    %dma_start3A = arith.constant 0 : i32
    %dma_start3A_50 = tpu.memref_slice %arg11[%dma_start3A] : memref<128xi32, #tpu.memory_space<vmem>> -> memref<64xi32, #tpu.memory_space<vmem>>
    %dma_start3A_51 = arith.constant 0 : i32
    %dma_start3A_52 = arith.constant 0 : i32
    %dma_start3A_53 = tpu.memref_slice %arg2[%dma_start3A_51, %dma_start3A_52] : memref<4096x128xf32, #tpu.memory_space<hbm>> -> memref<4096x128xf32, #tpu.memory_space<hbm>>
    tpu.enqueue_indirect_dma source(%dma_start3A_53 : memref<4096x128xf32, #tpu.memory_space<hbm>>) target(%arg19 : memref<64x128xf32, #tpu.memory_space<vmem>>) offsets(%dma_start3A_50 : memref<64xi32, #tpu.memory_space<vmem>>) semaphore(%arg27 : memref<!tpu.dma_semaphore, #tpu.memory_space<semaphore_mem>>)
    %dma_start3A_54 = arith.constant 0 : i32
    %dma_start3A_55 = tpu.memref_slice %arg12[%dma_start3A_54] : memref<128xi32, #tpu.memory_space<vmem>> -> memref<64xi32, #tpu.memory_space<vmem>>
    %dma_start3A_56 = arith.constant 0 : i32
    %dma_start3A_57 = arith.constant 0 : i32
    %dma_start3A_58 = tpu.memref_slice %arg2[%dma_start3A_56, %dma_start3A_57] : memref<4096x128xf32, #tpu.memory_space<hbm>> -> memref<4096x128xf32, #tpu.memory_space<hbm>>
    tpu.enqueue_indirect_dma source(%dma_start3A_58 : memref<4096x128xf32, #tpu.memory_space<hbm>>) target(%arg20 : memref<64x128xf32, #tpu.memory_space<vmem>>) offsets(%dma_start3A_55 : memref<64xi32, #tpu.memory_space<vmem>>) semaphore(%arg27 : memref<!tpu.dma_semaphore, #tpu.memory_space<semaphore_mem>>)
    %dma_start3A_59 = arith.constant 0 : i32
    %dma_start3A_60 = tpu.memref_slice %arg13[%dma_start3A_59] : memref<128xi32, #tpu.memory_space<vmem>> -> memref<64xi32, #tpu.memory_space<vmem>>
    %dma_start3A_61 = arith.constant 0 : i32
    %dma_start3A_62 = arith.constant 0 : i32
    %dma_start3A_63 = tpu.memref_slice %arg2[%dma_start3A_61, %dma_start3A_62] : memref<4096x128xf32, #tpu.memory_space<hbm>> -> memref<4096x128xf32, #tpu.memory_space<hbm>>
    tpu.enqueue_indirect_dma source(%dma_start3A_63 : memref<4096x128xf32, #tpu.memory_space<hbm>>) target(%arg21 : memref<64x128xf32, #tpu.memory_space<vmem>>) offsets(%dma_start3A_60 : memref<64xi32, #tpu.memory_space<vmem>>) semaphore(%arg27 : memref<!tpu.dma_semaphore, #tpu.memory_space<semaphore_mem>>)
    %dma_start3A_64 = arith.constant 0 : i32
    %dma_start3A_65 = tpu.memref_slice %arg17[%dma_start3A_64] : memref<128xi32, #tpu.memory_space<vmem>> -> memref<64xi32, #tpu.memory_space<vmem>>
    %dma_start3A_66 = arith.constant 0 : i32
    %dma_start3A_67 = arith.constant 0 : i32
    %dma_start3A_68 = tpu.memref_slice %arg9[%dma_start3A_66, %dma_start3A_67] : memref<4096x128xf32, #tpu.memory_space<hbm>> -> memref<4096x128xf32, #tpu.memory_space<hbm>>
    tpu.enqueue_indirect_dma source(%dma_start3A_68 : memref<4096x128xf32, #tpu.memory_space<hbm>>) target(%arg22 : memref<64x128xf32, #tpu.memory_space<vmem>>) offsets(%dma_start3A_65 : memref<64xi32, #tpu.memory_space<vmem>>) semaphore(%arg27 : memref<!tpu.dma_semaphore, #tpu.memory_space<semaphore_mem>>)
    %dma_wait3A = arith.constant 0 : i32
    %dma_wait3A_69 = tpu.memref_slice %arg11[%dma_wait3A] : memref<128xi32, #tpu.memory_space<vmem>> -> memref<64xi32, #tpu.memory_space<vmem>>
    %dma_wait3A_70 = arith.constant 0 : i32
    %dma_wait3A_71 = arith.constant 0 : i32
    %dma_wait3A_72 = tpu.memref_slice %arg2[%dma_wait3A_70, %dma_wait3A_71] : memref<4096x128xf32, #tpu.memory_space<hbm>> -> memref<4096x128xf32, #tpu.memory_space<hbm>>
    tpu.wait_indirect_dma semaphore(%arg27 : memref<!tpu.dma_semaphore, #tpu.memory_space<semaphore_mem>>) src(%dma_wait3A_72 : memref<4096x128xf32, #tpu.memory_space<hbm>>) dst(%arg19 : memref<64x128xf32, #tpu.memory_space<vmem>>)
    %dma_wait3A_73 = arith.constant 0 : i32
    %dma_wait3A_74 = tpu.memref_slice %arg12[%dma_wait3A_73] : memref<128xi32, #tpu.memory_space<vmem>> -> memref<64xi32, #tpu.memory_space<vmem>>
    %dma_wait3A_75 = arith.constant 0 : i32
    %dma_wait3A_76 = arith.constant 0 : i32
    %dma_wait3A_77 = tpu.memref_slice %arg2[%dma_wait3A_75, %dma_wait3A_76] : memref<4096x128xf32, #tpu.memory_space<hbm>> -> memref<4096x128xf32, #tpu.memory_space<hbm>>
    tpu.wait_indirect_dma semaphore(%arg27 : memref<!tpu.dma_semaphore, #tpu.memory_space<semaphore_mem>>) src(%dma_wait3A_77 : memref<4096x128xf32, #tpu.memory_space<hbm>>) dst(%arg20 : memref<64x128xf32, #tpu.memory_space<vmem>>)
    %dma_wait3A_78 = arith.constant 0 : i32
    %dma_wait3A_79 = tpu.memref_slice %arg13[%dma_wait3A_78] : memref<128xi32, #tpu.memory_space<vmem>> -> memref<64xi32, #tpu.memory_space<vmem>>
    %dma_wait3A_80 = arith.constant 0 : i32
    %dma_wait3A_81 = arith.constant 0 : i32
    %dma_wait3A_82 = tpu.memref_slice %arg2[%dma_wait3A_80, %dma_wait3A_81] : memref<4096x128xf32, #tpu.memory_space<hbm>> -> memref<4096x128xf32, #tpu.memory_space<hbm>>
    tpu.wait_indirect_dma semaphore(%arg27 : memref<!tpu.dma_semaphore, #tpu.memory_space<semaphore_mem>>) src(%dma_wait3A_82 : memref<4096x128xf32, #tpu.memory_space<hbm>>) dst(%arg21 : memref<64x128xf32, #tpu.memory_space<vmem>>)
    %dma_wait3A_83 = arith.constant 0 : i32
    %dma_wait3A_84 = tpu.memref_slice %arg17[%dma_wait3A_83] : memref<128xi32, #tpu.memory_space<vmem>> -> memref<64xi32, #tpu.memory_space<vmem>>
    %dma_wait3A_85 = arith.constant 0 : i32
    %dma_wait3A_86 = arith.constant 0 : i32
    %dma_wait3A_87 = tpu.memref_slice %arg9[%dma_wait3A_85, %dma_wait3A_86] : memref<4096x128xf32, #tpu.memory_space<hbm>> -> memref<4096x128xf32, #tpu.memory_space<hbm>>
    tpu.wait_indirect_dma semaphore(%arg27 : memref<!tpu.dma_semaphore, #tpu.memory_space<semaphore_mem>>) src(%dma_wait3A_87 : memref<4096x128xf32, #tpu.memory_space<hbm>>) dst(%arg22 : memref<64x128xf32, #tpu.memory_space<vmem>>)
    %dma_start3A_88 = arith.constant 64 : i32
    %dma_start3A_89 = tpu.memref_slice %arg11[%dma_start3A_88] : memref<128xi32, #tpu.memory_space<vmem>> -> memref<64xi32, #tpu.memory_space<vmem>>
    %dma_start3A_90 = arith.constant 0 : i32
    %dma_start3A_91 = arith.constant 0 : i32
    %dma_start3A_92 = tpu.memref_slice %arg2[%dma_start3A_90, %dma_start3A_91] : memref<4096x128xf32, #tpu.memory_space<hbm>> -> memref<4096x128xf32, #tpu.memory_space<hbm>>
    tpu.enqueue_indirect_dma source(%dma_start3A_92 : memref<4096x128xf32, #tpu.memory_space<hbm>>) target(%arg23 : memref<64x128xf32, #tpu.memory_space<vmem>>) offsets(%dma_start3A_89 : memref<64xi32, #tpu.memory_space<vmem>>) semaphore(%arg28 : memref<!tpu.dma_semaphore, #tpu.memory_space<semaphore_mem>>)
    %dma_start3A_93 = arith.constant 64 : i32
    %dma_start3A_94 = tpu.memref_slice %arg12[%dma_start3A_93] : memref<128xi32, #tpu.memory_space<vmem>> -> memref<64xi32, #tpu.memory_space<vmem>>
    %dma_start3A_95 = arith.constant 0 : i32
    %dma_start3A_96 = arith.constant 0 : i32
    %dma_start3A_97 = tpu.memref_slice %arg2[%dma_start3A_95, %dma_start3A_96] : memref<4096x128xf32, #tpu.memory_space<hbm>> -> memref<4096x128xf32, #tpu.memory_space<hbm>>
    tpu.enqueue_indirect_dma source(%dma_start3A_97 : memref<4096x128xf32, #tpu.memory_space<hbm>>) target(%arg24 : memref<64x128xf32, #tpu.memory_space<vmem>>) offsets(%dma_start3A_94 : memref<64xi32, #tpu.memory_space<vmem>>) semaphore(%arg28 : memref<!tpu.dma_semaphore, #tpu.memory_space<semaphore_mem>>)
    %dma_start3A_98 = arith.constant 64 : i32
    %dma_start3A_99 = tpu.memref_slice %arg13[%dma_start3A_98] : memref<128xi32, #tpu.memory_space<vmem>> -> memref<64xi32, #tpu.memory_space<vmem>>
    %dma_start3A_100 = arith.constant 0 : i32
    %dma_start3A_101 = arith.constant 0 : i32
    %dma_start3A_102 = tpu.memref_slice %arg2[%dma_start3A_100, %dma_start3A_101] : memref<4096x128xf32, #tpu.memory_space<hbm>> -> memref<4096x128xf32, #tpu.memory_space<hbm>>
    tpu.enqueue_indirect_dma source(%dma_start3A_102 : memref<4096x128xf32, #tpu.memory_space<hbm>>) target(%arg25 : memref<64x128xf32, #tpu.memory_space<vmem>>) offsets(%dma_start3A_99 : memref<64xi32, #tpu.memory_space<vmem>>) semaphore(%arg28 : memref<!tpu.dma_semaphore, #tpu.memory_space<semaphore_mem>>)
    %dma_start3A_103 = arith.constant 64 : i32
    %dma_start3A_104 = tpu.memref_slice %arg17[%dma_start3A_103] : memref<128xi32, #tpu.memory_space<vmem>> -> memref<64xi32, #tpu.memory_space<vmem>>
    %dma_start3A_105 = arith.constant 0 : i32
    %dma_start3A_106 = arith.constant 0 : i32
    %dma_start3A_107 = tpu.memref_slice %arg9[%dma_start3A_105, %dma_start3A_106] : memref<4096x128xf32, #tpu.memory_space<hbm>> -> memref<4096x128xf32, #tpu.memory_space<hbm>>
    tpu.enqueue_indirect_dma source(%dma_start3A_107 : memref<4096x128xf32, #tpu.memory_space<hbm>>) target(%arg26 : memref<64x128xf32, #tpu.memory_space<vmem>>) offsets(%dma_start3A_104 : memref<64xi32, #tpu.memory_space<vmem>>) semaphore(%arg28 : memref<!tpu.dma_semaphore, #tpu.memory_space<semaphore_mem>>)
    %scan3A = arith.constant 0 : i32
    %scan3A_108 = arith.constant 0 : i32
    %scan3A_109 = arith.constant 64 : i32
    %scan3A_110 = arith.addi %scan3A_108, %scan3A_109 : i32
    %scan3A_111 = arith.constant 1 : i32
    scf.for %scan3A_141 = %scan3A_108 to %scan3A_110 step %scan3A_111  : i32 {
      %add3A_142 = arith.constant 0 : i32
      %add3A_143 = arith.addi %add3A_142, %scan3A_141 : i32
      %broadcast_in_dim3A = vector.broadcast %add3A_143 : i32 to vector<16xi32>
      %gather3A = tpu.vector_load_idx %arg14[%broadcast_in_dim3A] : memref<128xf32, #tpu.memory_space<vmem>>[vector<16xi32>], vector<16xf32>,
      %gather3A_144 = tpu.vector_load_idx %arg15[%broadcast_in_dim3A] : memref<128xf32, #tpu.memory_space<vmem>>[vector<16xi32>], vector<16xf32>,
      %gather3A_145 = tpu.vector_load_idx %arg16[%broadcast_in_dim3A] : memref<128xf32, #tpu.memory_space<vmem>>[vector<16xi32>], vector<16xf32>,
      %mul3A_146 = arith.constant 48 : i32
      %mul3A_147 = arith.muli %add3A_143, %mul3A_146 : i32
      %add3A_148 = arith.constant 0 : i32
      %add3A_149 = arith.addi %mul3A_147, %add3A_148 : i32
      %get3A = arith.index_cast %scan3A_141 : i32 to index
      %get3A_150 = arith.constant 0 : index
      %get3A_151 = tpu.vector_load %arg19[%get3A, %get3A_150] {strides = array<i32>} : memref<64x128xf32, #tpu.memory_space<vmem>>, vector<16xf32>,
      %mul3A_152 = arith.mulf %gather3A, %get3A_151 : vector<16xf32>
      %get3A_153 = arith.index_cast %scan3A_141 : i32 to index
      %get3A_154 = arith.constant 0 : index
      %get3A_155 = tpu.vector_load %arg20[%get3A_153, %get3A_154] {strides = array<i32>} : memref<64x128xf32, #tpu.memory_space<vmem>>, vector<16xf32>,
      %mul3A_156 = arith.mulf %gather3A_144, %get3A_155 : vector<16xf32>
      %add3A_157 = arith.addf %mul3A_152, %mul3A_156 : vector<16xf32>
      %get3A_158 = arith.index_cast %scan3A_141 : i32 to index
      %get3A_159 = arith.constant 0 : index
      %get3A_160 = tpu.vector_load %arg21[%get3A_158, %get3A_159] {strides = array<i32>} : memref<64x128xf32, #tpu.memory_space<vmem>>, vector<16xf32>,
      %mul3A_161 = arith.mulf %gather3A_145, %get3A_160 : vector<16xf32>
      %add3A_162 = arith.addf %add3A_157, %mul3A_161 : vector<16xf32>
      %get3A_163 = arith.index_cast %scan3A_141 : i32 to index
      %get3A_164 = arith.constant 0 : index
      %get3A_165 = tpu.vector_load %arg22[%get3A_163, %get3A_164] {strides = array<i32>} : memref<64x128xf32, #tpu.memory_space<vmem>>, vector<16xf32>,
      %add3A_166 = arith.addf %add3A_162, %get3A_165 : vector<16xf32>
      %swap3A_167 = arith.index_cast %add3A_149 : i32 to index
      %swap3A_168 = tpu.vector_load %arg18[%swap3A_167] {strides = array<i32>} : memref<6144xf32, #tpu.memory_space<vmem>>, vector<16xf32>,
      tpu.vector_store %arg18[%swap3A_167], %add3A_166 {strides = array<i32>} : memref<6144xf32, #tpu.memory_space<vmem>>, vector<16xf32>,
      %mul3A_169 = arith.constant 48 : i32
      %mul3A_170 = arith.muli %add3A_143, %mul3A_169 : i32
      %add3A_171 = arith.constant 16 : i32
      %add3A_172 = arith.addi %mul3A_170, %add3A_171 : i32
      %get3A_173 = arith.index_cast %scan3A_141 : i32 to index
      %get3A_174 = arith.constant 16 : index
      %get3A_175 = tpu.vector_load %arg19[%get3A_173, %get3A_174] {strides = array<i32>} : memref<64x128xf32, #tpu.memory_space<vmem>>, vector<16xf32>,
      %mul3A_176 = arith.mulf %gather3A, %get3A_175 : vector<16xf32>
      %get3A_177 = arith.index_cast %scan3A_141 : i32 to index
      %get3A_178 = arith.constant 16 : index
      %get3A_179 = tpu.vector_load %arg20[%get3A_177, %get3A_178] {strides = array<i32>} : memref<64x128xf32, #tpu.memory_space<vmem>>, vector<16xf32>,
      %mul3A_180 = arith.mulf %gather3A_144, %get3A_179 : vector<16xf32>
      %add3A_181 = arith.addf %mul3A_176, %mul3A_180 : vector<16xf32>
      %get3A_182 = arith.index_cast %scan3A_141 : i32 to index
      %get3A_183 = arith.constant 16 : index
      %get3A_184 = tpu.vector_load %arg21[%get3A_182, %get3A_183] {strides = array<i32>} : memref<64x128xf32, #tpu.memory_space<vmem>>, vector<16xf32>,
      %mul3A_185 = arith.mulf %gather3A_145, %get3A_184 : vector<16xf32>
      %add3A_186 = arith.addf %add3A_181, %mul3A_185 : vector<16xf32>
      %get3A_187 = arith.index_cast %scan3A_141 : i32 to index
      %get3A_188 = arith.constant 16 : index
      %get3A_189 = tpu.vector_load %arg22[%get3A_187, %get3A_188] {strides = array<i32>} : memref<64x128xf32, #tpu.memory_space<vmem>>, vector<16xf32>,
      %add3A_190 = arith.addf %add3A_186, %get3A_189 : vector<16xf32>
      %swap3A_191 = arith.index_cast %add3A_172 : i32 to index
      %swap3A_192 = tpu.vector_load %arg18[%swap3A_191] {strides = array<i32>} : memref<6144xf32, #tpu.memory_space<vmem>>, vector<16xf32>,
      tpu.vector_store %arg18[%swap3A_191], %add3A_190 {strides = array<i32>} : memref<6144xf32, #tpu.memory_space<vmem>>, vector<16xf32>,
      %mul3A_193 = arith.constant 48 : i32
      %mul3A_194 = arith.muli %add3A_143, %mul3A_193 : i32
      %add3A_195 = arith.constant 32 : i32
      %add3A_196 = arith.addi %mul3A_194, %add3A_195 : i32
      %get3A_197 = arith.index_cast %scan3A_141 : i32 to index
      %get3A_198 = arith.constant 32 : index
      %get3A_199 = tpu.vector_load %arg19[%get3A_197, %get3A_198] {strides = array<i32>} : memref<64x128xf32, #tpu.memory_space<vmem>>, vector<16xf32>,
      %mul3A_200 = arith.mulf %gather3A, %get3A_199 : vector<16xf32>
      %get3A_201 = arith.index_cast %scan3A_141 : i32 to index
      %get3A_202 = arith.constant 32 : index
      %get3A_203 = tpu.vector_load %arg20[%get3A_201, %get3A_202] {strides = array<i32>} : memref<64x128xf32, #tpu.memory_space<vmem>>, vector<16xf32>,
      %mul3A_204 = arith.mulf %gather3A_144, %get3A_203 : vector<16xf32>
      %add3A_205 = arith.addf %mul3A_200, %mul3A_204 : vector<16xf32>
      %get3A_206 = arith.index_cast %scan3A_141 : i32 to index
      %get3A_207 = arith.constant 32 : index
      %get3A_208 = tpu.vector_load %arg21[%get3A_206, %get3A_207] {strides = array<i32>} : memref<64x128xf32, #tpu.memory_space<vmem>>, vector<16xf32>,
      %mul3A_209 = arith.mulf %gather3A_145, %get3A_208 : vector<16xf32>
      %add3A_210 = arith.addf %add3A_205, %mul3A_209 : vector<16xf32>
      %get3A_211 = arith.index_cast %scan3A_141 : i32 to index
      %get3A_212 = arith.constant 32 : index
      %get3A_213 = tpu.vector_load %arg22[%get3A_211, %get3A_212] {strides = array<i32>} : memref<64x128xf32, #tpu.memory_space<vmem>>, vector<16xf32>,
      %add3A_214 = arith.addf %add3A_210, %get3A_213 : vector<16xf32>
      %swap3A_215 = arith.index_cast %add3A_196 : i32 to index
      %swap3A_216 = tpu.vector_load %arg18[%swap3A_215] {strides = array<i32>} : memref<6144xf32, #tpu.memory_space<vmem>>, vector<16xf32>,
      tpu.vector_store %arg18[%swap3A_215], %add3A_214 {strides = array<i32>} : memref<6144xf32, #tpu.memory_space<vmem>>, vector<16xf32>,
    }
    %scan3A_112 = arith.constant 64 : i32
    %dma_wait3A_113 = arith.constant 64 : i32
    %dma_wait3A_114 = tpu.memref_slice %arg11[%dma_wait3A_113] : memref<128xi32, #tpu.memory_space<vmem>> -> memref<64xi32, #tpu.memory_space<vmem>>
    %dma_wait3A_115 = arith.constant 0 : i32
    %dma_wait3A_116 = arith.constant 0 : i32
    %dma_wait3A_117 = tpu.memref_slice %arg2[%dma_wait3A_115, %dma_wait3A_116] : memref<4096x128xf32, #tpu.memory_space<hbm>> -> memref<4096x128xf32, #tpu.memory_space<hbm>>
    tpu.wait_indirect_dma semaphore(%arg28 : memref<!tpu.dma_semaphore, #tpu.memory_space<semaphore_mem>>) src(%dma_wait3A_117 : memref<4096x128xf32, #tpu.memory_space<hbm>>) dst(%arg23 : memref<64x128xf32, #tpu.memory_space<vmem>>)
    %dma_wait3A_118 = arith.constant 64 : i32
    %dma_wait3A_119 = tpu.memref_slice %arg12[%dma_wait3A_118] : memref<128xi32, #tpu.memory_space<vmem>> -> memref<64xi32, #tpu.memory_space<vmem>>
    %dma_wait3A_120 = arith.constant 0 : i32
    %dma_wait3A_121 = arith.constant 0 : i32
    %dma_wait3A_122 = tpu.memref_slice %arg2[%dma_wait3A_120, %dma_wait3A_121] : memref<4096x128xf32, #tpu.memory_space<hbm>> -> memref<4096x128xf32, #tpu.memory_space<hbm>>
    tpu.wait_indirect_dma semaphore(%arg28 : memref<!tpu.dma_semaphore, #tpu.memory_space<semaphore_mem>>) src(%dma_wait3A_122 : memref<4096x128xf32, #tpu.memory_space<hbm>>) dst(%arg24 : memref<64x128xf32, #tpu.memory_space<vmem>>)
    %dma_wait3A_123 = arith.constant 64 : i32
    %dma_wait3A_124 = tpu.memref_slice %arg13[%dma_wait3A_123] : memref<128xi32, #tpu.memory_space<vmem>> -> memref<64xi32, #tpu.memory_space<vmem>>
    %dma_wait3A_125 = arith.constant 0 : i32
    %dma_wait3A_126 = arith.constant 0 : i32
    %dma_wait3A_127 = tpu.memref_slice %arg2[%dma_wait3A_125, %dma_wait3A_126] : memref<4096x128xf32, #tpu.memory_space<hbm>> -> memref<4096x128xf32, #tpu.memory_space<hbm>>
    tpu.wait_indirect_dma semaphore(%arg28 : memref<!tpu.dma_semaphore, #tpu.memory_space<semaphore_mem>>) src(%dma_wait3A_127 : memref<4096x128xf32, #tpu.memory_space<hbm>>) dst(%arg25 : memref<64x128xf32, #tpu.memory_space<vmem>>)
    %dma_wait3A_128 = arith.constant 64 : i32
    %dma_wait3A_129 = tpu.memref_slice %arg17[%dma_wait3A_128] : memref<128xi32, #tpu.memory_space<vmem>> -> memref<64xi32, #tpu.memory_space<vmem>>
    %dma_wait3A_130 = arith.constant 0 : i32
    %dma_wait3A_131 = arith.constant 0 : i32
    %dma_wait3A_132 = tpu.memref_slice %arg9[%dma_wait3A_130, %dma_wait3A_131] : memref<4096x128xf32, #tpu.memory_space<hbm>> -> memref<4096x128xf32, #tpu.memory_space<hbm>>
    tpu.wait_indirect_dma semaphore(%arg28 : memref<!tpu.dma_semaphore, #tpu.memory_space<semaphore_mem>>) src(%dma_wait3A_132 : memref<4096x128xf32, #tpu.memory_space<hbm>>) dst(%arg26 : memref<64x128xf32, #tpu.memory_space<vmem>>)
    %scan3A_133 = arith.constant 0 : i32
    %scan3A_134 = arith.constant 0 : i32
    %scan3A_135 = arith.constant 64 : i32
    %scan3A_136 = arith.addi %scan3A_134, %scan3A_135 : i32
    %scan3A_137 = arith.constant 1 : i32
    scf.for %scan3A_141 = %scan3A_134 to %scan3A_136 step %scan3A_137  : i32 {
      %add3A_142 = arith.constant 64 : i32
      %add3A_143 = arith.addi %add3A_142, %scan3A_141 : i32
      %broadcast_in_dim3A = vector.broadcast %add3A_143 : i32 to vector<16xi32>
      %gather3A = tpu.vector_load_idx %arg14[%broadcast_in_dim3A] : memref<128xf32, #tpu.memory_space<vmem>>[vector<16xi32>], vector<16xf32>,
      %gather3A_144 = tpu.vector_load_idx %arg15[%broadcast_in_dim3A] : memref<128xf32, #tpu.memory_space<vmem>>[vector<16xi32>], vector<16xf32>,
      %gather3A_145 = tpu.vector_load_idx %arg16[%broadcast_in_dim3A] : memref<128xf32, #tpu.memory_space<vmem>>[vector<16xi32>], vector<16xf32>,
      %mul3A_146 = arith.constant 48 : i32
      %mul3A_147 = arith.muli %add3A_143, %mul3A_146 : i32
      %add3A_148 = arith.constant 0 : i32
      %add3A_149 = arith.addi %mul3A_147, %add3A_148 : i32
      %get3A = arith.index_cast %scan3A_141 : i32 to index
      %get3A_150 = arith.constant 0 : index
      %get3A_151 = tpu.vector_load %arg23[%get3A, %get3A_150] {strides = array<i32>} : memref<64x128xf32, #tpu.memory_space<vmem>>, vector<16xf32>,
      %mul3A_152 = arith.mulf %gather3A, %get3A_151 : vector<16xf32>
      %get3A_153 = arith.index_cast %scan3A_141 : i32 to index
      %get3A_154 = arith.constant 0 : index
      %get3A_155 = tpu.vector_load %arg24[%get3A_153, %get3A_154] {strides = array<i32>} : memref<64x128xf32, #tpu.memory_space<vmem>>, vector<16xf32>,
      %mul3A_156 = arith.mulf %gather3A_144, %get3A_155 : vector<16xf32>
      %add3A_157 = arith.addf %mul3A_152, %mul3A_156 : vector<16xf32>
      %get3A_158 = arith.index_cast %scan3A_141 : i32 to index
      %get3A_159 = arith.constant 0 : index
      %get3A_160 = tpu.vector_load %arg25[%get3A_158, %get3A_159] {strides = array<i32>} : memref<64x128xf32, #tpu.memory_space<vmem>>, vector<16xf32>,
      %mul3A_161 = arith.mulf %gather3A_145, %get3A_160 : vector<16xf32>
      %add3A_162 = arith.addf %add3A_157, %mul3A_161 : vector<16xf32>
      %get3A_163 = arith.index_cast %scan3A_141 : i32 to index
      %get3A_164 = arith.constant 0 : index
      %get3A_165 = tpu.vector_load %arg26[%get3A_163, %get3A_164] {strides = array<i32>} : memref<64x128xf32, #tpu.memory_space<vmem>>, vector<16xf32>,
      %add3A_166 = arith.addf %add3A_162, %get3A_165 : vector<16xf32>
      %swap3A_167 = arith.index_cast %add3A_149 : i32 to index
      %swap3A_168 = tpu.vector_load %arg18[%swap3A_167] {strides = array<i32>} : memref<6144xf32, #tpu.memory_space<vmem>>, vector<16xf32>,
      tpu.vector_store %arg18[%swap3A_167], %add3A_166 {strides = array<i32>} : memref<6144xf32, #tpu.memory_space<vmem>>, vector<16xf32>,
      %mul3A_169 = arith.constant 48 : i32
      %mul3A_170 = arith.muli %add3A_143, %mul3A_169 : i32
      %add3A_171 = arith.constant 16 : i32
      %add3A_172 = arith.addi %mul3A_170, %add3A_171 : i32
      %get3A_173 = arith.index_cast %scan3A_141 : i32 to index
      %get3A_174 = arith.constant 16 : index
      %get3A_175 = tpu.vector_load %arg23[%get3A_173, %get3A_174] {strides = array<i32>} : memref<64x128xf32, #tpu.memory_space<vmem>>, vector<16xf32>,
      %mul3A_176 = arith.mulf %gather3A, %get3A_175 : vector<16xf32>
      %get3A_177 = arith.index_cast %scan3A_141 : i32 to index
      %get3A_178 = arith.constant 16 : index
      %get3A_179 = tpu.vector_load %arg24[%get3A_177, %get3A_178] {strides = array<i32>} : memref<64x128xf32, #tpu.memory_space<vmem>>, vector<16xf32>,
      %mul3A_180 = arith.mulf %gather3A_144, %get3A_179 : vector<16xf32>
      %add3A_181 = arith.addf %mul3A_176, %mul3A_180 : vector<16xf32>
      %get3A_182 = arith.index_cast %scan3A_141 : i32 to index
      %get3A_183 = arith.constant 16 : index
      %get3A_184 = tpu.vector_load %arg25[%get3A_182, %get3A_183] {strides = array<i32>} : memref<64x128xf32, #tpu.memory_space<vmem>>, vector<16xf32>,
      %mul3A_185 = arith.mulf %gather3A_145, %get3A_184 : vector<16xf32>
      %add3A_186 = arith.addf %add3A_181, %mul3A_185 : vector<16xf32>
      %get3A_187 = arith.index_cast %scan3A_141 : i32 to index
      %get3A_188 = arith.constant 16 : index
      %get3A_189 = tpu.vector_load %arg26[%get3A_187, %get3A_188] {strides = array<i32>} : memref<64x128xf32, #tpu.memory_space<vmem>>, vector<16xf32>,
      %add3A_190 = arith.addf %add3A_186, %get3A_189 : vector<16xf32>
      %swap3A_191 = arith.index_cast %add3A_172 : i32 to index
      %swap3A_192 = tpu.vector_load %arg18[%swap3A_191] {strides = array<i32>} : memref<6144xf32, #tpu.memory_space<vmem>>, vector<16xf32>,
      tpu.vector_store %arg18[%swap3A_191], %add3A_190 {strides = array<i32>} : memref<6144xf32, #tpu.memory_space<vmem>>, vector<16xf32>,
      %mul3A_193 = arith.constant 48 : i32
      %mul3A_194 = arith.muli %add3A_143, %mul3A_193 : i32
      %add3A_195 = arith.constant 32 : i32
      %add3A_196 = arith.addi %mul3A_194, %add3A_195 : i32
      %get3A_197 = arith.index_cast %scan3A_141 : i32 to index
      %get3A_198 = arith.constant 32 : index
      %get3A_199 = tpu.vector_load %arg23[%get3A_197, %get3A_198] {strides = array<i32>} : memref<64x128xf32, #tpu.memory_space<vmem>>, vector<16xf32>,
      %mul3A_200 = arith.mulf %gather3A, %get3A_199 : vector<16xf32>
      %get3A_201 = arith.index_cast %scan3A_141 : i32 to index
      %get3A_202 = arith.constant 32 : index
      %get3A_203 = tpu.vector_load %arg24[%get3A_201, %get3A_202] {strides = array<i32>} : memref<64x128xf32, #tpu.memory_space<vmem>>, vector<16xf32>,
      %mul3A_204 = arith.mulf %gather3A_144, %get3A_203 : vector<16xf32>
      %add3A_205 = arith.addf %mul3A_200, %mul3A_204 : vector<16xf32>
      %get3A_206 = arith.index_cast %scan3A_141 : i32 to index
      %get3A_207 = arith.constant 32 : index
      %get3A_208 = tpu.vector_load %arg25[%get3A_206, %get3A_207] {strides = array<i32>} : memref<64x128xf32, #tpu.memory_space<vmem>>, vector<16xf32>,
      %mul3A_209 = arith.mulf %gather3A_145, %get3A_208 : vector<16xf32>
      %add3A_210 = arith.addf %add3A_205, %mul3A_209 : vector<16xf32>
      %get3A_211 = arith.index_cast %scan3A_141 : i32 to index
      %get3A_212 = arith.constant 32 : index
      %get3A_213 = tpu.vector_load %arg26[%get3A_211, %get3A_212] {strides = array<i32>} : memref<64x128xf32, #tpu.memory_space<vmem>>, vector<16xf32>,
      %add3A_214 = arith.addf %add3A_210, %get3A_213 : vector<16xf32>
      %swap3A_215 = arith.index_cast %add3A_196 : i32 to index
      %swap3A_216 = tpu.vector_load %arg18[%swap3A_215] {strides = array<i32>} : memref<6144xf32, #tpu.memory_space<vmem>>, vector<16xf32>,
      tpu.vector_store %arg18[%swap3A_215], %add3A_214 {strides = array<i32>} : memref<6144xf32, #tpu.memory_space<vmem>>, vector<16xf32>,
    }
    %scan3A_138 = arith.constant 64 : i32
    %mul3A_139 = arith.constant 48 : i32
    %mul3A_140 = arith.muli %mul3A_2, %mul3A_139 : i32
    "tpu.region"() ({
      %run_scoped3A = tpu.sem_alloc : memref<!tpu.dma_semaphore, #tpu.memory_space<semaphore_mem>>
      %dma_start3A_141 = tpu.memref_slice %arg10[%mul3A_140] : memref<196608xf32, #tpu.memory_space<hbm>> -> memref<6144xf32, #tpu.memory_space<hbm>>
      %dma_start3A_142 = tpu.memref_slice %arg10[%mul3A_140] : memref<196608xf32, #tpu.memory_space<hbm>> -> memref<6144xf32, #tpu.memory_space<hbm>>
      tpu.enqueue_dma source(%arg18 : memref<6144xf32, #tpu.memory_space<vmem>>) target(%dma_start3A_142 : memref<6144xf32, #tpu.memory_space<hbm>>) target_semaphore(%run_scoped3A : memref<!tpu.dma_semaphore, #tpu.memory_space<semaphore_mem>>)
      %dma_wait3A_143 = tpu.memref_slice %arg10[%mul3A_140] : memref<196608xf32, #tpu.memory_space<hbm>> -> memref<6144xf32, #tpu.memory_space<hbm>>
      %dma_wait3A_144 = tpu.memref_slice %arg10[%mul3A_140] : memref<196608xf32, #tpu.memory_space<hbm>> -> memref<6144xf32, #tpu.memory_space<hbm>>
      tpu.wait_dma2 semaphore(%run_scoped3A : memref<!tpu.dma_semaphore, #tpu.memory_space<semaphore_mem>>) src(%arg18 : memref<6144xf32, #tpu.memory_space<vmem>>) dst(%dma_wait3A_144 : memref<6144xf32, #tpu.memory_space<hbm>>)
      tpu.yield
    }) : () -> ()
    return
  }
}

#map = affine_map<(d0, d1) -> (0, 0)>
#map1 = affine_map<(d0, d1) -> (0)>
module attributes {stable_mosaic.version = 14 : i64} {
  func.func @k(%arg0: i32, %arg1: i32, %arg2: memref<4096x128xf32, #tpu.memory_space<hbm>>, %arg3: memref<4096xi32, #tpu.memory_space<hbm>>, %arg4: memref<4096xi32, #tpu.memory_space<hbm>>, %arg5: memref<4096xi32, #tpu.memory_space<hbm>>, %arg6: memref<4096xf32, #tpu.memory_space<hbm>>, %arg7: memref<4096xf32, #tpu.memory_space<hbm>>, %arg8: memref<4096xf32, #tpu.memory_space<hbm>>, %arg9: memref<4096x128xf32, #tpu.memory_space<hbm>>, %arg10: memref<196608xf32, #tpu.memory_space<hbm>>, %arg11: memref<128xi32, #tpu.memory_space<vmem>>, %arg12: memref<128xi32, #tpu.memory_space<vmem>>, %arg13: memref<128xi32, #tpu.memory_space<vmem>>, %arg14: memref<128xf32, #tpu.memory_space<vmem>>, %arg15: memref<128xf32, #tpu.memory_space<vmem>>, %arg16: memref<128xf32, #tpu.memory_space<vmem>>, %arg17: memref<128xi32, #tpu.memory_space<vmem>>, %arg18: memref<6144xf32, #tpu.memory_space<vmem>>, %arg19: memref<64x128xf32, #tpu.memory_space<vmem>>, %arg20: memref<64x128xf32, #tpu.memory_space<vmem>>, %arg21: memref<64x128xf32, #tpu.memory_space<vmem>>, %arg22: memref<64x128xf32, #tpu.memory_space<vmem>>, %arg23: memref<64x128xf32, #tpu.memory_space<vmem>>, %arg24: memref<64x128xf32, #tpu.memory_space<vmem>>, %arg25: memref<64x128xf32, #tpu.memory_space<vmem>>, %arg26: memref<64x128xf32, #tpu.memory_space<vmem>>, %arg27: memref<!tpu.dma_semaphore, #tpu.memory_space<semaphore_mem>>, %arg28: memref<!tpu.dma_semaphore, #tpu.memory_space<semaphore_mem>>) attributes {dimension_semantics = [#tpu.dimension_semantics<core_parallel>, #tpu.dimension_semantics<subcore_parallel>], iteration_bounds = array<i64: 2, 16>, scalar_prefetch = 0 : i64, scratch_operands = 18 : i64, tpu.core_type = #tpu.core_type<sc_vector_subcore>, window_params = [{transform_indices = #map}, {transform_indices = #map1}, {transform_indices = #map1}, {transform_indices = #map1}, {transform_indices = #map1}, {transform_indices = #map1}, {transform_indices = #map1}, {transform_indices = #map}, {transform_indices = #map1}]} {
    %mul3A = arith.constant 2 : i32
    %mul3A_0 = arith.muli %arg1, %mul3A : i32
    %add3A = arith.addi %mul3A_0, %arg0 : i32
    %mul3A_1 = arith.constant 128 : i32
    %mul3A_2 = arith.muli %add3A, %mul3A_1 : i32
    %iota3A = tpu.iota {dimensions = array<i32: 0>} : vector<16xi32>
    %add3A_3 = arith.constant 0 : i32
    %add3A_4 = arith.addi %mul3A_2, %add3A_3 : i32
    %add3A_5 = vector.broadcast %add3A_4 : i32 to vector<16xi32>
    %add3A_6 = arith.addi %add3A_5, %iota3A : vector<16xi32>
    %swap3A = arith.constant 0 : index
    %swap3A_7 = tpu.vector_load %arg17[%swap3A] {strides = array<i32>} : memref<128xi32, #tpu.memory_space<vmem>>, vector<16xi32>,
    tpu.vector_store %arg17[%swap3A], %add3A_6 {strides = array<i32>} : memref<128xi32, #tpu.memory_space<vmem>>, vector<16xi32>,
    %add3A_8 = arith.constant 16 : i32
    %add3A_9 = arith.addi %mul3A_2, %add3A_8 : i32
    %add3A_10 = vector.broadcast %add3A_9 : i32 to vector<16xi32>
    %add3A_11 = arith.addi %add3A_10, %iota3A : vector<16xi32>
    %swap3A_12 = arith.constant 16 : index
    %swap3A_13 = tpu.vector_load %arg17[%swap3A_12] {strides = array<i32>} : memref<128xi32, #tpu.memory_space<vmem>>, vector<16xi32>,
    tpu.vector_store %arg17[%swap3A_12], %add3A_11 {strides = array<i32>} : memref<128xi32, #tpu.memory_space<vmem>>, vector<16xi32>,
    %add3A_14 = arith.constant 32 : i32
    %add3A_15 = arith.addi %mul3A_2, %add3A_14 : i32
    %add3A_16 = vector.broadcast %add3A_15 : i32 to vector<16xi32>
    %add3A_17 = arith.addi %add3A_16, %iota3A : vector<16xi32>
    %swap3A_18 = arith.constant 32 : index
    %swap3A_19 = tpu.vector_load %arg17[%swap3A_18] {strides = array<i32>} : memref<128xi32, #tpu.memory_space<vmem>>, vector<16xi32>,
    tpu.vector_store %arg17[%swap3A_18], %add3A_17 {strides = array<i32>} : memref<128xi32, #tpu.memory_space<vmem>>, vector<16xi32>,
    %add3A_20 = arith.constant 48 : i32
    %add3A_21 = arith.addi %mul3A_2, %add3A_20 : i32
    %add3A_22 = vector.broadcast %add3A_21 : i32 to vector<16xi32>
    %add3A_23 = arith.addi %add3A_22, %iota3A : vector<16xi32>
    %swap3A_24 = arith.constant 48 : index
    %swap3A_25 = tpu.vector_load %arg17[%swap3A_24] {strides = array<i32>} : memref<128xi32, #tpu.memory_space<vmem>>, vector<16xi32>,
    tpu.vector_store %arg17[%swap3A_24], %add3A_23 {strides = array<i32>} : memref<128xi32, #tpu.memory_space<vmem>>, vector<16xi32>,
    %add3A_26 = arith.constant 64 : i32
    %add3A_27 = arith.addi %mul3A_2, %add3A_26 : i32
    %add3A_28 = vector.broadcast %add3A_27 : i32 to vector<16xi32>
    %add3A_29 = arith.addi %add3A_28, %iota3A : vector<16xi32>
    %swap3A_30 = arith.constant 64 : index
    %swap3A_31 = tpu.vector_load %arg17[%swap3A_30] {strides = array<i32>} : memref<128xi32, #tpu.memory_space<vmem>>, vector<16xi32>,
    tpu.vector_store %arg17[%swap3A_30], %add3A_29 {strides = array<i32>} : memref<128xi32, #tpu.memory_space<vmem>>, vector<16xi32>,
    %add3A_32 = arith.constant 80 : i32
    %add3A_33 = arith.addi %mul3A_2, %add3A_32 : i32
    %add3A_34 = vector.broadcast %add3A_33 : i32 to vector<16xi32>
    %add3A_35 = arith.addi %add3A_34, %iota3A : vector<16xi32>
    %swap3A_36 = arith.constant 80 : index
    %swap3A_37 = tpu.vector_load %arg17[%swap3A_36] {strides = array<i32>} : memref<128xi32, #tpu.memory_space<vmem>>, vector<16xi32>,
    tpu.vector_store %arg17[%swap3A_36], %add3A_35 {strides = array<i32>} : memref<128xi32, #tpu.memory_space<vmem>>, vector<16xi32>,
    %add3A_38 = arith.constant 96 : i32
    %add3A_39 = arith.addi %mul3A_2, %add3A_38 : i32
    %add3A_40 = vector.broadcast %add3A_39 : i32 to vector<16xi32>
    %add3A_41 = arith.addi %add3A_40, %iota3A : vector<16xi32>
    %swap3A_42 = arith.constant 96 : index
    %swap3A_43 = tpu.vector_load %arg17[%swap3A_42] {strides = array<i32>} : memref<128xi32, #tpu.memory_space<vmem>>, vector<16xi32>,
    tpu.vector_store %arg17[%swap3A_42], %add3A_41 {strides = array<i32>} : memref<128xi32, #tpu.memory_space<vmem>>, vector<16xi32>,
    %add3A_44 = arith.constant 112 : i32
    %add3A_45 = arith.addi %mul3A_2, %add3A_44 : i32
    %add3A_46 = vector.broadcast %add3A_45 : i32 to vector<16xi32>
    %add3A_47 = arith.addi %add3A_46, %iota3A : vector<16xi32>
    %swap3A_48 = arith.constant 112 : index
    %swap3A_49 = tpu.vector_load %arg17[%swap3A_48] {strides = array<i32>} : memref<128xi32, #tpu.memory_space<vmem>>, vector<16xi32>,
    tpu.vector_store %arg17[%swap3A_48], %add3A_47 {strides = array<i32>} : memref<128xi32, #tpu.memory_space<vmem>>, vector<16xi32>,
    "tpu.region"() ({
      %run_scoped3A = tpu.sem_alloc : memref<!tpu.dma_semaphore, #tpu.memory_space<semaphore_mem>>
      %dma_start3A_141 = tpu.memref_slice %arg3[%mul3A_2] : memref<4096xi32, #tpu.memory_space<hbm>> -> memref<128xi32, #tpu.memory_space<hbm>>
      %dma_start3A_142 = tpu.memref_slice %arg3[%mul3A_2] : memref<4096xi32, #tpu.memory_space<hbm>> -> memref<128xi32, #tpu.memory_space<hbm>>
      tpu.enqueue_dma source(%dma_start3A_142 : memref<128xi32, #tpu.memory_space<hbm>>) target(%arg11 : memref<128xi32, #tpu.memory_space<vmem>>) target_semaphore(%run_scoped3A : memref<!tpu.dma_semaphore, #tpu.memory_space<semaphore_mem>>)
      %dma_wait3A_143 = tpu.memref_slice %arg3[%mul3A_2] : memref<4096xi32, #tpu.memory_space<hbm>> -> memref<128xi32, #tpu.memory_space<hbm>>
      %dma_wait3A_144 = tpu.memref_slice %arg3[%mul3A_2] : memref<4096xi32, #tpu.memory_space<hbm>> -> memref<128xi32, #tpu.memory_space<hbm>>
      tpu.wait_dma2 semaphore(%run_scoped3A : memref<!tpu.dma_semaphore, #tpu.memory_space<semaphore_mem>>) src(%dma_wait3A_144 : memref<128xi32, #tpu.memory_space<hbm>>) dst(%arg11 : memref<128xi32, #tpu.memory_space<vmem>>)
      tpu.yield
    }) : () -> ()
    "tpu.region"() ({
      %run_scoped3A = tpu.sem_alloc : memref<!tpu.dma_semaphore, #tpu.memory_space<semaphore_mem>>
      %dma_start3A_141 = tpu.memref_slice %arg4[%mul3A_2] : memref<4096xi32, #tpu.memory_space<hbm>> -> memref<128xi32, #tpu.memory_space<hbm>>
      %dma_start3A_142 = tpu.memref_slice %arg4[%mul3A_2] : memref<4096xi32, #tpu.memory_space<hbm>> -> memref<128xi32, #tpu.memory_space<hbm>>
      tpu.enqueue_dma source(%dma_start3A_142 : memref<128xi32, #tpu.memory_space<hbm>>) target(%arg12 : memref<128xi32, #tpu.memory_space<vmem>>) target_semaphore(%run_scoped3A : memref<!tpu.dma_semaphore, #tpu.memory_space<semaphore_mem>>)
      %dma_wait3A_143 = tpu.memref_slice %arg4[%mul3A_2] : memref<4096xi32, #tpu.memory_space<hbm>> -> memref<128xi32, #tpu.memory_space<hbm>>
      %dma_wait3A_144 = tpu.memref_slice %arg4[%mul3A_2] : memref<4096xi32, #tpu.memory_space<hbm>> -> memref<128xi32, #tpu.memory_space<hbm>>
      tpu.wait_dma2 semaphore(%run_scoped3A : memref<!tpu.dma_semaphore, #tpu.memory_space<semaphore_mem>>) src(%dma_wait3A_144 : memref<128xi32, #tpu.memory_space<hbm>>) dst(%arg12 : memref<128xi32, #tpu.memory_space<vmem>>)
      tpu.yield
    }) : () -> ()
    "tpu.region"() ({
      %run_scoped3A = tpu.sem_alloc : memref<!tpu.dma_semaphore, #tpu.memory_space<semaphore_mem>>
      %dma_start3A_141 = tpu.memref_slice %arg5[%mul3A_2] : memref<4096xi32, #tpu.memory_space<hbm>> -> memref<128xi32, #tpu.memory_space<hbm>>
      %dma_start3A_142 = tpu.memref_slice %arg5[%mul3A_2] : memref<4096xi32, #tpu.memory_space<hbm>> -> memref<128xi32, #tpu.memory_space<hbm>>
      tpu.enqueue_dma source(%dma_start3A_142 : memref<128xi32, #tpu.memory_space<hbm>>) target(%arg13 : memref<128xi32, #tpu.memory_space<vmem>>) target_semaphore(%run_scoped3A : memref<!tpu.dma_semaphore, #tpu.memory_space<semaphore_mem>>)
      %dma_wait3A_143 = tpu.memref_slice %arg5[%mul3A_2] : memref<4096xi32, #tpu.memory_space<hbm>> -> memref<128xi32, #tpu.memory_space<hbm>>
      %dma_wait3A_144 = tpu.memref_slice %arg5[%mul3A_2] : memref<4096xi32, #tpu.memory_space<hbm>> -> memref<128xi32, #tpu.memory_space<hbm>>
      tpu.wait_dma2 semaphore(%run_scoped3A : memref<!tpu.dma_semaphore, #tpu.memory_space<semaphore_mem>>) src(%dma_wait3A_144 : memref<128xi32, #tpu.memory_space<hbm>>) dst(%arg13 : memref<128xi32, #tpu.memory_space<vmem>>)
      tpu.yield
    }) : () -> ()
    "tpu.region"() ({
      %run_scoped3A = tpu.sem_alloc : memref<!tpu.dma_semaphore, #tpu.memory_space<semaphore_mem>>
      %dma_start3A_141 = tpu.memref_slice %arg6[%mul3A_2] : memref<4096xf32, #tpu.memory_space<hbm>> -> memref<128xf32, #tpu.memory_space<hbm>>
      %dma_start3A_142 = tpu.memref_slice %arg6[%mul3A_2] : memref<4096xf32, #tpu.memory_space<hbm>> -> memref<128xf32, #tpu.memory_space<hbm>>
      tpu.enqueue_dma source(%dma_start3A_142 : memref<128xf32, #tpu.memory_space<hbm>>) target(%arg14 : memref<128xf32, #tpu.memory_space<vmem>>) target_semaphore(%run_scoped3A : memref<!tpu.dma_semaphore, #tpu.memory_space<semaphore_mem>>)
      %dma_wait3A_143 = tpu.memref_slice %arg6[%mul3A_2] : memref<4096xf32, #tpu.memory_space<hbm>> -> memref<128xf32, #tpu.memory_space<hbm>>
      %dma_wait3A_144 = tpu.memref_slice %arg6[%mul3A_2] : memref<4096xf32, #tpu.memory_space<hbm>> -> memref<128xf32, #tpu.memory_space<hbm>>
      tpu.wait_dma2 semaphore(%run_scoped3A : memref<!tpu.dma_semaphore, #tpu.memory_space<semaphore_mem>>) src(%dma_wait3A_144 : memref<128xf32, #tpu.memory_space<hbm>>) dst(%arg14 : memref<128xf32, #tpu.memory_space<vmem>>)
      tpu.yield
    }) : () -> ()
    "tpu.region"() ({
      %run_scoped3A = tpu.sem_alloc : memref<!tpu.dma_semaphore, #tpu.memory_space<semaphore_mem>>
      %dma_start3A_141 = tpu.memref_slice %arg7[%mul3A_2] : memref<4096xf32, #tpu.memory_space<hbm>> -> memref<128xf32, #tpu.memory_space<hbm>>
      %dma_start3A_142 = tpu.memref_slice %arg7[%mul3A_2] : memref<4096xf32, #tpu.memory_space<hbm>> -> memref<128xf32, #tpu.memory_space<hbm>>
      tpu.enqueue_dma source(%dma_start3A_142 : memref<128xf32, #tpu.memory_space<hbm>>) target(%arg15 : memref<128xf32, #tpu.memory_space<vmem>>) target_semaphore(%run_scoped3A : memref<!tpu.dma_semaphore, #tpu.memory_space<semaphore_mem>>)
      %dma_wait3A_143 = tpu.memref_slice %arg7[%mul3A_2] : memref<4096xf32, #tpu.memory_space<hbm>> -> memref<128xf32, #tpu.memory_space<hbm>>
      %dma_wait3A_144 = tpu.memref_slice %arg7[%mul3A_2] : memref<4096xf32, #tpu.memory_space<hbm>> -> memref<128xf32, #tpu.memory_space<hbm>>
      tpu.wait_dma2 semaphore(%run_scoped3A : memref<!tpu.dma_semaphore, #tpu.memory_space<semaphore_mem>>) src(%dma_wait3A_144 : memref<128xf32, #tpu.memory_space<hbm>>) dst(%arg15 : memref<128xf32, #tpu.memory_space<vmem>>)
      tpu.yield
    }) : () -> ()
    "tpu.region"() ({
      %run_scoped3A = tpu.sem_alloc : memref<!tpu.dma_semaphore, #tpu.memory_space<semaphore_mem>>
      %dma_start3A_141 = tpu.memref_slice %arg8[%mul3A_2] : memref<4096xf32, #tpu.memory_space<hbm>> -> memref<128xf32, #tpu.memory_space<hbm>>
      %dma_start3A_142 = tpu.memref_slice %arg8[%mul3A_2] : memref<4096xf32, #tpu.memory_space<hbm>> -> memref<128xf32, #tpu.memory_space<hbm>>
      tpu.enqueue_dma source(%dma_start3A_142 : memref<128xf32, #tpu.memory_space<hbm>>) target(%arg16 : memref<128xf32, #tpu.memory_space<vmem>>) target_semaphore(%run_scoped3A : memref<!tpu.dma_semaphore, #tpu.memory_space<semaphore_mem>>)
      %dma_wait3A_143 = tpu.memref_slice %arg8[%mul3A_2] : memref<4096xf32, #tpu.memory_space<hbm>> -> memref<128xf32, #tpu.memory_space<hbm>>
      %dma_wait3A_144 = tpu.memref_slice %arg8[%mul3A_2] : memref<4096xf32, #tpu.memory_space<hbm>> -> memref<128xf32, #tpu.memory_space<hbm>>
      tpu.wait_dma2 semaphore(%run_scoped3A : memref<!tpu.dma_semaphore, #tpu.memory_space<semaphore_mem>>) src(%dma_wait3A_144 : memref<128xf32, #tpu.memory_space<hbm>>) dst(%arg16 : memref<128xf32, #tpu.memory_space<vmem>>)
      tpu.yield
    }) : () -> ()
    %dma_start3A = arith.constant 0 : i32
    %dma_start3A_50 = tpu.memref_slice %arg11[%dma_start3A] : memref<128xi32, #tpu.memory_space<vmem>> -> memref<64xi32, #tpu.memory_space<vmem>>
    %dma_start3A_51 = arith.constant 0 : i32
    %dma_start3A_52 = arith.constant 0 : i32
    %dma_start3A_53 = tpu.memref_slice %arg2[%dma_start3A_51, %dma_start3A_52] : memref<4096x128xf32, #tpu.memory_space<hbm>> -> memref<4096x128xf32, #tpu.memory_space<hbm>>
    tpu.enqueue_indirect_dma source(%dma_start3A_53 : memref<4096x128xf32, #tpu.memory_space<hbm>>) target(%arg19 : memref<64x128xf32, #tpu.memory_space<vmem>>) offsets(%dma_start3A_50 : memref<64xi32, #tpu.memory_space<vmem>>) semaphore(%arg27 : memref<!tpu.dma_semaphore, #tpu.memory_space<semaphore_mem>>)
    %dma_start3A_54 = arith.constant 0 : i32
    %dma_start3A_55 = tpu.memref_slice %arg12[%dma_start3A_54] : memref<128xi32, #tpu.memory_space<vmem>> -> memref<64xi32, #tpu.memory_space<vmem>>
    %dma_start3A_56 = arith.constant 0 : i32
    %dma_start3A_57 = arith.constant 0 : i32
    %dma_start3A_58 = tpu.memref_slice %arg2[%dma_start3A_56, %dma_start3A_57] : memref<4096x128xf32, #tpu.memory_space<hbm>> -> memref<4096x128xf32, #tpu.memory_space<hbm>>
    tpu.enqueue_indirect_dma source(%dma_start3A_58 : memref<4096x128xf32, #tpu.memory_space<hbm>>) target(%arg20 : memref<64x128xf32, #tpu.memory_space<vmem>>) offsets(%dma_start3A_55 : memref<64xi32, #tpu.memory_space<vmem>>) semaphore(%arg27 : memref<!tpu.dma_semaphore, #tpu.memory_space<semaphore_mem>>)
    %dma_start3A_59 = arith.constant 0 : i32
    %dma_start3A_60 = tpu.memref_slice %arg13[%dma_start3A_59] : memref<128xi32, #tpu.memory_space<vmem>> -> memref<64xi32, #tpu.memory_space<vmem>>
    %dma_start3A_61 = arith.constant 0 : i32
    %dma_start3A_62 = arith.constant 0 : i32
    %dma_start3A_63 = tpu.memref_slice %arg2[%dma_start3A_61, %dma_start3A_62] : memref<4096x128xf32, #tpu.memory_space<hbm>> -> memref<4096x128xf32, #tpu.memory_space<hbm>>
    tpu.enqueue_indirect_dma source(%dma_start3A_63 : memref<4096x128xf32, #tpu.memory_space<hbm>>) target(%arg21 : memref<64x128xf32, #tpu.memory_space<vmem>>) offsets(%dma_start3A_60 : memref<64xi32, #tpu.memory_space<vmem>>) semaphore(%arg27 : memref<!tpu.dma_semaphore, #tpu.memory_space<semaphore_mem>>)
    %dma_start3A_64 = arith.constant 0 : i32
    %dma_start3A_65 = tpu.memref_slice %arg17[%dma_start3A_64] : memref<128xi32, #tpu.memory_space<vmem>> -> memref<64xi32, #tpu.memory_space<vmem>>
    %dma_start3A_66 = arith.constant 0 : i32
    %dma_start3A_67 = arith.constant 0 : i32
    %dma_start3A_68 = tpu.memref_slice %arg9[%dma_start3A_66, %dma_start3A_67] : memref<4096x128xf32, #tpu.memory_space<hbm>> -> memref<4096x128xf32, #tpu.memory_space<hbm>>
    tpu.enqueue_indirect_dma source(%dma_start3A_68 : memref<4096x128xf32, #tpu.memory_space<hbm>>) target(%arg22 : memref<64x128xf32, #tpu.memory_space<vmem>>) offsets(%dma_start3A_65 : memref<64xi32, #tpu.memory_space<vmem>>) semaphore(%arg27 : memref<!tpu.dma_semaphore, #tpu.memory_space<semaphore_mem>>)
    %dma_wait3A = arith.constant 0 : i32
    %dma_wait3A_69 = tpu.memref_slice %arg11[%dma_wait3A] : memref<128xi32, #tpu.memory_space<vmem>> -> memref<64xi32, #tpu.memory_space<vmem>>
    %dma_wait3A_70 = arith.constant 0 : i32
    %dma_wait3A_71 = arith.constant 0 : i32
    %dma_wait3A_72 = tpu.memref_slice %arg2[%dma_wait3A_70, %dma_wait3A_71] : memref<4096x128xf32, #tpu.memory_space<hbm>> -> memref<4096x128xf32, #tpu.memory_space<hbm>>
    tpu.wait_indirect_dma semaphore(%arg27 : memref<!tpu.dma_semaphore, #tpu.memory_space<semaphore_mem>>) src(%dma_wait3A_72 : memref<4096x128xf32, #tpu.memory_space<hbm>>) dst(%arg19 : memref<64x128xf32, #tpu.memory_space<vmem>>)
    %dma_wait3A_73 = arith.constant 0 : i32
    %dma_wait3A_74 = tpu.memref_slice %arg12[%dma_wait3A_73] : memref<128xi32, #tpu.memory_space<vmem>> -> memref<64xi32, #tpu.memory_space<vmem>>
    %dma_wait3A_75 = arith.constant 0 : i32
    %dma_wait3A_76 = arith.constant 0 : i32
    %dma_wait3A_77 = tpu.memref_slice %arg2[%dma_wait3A_75, %dma_wait3A_76] : memref<4096x128xf32, #tpu.memory_space<hbm>> -> memref<4096x128xf32, #tpu.memory_space<hbm>>
    tpu.wait_indirect_dma semaphore(%arg27 : memref<!tpu.dma_semaphore, #tpu.memory_space<semaphore_mem>>) src(%dma_wait3A_77 : memref<4096x128xf32, #tpu.memory_space<hbm>>) dst(%arg20 : memref<64x128xf32, #tpu.memory_space<vmem>>)
    %dma_wait3A_78 = arith.constant 0 : i32
    %dma_wait3A_79 = tpu.memref_slice %arg13[%dma_wait3A_78] : memref<128xi32, #tpu.memory_space<vmem>> -> memref<64xi32, #tpu.memory_space<vmem>>
    %dma_wait3A_80 = arith.constant 0 : i32
    %dma_wait3A_81 = arith.constant 0 : i32
    %dma_wait3A_82 = tpu.memref_slice %arg2[%dma_wait3A_80, %dma_wait3A_81] : memref<4096x128xf32, #tpu.memory_space<hbm>> -> memref<4096x128xf32, #tpu.memory_space<hbm>>
    tpu.wait_indirect_dma semaphore(%arg27 : memref<!tpu.dma_semaphore, #tpu.memory_space<semaphore_mem>>) src(%dma_wait3A_82 : memref<4096x128xf32, #tpu.memory_space<hbm>>) dst(%arg21 : memref<64x128xf32, #tpu.memory_space<vmem>>)
    %dma_wait3A_83 = arith.constant 0 : i32
    %dma_wait3A_84 = tpu.memref_slice %arg17[%dma_wait3A_83] : memref<128xi32, #tpu.memory_space<vmem>> -> memref<64xi32, #tpu.memory_space<vmem>>
    %dma_wait3A_85 = arith.constant 0 : i32
    %dma_wait3A_86 = arith.constant 0 : i32
    %dma_wait3A_87 = tpu.memref_slice %arg9[%dma_wait3A_85, %dma_wait3A_86] : memref<4096x128xf32, #tpu.memory_space<hbm>> -> memref<4096x128xf32, #tpu.memory_space<hbm>>
    tpu.wait_indirect_dma semaphore(%arg27 : memref<!tpu.dma_semaphore, #tpu.memory_space<semaphore_mem>>) src(%dma_wait3A_87 : memref<4096x128xf32, #tpu.memory_space<hbm>>) dst(%arg22 : memref<64x128xf32, #tpu.memory_space<vmem>>)
    %dma_start3A_88 = arith.constant 64 : i32
    %dma_start3A_89 = tpu.memref_slice %arg11[%dma_start3A_88] : memref<128xi32, #tpu.memory_space<vmem>> -> memref<64xi32, #tpu.memory_space<vmem>>
    %dma_start3A_90 = arith.constant 0 : i32
    %dma_start3A_91 = arith.constant 0 : i32
    %dma_start3A_92 = tpu.memref_slice %arg2[%dma_start3A_90, %dma_start3A_91] : memref<4096x128xf32, #tpu.memory_space<hbm>> -> memref<4096x128xf32, #tpu.memory_space<hbm>>
    tpu.enqueue_indirect_dma source(%dma_start3A_92 : memref<4096x128xf32, #tpu.memory_space<hbm>>) target(%arg23 : memref<64x128xf32, #tpu.memory_space<vmem>>) offsets(%dma_start3A_89 : memref<64xi32, #tpu.memory_space<vmem>>) semaphore(%arg28 : memref<!tpu.dma_semaphore, #tpu.memory_space<semaphore_mem>>)
    %dma_start3A_93 = arith.constant 64 : i32
    %dma_start3A_94 = tpu.memref_slice %arg12[%dma_start3A_93] : memref<128xi32, #tpu.memory_space<vmem>> -> memref<64xi32, #tpu.memory_space<vmem>>
    %dma_start3A_95 = arith.constant 0 : i32
    %dma_start3A_96 = arith.constant 0 : i32
    %dma_start3A_97 = tpu.memref_slice %arg2[%dma_start3A_95, %dma_start3A_96] : memref<4096x128xf32, #tpu.memory_space<hbm>> -> memref<4096x128xf32, #tpu.memory_space<hbm>>
    tpu.enqueue_indirect_dma source(%dma_start3A_97 : memref<4096x128xf32, #tpu.memory_space<hbm>>) target(%arg24 : memref<64x128xf32, #tpu.memory_space<vmem>>) offsets(%dma_start3A_94 : memref<64xi32, #tpu.memory_space<vmem>>) semaphore(%arg28 : memref<!tpu.dma_semaphore, #tpu.memory_space<semaphore_mem>>)
    %dma_start3A_98 = arith.constant 64 : i32
    %dma_start3A_99 = tpu.memref_slice %arg13[%dma_start3A_98] : memref<128xi32, #tpu.memory_space<vmem>> -> memref<64xi32, #tpu.memory_space<vmem>>
    %dma_start3A_100 = arith.constant 0 : i32
    %dma_start3A_101 = arith.constant 0 : i32
    %dma_start3A_102 = tpu.memref_slice %arg2[%dma_start3A_100, %dma_start3A_101] : memref<4096x128xf32, #tpu.memory_space<hbm>> -> memref<4096x128xf32, #tpu.memory_space<hbm>>
    tpu.enqueue_indirect_dma source(%dma_start3A_102 : memref<4096x128xf32, #tpu.memory_space<hbm>>) target(%arg25 : memref<64x128xf32, #tpu.memory_space<vmem>>) offsets(%dma_start3A_99 : memref<64xi32, #tpu.memory_space<vmem>>) semaphore(%arg28 : memref<!tpu.dma_semaphore, #tpu.memory_space<semaphore_mem>>)
    %dma_start3A_103 = arith.constant 64 : i32
    %dma_start3A_104 = tpu.memref_slice %arg17[%dma_start3A_103] : memref<128xi32, #tpu.memory_space<vmem>> -> memref<64xi32, #tpu.memory_space<vmem>>
    %dma_start3A_105 = arith.constant 0 : i32
    %dma_start3A_106 = arith.constant 0 : i32
    %dma_start3A_107 = tpu.memref_slice %arg9[%dma_start3A_105, %dma_start3A_106] : memref<4096x128xf32, #tpu.memory_space<hbm>> -> memref<4096x128xf32, #tpu.memory_space<hbm>>
    tpu.enqueue_indirect_dma source(%dma_start3A_107 : memref<4096x128xf32, #tpu.memory_space<hbm>>) target(%arg26 : memref<64x128xf32, #tpu.memory_space<vmem>>) offsets(%dma_start3A_104 : memref<64xi32, #tpu.memory_space<vmem>>) semaphore(%arg28 : memref<!tpu.dma_semaphore, #tpu.memory_space<semaphore_mem>>)
    %scan3A = arith.constant 0 : i32
    %scan3A_108 = arith.constant 0 : i32
    %scan3A_109 = arith.constant 64 : i32
    %scan3A_110 = arith.addi %scan3A_108, %scan3A_109 : i32
    %scan3A_111 = arith.constant 1 : i32
    scf.for %scan3A_141 = %scan3A_108 to %scan3A_110 step %scan3A_111  : i32 {
      %add3A_142 = arith.constant 0 : i32
      %add3A_143 = arith.addi %add3A_142, %scan3A_141 : i32
      %broadcast_in_dim3A = vector.broadcast %add3A_143 : i32 to vector<16xi32>
      %gather3A = tpu.vector_load_idx %arg14[%broadcast_in_dim3A] : memref<128xf32, #tpu.memory_space<vmem>>[vector<16xi32>], vector<16xf32>,
      %gather3A_144 = tpu.vector_load_idx %arg15[%broadcast_in_dim3A] : memref<128xf32, #tpu.memory_space<vmem>>[vector<16xi32>], vector<16xf32>,
      %gather3A_145 = tpu.vector_load_idx %arg16[%broadcast_in_dim3A] : memref<128xf32, #tpu.memory_space<vmem>>[vector<16xi32>], vector<16xf32>,
      %mul3A_146 = arith.constant 48 : i32
      %mul3A_147 = arith.muli %add3A_143, %mul3A_146 : i32
      %add3A_148 = arith.constant 0 : i32
      %add3A_149 = arith.addi %mul3A_147, %add3A_148 : i32
      %get3A = arith.index_cast %scan3A_141 : i32 to index
      %get3A_150 = arith.constant 0 : index
      %get3A_151 = tpu.vector_load %arg19[%get3A, %get3A_150] {strides = array<i32>} : memref<64x128xf32, #tpu.memory_space<vmem>>, vector<16xf32>,
      %mul3A_152 = arith.mulf %gather3A, %get3A_151 : vector<16xf32>
      %get3A_153 = arith.index_cast %scan3A_141 : i32 to index
      %get3A_154 = arith.constant 0 : index
      %get3A_155 = tpu.vector_load %arg20[%get3A_153, %get3A_154] {strides = array<i32>} : memref<64x128xf32, #tpu.memory_space<vmem>>, vector<16xf32>,
      %mul3A_156 = arith.mulf %gather3A_144, %get3A_155 : vector<16xf32>
      %add3A_157 = arith.addf %mul3A_152, %mul3A_156 : vector<16xf32>
      %get3A_158 = arith.index_cast %scan3A_141 : i32 to index
      %get3A_159 = arith.constant 0 : index
      %get3A_160 = tpu.vector_load %arg21[%get3A_158, %get3A_159] {strides = array<i32>} : memref<64x128xf32, #tpu.memory_space<vmem>>, vector<16xf32>,
      %mul3A_161 = arith.mulf %gather3A_145, %get3A_160 : vector<16xf32>
      %add3A_162 = arith.addf %add3A_157, %mul3A_161 : vector<16xf32>
      %get3A_163 = arith.index_cast %scan3A_141 : i32 to index
      %get3A_164 = arith.constant 0 : index
      %get3A_165 = tpu.vector_load %arg22[%get3A_163, %get3A_164] {strides = array<i32>} : memref<64x128xf32, #tpu.memory_space<vmem>>, vector<16xf32>,
      %add3A_166 = arith.addf %add3A_162, %get3A_165 : vector<16xf32>
      %swap3A_167 = arith.index_cast %add3A_149 : i32 to index
      %swap3A_168 = tpu.vector_load %arg18[%swap3A_167] {strides = array<i32>} : memref<6144xf32, #tpu.memory_space<vmem>>, vector<16xf32>,
      tpu.vector_store %arg18[%swap3A_167], %add3A_166 {strides = array<i32>} : memref<6144xf32, #tpu.memory_space<vmem>>, vector<16xf32>,
      %mul3A_169 = arith.constant 48 : i32
      %mul3A_170 = arith.muli %add3A_143, %mul3A_169 : i32
      %add3A_171 = arith.constant 16 : i32
      %add3A_172 = arith.addi %mul3A_170, %add3A_171 : i32
      %get3A_173 = arith.index_cast %scan3A_141 : i32 to index
      %get3A_174 = arith.constant 16 : index
      %get3A_175 = tpu.vector_load %arg19[%get3A_173, %get3A_174] {strides = array<i32>} : memref<64x128xf32, #tpu.memory_space<vmem>>, vector<16xf32>,
      %mul3A_176 = arith.mulf %gather3A, %get3A_175 : vector<16xf32>
      %get3A_177 = arith.index_cast %scan3A_141 : i32 to index
      %get3A_178 = arith.constant 16 : index
      %get3A_179 = tpu.vector_load %arg20[%get3A_177, %get3A_178] {strides = array<i32>} : memref<64x128xf32, #tpu.memory_space<vmem>>, vector<16xf32>,
      %mul3A_180 = arith.mulf %gather3A_144, %get3A_179 : vector<16xf32>
      %add3A_181 = arith.addf %mul3A_176, %mul3A_180 : vector<16xf32>
      %get3A_182 = arith.index_cast %scan3A_141 : i32 to index
      %get3A_183 = arith.constant 16 : index
      %get3A_184 = tpu.vector_load %arg21[%get3A_182, %get3A_183] {strides = array<i32>} : memref<64x128xf32, #tpu.memory_space<vmem>>, vector<16xf32>,
      %mul3A_185 = arith.mulf %gather3A_145, %get3A_184 : vector<16xf32>
      %add3A_186 = arith.addf %add3A_181, %mul3A_185 : vector<16xf32>
      %get3A_187 = arith.index_cast %scan3A_141 : i32 to index
      %get3A_188 = arith.constant 16 : index
      %get3A_189 = tpu.vector_load %arg22[%get3A_187, %get3A_188] {strides = array<i32>} : memref<64x128xf32, #tpu.memory_space<vmem>>, vector<16xf32>,
      %add3A_190 = arith.addf %add3A_186, %get3A_189 : vector<16xf32>
      %swap3A_191 = arith.index_cast %add3A_172 : i32 to index
      %swap3A_192 = tpu.vector_load %arg18[%swap3A_191] {strides = array<i32>} : memref<6144xf32, #tpu.memory_space<vmem>>, vector<16xf32>,
      tpu.vector_store %arg18[%swap3A_191], %add3A_190 {strides = array<i32>} : memref<6144xf32, #tpu.memory_space<vmem>>, vector<16xf32>,
      %mul3A_193 = arith.constant 48 : i32
      %mul3A_194 = arith.muli %add3A_143, %mul3A_193 : i32
      %add3A_195 = arith.constant 32 : i32
      %add3A_196 = arith.addi %mul3A_194, %add3A_195 : i32
      %get3A_197 = arith.index_cast %scan3A_141 : i32 to index
      %get3A_198 = arith.constant 32 : index
      %get3A_199 = tpu.vector_load %arg19[%get3A_197, %get3A_198] {strides = array<i32>} : memref<64x128xf32, #tpu.memory_space<vmem>>, vector<16xf32>,
      %mul3A_200 = arith.mulf %gather3A, %get3A_199 : vector<16xf32>
      %get3A_201 = arith.index_cast %scan3A_141 : i32 to index
      %get3A_202 = arith.constant 32 : index
      %get3A_203 = tpu.vector_load %arg20[%get3A_201, %get3A_202] {strides = array<i32>} : memref<64x128xf32, #tpu.memory_space<vmem>>, vector<16xf32>,
      %mul3A_204 = arith.mulf %gather3A_144, %get3A_203 : vector<16xf32>
      %add3A_205 = arith.addf %mul3A_200, %mul3A_204 : vector<16xf32>
      %get3A_206 = arith.index_cast %scan3A_141 : i32 to index
      %get3A_207 = arith.constant 32 : index
      %get3A_208 = tpu.vector_load %arg21[%get3A_206, %get3A_207] {strides = array<i32>} : memref<64x128xf32, #tpu.memory_space<vmem>>, vector<16xf32>,
      %mul3A_209 = arith.mulf %gather3A_145, %get3A_208 : vector<16xf32>
      %add3A_210 = arith.addf %add3A_205, %mul3A_209 : vector<16xf32>
      %get3A_211 = arith.index_cast %scan3A_141 : i32 to index
      %get3A_212 = arith.constant 32 : index
      %get3A_213 = tpu.vector_load %arg22[%get3A_211, %get3A_212] {strides = array<i32>} : memref<64x128xf32, #tpu.memory_space<vmem>>, vector<16xf32>,
      %add3A_214 = arith.addf %add3A_210, %get3A_213 : vector<16xf32>
      %swap3A_215 = arith.index_cast %add3A_196 : i32 to index
      %swap3A_216 = tpu.vector_load %arg18[%swap3A_215] {strides = array<i32>} : memref<6144xf32, #tpu.memory_space<vmem>>, vector<16xf32>,
      tpu.vector_store %arg18[%swap3A_215], %add3A_214 {strides = array<i32>} : memref<6144xf32, #tpu.memory_space<vmem>>, vector<16xf32>,
    }
    %scan3A_112 = arith.constant 64 : i32
    %dma_wait3A_113 = arith.constant 64 : i32
    %dma_wait3A_114 = tpu.memref_slice %arg11[%dma_wait3A_113] : memref<128xi32, #tpu.memory_space<vmem>> -> memref<64xi32, #tpu.memory_space<vmem>>
    %dma_wait3A_115 = arith.constant 0 : i32
    %dma_wait3A_116 = arith.constant 0 : i32
    %dma_wait3A_117 = tpu.memref_slice %arg2[%dma_wait3A_115, %dma_wait3A_116] : memref<4096x128xf32, #tpu.memory_space<hbm>> -> memref<4096x128xf32, #tpu.memory_space<hbm>>
    tpu.wait_indirect_dma semaphore(%arg28 : memref<!tpu.dma_semaphore, #tpu.memory_space<semaphore_mem>>) src(%dma_wait3A_117 : memref<4096x128xf32, #tpu.memory_space<hbm>>) dst(%arg23 : memref<64x128xf32, #tpu.memory_space<vmem>>)
    %dma_wait3A_118 = arith.constant 64 : i32
    %dma_wait3A_119 = tpu.memref_slice %arg12[%dma_wait3A_118] : memref<128xi32, #tpu.memory_space<vmem>> -> memref<64xi32, #tpu.memory_space<vmem>>
    %dma_wait3A_120 = arith.constant 0 : i32
    %dma_wait3A_121 = arith.constant 0 : i32
    %dma_wait3A_122 = tpu.memref_slice %arg2[%dma_wait3A_120, %dma_wait3A_121] : memref<4096x128xf32, #tpu.memory_space<hbm>> -> memref<4096x128xf32, #tpu.memory_space<hbm>>
    tpu.wait_indirect_dma semaphore(%arg28 : memref<!tpu.dma_semaphore, #tpu.memory_space<semaphore_mem>>) src(%dma_wait3A_122 : memref<4096x128xf32, #tpu.memory_space<hbm>>) dst(%arg24 : memref<64x128xf32, #tpu.memory_space<vmem>>)
    %dma_wait3A_123 = arith.constant 64 : i32
    %dma_wait3A_124 = tpu.memref_slice %arg13[%dma_wait3A_123] : memref<128xi32, #tpu.memory_space<vmem>> -> memref<64xi32, #tpu.memory_space<vmem>>
    %dma_wait3A_125 = arith.constant 0 : i32
    %dma_wait3A_126 = arith.constant 0 : i32
    %dma_wait3A_127 = tpu.memref_slice %arg2[%dma_wait3A_125, %dma_wait3A_126] : memref<4096x128xf32, #tpu.memory_space<hbm>> -> memref<4096x128xf32, #tpu.memory_space<hbm>>
    tpu.wait_indirect_dma semaphore(%arg28 : memref<!tpu.dma_semaphore, #tpu.memory_space<semaphore_mem>>) src(%dma_wait3A_127 : memref<4096x128xf32, #tpu.memory_space<hbm>>) dst(%arg25 : memref<64x128xf32, #tpu.memory_space<vmem>>)
    %dma_wait3A_128 = arith.constant 64 : i32
    %dma_wait3A_129 = tpu.memref_slice %arg17[%dma_wait3A_128] : memref<128xi32, #tpu.memory_space<vmem>> -> memref<64xi32, #tpu.memory_space<vmem>>
    %dma_wait3A_130 = arith.constant 0 : i32
    %dma_wait3A_131 = arith.constant 0 : i32
    %dma_wait3A_132 = tpu.memref_slice %arg9[%dma_wait3A_130, %dma_wait3A_131] : memref<4096x128xf32, #tpu.memory_space<hbm>> -> memref<4096x128xf32, #tpu.memory_space<hbm>>
    tpu.wait_indirect_dma semaphore(%arg28 : memref<!tpu.dma_semaphore, #tpu.memory_space<semaphore_mem>>) src(%dma_wait3A_132 : memref<4096x128xf32, #tpu.memory_space<hbm>>) dst(%arg26 : memref<64x128xf32, #tpu.memory_space<vmem>>)
    %scan3A_133 = arith.constant 0 : i32
    %scan3A_134 = arith.constant 0 : i32
    %scan3A_135 = arith.constant 64 : i32
    %scan3A_136 = arith.addi %scan3A_134, %scan3A_135 : i32
    %scan3A_137 = arith.constant 1 : i32
    scf.for %scan3A_141 = %scan3A_134 to %scan3A_136 step %scan3A_137  : i32 {
      %add3A_142 = arith.constant 64 : i32
      %add3A_143 = arith.addi %add3A_142, %scan3A_141 : i32
      %broadcast_in_dim3A = vector.broadcast %add3A_143 : i32 to vector<16xi32>
      %gather3A = tpu.vector_load_idx %arg14[%broadcast_in_dim3A] : memref<128xf32, #tpu.memory_space<vmem>>[vector<16xi32>], vector<16xf32>,
      %gather3A_144 = tpu.vector_load_idx %arg15[%broadcast_in_dim3A] : memref<128xf32, #tpu.memory_space<vmem>>[vector<16xi32>], vector<16xf32>,
      %gather3A_145 = tpu.vector_load_idx %arg16[%broadcast_in_dim3A] : memref<128xf32, #tpu.memory_space<vmem>>[vector<16xi32>], vector<16xf32>,
      %mul3A_146 = arith.constant 48 : i32
      %mul3A_147 = arith.muli %add3A_143, %mul3A_146 : i32
      %add3A_148 = arith.constant 0 : i32
      %add3A_149 = arith.addi %mul3A_147, %add3A_148 : i32
      %get3A = arith.index_cast %scan3A_141 : i32 to index
      %get3A_150 = arith.constant 0 : index
      %get3A_151 = tpu.vector_load %arg23[%get3A, %get3A_150] {strides = array<i32>} : memref<64x128xf32, #tpu.memory_space<vmem>>, vector<16xf32>,
      %mul3A_152 = arith.mulf %gather3A, %get3A_151 : vector<16xf32>
      %get3A_153 = arith.index_cast %scan3A_141 : i32 to index
      %get3A_154 = arith.constant 0 : index
      %get3A_155 = tpu.vector_load %arg24[%get3A_153, %get3A_154] {strides = array<i32>} : memref<64x128xf32, #tpu.memory_space<vmem>>, vector<16xf32>,
      %mul3A_156 = arith.mulf %gather3A_144, %get3A_155 : vector<16xf32>
      %add3A_157 = arith.addf %mul3A_152, %mul3A_156 : vector<16xf32>
      %get3A_158 = arith.index_cast %scan3A_141 : i32 to index
      %get3A_159 = arith.constant 0 : index
      %get3A_160 = tpu.vector_load %arg25[%get3A_158, %get3A_159] {strides = array<i32>} : memref<64x128xf32, #tpu.memory_space<vmem>>, vector<16xf32>,
      %mul3A_161 = arith.mulf %gather3A_145, %get3A_160 : vector<16xf32>
      %add3A_162 = arith.addf %add3A_157, %mul3A_161 : vector<16xf32>
      %get3A_163 = arith.index_cast %scan3A_141 : i32 to index
      %get3A_164 = arith.constant 0 : index
      %get3A_165 = tpu.vector_load %arg26[%get3A_163, %get3A_164] {strides = array<i32>} : memref<64x128xf32, #tpu.memory_space<vmem>>, vector<16xf32>,
      %add3A_166 = arith.addf %add3A_162, %get3A_165 : vector<16xf32>
      %swap3A_167 = arith.index_cast %add3A_149 : i32 to index
      %swap3A_168 = tpu.vector_load %arg18[%swap3A_167] {strides = array<i32>} : memref<6144xf32, #tpu.memory_space<vmem>>, vector<16xf32>,
      tpu.vector_store %arg18[%swap3A_167], %add3A_166 {strides = array<i32>} : memref<6144xf32, #tpu.memory_space<vmem>>, vector<16xf32>,
      %mul3A_169 = arith.constant 48 : i32
      %mul3A_170 = arith.muli %add3A_143, %mul3A_169 : i32
      %add3A_171 = arith.constant 16 : i32
      %add3A_172 = arith.addi %mul3A_170, %add3A_171 : i32
      %get3A_173 = arith.index_cast %scan3A_141 : i32 to index
      %get3A_174 = arith.constant 16 : index
      %get3A_175 = tpu.vector_load %arg23[%get3A_173, %get3A_174] {strides = array<i32>} : memref<64x128xf32, #tpu.memory_space<vmem>>, vector<16xf32>,
      %mul3A_176 = arith.mulf %gather3A, %get3A_175 : vector<16xf32>
      %get3A_177 = arith.index_cast %scan3A_141 : i32 to index
      %get3A_178 = arith.constant 16 : index
      %get3A_179 = tpu.vector_load %arg24[%get3A_177, %get3A_178] {strides = array<i32>} : memref<64x128xf32, #tpu.memory_space<vmem>>, vector<16xf32>,
      %mul3A_180 = arith.mulf %gather3A_144, %get3A_179 : vector<16xf32>
      %add3A_181 = arith.addf %mul3A_176, %mul3A_180 : vector<16xf32>
      %get3A_182 = arith.index_cast %scan3A_141 : i32 to index
      %get3A_183 = arith.constant 16 : index
      %get3A_184 = tpu.vector_load %arg25[%get3A_182, %get3A_183] {strides = array<i32>} : memref<64x128xf32, #tpu.memory_space<vmem>>, vector<16xf32>,
      %mul3A_185 = arith.mulf %gather3A_145, %get3A_184 : vector<16xf32>
      %add3A_186 = arith.addf %add3A_181, %mul3A_185 : vector<16xf32>
      %get3A_187 = arith.index_cast %scan3A_141 : i32 to index
      %get3A_188 = arith.constant 16 : index
      %get3A_189 = tpu.vector_load %arg26[%get3A_187, %get3A_188] {strides = array<i32>} : memref<64x128xf32, #tpu.memory_space<vmem>>, vector<16xf32>,
      %add3A_190 = arith.addf %add3A_186, %get3A_189 : vector<16xf32>
      %swap3A_191 = arith.index_cast %add3A_172 : i32 to index
      %swap3A_192 = tpu.vector_load %arg18[%swap3A_191] {strides = array<i32>} : memref<6144xf32, #tpu.memory_space<vmem>>, vector<16xf32>,
      tpu.vector_store %arg18[%swap3A_191], %add3A_190 {strides = array<i32>} : memref<6144xf32, #tpu.memory_space<vmem>>, vector<16xf32>,
      %mul3A_193 = arith.constant 48 : i32
      %mul3A_194 = arith.muli %add3A_143, %mul3A_193 : i32
      %add3A_195 = arith.constant 32 : i32
      %add3A_196 = arith.addi %mul3A_194, %add3A_195 : i32
      %get3A_197 = arith.index_cast %scan3A_141 : i32 to index
      %get3A_198 = arith.constant 32 : index
      %get3A_199 = tpu.vector_load %arg23[%get3A_197, %get3A_198] {strides = array<i32>} : memref<64x128xf32, #tpu.memory_space<vmem>>, vector<16xf32>,
      %mul3A_200 = arith.mulf %gather3A, %get3A_199 : vector<16xf32>
      %get3A_201 = arith.index_cast %scan3A_141 : i32 to index
      %get3A_202 = arith.constant 32 : index
      %get3A_203 = tpu.vector_load %arg24[%get3A_201, %get3A_202] {strides = array<i32>} : memref<64x128xf32, #tpu.memory_space<vmem>>, vector<16xf32>,
      %mul3A_204 = arith.mulf %gather3A_144, %get3A_203 : vector<16xf32>
      %add3A_205 = arith.addf %mul3A_200, %mul3A_204 : vector<16xf32>
      %get3A_206 = arith.index_cast %scan3A_141 : i32 to index
      %get3A_207 = arith.constant 32 : index
      %get3A_208 = tpu.vector_load %arg25[%get3A_206, %get3A_207] {strides = array<i32>} : memref<64x128xf32, #tpu.memory_space<vmem>>, vector<16xf32>,
      %mul3A_209 = arith.mulf %gather3A_145, %get3A_208 : vector<16xf32>
      %add3A_210 = arith.addf %add3A_205, %mul3A_209 : vector<16xf32>
      %get3A_211 = arith.index_cast %scan3A_141 : i32 to index
      %get3A_212 = arith.constant 32 : index
      %get3A_213 = tpu.vector_load %arg26[%get3A_211, %get3A_212] {strides = array<i32>} : memref<64x128xf32, #tpu.memory_space<vmem>>, vector<16xf32>,
      %add3A_214 = arith.addf %add3A_210, %get3A_213 : vector<16xf32>
      %swap3A_215 = arith.index_cast %add3A_196 : i32 to index
      %swap3A_216 = tpu.vector_load %arg18[%swap3A_215] {strides = array<i32>} : memref<6144xf32, #tpu.memory_space<vmem>>, vector<16xf32>,
      tpu.vector_store %arg18[%swap3A_215], %add3A_214 {strides = array<i32>} : memref<6144xf32, #tpu.memory_space<vmem>>, vector<16xf32>,
    }
    %scan3A_138 = arith.constant 64 : i32
    %mul3A_139 = arith.constant 48 : i32
    %mul3A_140 = arith.muli %mul3A_2, %mul3A_139 : i32
    "tpu.region"() ({
      %run_scoped3A = tpu.sem_alloc : memref<!tpu.dma_semaphore, #tpu.memory_space<semaphore_mem>>
      %dma_start3A_141 = tpu.memref_slice %arg10[%mul3A_140] : memref<196608xf32, #tpu.memory_space<hbm>> -> memref<6144xf32, #tpu.memory_space<hbm>>
      %dma_start3A_142 = tpu.memref_slice %arg10[%mul3A_140] : memref<196608xf32, #tpu.memory_space<hbm>> -> memref<6144xf32, #tpu.memory_space<hbm>>
      tpu.enqueue_dma source(%arg18 : memref<6144xf32, #tpu.memory_space<vmem>>) target(%dma_start3A_142 : memref<6144xf32, #tpu.memory_space<hbm>>) target_semaphore(%run_scoped3A : memref<!tpu.dma_semaphore, #tpu.memory_space<semaphore_mem>>)
      %dma_wait3A_143 = tpu.memref_slice %arg10[%mul3A_140] : memref<196608xf32, #tpu.memory_space<hbm>> -> memref<6144xf32, #tpu.memory_space<hbm>>
      %dma_wait3A_144 = tpu.memref_slice %arg10[%mul3A_140] : memref<196608xf32, #tpu.memory_space<hbm>> -> memref<6144xf32, #tpu.memory_space<hbm>>
      tpu.wait_dma2 semaphore(%run_scoped3A : memref<!tpu.dma_semaphore, #tpu.memory_space<semaphore_mem>>) src(%arg18 : memref<6144xf32, #tpu.memory_space<vmem>>) dst(%dma_wait3A_144 : memref<6144xf32, #tpu.memory_space<hbm>>)
      tpu.yield
    }) : () -> ()
    return
  }
}

#map = affine_map<(d0, d1) -> (0, 0)>
#map1 = affine_map<(d0, d1) -> (0)>
module attributes {stable_mosaic.version = 14 : i64} {
  func.func @k(%arg0: i32, %arg1: i32, %arg2: memref<4096x128xf32, #tpu.memory_space<hbm>>, %arg3: memref<4096xi32, #tpu.memory_space<hbm>>, %arg4: memref<4096xi32, #tpu.memory_space<hbm>>, %arg5: memref<4096xi32, #tpu.memory_space<hbm>>, %arg6: memref<4096xf32, #tpu.memory_space<hbm>>, %arg7: memref<4096xf32, #tpu.memory_space<hbm>>, %arg8: memref<4096xf32, #tpu.memory_space<hbm>>, %arg9: memref<4096x128xf32, #tpu.memory_space<hbm>>, %arg10: memref<196608xf32, #tpu.memory_space<hbm>>, %arg11: memref<128xi32, #tpu.memory_space<vmem>>, %arg12: memref<128xi32, #tpu.memory_space<vmem>>, %arg13: memref<128xi32, #tpu.memory_space<vmem>>, %arg14: memref<128xf32, #tpu.memory_space<vmem>>, %arg15: memref<128xf32, #tpu.memory_space<vmem>>, %arg16: memref<128xf32, #tpu.memory_space<vmem>>, %arg17: memref<128xi32, #tpu.memory_space<vmem>>, %arg18: memref<6144xf32, #tpu.memory_space<vmem>>, %arg19: memref<64x128xf32, #tpu.memory_space<vmem>>, %arg20: memref<64x128xf32, #tpu.memory_space<vmem>>, %arg21: memref<64x128xf32, #tpu.memory_space<vmem>>, %arg22: memref<64x128xf32, #tpu.memory_space<vmem>>, %arg23: memref<64x128xf32, #tpu.memory_space<vmem>>, %arg24: memref<64x128xf32, #tpu.memory_space<vmem>>, %arg25: memref<64x128xf32, #tpu.memory_space<vmem>>, %arg26: memref<64x128xf32, #tpu.memory_space<vmem>>, %arg27: memref<!tpu.dma_semaphore, #tpu.memory_space<semaphore_mem>>, %arg28: memref<!tpu.dma_semaphore, #tpu.memory_space<semaphore_mem>>) attributes {dimension_semantics = [#tpu.dimension_semantics<core_parallel>, #tpu.dimension_semantics<subcore_parallel>], iteration_bounds = array<i64: 2, 16>, scalar_prefetch = 0 : i64, scratch_operands = 18 : i64, tpu.core_type = #tpu.core_type<sc_vector_subcore>, window_params = [{transform_indices = #map}, {transform_indices = #map1}, {transform_indices = #map1}, {transform_indices = #map1}, {transform_indices = #map1}, {transform_indices = #map1}, {transform_indices = #map1}, {transform_indices = #map}, {transform_indices = #map1}]} {
    %mul3A = arith.constant 2 : i32
    %mul3A_0 = arith.muli %arg1, %mul3A : i32
    %add3A = arith.addi %mul3A_0, %arg0 : i32
    %mul3A_1 = arith.constant 128 : i32
    %mul3A_2 = arith.muli %add3A, %mul3A_1 : i32
    %iota3A = tpu.iota {dimensions = array<i32: 0>} : vector<16xi32>
    %add3A_3 = arith.constant 0 : i32
    %add3A_4 = arith.addi %mul3A_2, %add3A_3 : i32
    %add3A_5 = vector.broadcast %add3A_4 : i32 to vector<16xi32>
    %add3A_6 = arith.addi %add3A_5, %iota3A : vector<16xi32>
    %swap3A = arith.constant 0 : index
    %swap3A_7 = tpu.vector_load %arg17[%swap3A] {strides = array<i32>} : memref<128xi32, #tpu.memory_space<vmem>>, vector<16xi32>,
    tpu.vector_store %arg17[%swap3A], %add3A_6 {strides = array<i32>} : memref<128xi32, #tpu.memory_space<vmem>>, vector<16xi32>,
    %add3A_8 = arith.constant 16 : i32
    %add3A_9 = arith.addi %mul3A_2, %add3A_8 : i32
    %add3A_10 = vector.broadcast %add3A_9 : i32 to vector<16xi32>
    %add3A_11 = arith.addi %add3A_10, %iota3A : vector<16xi32>
    %swap3A_12 = arith.constant 16 : index
    %swap3A_13 = tpu.vector_load %arg17[%swap3A_12] {strides = array<i32>} : memref<128xi32, #tpu.memory_space<vmem>>, vector<16xi32>,
    tpu.vector_store %arg17[%swap3A_12], %add3A_11 {strides = array<i32>} : memref<128xi32, #tpu.memory_space<vmem>>, vector<16xi32>,
    %add3A_14 = arith.constant 32 : i32
    %add3A_15 = arith.addi %mul3A_2, %add3A_14 : i32
    %add3A_16 = vector.broadcast %add3A_15 : i32 to vector<16xi32>
    %add3A_17 = arith.addi %add3A_16, %iota3A : vector<16xi32>
    %swap3A_18 = arith.constant 32 : index
    %swap3A_19 = tpu.vector_load %arg17[%swap3A_18] {strides = array<i32>} : memref<128xi32, #tpu.memory_space<vmem>>, vector<16xi32>,
    tpu.vector_store %arg17[%swap3A_18], %add3A_17 {strides = array<i32>} : memref<128xi32, #tpu.memory_space<vmem>>, vector<16xi32>,
    %add3A_20 = arith.constant 48 : i32
    %add3A_21 = arith.addi %mul3A_2, %add3A_20 : i32
    %add3A_22 = vector.broadcast %add3A_21 : i32 to vector<16xi32>
    %add3A_23 = arith.addi %add3A_22, %iota3A : vector<16xi32>
    %swap3A_24 = arith.constant 48 : index
    %swap3A_25 = tpu.vector_load %arg17[%swap3A_24] {strides = array<i32>} : memref<128xi32, #tpu.memory_space<vmem>>, vector<16xi32>,
    tpu.vector_store %arg17[%swap3A_24], %add3A_23 {strides = array<i32>} : memref<128xi32, #tpu.memory_space<vmem>>, vector<16xi32>,
    %add3A_26 = arith.constant 64 : i32
    %add3A_27 = arith.addi %mul3A_2, %add3A_26 : i32
    %add3A_28 = vector.broadcast %add3A_27 : i32 to vector<16xi32>
    %add3A_29 = arith.addi %add3A_28, %iota3A : vector<16xi32>
    %swap3A_30 = arith.constant 64 : index
    %swap3A_31 = tpu.vector_load %arg17[%swap3A_30] {strides = array<i32>} : memref<128xi32, #tpu.memory_space<vmem>>, vector<16xi32>,
    tpu.vector_store %arg17[%swap3A_30], %add3A_29 {strides = array<i32>} : memref<128xi32, #tpu.memory_space<vmem>>, vector<16xi32>,
    %add3A_32 = arith.constant 80 : i32
    %add3A_33 = arith.addi %mul3A_2, %add3A_32 : i32
    %add3A_34 = vector.broadcast %add3A_33 : i32 to vector<16xi32>
    %add3A_35 = arith.addi %add3A_34, %iota3A : vector<16xi32>
    %swap3A_36 = arith.constant 80 : index
    %swap3A_37 = tpu.vector_load %arg17[%swap3A_36] {strides = array<i32>} : memref<128xi32, #tpu.memory_space<vmem>>, vector<16xi32>,
    tpu.vector_store %arg17[%swap3A_36], %add3A_35 {strides = array<i32>} : memref<128xi32, #tpu.memory_space<vmem>>, vector<16xi32>,
    %add3A_38 = arith.constant 96 : i32
    %add3A_39 = arith.addi %mul3A_2, %add3A_38 : i32
    %add3A_40 = vector.broadcast %add3A_39 : i32 to vector<16xi32>
    %add3A_41 = arith.addi %add3A_40, %iota3A : vector<16xi32>
    %swap3A_42 = arith.constant 96 : index
    %swap3A_43 = tpu.vector_load %arg17[%swap3A_42] {strides = array<i32>} : memref<128xi32, #tpu.memory_space<vmem>>, vector<16xi32>,
    tpu.vector_store %arg17[%swap3A_42], %add3A_41 {strides = array<i32>} : memref<128xi32, #tpu.memory_space<vmem>>, vector<16xi32>,
    %add3A_44 = arith.constant 112 : i32
    %add3A_45 = arith.addi %mul3A_2, %add3A_44 : i32
    %add3A_46 = vector.broadcast %add3A_45 : i32 to vector<16xi32>
    %add3A_47 = arith.addi %add3A_46, %iota3A : vector<16xi32>
    %swap3A_48 = arith.constant 112 : index
    %swap3A_49 = tpu.vector_load %arg17[%swap3A_48] {strides = array<i32>} : memref<128xi32, #tpu.memory_space<vmem>>, vector<16xi32>,
    tpu.vector_store %arg17[%swap3A_48], %add3A_47 {strides = array<i32>} : memref<128xi32, #tpu.memory_space<vmem>>, vector<16xi32>,
    "tpu.region"() ({
      %run_scoped3A = tpu.sem_alloc : memref<!tpu.dma_semaphore, #tpu.memory_space<semaphore_mem>>
      %dma_start3A_141 = tpu.memref_slice %arg3[%mul3A_2] : memref<4096xi32, #tpu.memory_space<hbm>> -> memref<128xi32, #tpu.memory_space<hbm>>
      %dma_start3A_142 = tpu.memref_slice %arg3[%mul3A_2] : memref<4096xi32, #tpu.memory_space<hbm>> -> memref<128xi32, #tpu.memory_space<hbm>>
      tpu.enqueue_dma source(%dma_start3A_142 : memref<128xi32, #tpu.memory_space<hbm>>) target(%arg11 : memref<128xi32, #tpu.memory_space<vmem>>) target_semaphore(%run_scoped3A : memref<!tpu.dma_semaphore, #tpu.memory_space<semaphore_mem>>)
      %dma_wait3A_143 = tpu.memref_slice %arg3[%mul3A_2] : memref<4096xi32, #tpu.memory_space<hbm>> -> memref<128xi32, #tpu.memory_space<hbm>>
      %dma_wait3A_144 = tpu.memref_slice %arg3[%mul3A_2] : memref<4096xi32, #tpu.memory_space<hbm>> -> memref<128xi32, #tpu.memory_space<hbm>>
      tpu.wait_dma2 semaphore(%run_scoped3A : memref<!tpu.dma_semaphore, #tpu.memory_space<semaphore_mem>>) src(%dma_wait3A_144 : memref<128xi32, #tpu.memory_space<hbm>>) dst(%arg11 : memref<128xi32, #tpu.memory_space<vmem>>)
      tpu.yield
    }) : () -> ()
    "tpu.region"() ({
      %run_scoped3A = tpu.sem_alloc : memref<!tpu.dma_semaphore, #tpu.memory_space<semaphore_mem>>
      %dma_start3A_141 = tpu.memref_slice %arg4[%mul3A_2] : memref<4096xi32, #tpu.memory_space<hbm>> -> memref<128xi32, #tpu.memory_space<hbm>>
      %dma_start3A_142 = tpu.memref_slice %arg4[%mul3A_2] : memref<4096xi32, #tpu.memory_space<hbm>> -> memref<128xi32, #tpu.memory_space<hbm>>
      tpu.enqueue_dma source(%dma_start3A_142 : memref<128xi32, #tpu.memory_space<hbm>>) target(%arg12 : memref<128xi32, #tpu.memory_space<vmem>>) target_semaphore(%run_scoped3A : memref<!tpu.dma_semaphore, #tpu.memory_space<semaphore_mem>>)
      %dma_wait3A_143 = tpu.memref_slice %arg4[%mul3A_2] : memref<4096xi32, #tpu.memory_space<hbm>> -> memref<128xi32, #tpu.memory_space<hbm>>
      %dma_wait3A_144 = tpu.memref_slice %arg4[%mul3A_2] : memref<4096xi32, #tpu.memory_space<hbm>> -> memref<128xi32, #tpu.memory_space<hbm>>
      tpu.wait_dma2 semaphore(%run_scoped3A : memref<!tpu.dma_semaphore, #tpu.memory_space<semaphore_mem>>) src(%dma_wait3A_144 : memref<128xi32, #tpu.memory_space<hbm>>) dst(%arg12 : memref<128xi32, #tpu.memory_space<vmem>>)
      tpu.yield
    }) : () -> ()
    "tpu.region"() ({
      %run_scoped3A = tpu.sem_alloc : memref<!tpu.dma_semaphore, #tpu.memory_space<semaphore_mem>>
      %dma_start3A_141 = tpu.memref_slice %arg5[%mul3A_2] : memref<4096xi32, #tpu.memory_space<hbm>> -> memref<128xi32, #tpu.memory_space<hbm>>
      %dma_start3A_142 = tpu.memref_slice %arg5[%mul3A_2] : memref<4096xi32, #tpu.memory_space<hbm>> -> memref<128xi32, #tpu.memory_space<hbm>>
      tpu.enqueue_dma source(%dma_start3A_142 : memref<128xi32, #tpu.memory_space<hbm>>) target(%arg13 : memref<128xi32, #tpu.memory_space<vmem>>) target_semaphore(%run_scoped3A : memref<!tpu.dma_semaphore, #tpu.memory_space<semaphore_mem>>)
      %dma_wait3A_143 = tpu.memref_slice %arg5[%mul3A_2] : memref<4096xi32, #tpu.memory_space<hbm>> -> memref<128xi32, #tpu.memory_space<hbm>>
      %dma_wait3A_144 = tpu.memref_slice %arg5[%mul3A_2] : memref<4096xi32, #tpu.memory_space<hbm>> -> memref<128xi32, #tpu.memory_space<hbm>>
      tpu.wait_dma2 semaphore(%run_scoped3A : memref<!tpu.dma_semaphore, #tpu.memory_space<semaphore_mem>>) src(%dma_wait3A_144 : memref<128xi32, #tpu.memory_space<hbm>>) dst(%arg13 : memref<128xi32, #tpu.memory_space<vmem>>)
      tpu.yield
    }) : () -> ()
    "tpu.region"() ({
      %run_scoped3A = tpu.sem_alloc : memref<!tpu.dma_semaphore, #tpu.memory_space<semaphore_mem>>
      %dma_start3A_141 = tpu.memref_slice %arg6[%mul3A_2] : memref<4096xf32, #tpu.memory_space<hbm>> -> memref<128xf32, #tpu.memory_space<hbm>>
      %dma_start3A_142 = tpu.memref_slice %arg6[%mul3A_2] : memref<4096xf32, #tpu.memory_space<hbm>> -> memref<128xf32, #tpu.memory_space<hbm>>
      tpu.enqueue_dma source(%dma_start3A_142 : memref<128xf32, #tpu.memory_space<hbm>>) target(%arg14 : memref<128xf32, #tpu.memory_space<vmem>>) target_semaphore(%run_scoped3A : memref<!tpu.dma_semaphore, #tpu.memory_space<semaphore_mem>>)
      %dma_wait3A_143 = tpu.memref_slice %arg6[%mul3A_2] : memref<4096xf32, #tpu.memory_space<hbm>> -> memref<128xf32, #tpu.memory_space<hbm>>
      %dma_wait3A_144 = tpu.memref_slice %arg6[%mul3A_2] : memref<4096xf32, #tpu.memory_space<hbm>> -> memref<128xf32, #tpu.memory_space<hbm>>
      tpu.wait_dma2 semaphore(%run_scoped3A : memref<!tpu.dma_semaphore, #tpu.memory_space<semaphore_mem>>) src(%dma_wait3A_144 : memref<128xf32, #tpu.memory_space<hbm>>) dst(%arg14 : memref<128xf32, #tpu.memory_space<vmem>>)
      tpu.yield
    }) : () -> ()
    "tpu.region"() ({
      %run_scoped3A = tpu.sem_alloc : memref<!tpu.dma_semaphore, #tpu.memory_space<semaphore_mem>>
      %dma_start3A_141 = tpu.memref_slice %arg7[%mul3A_2] : memref<4096xf32, #tpu.memory_space<hbm>> -> memref<128xf32, #tpu.memory_space<hbm>>
      %dma_start3A_142 = tpu.memref_slice %arg7[%mul3A_2] : memref<4096xf32, #tpu.memory_space<hbm>> -> memref<128xf32, #tpu.memory_space<hbm>>
      tpu.enqueue_dma source(%dma_start3A_142 : memref<128xf32, #tpu.memory_space<hbm>>) target(%arg15 : memref<128xf32, #tpu.memory_space<vmem>>) target_semaphore(%run_scoped3A : memref<!tpu.dma_semaphore, #tpu.memory_space<semaphore_mem>>)
      %dma_wait3A_143 = tpu.memref_slice %arg7[%mul3A_2] : memref<4096xf32, #tpu.memory_space<hbm>> -> memref<128xf32, #tpu.memory_space<hbm>>
      %dma_wait3A_144 = tpu.memref_slice %arg7[%mul3A_2] : memref<4096xf32, #tpu.memory_space<hbm>> -> memref<128xf32, #tpu.memory_space<hbm>>
      tpu.wait_dma2 semaphore(%run_scoped3A : memref<!tpu.dma_semaphore, #tpu.memory_space<semaphore_mem>>) src(%dma_wait3A_144 : memref<128xf32, #tpu.memory_space<hbm>>) dst(%arg15 : memref<128xf32, #tpu.memory_space<vmem>>)
      tpu.yield
    }) : () -> ()
    "tpu.region"() ({
      %run_scoped3A = tpu.sem_alloc : memref<!tpu.dma_semaphore, #tpu.memory_space<semaphore_mem>>
      %dma_start3A_141 = tpu.memref_slice %arg8[%mul3A_2] : memref<4096xf32, #tpu.memory_space<hbm>> -> memref<128xf32, #tpu.memory_space<hbm>>
      %dma_start3A_142 = tpu.memref_slice %arg8[%mul3A_2] : memref<4096xf32, #tpu.memory_space<hbm>> -> memref<128xf32, #tpu.memory_space<hbm>>
      tpu.enqueue_dma source(%dma_start3A_142 : memref<128xf32, #tpu.memory_space<hbm>>) target(%arg16 : memref<128xf32, #tpu.memory_space<vmem>>) target_semaphore(%run_scoped3A : memref<!tpu.dma_semaphore, #tpu.memory_space<semaphore_mem>>)
      %dma_wait3A_143 = tpu.memref_slice %arg8[%mul3A_2] : memref<4096xf32, #tpu.memory_space<hbm>> -> memref<128xf32, #tpu.memory_space<hbm>>
      %dma_wait3A_144 = tpu.memref_slice %arg8[%mul3A_2] : memref<4096xf32, #tpu.memory_space<hbm>> -> memref<128xf32, #tpu.memory_space<hbm>>
      tpu.wait_dma2 semaphore(%run_scoped3A : memref<!tpu.dma_semaphore, #tpu.memory_space<semaphore_mem>>) src(%dma_wait3A_144 : memref<128xf32, #tpu.memory_space<hbm>>) dst(%arg16 : memref<128xf32, #tpu.memory_space<vmem>>)
      tpu.yield
    }) : () -> ()
    %dma_start3A = arith.constant 0 : i32
    %dma_start3A_50 = tpu.memref_slice %arg11[%dma_start3A] : memref<128xi32, #tpu.memory_space<vmem>> -> memref<64xi32, #tpu.memory_space<vmem>>
    %dma_start3A_51 = arith.constant 0 : i32
    %dma_start3A_52 = arith.constant 0 : i32
    %dma_start3A_53 = tpu.memref_slice %arg2[%dma_start3A_51, %dma_start3A_52] : memref<4096x128xf32, #tpu.memory_space<hbm>> -> memref<4096x128xf32, #tpu.memory_space<hbm>>
    tpu.enqueue_indirect_dma source(%dma_start3A_53 : memref<4096x128xf32, #tpu.memory_space<hbm>>) target(%arg19 : memref<64x128xf32, #tpu.memory_space<vmem>>) offsets(%dma_start3A_50 : memref<64xi32, #tpu.memory_space<vmem>>) semaphore(%arg27 : memref<!tpu.dma_semaphore, #tpu.memory_space<semaphore_mem>>)
    %dma_start3A_54 = arith.constant 0 : i32
    %dma_start3A_55 = tpu.memref_slice %arg12[%dma_start3A_54] : memref<128xi32, #tpu.memory_space<vmem>> -> memref<64xi32, #tpu.memory_space<vmem>>
    %dma_start3A_56 = arith.constant 0 : i32
    %dma_start3A_57 = arith.constant 0 : i32
    %dma_start3A_58 = tpu.memref_slice %arg2[%dma_start3A_56, %dma_start3A_57] : memref<4096x128xf32, #tpu.memory_space<hbm>> -> memref<4096x128xf32, #tpu.memory_space<hbm>>
    tpu.enqueue_indirect_dma source(%dma_start3A_58 : memref<4096x128xf32, #tpu.memory_space<hbm>>) target(%arg20 : memref<64x128xf32, #tpu.memory_space<vmem>>) offsets(%dma_start3A_55 : memref<64xi32, #tpu.memory_space<vmem>>) semaphore(%arg27 : memref<!tpu.dma_semaphore, #tpu.memory_space<semaphore_mem>>)
    %dma_start3A_59 = arith.constant 0 : i32
    %dma_start3A_60 = tpu.memref_slice %arg13[%dma_start3A_59] : memref<128xi32, #tpu.memory_space<vmem>> -> memref<64xi32, #tpu.memory_space<vmem>>
    %dma_start3A_61 = arith.constant 0 : i32
    %dma_start3A_62 = arith.constant 0 : i32
    %dma_start3A_63 = tpu.memref_slice %arg2[%dma_start3A_61, %dma_start3A_62] : memref<4096x128xf32, #tpu.memory_space<hbm>> -> memref<4096x128xf32, #tpu.memory_space<hbm>>
    tpu.enqueue_indirect_dma source(%dma_start3A_63 : memref<4096x128xf32, #tpu.memory_space<hbm>>) target(%arg21 : memref<64x128xf32, #tpu.memory_space<vmem>>) offsets(%dma_start3A_60 : memref<64xi32, #tpu.memory_space<vmem>>) semaphore(%arg27 : memref<!tpu.dma_semaphore, #tpu.memory_space<semaphore_mem>>)
    %dma_start3A_64 = arith.constant 0 : i32
    %dma_start3A_65 = tpu.memref_slice %arg17[%dma_start3A_64] : memref<128xi32, #tpu.memory_space<vmem>> -> memref<64xi32, #tpu.memory_space<vmem>>
    %dma_start3A_66 = arith.constant 0 : i32
    %dma_start3A_67 = arith.constant 0 : i32
    %dma_start3A_68 = tpu.memref_slice %arg9[%dma_start3A_66, %dma_start3A_67] : memref<4096x128xf32, #tpu.memory_space<hbm>> -> memref<4096x128xf32, #tpu.memory_space<hbm>>
    tpu.enqueue_indirect_dma source(%dma_start3A_68 : memref<4096x128xf32, #tpu.memory_space<hbm>>) target(%arg22 : memref<64x128xf32, #tpu.memory_space<vmem>>) offsets(%dma_start3A_65 : memref<64xi32, #tpu.memory_space<vmem>>) semaphore(%arg27 : memref<!tpu.dma_semaphore, #tpu.memory_space<semaphore_mem>>)
    %dma_wait3A = arith.constant 0 : i32
    %dma_wait3A_69 = tpu.memref_slice %arg11[%dma_wait3A] : memref<128xi32, #tpu.memory_space<vmem>> -> memref<64xi32, #tpu.memory_space<vmem>>
    %dma_wait3A_70 = arith.constant 0 : i32
    %dma_wait3A_71 = arith.constant 0 : i32
    %dma_wait3A_72 = tpu.memref_slice %arg2[%dma_wait3A_70, %dma_wait3A_71] : memref<4096x128xf32, #tpu.memory_space<hbm>> -> memref<4096x128xf32, #tpu.memory_space<hbm>>
    tpu.wait_indirect_dma semaphore(%arg27 : memref<!tpu.dma_semaphore, #tpu.memory_space<semaphore_mem>>) src(%dma_wait3A_72 : memref<4096x128xf32, #tpu.memory_space<hbm>>) dst(%arg19 : memref<64x128xf32, #tpu.memory_space<vmem>>)
    %dma_wait3A_73 = arith.constant 0 : i32
    %dma_wait3A_74 = tpu.memref_slice %arg12[%dma_wait3A_73] : memref<128xi32, #tpu.memory_space<vmem>> -> memref<64xi32, #tpu.memory_space<vmem>>
    %dma_wait3A_75 = arith.constant 0 : i32
    %dma_wait3A_76 = arith.constant 0 : i32
    %dma_wait3A_77 = tpu.memref_slice %arg2[%dma_wait3A_75, %dma_wait3A_76] : memref<4096x128xf32, #tpu.memory_space<hbm>> -> memref<4096x128xf32, #tpu.memory_space<hbm>>
    tpu.wait_indirect_dma semaphore(%arg27 : memref<!tpu.dma_semaphore, #tpu.memory_space<semaphore_mem>>) src(%dma_wait3A_77 : memref<4096x128xf32, #tpu.memory_space<hbm>>) dst(%arg20 : memref<64x128xf32, #tpu.memory_space<vmem>>)
    %dma_wait3A_78 = arith.constant 0 : i32
    %dma_wait3A_79 = tpu.memref_slice %arg13[%dma_wait3A_78] : memref<128xi32, #tpu.memory_space<vmem>> -> memref<64xi32, #tpu.memory_space<vmem>>
    %dma_wait3A_80 = arith.constant 0 : i32
    %dma_wait3A_81 = arith.constant 0 : i32
    %dma_wait3A_82 = tpu.memref_slice %arg2[%dma_wait3A_80, %dma_wait3A_81] : memref<4096x128xf32, #tpu.memory_space<hbm>> -> memref<4096x128xf32, #tpu.memory_space<hbm>>
    tpu.wait_indirect_dma semaphore(%arg27 : memref<!tpu.dma_semaphore, #tpu.memory_space<semaphore_mem>>) src(%dma_wait3A_82 : memref<4096x128xf32, #tpu.memory_space<hbm>>) dst(%arg21 : memref<64x128xf32, #tpu.memory_space<vmem>>)
    %dma_wait3A_83 = arith.constant 0 : i32
    %dma_wait3A_84 = tpu.memref_slice %arg17[%dma_wait3A_83] : memref<128xi32, #tpu.memory_space<vmem>> -> memref<64xi32, #tpu.memory_space<vmem>>
    %dma_wait3A_85 = arith.constant 0 : i32
    %dma_wait3A_86 = arith.constant 0 : i32
    %dma_wait3A_87 = tpu.memref_slice %arg9[%dma_wait3A_85, %dma_wait3A_86] : memref<4096x128xf32, #tpu.memory_space<hbm>> -> memref<4096x128xf32, #tpu.memory_space<hbm>>
    tpu.wait_indirect_dma semaphore(%arg27 : memref<!tpu.dma_semaphore, #tpu.memory_space<semaphore_mem>>) src(%dma_wait3A_87 : memref<4096x128xf32, #tpu.memory_space<hbm>>) dst(%arg22 : memref<64x128xf32, #tpu.memory_space<vmem>>)
    %dma_start3A_88 = arith.constant 64 : i32
    %dma_start3A_89 = tpu.memref_slice %arg11[%dma_start3A_88] : memref<128xi32, #tpu.memory_space<vmem>> -> memref<64xi32, #tpu.memory_space<vmem>>
    %dma_start3A_90 = arith.constant 0 : i32
    %dma_start3A_91 = arith.constant 0 : i32
    %dma_start3A_92 = tpu.memref_slice %arg2[%dma_start3A_90, %dma_start3A_91] : memref<4096x128xf32, #tpu.memory_space<hbm>> -> memref<4096x128xf32, #tpu.memory_space<hbm>>
    tpu.enqueue_indirect_dma source(%dma_start3A_92 : memref<4096x128xf32, #tpu.memory_space<hbm>>) target(%arg23 : memref<64x128xf32, #tpu.memory_space<vmem>>) offsets(%dma_start3A_89 : memref<64xi32, #tpu.memory_space<vmem>>) semaphore(%arg28 : memref<!tpu.dma_semaphore, #tpu.memory_space<semaphore_mem>>)
    %dma_start3A_93 = arith.constant 64 : i32
    %dma_start3A_94 = tpu.memref_slice %arg12[%dma_start3A_93] : memref<128xi32, #tpu.memory_space<vmem>> -> memref<64xi32, #tpu.memory_space<vmem>>
    %dma_start3A_95 = arith.constant 0 : i32
    %dma_start3A_96 = arith.constant 0 : i32
    %dma_start3A_97 = tpu.memref_slice %arg2[%dma_start3A_95, %dma_start3A_96] : memref<4096x128xf32, #tpu.memory_space<hbm>> -> memref<4096x128xf32, #tpu.memory_space<hbm>>
    tpu.enqueue_indirect_dma source(%dma_start3A_97 : memref<4096x128xf32, #tpu.memory_space<hbm>>) target(%arg24 : memref<64x128xf32, #tpu.memory_space<vmem>>) offsets(%dma_start3A_94 : memref<64xi32, #tpu.memory_space<vmem>>) semaphore(%arg28 : memref<!tpu.dma_semaphore, #tpu.memory_space<semaphore_mem>>)
    %dma_start3A_98 = arith.constant 64 : i32
    %dma_start3A_99 = tpu.memref_slice %arg13[%dma_start3A_98] : memref<128xi32, #tpu.memory_space<vmem>> -> memref<64xi32, #tpu.memory_space<vmem>>
    %dma_start3A_100 = arith.constant 0 : i32
    %dma_start3A_101 = arith.constant 0 : i32
    %dma_start3A_102 = tpu.memref_slice %arg2[%dma_start3A_100, %dma_start3A_101] : memref<4096x128xf32, #tpu.memory_space<hbm>> -> memref<4096x128xf32, #tpu.memory_space<hbm>>
    tpu.enqueue_indirect_dma source(%dma_start3A_102 : memref<4096x128xf32, #tpu.memory_space<hbm>>) target(%arg25 : memref<64x128xf32, #tpu.memory_space<vmem>>) offsets(%dma_start3A_99 : memref<64xi32, #tpu.memory_space<vmem>>) semaphore(%arg28 : memref<!tpu.dma_semaphore, #tpu.memory_space<semaphore_mem>>)
    %dma_start3A_103 = arith.constant 64 : i32
    %dma_start3A_104 = tpu.memref_slice %arg17[%dma_start3A_103] : memref<128xi32, #tpu.memory_space<vmem>> -> memref<64xi32, #tpu.memory_space<vmem>>
    %dma_start3A_105 = arith.constant 0 : i32
    %dma_start3A_106 = arith.constant 0 : i32
    %dma_start3A_107 = tpu.memref_slice %arg9[%dma_start3A_105, %dma_start3A_106] : memref<4096x128xf32, #tpu.memory_space<hbm>> -> memref<4096x128xf32, #tpu.memory_space<hbm>>
    tpu.enqueue_indirect_dma source(%dma_start3A_107 : memref<4096x128xf32, #tpu.memory_space<hbm>>) target(%arg26 : memref<64x128xf32, #tpu.memory_space<vmem>>) offsets(%dma_start3A_104 : memref<64xi32, #tpu.memory_space<vmem>>) semaphore(%arg28 : memref<!tpu.dma_semaphore, #tpu.memory_space<semaphore_mem>>)
    %scan3A = arith.constant 0 : i32
    %scan3A_108 = arith.constant 0 : i32
    %scan3A_109 = arith.constant 64 : i32
    %scan3A_110 = arith.addi %scan3A_108, %scan3A_109 : i32
    %scan3A_111 = arith.constant 1 : i32
    scf.for %scan3A_141 = %scan3A_108 to %scan3A_110 step %scan3A_111  : i32 {
      %add3A_142 = arith.constant 0 : i32
      %add3A_143 = arith.addi %add3A_142, %scan3A_141 : i32
      %broadcast_in_dim3A = vector.broadcast %add3A_143 : i32 to vector<16xi32>
      %gather3A = tpu.vector_load_idx %arg14[%broadcast_in_dim3A] : memref<128xf32, #tpu.memory_space<vmem>>[vector<16xi32>], vector<16xf32>,
      %gather3A_144 = tpu.vector_load_idx %arg15[%broadcast_in_dim3A] : memref<128xf32, #tpu.memory_space<vmem>>[vector<16xi32>], vector<16xf32>,
      %gather3A_145 = tpu.vector_load_idx %arg16[%broadcast_in_dim3A] : memref<128xf32, #tpu.memory_space<vmem>>[vector<16xi32>], vector<16xf32>,
      %mul3A_146 = arith.constant 48 : i32
      %mul3A_147 = arith.muli %add3A_143, %mul3A_146 : i32
      %add3A_148 = arith.constant 0 : i32
      %add3A_149 = arith.addi %mul3A_147, %add3A_148 : i32
      %get3A = arith.index_cast %scan3A_141 : i32 to index
      %get3A_150 = arith.constant 0 : index
      %get3A_151 = tpu.vector_load %arg19[%get3A, %get3A_150] {strides = array<i32>} : memref<64x128xf32, #tpu.memory_space<vmem>>, vector<16xf32>,
      %mul3A_152 = arith.mulf %gather3A, %get3A_151 : vector<16xf32>
      %get3A_153 = arith.index_cast %scan3A_141 : i32 to index
      %get3A_154 = arith.constant 0 : index
      %get3A_155 = tpu.vector_load %arg20[%get3A_153, %get3A_154] {strides = array<i32>} : memref<64x128xf32, #tpu.memory_space<vmem>>, vector<16xf32>,
      %mul3A_156 = arith.mulf %gather3A_144, %get3A_155 : vector<16xf32>
      %add3A_157 = arith.addf %mul3A_152, %mul3A_156 : vector<16xf32>
      %get3A_158 = arith.index_cast %scan3A_141 : i32 to index
      %get3A_159 = arith.constant 0 : index
      %get3A_160 = tpu.vector_load %arg21[%get3A_158, %get3A_159] {strides = array<i32>} : memref<64x128xf32, #tpu.memory_space<vmem>>, vector<16xf32>,
      %mul3A_161 = arith.mulf %gather3A_145, %get3A_160 : vector<16xf32>
      %add3A_162 = arith.addf %add3A_157, %mul3A_161 : vector<16xf32>
      %get3A_163 = arith.index_cast %scan3A_141 : i32 to index
      %get3A_164 = arith.constant 0 : index
      %get3A_165 = tpu.vector_load %arg22[%get3A_163, %get3A_164] {strides = array<i32>} : memref<64x128xf32, #tpu.memory_space<vmem>>, vector<16xf32>,
      %add3A_166 = arith.addf %add3A_162, %get3A_165 : vector<16xf32>
      %swap3A_167 = arith.index_cast %add3A_149 : i32 to index
      %swap3A_168 = tpu.vector_load %arg18[%swap3A_167] {strides = array<i32>} : memref<6144xf32, #tpu.memory_space<vmem>>, vector<16xf32>,
      tpu.vector_store %arg18[%swap3A_167], %add3A_166 {strides = array<i32>} : memref<6144xf32, #tpu.memory_space<vmem>>, vector<16xf32>,
      %mul3A_169 = arith.constant 48 : i32
      %mul3A_170 = arith.muli %add3A_143, %mul3A_169 : i32
      %add3A_171 = arith.constant 16 : i32
      %add3A_172 = arith.addi %mul3A_170, %add3A_171 : i32
      %get3A_173 = arith.index_cast %scan3A_141 : i32 to index
      %get3A_174 = arith.constant 16 : index
      %get3A_175 = tpu.vector_load %arg19[%get3A_173, %get3A_174] {strides = array<i32>} : memref<64x128xf32, #tpu.memory_space<vmem>>, vector<16xf32>,
      %mul3A_176 = arith.mulf %gather3A, %get3A_175 : vector<16xf32>
      %get3A_177 = arith.index_cast %scan3A_141 : i32 to index
      %get3A_178 = arith.constant 16 : index
      %get3A_179 = tpu.vector_load %arg20[%get3A_177, %get3A_178] {strides = array<i32>} : memref<64x128xf32, #tpu.memory_space<vmem>>, vector<16xf32>,
      %mul3A_180 = arith.mulf %gather3A_144, %get3A_179 : vector<16xf32>
      %add3A_181 = arith.addf %mul3A_176, %mul3A_180 : vector<16xf32>
      %get3A_182 = arith.index_cast %scan3A_141 : i32 to index
      %get3A_183 = arith.constant 16 : index
      %get3A_184 = tpu.vector_load %arg21[%get3A_182, %get3A_183] {strides = array<i32>} : memref<64x128xf32, #tpu.memory_space<vmem>>, vector<16xf32>,
      %mul3A_185 = arith.mulf %gather3A_145, %get3A_184 : vector<16xf32>
      %add3A_186 = arith.addf %add3A_181, %mul3A_185 : vector<16xf32>
      %get3A_187 = arith.index_cast %scan3A_141 : i32 to index
      %get3A_188 = arith.constant 16 : index
      %get3A_189 = tpu.vector_load %arg22[%get3A_187, %get3A_188] {strides = array<i32>} : memref<64x128xf32, #tpu.memory_space<vmem>>, vector<16xf32>,
      %add3A_190 = arith.addf %add3A_186, %get3A_189 : vector<16xf32>
      %swap3A_191 = arith.index_cast %add3A_172 : i32 to index
      %swap3A_192 = tpu.vector_load %arg18[%swap3A_191] {strides = array<i32>} : memref<6144xf32, #tpu.memory_space<vmem>>, vector<16xf32>,
      tpu.vector_store %arg18[%swap3A_191], %add3A_190 {strides = array<i32>} : memref<6144xf32, #tpu.memory_space<vmem>>, vector<16xf32>,
      %mul3A_193 = arith.constant 48 : i32
      %mul3A_194 = arith.muli %add3A_143, %mul3A_193 : i32
      %add3A_195 = arith.constant 32 : i32
      %add3A_196 = arith.addi %mul3A_194, %add3A_195 : i32
      %get3A_197 = arith.index_cast %scan3A_141 : i32 to index
      %get3A_198 = arith.constant 32 : index
      %get3A_199 = tpu.vector_load %arg19[%get3A_197, %get3A_198] {strides = array<i32>} : memref<64x128xf32, #tpu.memory_space<vmem>>, vector<16xf32>,
      %mul3A_200 = arith.mulf %gather3A, %get3A_199 : vector<16xf32>
      %get3A_201 = arith.index_cast %scan3A_141 : i32 to index
      %get3A_202 = arith.constant 32 : index
      %get3A_203 = tpu.vector_load %arg20[%get3A_201, %get3A_202] {strides = array<i32>} : memref<64x128xf32, #tpu.memory_space<vmem>>, vector<16xf32>,
      %mul3A_204 = arith.mulf %gather3A_144, %get3A_203 : vector<16xf32>
      %add3A_205 = arith.addf %mul3A_200, %mul3A_204 : vector<16xf32>
      %get3A_206 = arith.index_cast %scan3A_141 : i32 to index
      %get3A_207 = arith.constant 32 : index
      %get3A_208 = tpu.vector_load %arg21[%get3A_206, %get3A_207] {strides = array<i32>} : memref<64x128xf32, #tpu.memory_space<vmem>>, vector<16xf32>,
      %mul3A_209 = arith.mulf %gather3A_145, %get3A_208 : vector<16xf32>
      %add3A_210 = arith.addf %add3A_205, %mul3A_209 : vector<16xf32>
      %get3A_211 = arith.index_cast %scan3A_141 : i32 to index
      %get3A_212 = arith.constant 32 : index
      %get3A_213 = tpu.vector_load %arg22[%get3A_211, %get3A_212] {strides = array<i32>} : memref<64x128xf32, #tpu.memory_space<vmem>>, vector<16xf32>,
      %add3A_214 = arith.addf %add3A_210, %get3A_213 : vector<16xf32>
      %swap3A_215 = arith.index_cast %add3A_196 : i32 to index
      %swap3A_216 = tpu.vector_load %arg18[%swap3A_215] {strides = array<i32>} : memref<6144xf32, #tpu.memory_space<vmem>>, vector<16xf32>,
      tpu.vector_store %arg18[%swap3A_215], %add3A_214 {strides = array<i32>} : memref<6144xf32, #tpu.memory_space<vmem>>, vector<16xf32>,
    }
    %scan3A_112 = arith.constant 64 : i32
    %dma_wait3A_113 = arith.constant 64 : i32
    %dma_wait3A_114 = tpu.memref_slice %arg11[%dma_wait3A_113] : memref<128xi32, #tpu.memory_space<vmem>> -> memref<64xi32, #tpu.memory_space<vmem>>
    %dma_wait3A_115 = arith.constant 0 : i32
    %dma_wait3A_116 = arith.constant 0 : i32
    %dma_wait3A_117 = tpu.memref_slice %arg2[%dma_wait3A_115, %dma_wait3A_116] : memref<4096x128xf32, #tpu.memory_space<hbm>> -> memref<4096x128xf32, #tpu.memory_space<hbm>>
    tpu.wait_indirect_dma semaphore(%arg28 : memref<!tpu.dma_semaphore, #tpu.memory_space<semaphore_mem>>) src(%dma_wait3A_117 : memref<4096x128xf32, #tpu.memory_space<hbm>>) dst(%arg23 : memref<64x128xf32, #tpu.memory_space<vmem>>)
    %dma_wait3A_118 = arith.constant 64 : i32
    %dma_wait3A_119 = tpu.memref_slice %arg12[%dma_wait3A_118] : memref<128xi32, #tpu.memory_space<vmem>> -> memref<64xi32, #tpu.memory_space<vmem>>
    %dma_wait3A_120 = arith.constant 0 : i32
    %dma_wait3A_121 = arith.constant 0 : i32
    %dma_wait3A_122 = tpu.memref_slice %arg2[%dma_wait3A_120, %dma_wait3A_121] : memref<4096x128xf32, #tpu.memory_space<hbm>> -> memref<4096x128xf32, #tpu.memory_space<hbm>>
    tpu.wait_indirect_dma semaphore(%arg28 : memref<!tpu.dma_semaphore, #tpu.memory_space<semaphore_mem>>) src(%dma_wait3A_122 : memref<4096x128xf32, #tpu.memory_space<hbm>>) dst(%arg24 : memref<64x128xf32, #tpu.memory_space<vmem>>)
    %dma_wait3A_123 = arith.constant 64 : i32
    %dma_wait3A_124 = tpu.memref_slice %arg13[%dma_wait3A_123] : memref<128xi32, #tpu.memory_space<vmem>> -> memref<64xi32, #tpu.memory_space<vmem>>
    %dma_wait3A_125 = arith.constant 0 : i32
    %dma_wait3A_126 = arith.constant 0 : i32
    %dma_wait3A_127 = tpu.memref_slice %arg2[%dma_wait3A_125, %dma_wait3A_126] : memref<4096x128xf32, #tpu.memory_space<hbm>> -> memref<4096x128xf32, #tpu.memory_space<hbm>>
    tpu.wait_indirect_dma semaphore(%arg28 : memref<!tpu.dma_semaphore, #tpu.memory_space<semaphore_mem>>) src(%dma_wait3A_127 : memref<4096x128xf32, #tpu.memory_space<hbm>>) dst(%arg25 : memref<64x128xf32, #tpu.memory_space<vmem>>)
    %dma_wait3A_128 = arith.constant 64 : i32
    %dma_wait3A_129 = tpu.memref_slice %arg17[%dma_wait3A_128] : memref<128xi32, #tpu.memory_space<vmem>> -> memref<64xi32, #tpu.memory_space<vmem>>
    %dma_wait3A_130 = arith.constant 0 : i32
    %dma_wait3A_131 = arith.constant 0 : i32
    %dma_wait3A_132 = tpu.memref_slice %arg9[%dma_wait3A_130, %dma_wait3A_131] : memref<4096x128xf32, #tpu.memory_space<hbm>> -> memref<4096x128xf32, #tpu.memory_space<hbm>>
    tpu.wait_indirect_dma semaphore(%arg28 : memref<!tpu.dma_semaphore, #tpu.memory_space<semaphore_mem>>) src(%dma_wait3A_132 : memref<4096x128xf32, #tpu.memory_space<hbm>>) dst(%arg26 : memref<64x128xf32, #tpu.memory_space<vmem>>)
    %scan3A_133 = arith.constant 0 : i32
    %scan3A_134 = arith.constant 0 : i32
    %scan3A_135 = arith.constant 64 : i32
    %scan3A_136 = arith.addi %scan3A_134, %scan3A_135 : i32
    %scan3A_137 = arith.constant 1 : i32
    scf.for %scan3A_141 = %scan3A_134 to %scan3A_136 step %scan3A_137  : i32 {
      %add3A_142 = arith.constant 64 : i32
      %add3A_143 = arith.addi %add3A_142, %scan3A_141 : i32
      %broadcast_in_dim3A = vector.broadcast %add3A_143 : i32 to vector<16xi32>
      %gather3A = tpu.vector_load_idx %arg14[%broadcast_in_dim3A] : memref<128xf32, #tpu.memory_space<vmem>>[vector<16xi32>], vector<16xf32>,
      %gather3A_144 = tpu.vector_load_idx %arg15[%broadcast_in_dim3A] : memref<128xf32, #tpu.memory_space<vmem>>[vector<16xi32>], vector<16xf32>,
      %gather3A_145 = tpu.vector_load_idx %arg16[%broadcast_in_dim3A] : memref<128xf32, #tpu.memory_space<vmem>>[vector<16xi32>], vector<16xf32>,
      %mul3A_146 = arith.constant 48 : i32
      %mul3A_147 = arith.muli %add3A_143, %mul3A_146 : i32
      %add3A_148 = arith.constant 0 : i32
      %add3A_149 = arith.addi %mul3A_147, %add3A_148 : i32
      %get3A = arith.index_cast %scan3A_141 : i32 to index
      %get3A_150 = arith.constant 0 : index
      %get3A_151 = tpu.vector_load %arg23[%get3A, %get3A_150] {strides = array<i32>} : memref<64x128xf32, #tpu.memory_space<vmem>>, vector<16xf32>,
      %mul3A_152 = arith.mulf %gather3A, %get3A_151 : vector<16xf32>
      %get3A_153 = arith.index_cast %scan3A_141 : i32 to index
      %get3A_154 = arith.constant 0 : index
      %get3A_155 = tpu.vector_load %arg24[%get3A_153, %get3A_154] {strides = array<i32>} : memref<64x128xf32, #tpu.memory_space<vmem>>, vector<16xf32>,
      %mul3A_156 = arith.mulf %gather3A_144, %get3A_155 : vector<16xf32>
      %add3A_157 = arith.addf %mul3A_152, %mul3A_156 : vector<16xf32>
      %get3A_158 = arith.index_cast %scan3A_141 : i32 to index
      %get3A_159 = arith.constant 0 : index
      %get3A_160 = tpu.vector_load %arg25[%get3A_158, %get3A_159] {strides = array<i32>} : memref<64x128xf32, #tpu.memory_space<vmem>>, vector<16xf32>,
      %mul3A_161 = arith.mulf %gather3A_145, %get3A_160 : vector<16xf32>
      %add3A_162 = arith.addf %add3A_157, %mul3A_161 : vector<16xf32>
      %get3A_163 = arith.index_cast %scan3A_141 : i32 to index
      %get3A_164 = arith.constant 0 : index
      %get3A_165 = tpu.vector_load %arg26[%get3A_163, %get3A_164] {strides = array<i32>} : memref<64x128xf32, #tpu.memory_space<vmem>>, vector<16xf32>,
      %add3A_166 = arith.addf %add3A_162, %get3A_165 : vector<16xf32>
      %swap3A_167 = arith.index_cast %add3A_149 : i32 to index
      %swap3A_168 = tpu.vector_load %arg18[%swap3A_167] {strides = array<i32>} : memref<6144xf32, #tpu.memory_space<vmem>>, vector<16xf32>,
      tpu.vector_store %arg18[%swap3A_167], %add3A_166 {strides = array<i32>} : memref<6144xf32, #tpu.memory_space<vmem>>, vector<16xf32>,
      %mul3A_169 = arith.constant 48 : i32
      %mul3A_170 = arith.muli %add3A_143, %mul3A_169 : i32
      %add3A_171 = arith.constant 16 : i32
      %add3A_172 = arith.addi %mul3A_170, %add3A_171 : i32
      %get3A_173 = arith.index_cast %scan3A_141 : i32 to index
      %get3A_174 = arith.constant 16 : index
      %get3A_175 = tpu.vector_load %arg23[%get3A_173, %get3A_174] {strides = array<i32>} : memref<64x128xf32, #tpu.memory_space<vmem>>, vector<16xf32>,
      %mul3A_176 = arith.mulf %gather3A, %get3A_175 : vector<16xf32>
      %get3A_177 = arith.index_cast %scan3A_141 : i32 to index
      %get3A_178 = arith.constant 16 : index
      %get3A_179 = tpu.vector_load %arg24[%get3A_177, %get3A_178] {strides = array<i32>} : memref<64x128xf32, #tpu.memory_space<vmem>>, vector<16xf32>,
      %mul3A_180 = arith.mulf %gather3A_144, %get3A_179 : vector<16xf32>
      %add3A_181 = arith.addf %mul3A_176, %mul3A_180 : vector<16xf32>
      %get3A_182 = arith.index_cast %scan3A_141 : i32 to index
      %get3A_183 = arith.constant 16 : index
      %get3A_184 = tpu.vector_load %arg25[%get3A_182, %get3A_183] {strides = array<i32>} : memref<64x128xf32, #tpu.memory_space<vmem>>, vector<16xf32>,
      %mul3A_185 = arith.mulf %gather3A_145, %get3A_184 : vector<16xf32>
      %add3A_186 = arith.addf %add3A_181, %mul3A_185 : vector<16xf32>
      %get3A_187 = arith.index_cast %scan3A_141 : i32 to index
      %get3A_188 = arith.constant 16 : index
      %get3A_189 = tpu.vector_load %arg26[%get3A_187, %get3A_188] {strides = array<i32>} : memref<64x128xf32, #tpu.memory_space<vmem>>, vector<16xf32>,
      %add3A_190 = arith.addf %add3A_186, %get3A_189 : vector<16xf32>
      %swap3A_191 = arith.index_cast %add3A_172 : i32 to index
      %swap3A_192 = tpu.vector_load %arg18[%swap3A_191] {strides = array<i32>} : memref<6144xf32, #tpu.memory_space<vmem>>, vector<16xf32>,
      tpu.vector_store %arg18[%swap3A_191], %add3A_190 {strides = array<i32>} : memref<6144xf32, #tpu.memory_space<vmem>>, vector<16xf32>,
      %mul3A_193 = arith.constant 48 : i32
      %mul3A_194 = arith.muli %add3A_143, %mul3A_193 : i32
      %add3A_195 = arith.constant 32 : i32
      %add3A_196 = arith.addi %mul3A_194, %add3A_195 : i32
      %get3A_197 = arith.index_cast %scan3A_141 : i32 to index
      %get3A_198 = arith.constant 32 : index
      %get3A_199 = tpu.vector_load %arg23[%get3A_197, %get3A_198] {strides = array<i32>} : memref<64x128xf32, #tpu.memory_space<vmem>>, vector<16xf32>,
      %mul3A_200 = arith.mulf %gather3A, %get3A_199 : vector<16xf32>
      %get3A_201 = arith.index_cast %scan3A_141 : i32 to index
      %get3A_202 = arith.constant 32 : index
      %get3A_203 = tpu.vector_load %arg24[%get3A_201, %get3A_202] {strides = array<i32>} : memref<64x128xf32, #tpu.memory_space<vmem>>, vector<16xf32>,
      %mul3A_204 = arith.mulf %gather3A_144, %get3A_203 : vector<16xf32>
      %add3A_205 = arith.addf %mul3A_200, %mul3A_204 : vector<16xf32>
      %get3A_206 = arith.index_cast %scan3A_141 : i32 to index
      %get3A_207 = arith.constant 32 : index
      %get3A_208 = tpu.vector_load %arg25[%get3A_206, %get3A_207] {strides = array<i32>} : memref<64x128xf32, #tpu.memory_space<vmem>>, vector<16xf32>,
      %mul3A_209 = arith.mulf %gather3A_145, %get3A_208 : vector<16xf32>
      %add3A_210 = arith.addf %add3A_205, %mul3A_209 : vector<16xf32>
      %get3A_211 = arith.index_cast %scan3A_141 : i32 to index
      %get3A_212 = arith.constant 32 : index
      %get3A_213 = tpu.vector_load %arg26[%get3A_211, %get3A_212] {strides = array<i32>} : memref<64x128xf32, #tpu.memory_space<vmem>>, vector<16xf32>,
      %add3A_214 = arith.addf %add3A_210, %get3A_213 : vector<16xf32>
      %swap3A_215 = arith.index_cast %add3A_196 : i32 to index
      %swap3A_216 = tpu.vector_load %arg18[%swap3A_215] {strides = array<i32>} : memref<6144xf32, #tpu.memory_space<vmem>>, vector<16xf32>,
      tpu.vector_store %arg18[%swap3A_215], %add3A_214 {strides = array<i32>} : memref<6144xf32, #tpu.memory_space<vmem>>, vector<16xf32>,
    }
    %scan3A_138 = arith.constant 64 : i32
    %mul3A_139 = arith.constant 48 : i32
    %mul3A_140 = arith.muli %mul3A_2, %mul3A_139 : i32
    "tpu.region"() ({
      %run_scoped3A = tpu.sem_alloc : memref<!tpu.dma_semaphore, #tpu.memory_space<semaphore_mem>>
      %dma_start3A_141 = tpu.memref_slice %arg10[%mul3A_140] : memref<196608xf32, #tpu.memory_space<hbm>> -> memref<6144xf32, #tpu.memory_space<hbm>>
      %dma_start3A_142 = tpu.memref_slice %arg10[%mul3A_140] : memref<196608xf32, #tpu.memory_space<hbm>> -> memref<6144xf32, #tpu.memory_space<hbm>>
      tpu.enqueue_dma source(%arg18 : memref<6144xf32, #tpu.memory_space<vmem>>) target(%dma_start3A_142 : memref<6144xf32, #tpu.memory_space<hbm>>) target_semaphore(%run_scoped3A : memref<!tpu.dma_semaphore, #tpu.memory_space<semaphore_mem>>)
      %dma_wait3A_143 = tpu.memref_slice %arg10[%mul3A_140] : memref<196608xf32, #tpu.memory_space<hbm>> -> memref<6144xf32, #tpu.memory_space<hbm>>
      %dma_wait3A_144 = tpu.memref_slice %arg10[%mul3A_140] : memref<196608xf32, #tpu.memory_space<hbm>> -> memref<6144xf32, #tpu.memory_space<hbm>>
      tpu.wait_dma2 semaphore(%run_scoped3A : memref<!tpu.dma_semaphore, #tpu.memory_space<semaphore_mem>>) src(%arg18 : memref<6144xf32, #tpu.memory_space<vmem>>) dst(%dma_wait3A_144 : memref<6144xf32, #tpu.memory_space<hbm>>)
      tpu.yield
    }) : () -> ()
    return
  }
}

#map = affine_map<(d0, d1) -> (0, 0)>
#map1 = affine_map<(d0, d1) -> (0)>
module attributes {stable_mosaic.version = 14 : i64} {
  func.func @k(%arg0: i32, %arg1: i32, %arg2: memref<4096x128xf32, #tpu.memory_space<hbm>>, %arg3: memref<4096xi32, #tpu.memory_space<hbm>>, %arg4: memref<4096xi32, #tpu.memory_space<hbm>>, %arg5: memref<4096xi32, #tpu.memory_space<hbm>>, %arg6: memref<4096xf32, #tpu.memory_space<hbm>>, %arg7: memref<4096xf32, #tpu.memory_space<hbm>>, %arg8: memref<4096xf32, #tpu.memory_space<hbm>>, %arg9: memref<4096x128xf32, #tpu.memory_space<hbm>>, %arg10: memref<196608xf32, #tpu.memory_space<hbm>>, %arg11: memref<128xi32, #tpu.memory_space<vmem>>, %arg12: memref<128xi32, #tpu.memory_space<vmem>>, %arg13: memref<128xi32, #tpu.memory_space<vmem>>, %arg14: memref<128xf32, #tpu.memory_space<vmem>>, %arg15: memref<128xf32, #tpu.memory_space<vmem>>, %arg16: memref<128xf32, #tpu.memory_space<vmem>>, %arg17: memref<128xi32, #tpu.memory_space<vmem>>, %arg18: memref<6144xf32, #tpu.memory_space<vmem>>, %arg19: memref<64x128xf32, #tpu.memory_space<vmem>>, %arg20: memref<64x128xf32, #tpu.memory_space<vmem>>, %arg21: memref<64x128xf32, #tpu.memory_space<vmem>>, %arg22: memref<64x128xf32, #tpu.memory_space<vmem>>, %arg23: memref<64x128xf32, #tpu.memory_space<vmem>>, %arg24: memref<64x128xf32, #tpu.memory_space<vmem>>, %arg25: memref<64x128xf32, #tpu.memory_space<vmem>>, %arg26: memref<64x128xf32, #tpu.memory_space<vmem>>, %arg27: memref<!tpu.dma_semaphore, #tpu.memory_space<semaphore_mem>>, %arg28: memref<!tpu.dma_semaphore, #tpu.memory_space<semaphore_mem>>) attributes {dimension_semantics = [#tpu.dimension_semantics<core_parallel>, #tpu.dimension_semantics<subcore_parallel>], iteration_bounds = array<i64: 2, 16>, scalar_prefetch = 0 : i64, scratch_operands = 18 : i64, tpu.core_type = #tpu.core_type<sc_vector_subcore>, window_params = [{transform_indices = #map}, {transform_indices = #map1}, {transform_indices = #map1}, {transform_indices = #map1}, {transform_indices = #map1}, {transform_indices = #map1}, {transform_indices = #map1}, {transform_indices = #map}, {transform_indices = #map1}]} {
    %mul3A = arith.constant 2 : i32
    %mul3A_0 = arith.muli %arg1, %mul3A : i32
    %add3A = arith.addi %mul3A_0, %arg0 : i32
    %mul3A_1 = arith.constant 128 : i32
    %mul3A_2 = arith.muli %add3A, %mul3A_1 : i32
    %iota3A = tpu.iota {dimensions = array<i32: 0>} : vector<16xi32>
    %add3A_3 = arith.constant 0 : i32
    %add3A_4 = arith.addi %mul3A_2, %add3A_3 : i32
    %add3A_5 = vector.broadcast %add3A_4 : i32 to vector<16xi32>
    %add3A_6 = arith.addi %add3A_5, %iota3A : vector<16xi32>
    %swap3A = arith.constant 0 : index
    %swap3A_7 = tpu.vector_load %arg17[%swap3A] {strides = array<i32>} : memref<128xi32, #tpu.memory_space<vmem>>, vector<16xi32>,
    tpu.vector_store %arg17[%swap3A], %add3A_6 {strides = array<i32>} : memref<128xi32, #tpu.memory_space<vmem>>, vector<16xi32>,
    %add3A_8 = arith.constant 16 : i32
    %add3A_9 = arith.addi %mul3A_2, %add3A_8 : i32
    %add3A_10 = vector.broadcast %add3A_9 : i32 to vector<16xi32>
    %add3A_11 = arith.addi %add3A_10, %iota3A : vector<16xi32>
    %swap3A_12 = arith.constant 16 : index
    %swap3A_13 = tpu.vector_load %arg17[%swap3A_12] {strides = array<i32>} : memref<128xi32, #tpu.memory_space<vmem>>, vector<16xi32>,
    tpu.vector_store %arg17[%swap3A_12], %add3A_11 {strides = array<i32>} : memref<128xi32, #tpu.memory_space<vmem>>, vector<16xi32>,
    %add3A_14 = arith.constant 32 : i32
    %add3A_15 = arith.addi %mul3A_2, %add3A_14 : i32
    %add3A_16 = vector.broadcast %add3A_15 : i32 to vector<16xi32>
    %add3A_17 = arith.addi %add3A_16, %iota3A : vector<16xi32>
    %swap3A_18 = arith.constant 32 : index
    %swap3A_19 = tpu.vector_load %arg17[%swap3A_18] {strides = array<i32>} : memref<128xi32, #tpu.memory_space<vmem>>, vector<16xi32>,
    tpu.vector_store %arg17[%swap3A_18], %add3A_17 {strides = array<i32>} : memref<128xi32, #tpu.memory_space<vmem>>, vector<16xi32>,
    %add3A_20 = arith.constant 48 : i32
    %add3A_21 = arith.addi %mul3A_2, %add3A_20 : i32
    %add3A_22 = vector.broadcast %add3A_21 : i32 to vector<16xi32>
    %add3A_23 = arith.addi %add3A_22, %iota3A : vector<16xi32>
    %swap3A_24 = arith.constant 48 : index
    %swap3A_25 = tpu.vector_load %arg17[%swap3A_24] {strides = array<i32>} : memref<128xi32, #tpu.memory_space<vmem>>, vector<16xi32>,
    tpu.vector_store %arg17[%swap3A_24], %add3A_23 {strides = array<i32>} : memref<128xi32, #tpu.memory_space<vmem>>, vector<16xi32>,
    %add3A_26 = arith.constant 64 : i32
    %add3A_27 = arith.addi %mul3A_2, %add3A_26 : i32
    %add3A_28 = vector.broadcast %add3A_27 : i32 to vector<16xi32>
    %add3A_29 = arith.addi %add3A_28, %iota3A : vector<16xi32>
    %swap3A_30 = arith.constant 64 : index
    %swap3A_31 = tpu.vector_load %arg17[%swap3A_30] {strides = array<i32>} : memref<128xi32, #tpu.memory_space<vmem>>, vector<16xi32>,
    tpu.vector_store %arg17[%swap3A_30], %add3A_29 {strides = array<i32>} : memref<128xi32, #tpu.memory_space<vmem>>, vector<16xi32>,
    %add3A_32 = arith.constant 80 : i32
    %add3A_33 = arith.addi %mul3A_2, %add3A_32 : i32
    %add3A_34 = vector.broadcast %add3A_33 : i32 to vector<16xi32>
    %add3A_35 = arith.addi %add3A_34, %iota3A : vector<16xi32>
    %swap3A_36 = arith.constant 80 : index
    %swap3A_37 = tpu.vector_load %arg17[%swap3A_36] {strides = array<i32>} : memref<128xi32, #tpu.memory_space<vmem>>, vector<16xi32>,
    tpu.vector_store %arg17[%swap3A_36], %add3A_35 {strides = array<i32>} : memref<128xi32, #tpu.memory_space<vmem>>, vector<16xi32>,
    %add3A_38 = arith.constant 96 : i32
    %add3A_39 = arith.addi %mul3A_2, %add3A_38 : i32
    %add3A_40 = vector.broadcast %add3A_39 : i32 to vector<16xi32>
    %add3A_41 = arith.addi %add3A_40, %iota3A : vector<16xi32>
    %swap3A_42 = arith.constant 96 : index
    %swap3A_43 = tpu.vector_load %arg17[%swap3A_42] {strides = array<i32>} : memref<128xi32, #tpu.memory_space<vmem>>, vector<16xi32>,
    tpu.vector_store %arg17[%swap3A_42], %add3A_41 {strides = array<i32>} : memref<128xi32, #tpu.memory_space<vmem>>, vector<16xi32>,
    %add3A_44 = arith.constant 112 : i32
    %add3A_45 = arith.addi %mul3A_2, %add3A_44 : i32
    %add3A_46 = vector.broadcast %add3A_45 : i32 to vector<16xi32>
    %add3A_47 = arith.addi %add3A_46, %iota3A : vector<16xi32>
    %swap3A_48 = arith.constant 112 : index
    %swap3A_49 = tpu.vector_load %arg17[%swap3A_48] {strides = array<i32>} : memref<128xi32, #tpu.memory_space<vmem>>, vector<16xi32>,
    tpu.vector_store %arg17[%swap3A_48], %add3A_47 {strides = array<i32>} : memref<128xi32, #tpu.memory_space<vmem>>, vector<16xi32>,
    "tpu.region"() ({
      %run_scoped3A = tpu.sem_alloc : memref<!tpu.dma_semaphore, #tpu.memory_space<semaphore_mem>>
      %dma_start3A_141 = tpu.memref_slice %arg3[%mul3A_2] : memref<4096xi32, #tpu.memory_space<hbm>> -> memref<128xi32, #tpu.memory_space<hbm>>
      %dma_start3A_142 = tpu.memref_slice %arg3[%mul3A_2] : memref<4096xi32, #tpu.memory_space<hbm>> -> memref<128xi32, #tpu.memory_space<hbm>>
      tpu.enqueue_dma source(%dma_start3A_142 : memref<128xi32, #tpu.memory_space<hbm>>) target(%arg11 : memref<128xi32, #tpu.memory_space<vmem>>) target_semaphore(%run_scoped3A : memref<!tpu.dma_semaphore, #tpu.memory_space<semaphore_mem>>)
      %dma_wait3A_143 = tpu.memref_slice %arg3[%mul3A_2] : memref<4096xi32, #tpu.memory_space<hbm>> -> memref<128xi32, #tpu.memory_space<hbm>>
      %dma_wait3A_144 = tpu.memref_slice %arg3[%mul3A_2] : memref<4096xi32, #tpu.memory_space<hbm>> -> memref<128xi32, #tpu.memory_space<hbm>>
      tpu.wait_dma2 semaphore(%run_scoped3A : memref<!tpu.dma_semaphore, #tpu.memory_space<semaphore_mem>>) src(%dma_wait3A_144 : memref<128xi32, #tpu.memory_space<hbm>>) dst(%arg11 : memref<128xi32, #tpu.memory_space<vmem>>)
      tpu.yield
    }) : () -> ()
    "tpu.region"() ({
      %run_scoped3A = tpu.sem_alloc : memref<!tpu.dma_semaphore, #tpu.memory_space<semaphore_mem>>
      %dma_start3A_141 = tpu.memref_slice %arg4[%mul3A_2] : memref<4096xi32, #tpu.memory_space<hbm>> -> memref<128xi32, #tpu.memory_space<hbm>>
      %dma_start3A_142 = tpu.memref_slice %arg4[%mul3A_2] : memref<4096xi32, #tpu.memory_space<hbm>> -> memref<128xi32, #tpu.memory_space<hbm>>
      tpu.enqueue_dma source(%dma_start3A_142 : memref<128xi32, #tpu.memory_space<hbm>>) target(%arg12 : memref<128xi32, #tpu.memory_space<vmem>>) target_semaphore(%run_scoped3A : memref<!tpu.dma_semaphore, #tpu.memory_space<semaphore_mem>>)
      %dma_wait3A_143 = tpu.memref_slice %arg4[%mul3A_2] : memref<4096xi32, #tpu.memory_space<hbm>> -> memref<128xi32, #tpu.memory_space<hbm>>
      %dma_wait3A_144 = tpu.memref_slice %arg4[%mul3A_2] : memref<4096xi32, #tpu.memory_space<hbm>> -> memref<128xi32, #tpu.memory_space<hbm>>
      tpu.wait_dma2 semaphore(%run_scoped3A : memref<!tpu.dma_semaphore, #tpu.memory_space<semaphore_mem>>) src(%dma_wait3A_144 : memref<128xi32, #tpu.memory_space<hbm>>) dst(%arg12 : memref<128xi32, #tpu.memory_space<vmem>>)
      tpu.yield
    }) : () -> ()
    "tpu.region"() ({
      %run_scoped3A = tpu.sem_alloc : memref<!tpu.dma_semaphore, #tpu.memory_space<semaphore_mem>>
      %dma_start3A_141 = tpu.memref_slice %arg5[%mul3A_2] : memref<4096xi32, #tpu.memory_space<hbm>> -> memref<128xi32, #tpu.memory_space<hbm>>
      %dma_start3A_142 = tpu.memref_slice %arg5[%mul3A_2] : memref<4096xi32, #tpu.memory_space<hbm>> -> memref<128xi32, #tpu.memory_space<hbm>>
      tpu.enqueue_dma source(%dma_start3A_142 : memref<128xi32, #tpu.memory_space<hbm>>) target(%arg13 : memref<128xi32, #tpu.memory_space<vmem>>) target_semaphore(%run_scoped3A : memref<!tpu.dma_semaphore, #tpu.memory_space<semaphore_mem>>)
      %dma_wait3A_143 = tpu.memref_slice %arg5[%mul3A_2] : memref<4096xi32, #tpu.memory_space<hbm>> -> memref<128xi32, #tpu.memory_space<hbm>>
      %dma_wait3A_144 = tpu.memref_slice %arg5[%mul3A_2] : memref<4096xi32, #tpu.memory_space<hbm>> -> memref<128xi32, #tpu.memory_space<hbm>>
      tpu.wait_dma2 semaphore(%run_scoped3A : memref<!tpu.dma_semaphore, #tpu.memory_space<semaphore_mem>>) src(%dma_wait3A_144 : memref<128xi32, #tpu.memory_space<hbm>>) dst(%arg13 : memref<128xi32, #tpu.memory_space<vmem>>)
      tpu.yield
    }) : () -> ()
    "tpu.region"() ({
      %run_scoped3A = tpu.sem_alloc : memref<!tpu.dma_semaphore, #tpu.memory_space<semaphore_mem>>
      %dma_start3A_141 = tpu.memref_slice %arg6[%mul3A_2] : memref<4096xf32, #tpu.memory_space<hbm>> -> memref<128xf32, #tpu.memory_space<hbm>>
      %dma_start3A_142 = tpu.memref_slice %arg6[%mul3A_2] : memref<4096xf32, #tpu.memory_space<hbm>> -> memref<128xf32, #tpu.memory_space<hbm>>
      tpu.enqueue_dma source(%dma_start3A_142 : memref<128xf32, #tpu.memory_space<hbm>>) target(%arg14 : memref<128xf32, #tpu.memory_space<vmem>>) target_semaphore(%run_scoped3A : memref<!tpu.dma_semaphore, #tpu.memory_space<semaphore_mem>>)
      %dma_wait3A_143 = tpu.memref_slice %arg6[%mul3A_2] : memref<4096xf32, #tpu.memory_space<hbm>> -> memref<128xf32, #tpu.memory_space<hbm>>
      %dma_wait3A_144 = tpu.memref_slice %arg6[%mul3A_2] : memref<4096xf32, #tpu.memory_space<hbm>> -> memref<128xf32, #tpu.memory_space<hbm>>
      tpu.wait_dma2 semaphore(%run_scoped3A : memref<!tpu.dma_semaphore, #tpu.memory_space<semaphore_mem>>) src(%dma_wait3A_144 : memref<128xf32, #tpu.memory_space<hbm>>) dst(%arg14 : memref<128xf32, #tpu.memory_space<vmem>>)
      tpu.yield
    }) : () -> ()
    "tpu.region"() ({
      %run_scoped3A = tpu.sem_alloc : memref<!tpu.dma_semaphore, #tpu.memory_space<semaphore_mem>>
      %dma_start3A_141 = tpu.memref_slice %arg7[%mul3A_2] : memref<4096xf32, #tpu.memory_space<hbm>> -> memref<128xf32, #tpu.memory_space<hbm>>
      %dma_start3A_142 = tpu.memref_slice %arg7[%mul3A_2] : memref<4096xf32, #tpu.memory_space<hbm>> -> memref<128xf32, #tpu.memory_space<hbm>>
      tpu.enqueue_dma source(%dma_start3A_142 : memref<128xf32, #tpu.memory_space<hbm>>) target(%arg15 : memref<128xf32, #tpu.memory_space<vmem>>) target_semaphore(%run_scoped3A : memref<!tpu.dma_semaphore, #tpu.memory_space<semaphore_mem>>)
      %dma_wait3A_143 = tpu.memref_slice %arg7[%mul3A_2] : memref<4096xf32, #tpu.memory_space<hbm>> -> memref<128xf32, #tpu.memory_space<hbm>>
      %dma_wait3A_144 = tpu.memref_slice %arg7[%mul3A_2] : memref<4096xf32, #tpu.memory_space<hbm>> -> memref<128xf32, #tpu.memory_space<hbm>>
      tpu.wait_dma2 semaphore(%run_scoped3A : memref<!tpu.dma_semaphore, #tpu.memory_space<semaphore_mem>>) src(%dma_wait3A_144 : memref<128xf32, #tpu.memory_space<hbm>>) dst(%arg15 : memref<128xf32, #tpu.memory_space<vmem>>)
      tpu.yield
    }) : () -> ()
    "tpu.region"() ({
      %run_scoped3A = tpu.sem_alloc : memref<!tpu.dma_semaphore, #tpu.memory_space<semaphore_mem>>
      %dma_start3A_141 = tpu.memref_slice %arg8[%mul3A_2] : memref<4096xf32, #tpu.memory_space<hbm>> -> memref<128xf32, #tpu.memory_space<hbm>>
      %dma_start3A_142 = tpu.memref_slice %arg8[%mul3A_2] : memref<4096xf32, #tpu.memory_space<hbm>> -> memref<128xf32, #tpu.memory_space<hbm>>
      tpu.enqueue_dma source(%dma_start3A_142 : memref<128xf32, #tpu.memory_space<hbm>>) target(%arg16 : memref<128xf32, #tpu.memory_space<vmem>>) target_semaphore(%run_scoped3A : memref<!tpu.dma_semaphore, #tpu.memory_space<semaphore_mem>>)
      %dma_wait3A_143 = tpu.memref_slice %arg8[%mul3A_2] : memref<4096xf32, #tpu.memory_space<hbm>> -> memref<128xf32, #tpu.memory_space<hbm>>
      %dma_wait3A_144 = tpu.memref_slice %arg8[%mul3A_2] : memref<4096xf32, #tpu.memory_space<hbm>> -> memref<128xf32, #tpu.memory_space<hbm>>
      tpu.wait_dma2 semaphore(%run_scoped3A : memref<!tpu.dma_semaphore, #tpu.memory_space<semaphore_mem>>) src(%dma_wait3A_144 : memref<128xf32, #tpu.memory_space<hbm>>) dst(%arg16 : memref<128xf32, #tpu.memory_space<vmem>>)
      tpu.yield
    }) : () -> ()
    %dma_start3A = arith.constant 0 : i32
    %dma_start3A_50 = tpu.memref_slice %arg11[%dma_start3A] : memref<128xi32, #tpu.memory_space<vmem>> -> memref<64xi32, #tpu.memory_space<vmem>>
    %dma_start3A_51 = arith.constant 0 : i32
    %dma_start3A_52 = arith.constant 0 : i32
    %dma_start3A_53 = tpu.memref_slice %arg2[%dma_start3A_51, %dma_start3A_52] : memref<4096x128xf32, #tpu.memory_space<hbm>> -> memref<4096x128xf32, #tpu.memory_space<hbm>>
    tpu.enqueue_indirect_dma source(%dma_start3A_53 : memref<4096x128xf32, #tpu.memory_space<hbm>>) target(%arg19 : memref<64x128xf32, #tpu.memory_space<vmem>>) offsets(%dma_start3A_50 : memref<64xi32, #tpu.memory_space<vmem>>) semaphore(%arg27 : memref<!tpu.dma_semaphore, #tpu.memory_space<semaphore_mem>>)
    %dma_start3A_54 = arith.constant 0 : i32
    %dma_start3A_55 = tpu.memref_slice %arg12[%dma_start3A_54] : memref<128xi32, #tpu.memory_space<vmem>> -> memref<64xi32, #tpu.memory_space<vmem>>
    %dma_start3A_56 = arith.constant 0 : i32
    %dma_start3A_57 = arith.constant 0 : i32
    %dma_start3A_58 = tpu.memref_slice %arg2[%dma_start3A_56, %dma_start3A_57] : memref<4096x128xf32, #tpu.memory_space<hbm>> -> memref<4096x128xf32, #tpu.memory_space<hbm>>
    tpu.enqueue_indirect_dma source(%dma_start3A_58 : memref<4096x128xf32, #tpu.memory_space<hbm>>) target(%arg20 : memref<64x128xf32, #tpu.memory_space<vmem>>) offsets(%dma_start3A_55 : memref<64xi32, #tpu.memory_space<vmem>>) semaphore(%arg27 : memref<!tpu.dma_semaphore, #tpu.memory_space<semaphore_mem>>)
    %dma_start3A_59 = arith.constant 0 : i32
    %dma_start3A_60 = tpu.memref_slice %arg13[%dma_start3A_59] : memref<128xi32, #tpu.memory_space<vmem>> -> memref<64xi32, #tpu.memory_space<vmem>>
    %dma_start3A_61 = arith.constant 0 : i32
    %dma_start3A_62 = arith.constant 0 : i32
    %dma_start3A_63 = tpu.memref_slice %arg2[%dma_start3A_61, %dma_start3A_62] : memref<4096x128xf32, #tpu.memory_space<hbm>> -> memref<4096x128xf32, #tpu.memory_space<hbm>>
    tpu.enqueue_indirect_dma source(%dma_start3A_63 : memref<4096x128xf32, #tpu.memory_space<hbm>>) target(%arg21 : memref<64x128xf32, #tpu.memory_space<vmem>>) offsets(%dma_start3A_60 : memref<64xi32, #tpu.memory_space<vmem>>) semaphore(%arg27 : memref<!tpu.dma_semaphore, #tpu.memory_space<semaphore_mem>>)
    %dma_start3A_64 = arith.constant 0 : i32
    %dma_start3A_65 = tpu.memref_slice %arg17[%dma_start3A_64] : memref<128xi32, #tpu.memory_space<vmem>> -> memref<64xi32, #tpu.memory_space<vmem>>
    %dma_start3A_66 = arith.constant 0 : i32
    %dma_start3A_67 = arith.constant 0 : i32
    %dma_start3A_68 = tpu.memref_slice %arg9[%dma_start3A_66, %dma_start3A_67] : memref<4096x128xf32, #tpu.memory_space<hbm>> -> memref<4096x128xf32, #tpu.memory_space<hbm>>
    tpu.enqueue_indirect_dma source(%dma_start3A_68 : memref<4096x128xf32, #tpu.memory_space<hbm>>) target(%arg22 : memref<64x128xf32, #tpu.memory_space<vmem>>) offsets(%dma_start3A_65 : memref<64xi32, #tpu.memory_space<vmem>>) semaphore(%arg27 : memref<!tpu.dma_semaphore, #tpu.memory_space<semaphore_mem>>)
    %dma_wait3A = arith.constant 0 : i32
    %dma_wait3A_69 = tpu.memref_slice %arg11[%dma_wait3A] : memref<128xi32, #tpu.memory_space<vmem>> -> memref<64xi32, #tpu.memory_space<vmem>>
    %dma_wait3A_70 = arith.constant 0 : i32
    %dma_wait3A_71 = arith.constant 0 : i32
    %dma_wait3A_72 = tpu.memref_slice %arg2[%dma_wait3A_70, %dma_wait3A_71] : memref<4096x128xf32, #tpu.memory_space<hbm>> -> memref<4096x128xf32, #tpu.memory_space<hbm>>
    tpu.wait_indirect_dma semaphore(%arg27 : memref<!tpu.dma_semaphore, #tpu.memory_space<semaphore_mem>>) src(%dma_wait3A_72 : memref<4096x128xf32, #tpu.memory_space<hbm>>) dst(%arg19 : memref<64x128xf32, #tpu.memory_space<vmem>>)
    %dma_wait3A_73 = arith.constant 0 : i32
    %dma_wait3A_74 = tpu.memref_slice %arg12[%dma_wait3A_73] : memref<128xi32, #tpu.memory_space<vmem>> -> memref<64xi32, #tpu.memory_space<vmem>>
    %dma_wait3A_75 = arith.constant 0 : i32
    %dma_wait3A_76 = arith.constant 0 : i32
    %dma_wait3A_77 = tpu.memref_slice %arg2[%dma_wait3A_75, %dma_wait3A_76] : memref<4096x128xf32, #tpu.memory_space<hbm>> -> memref<4096x128xf32, #tpu.memory_space<hbm>>
    tpu.wait_indirect_dma semaphore(%arg27 : memref<!tpu.dma_semaphore, #tpu.memory_space<semaphore_mem>>) src(%dma_wait3A_77 : memref<4096x128xf32, #tpu.memory_space<hbm>>) dst(%arg20 : memref<64x128xf32, #tpu.memory_space<vmem>>)
    %dma_wait3A_78 = arith.constant 0 : i32
    %dma_wait3A_79 = tpu.memref_slice %arg13[%dma_wait3A_78] : memref<128xi32, #tpu.memory_space<vmem>> -> memref<64xi32, #tpu.memory_space<vmem>>
    %dma_wait3A_80 = arith.constant 0 : i32
    %dma_wait3A_81 = arith.constant 0 : i32
    %dma_wait3A_82 = tpu.memref_slice %arg2[%dma_wait3A_80, %dma_wait3A_81] : memref<4096x128xf32, #tpu.memory_space<hbm>> -> memref<4096x128xf32, #tpu.memory_space<hbm>>
    tpu.wait_indirect_dma semaphore(%arg27 : memref<!tpu.dma_semaphore, #tpu.memory_space<semaphore_mem>>) src(%dma_wait3A_82 : memref<4096x128xf32, #tpu.memory_space<hbm>>) dst(%arg21 : memref<64x128xf32, #tpu.memory_space<vmem>>)
    %dma_wait3A_83 = arith.constant 0 : i32
    %dma_wait3A_84 = tpu.memref_slice %arg17[%dma_wait3A_83] : memref<128xi32, #tpu.memory_space<vmem>> -> memref<64xi32, #tpu.memory_space<vmem>>
    %dma_wait3A_85 = arith.constant 0 : i32
    %dma_wait3A_86 = arith.constant 0 : i32
    %dma_wait3A_87 = tpu.memref_slice %arg9[%dma_wait3A_85, %dma_wait3A_86] : memref<4096x128xf32, #tpu.memory_space<hbm>> -> memref<4096x128xf32, #tpu.memory_space<hbm>>
    tpu.wait_indirect_dma semaphore(%arg27 : memref<!tpu.dma_semaphore, #tpu.memory_space<semaphore_mem>>) src(%dma_wait3A_87 : memref<4096x128xf32, #tpu.memory_space<hbm>>) dst(%arg22 : memref<64x128xf32, #tpu.memory_space<vmem>>)
    %dma_start3A_88 = arith.constant 64 : i32
    %dma_start3A_89 = tpu.memref_slice %arg11[%dma_start3A_88] : memref<128xi32, #tpu.memory_space<vmem>> -> memref<64xi32, #tpu.memory_space<vmem>>
    %dma_start3A_90 = arith.constant 0 : i32
    %dma_start3A_91 = arith.constant 0 : i32
    %dma_start3A_92 = tpu.memref_slice %arg2[%dma_start3A_90, %dma_start3A_91] : memref<4096x128xf32, #tpu.memory_space<hbm>> -> memref<4096x128xf32, #tpu.memory_space<hbm>>
    tpu.enqueue_indirect_dma source(%dma_start3A_92 : memref<4096x128xf32, #tpu.memory_space<hbm>>) target(%arg23 : memref<64x128xf32, #tpu.memory_space<vmem>>) offsets(%dma_start3A_89 : memref<64xi32, #tpu.memory_space<vmem>>) semaphore(%arg28 : memref<!tpu.dma_semaphore, #tpu.memory_space<semaphore_mem>>)
    %dma_start3A_93 = arith.constant 64 : i32
    %dma_start3A_94 = tpu.memref_slice %arg12[%dma_start3A_93] : memref<128xi32, #tpu.memory_space<vmem>> -> memref<64xi32, #tpu.memory_space<vmem>>
    %dma_start3A_95 = arith.constant 0 : i32
    %dma_start3A_96 = arith.constant 0 : i32
    %dma_start3A_97 = tpu.memref_slice %arg2[%dma_start3A_95, %dma_start3A_96] : memref<4096x128xf32, #tpu.memory_space<hbm>> -> memref<4096x128xf32, #tpu.memory_space<hbm>>
    tpu.enqueue_indirect_dma source(%dma_start3A_97 : memref<4096x128xf32, #tpu.memory_space<hbm>>) target(%arg24 : memref<64x128xf32, #tpu.memory_space<vmem>>) offsets(%dma_start3A_94 : memref<64xi32, #tpu.memory_space<vmem>>) semaphore(%arg28 : memref<!tpu.dma_semaphore, #tpu.memory_space<semaphore_mem>>)
    %dma_start3A_98 = arith.constant 64 : i32
    %dma_start3A_99 = tpu.memref_slice %arg13[%dma_start3A_98] : memref<128xi32, #tpu.memory_space<vmem>> -> memref<64xi32, #tpu.memory_space<vmem>>
    %dma_start3A_100 = arith.constant 0 : i32
    %dma_start3A_101 = arith.constant 0 : i32
    %dma_start3A_102 = tpu.memref_slice %arg2[%dma_start3A_100, %dma_start3A_101] : memref<4096x128xf32, #tpu.memory_space<hbm>> -> memref<4096x128xf32, #tpu.memory_space<hbm>>
    tpu.enqueue_indirect_dma source(%dma_start3A_102 : memref<4096x128xf32, #tpu.memory_space<hbm>>) target(%arg25 : memref<64x128xf32, #tpu.memory_space<vmem>>) offsets(%dma_start3A_99 : memref<64xi32, #tpu.memory_space<vmem>>) semaphore(%arg28 : memref<!tpu.dma_semaphore, #tpu.memory_space<semaphore_mem>>)
    %dma_start3A_103 = arith.constant 64 : i32
    %dma_start3A_104 = tpu.memref_slice %arg17[%dma_start3A_103] : memref<128xi32, #tpu.memory_space<vmem>> -> memref<64xi32, #tpu.memory_space<vmem>>
    %dma_start3A_105 = arith.constant 0 : i32
    %dma_start3A_106 = arith.constant 0 : i32
    %dma_start3A_107 = tpu.memref_slice %arg9[%dma_start3A_105, %dma_start3A_106] : memref<4096x128xf32, #tpu.memory_space<hbm>> -> memref<4096x128xf32, #tpu.memory_space<hbm>>
    tpu.enqueue_indirect_dma source(%dma_start3A_107 : memref<4096x128xf32, #tpu.memory_space<hbm>>) target(%arg26 : memref<64x128xf32, #tpu.memory_space<vmem>>) offsets(%dma_start3A_104 : memref<64xi32, #tpu.memory_space<vmem>>) semaphore(%arg28 : memref<!tpu.dma_semaphore, #tpu.memory_space<semaphore_mem>>)
    %scan3A = arith.constant 0 : i32
    %scan3A_108 = arith.constant 0 : i32
    %scan3A_109 = arith.constant 64 : i32
    %scan3A_110 = arith.addi %scan3A_108, %scan3A_109 : i32
    %scan3A_111 = arith.constant 1 : i32
    scf.for %scan3A_141 = %scan3A_108 to %scan3A_110 step %scan3A_111  : i32 {
      %add3A_142 = arith.constant 0 : i32
      %add3A_143 = arith.addi %add3A_142, %scan3A_141 : i32
      %broadcast_in_dim3A = vector.broadcast %add3A_143 : i32 to vector<16xi32>
      %gather3A = tpu.vector_load_idx %arg14[%broadcast_in_dim3A] : memref<128xf32, #tpu.memory_space<vmem>>[vector<16xi32>], vector<16xf32>,
      %gather3A_144 = tpu.vector_load_idx %arg15[%broadcast_in_dim3A] : memref<128xf32, #tpu.memory_space<vmem>>[vector<16xi32>], vector<16xf32>,
      %gather3A_145 = tpu.vector_load_idx %arg16[%broadcast_in_dim3A] : memref<128xf32, #tpu.memory_space<vmem>>[vector<16xi32>], vector<16xf32>,
      %mul3A_146 = arith.constant 48 : i32
      %mul3A_147 = arith.muli %add3A_143, %mul3A_146 : i32
      %add3A_148 = arith.constant 0 : i32
      %add3A_149 = arith.addi %mul3A_147, %add3A_148 : i32
      %get3A = arith.index_cast %scan3A_141 : i32 to index
      %get3A_150 = arith.constant 0 : index
      %get3A_151 = tpu.vector_load %arg19[%get3A, %get3A_150] {strides = array<i32>} : memref<64x128xf32, #tpu.memory_space<vmem>>, vector<16xf32>,
      %mul3A_152 = arith.mulf %gather3A, %get3A_151 : vector<16xf32>
      %get3A_153 = arith.index_cast %scan3A_141 : i32 to index
      %get3A_154 = arith.constant 0 : index
      %get3A_155 = tpu.vector_load %arg20[%get3A_153, %get3A_154] {strides = array<i32>} : memref<64x128xf32, #tpu.memory_space<vmem>>, vector<16xf32>,
      %mul3A_156 = arith.mulf %gather3A_144, %get3A_155 : vector<16xf32>
      %add3A_157 = arith.addf %mul3A_152, %mul3A_156 : vector<16xf32>
      %get3A_158 = arith.index_cast %scan3A_141 : i32 to index
      %get3A_159 = arith.constant 0 : index
      %get3A_160 = tpu.vector_load %arg21[%get3A_158, %get3A_159] {strides = array<i32>} : memref<64x128xf32, #tpu.memory_space<vmem>>, vector<16xf32>,
      %mul3A_161 = arith.mulf %gather3A_145, %get3A_160 : vector<16xf32>
      %add3A_162 = arith.addf %add3A_157, %mul3A_161 : vector<16xf32>
      %get3A_163 = arith.index_cast %scan3A_141 : i32 to index
      %get3A_164 = arith.constant 0 : index
      %get3A_165 = tpu.vector_load %arg22[%get3A_163, %get3A_164] {strides = array<i32>} : memref<64x128xf32, #tpu.memory_space<vmem>>, vector<16xf32>,
      %add3A_166 = arith.addf %add3A_162, %get3A_165 : vector<16xf32>
      %swap3A_167 = arith.index_cast %add3A_149 : i32 to index
      %swap3A_168 = tpu.vector_load %arg18[%swap3A_167] {strides = array<i32>} : memref<6144xf32, #tpu.memory_space<vmem>>, vector<16xf32>,
      tpu.vector_store %arg18[%swap3A_167], %add3A_166 {strides = array<i32>} : memref<6144xf32, #tpu.memory_space<vmem>>, vector<16xf32>,
      %mul3A_169 = arith.constant 48 : i32
      %mul3A_170 = arith.muli %add3A_143, %mul3A_169 : i32
      %add3A_171 = arith.constant 16 : i32
      %add3A_172 = arith.addi %mul3A_170, %add3A_171 : i32
      %get3A_173 = arith.index_cast %scan3A_141 : i32 to index
      %get3A_174 = arith.constant 16 : index
      %get3A_175 = tpu.vector_load %arg19[%get3A_173, %get3A_174] {strides = array<i32>} : memref<64x128xf32, #tpu.memory_space<vmem>>, vector<16xf32>,
      %mul3A_176 = arith.mulf %gather3A, %get3A_175 : vector<16xf32>
      %get3A_177 = arith.index_cast %scan3A_141 : i32 to index
      %get3A_178 = arith.constant 16 : index
      %get3A_179 = tpu.vector_load %arg20[%get3A_177, %get3A_178] {strides = array<i32>} : memref<64x128xf32, #tpu.memory_space<vmem>>, vector<16xf32>,
      %mul3A_180 = arith.mulf %gather3A_144, %get3A_179 : vector<16xf32>
      %add3A_181 = arith.addf %mul3A_176, %mul3A_180 : vector<16xf32>
      %get3A_182 = arith.index_cast %scan3A_141 : i32 to index
      %get3A_183 = arith.constant 16 : index
      %get3A_184 = tpu.vector_load %arg21[%get3A_182, %get3A_183] {strides = array<i32>} : memref<64x128xf32, #tpu.memory_space<vmem>>, vector<16xf32>,
      %mul3A_185 = arith.mulf %gather3A_145, %get3A_184 : vector<16xf32>
      %add3A_186 = arith.addf %add3A_181, %mul3A_185 : vector<16xf32>
      %get3A_187 = arith.index_cast %scan3A_141 : i32 to index
      %get3A_188 = arith.constant 16 : index
      %get3A_189 = tpu.vector_load %arg22[%get3A_187, %get3A_188] {strides = array<i32>} : memref<64x128xf32, #tpu.memory_space<vmem>>, vector<16xf32>,
      %add3A_190 = arith.addf %add3A_186, %get3A_189 : vector<16xf32>
      %swap3A_191 = arith.index_cast %add3A_172 : i32 to index
      %swap3A_192 = tpu.vector_load %arg18[%swap3A_191] {strides = array<i32>} : memref<6144xf32, #tpu.memory_space<vmem>>, vector<16xf32>,
      tpu.vector_store %arg18[%swap3A_191], %add3A_190 {strides = array<i32>} : memref<6144xf32, #tpu.memory_space<vmem>>, vector<16xf32>,
      %mul3A_193 = arith.constant 48 : i32
      %mul3A_194 = arith.muli %add3A_143, %mul3A_193 : i32
      %add3A_195 = arith.constant 32 : i32
      %add3A_196 = arith.addi %mul3A_194, %add3A_195 : i32
      %get3A_197 = arith.index_cast %scan3A_141 : i32 to index
      %get3A_198 = arith.constant 32 : index
      %get3A_199 = tpu.vector_load %arg19[%get3A_197, %get3A_198] {strides = array<i32>} : memref<64x128xf32, #tpu.memory_space<vmem>>, vector<16xf32>,
      %mul3A_200 = arith.mulf %gather3A, %get3A_199 : vector<16xf32>
      %get3A_201 = arith.index_cast %scan3A_141 : i32 to index
      %get3A_202 = arith.constant 32 : index
      %get3A_203 = tpu.vector_load %arg20[%get3A_201, %get3A_202] {strides = array<i32>} : memref<64x128xf32, #tpu.memory_space<vmem>>, vector<16xf32>,
      %mul3A_204 = arith.mulf %gather3A_144, %get3A_203 : vector<16xf32>
      %add3A_205 = arith.addf %mul3A_200, %mul3A_204 : vector<16xf32>
      %get3A_206 = arith.index_cast %scan3A_141 : i32 to index
      %get3A_207 = arith.constant 32 : index
      %get3A_208 = tpu.vector_load %arg21[%get3A_206, %get3A_207] {strides = array<i32>} : memref<64x128xf32, #tpu.memory_space<vmem>>, vector<16xf32>,
      %mul3A_209 = arith.mulf %gather3A_145, %get3A_208 : vector<16xf32>
      %add3A_210 = arith.addf %add3A_205, %mul3A_209 : vector<16xf32>
      %get3A_211 = arith.index_cast %scan3A_141 : i32 to index
      %get3A_212 = arith.constant 32 : index
      %get3A_213 = tpu.vector_load %arg22[%get3A_211, %get3A_212] {strides = array<i32>} : memref<64x128xf32, #tpu.memory_space<vmem>>, vector<16xf32>,
      %add3A_214 = arith.addf %add3A_210, %get3A_213 : vector<16xf32>
      %swap3A_215 = arith.index_cast %add3A_196 : i32 to index
      %swap3A_216 = tpu.vector_load %arg18[%swap3A_215] {strides = array<i32>} : memref<6144xf32, #tpu.memory_space<vmem>>, vector<16xf32>,
      tpu.vector_store %arg18[%swap3A_215], %add3A_214 {strides = array<i32>} : memref<6144xf32, #tpu.memory_space<vmem>>, vector<16xf32>,
    }
    %scan3A_112 = arith.constant 64 : i32
    %dma_wait3A_113 = arith.constant 64 : i32
    %dma_wait3A_114 = tpu.memref_slice %arg11[%dma_wait3A_113] : memref<128xi32, #tpu.memory_space<vmem>> -> memref<64xi32, #tpu.memory_space<vmem>>
    %dma_wait3A_115 = arith.constant 0 : i32
    %dma_wait3A_116 = arith.constant 0 : i32
    %dma_wait3A_117 = tpu.memref_slice %arg2[%dma_wait3A_115, %dma_wait3A_116] : memref<4096x128xf32, #tpu.memory_space<hbm>> -> memref<4096x128xf32, #tpu.memory_space<hbm>>
    tpu.wait_indirect_dma semaphore(%arg28 : memref<!tpu.dma_semaphore, #tpu.memory_space<semaphore_mem>>) src(%dma_wait3A_117 : memref<4096x128xf32, #tpu.memory_space<hbm>>) dst(%arg23 : memref<64x128xf32, #tpu.memory_space<vmem>>)
    %dma_wait3A_118 = arith.constant 64 : i32
    %dma_wait3A_119 = tpu.memref_slice %arg12[%dma_wait3A_118] : memref<128xi32, #tpu.memory_space<vmem>> -> memref<64xi32, #tpu.memory_space<vmem>>
    %dma_wait3A_120 = arith.constant 0 : i32
    %dma_wait3A_121 = arith.constant 0 : i32
    %dma_wait3A_122 = tpu.memref_slice %arg2[%dma_wait3A_120, %dma_wait3A_121] : memref<4096x128xf32, #tpu.memory_space<hbm>> -> memref<4096x128xf32, #tpu.memory_space<hbm>>
    tpu.wait_indirect_dma semaphore(%arg28 : memref<!tpu.dma_semaphore, #tpu.memory_space<semaphore_mem>>) src(%dma_wait3A_122 : memref<4096x128xf32, #tpu.memory_space<hbm>>) dst(%arg24 : memref<64x128xf32, #tpu.memory_space<vmem>>)
    %dma_wait3A_123 = arith.constant 64 : i32
    %dma_wait3A_124 = tpu.memref_slice %arg13[%dma_wait3A_123] : memref<128xi32, #tpu.memory_space<vmem>> -> memref<64xi32, #tpu.memory_space<vmem>>
    %dma_wait3A_125 = arith.constant 0 : i32
    %dma_wait3A_126 = arith.constant 0 : i32
    %dma_wait3A_127 = tpu.memref_slice %arg2[%dma_wait3A_125, %dma_wait3A_126] : memref<4096x128xf32, #tpu.memory_space<hbm>> -> memref<4096x128xf32, #tpu.memory_space<hbm>>
    tpu.wait_indirect_dma semaphore(%arg28 : memref<!tpu.dma_semaphore, #tpu.memory_space<semaphore_mem>>) src(%dma_wait3A_127 : memref<4096x128xf32, #tpu.memory_space<hbm>>) dst(%arg25 : memref<64x128xf32, #tpu.memory_space<vmem>>)
    %dma_wait3A_128 = arith.constant 64 : i32
    %dma_wait3A_129 = tpu.memref_slice %arg17[%dma_wait3A_128] : memref<128xi32, #tpu.memory_space<vmem>> -> memref<64xi32, #tpu.memory_space<vmem>>
    %dma_wait3A_130 = arith.constant 0 : i32
    %dma_wait3A_131 = arith.constant 0 : i32
    %dma_wait3A_132 = tpu.memref_slice %arg9[%dma_wait3A_130, %dma_wait3A_131] : memref<4096x128xf32, #tpu.memory_space<hbm>> -> memref<4096x128xf32, #tpu.memory_space<hbm>>
    tpu.wait_indirect_dma semaphore(%arg28 : memref<!tpu.dma_semaphore, #tpu.memory_space<semaphore_mem>>) src(%dma_wait3A_132 : memref<4096x128xf32, #tpu.memory_space<hbm>>) dst(%arg26 : memref<64x128xf32, #tpu.memory_space<vmem>>)
    %scan3A_133 = arith.constant 0 : i32
    %scan3A_134 = arith.constant 0 : i32
    %scan3A_135 = arith.constant 64 : i32
    %scan3A_136 = arith.addi %scan3A_134, %scan3A_135 : i32
    %scan3A_137 = arith.constant 1 : i32
    scf.for %scan3A_141 = %scan3A_134 to %scan3A_136 step %scan3A_137  : i32 {
      %add3A_142 = arith.constant 64 : i32
      %add3A_143 = arith.addi %add3A_142, %scan3A_141 : i32
      %broadcast_in_dim3A = vector.broadcast %add3A_143 : i32 to vector<16xi32>
      %gather3A = tpu.vector_load_idx %arg14[%broadcast_in_dim3A] : memref<128xf32, #tpu.memory_space<vmem>>[vector<16xi32>], vector<16xf32>,
      %gather3A_144 = tpu.vector_load_idx %arg15[%broadcast_in_dim3A] : memref<128xf32, #tpu.memory_space<vmem>>[vector<16xi32>], vector<16xf32>,
      %gather3A_145 = tpu.vector_load_idx %arg16[%broadcast_in_dim3A] : memref<128xf32, #tpu.memory_space<vmem>>[vector<16xi32>], vector<16xf32>,
      %mul3A_146 = arith.constant 48 : i32
      %mul3A_147 = arith.muli %add3A_143, %mul3A_146 : i32
      %add3A_148 = arith.constant 0 : i32
      %add3A_149 = arith.addi %mul3A_147, %add3A_148 : i32
      %get3A = arith.index_cast %scan3A_141 : i32 to index
      %get3A_150 = arith.constant 0 : index
      %get3A_151 = tpu.vector_load %arg23[%get3A, %get3A_150] {strides = array<i32>} : memref<64x128xf32, #tpu.memory_space<vmem>>, vector<16xf32>,
      %mul3A_152 = arith.mulf %gather3A, %get3A_151 : vector<16xf32>
      %get3A_153 = arith.index_cast %scan3A_141 : i32 to index
      %get3A_154 = arith.constant 0 : index
      %get3A_155 = tpu.vector_load %arg24[%get3A_153, %get3A_154] {strides = array<i32>} : memref<64x128xf32, #tpu.memory_space<vmem>>, vector<16xf32>,
      %mul3A_156 = arith.mulf %gather3A_144, %get3A_155 : vector<16xf32>
      %add3A_157 = arith.addf %mul3A_152, %mul3A_156 : vector<16xf32>
      %get3A_158 = arith.index_cast %scan3A_141 : i32 to index
      %get3A_159 = arith.constant 0 : index
      %get3A_160 = tpu.vector_load %arg25[%get3A_158, %get3A_159] {strides = array<i32>} : memref<64x128xf32, #tpu.memory_space<vmem>>, vector<16xf32>,
      %mul3A_161 = arith.mulf %gather3A_145, %get3A_160 : vector<16xf32>
      %add3A_162 = arith.addf %add3A_157, %mul3A_161 : vector<16xf32>
      %get3A_163 = arith.index_cast %scan3A_141 : i32 to index
      %get3A_164 = arith.constant 0 : index
      %get3A_165 = tpu.vector_load %arg26[%get3A_163, %get3A_164] {strides = array<i32>} : memref<64x128xf32, #tpu.memory_space<vmem>>, vector<16xf32>,
      %add3A_166 = arith.addf %add3A_162, %get3A_165 : vector<16xf32>
      %swap3A_167 = arith.index_cast %add3A_149 : i32 to index
      %swap3A_168 = tpu.vector_load %arg18[%swap3A_167] {strides = array<i32>} : memref<6144xf32, #tpu.memory_space<vmem>>, vector<16xf32>,
      tpu.vector_store %arg18[%swap3A_167], %add3A_166 {strides = array<i32>} : memref<6144xf32, #tpu.memory_space<vmem>>, vector<16xf32>,
      %mul3A_169 = arith.constant 48 : i32
      %mul3A_170 = arith.muli %add3A_143, %mul3A_169 : i32
      %add3A_171 = arith.constant 16 : i32
      %add3A_172 = arith.addi %mul3A_170, %add3A_171 : i32
      %get3A_173 = arith.index_cast %scan3A_141 : i32 to index
      %get3A_174 = arith.constant 16 : index
      %get3A_175 = tpu.vector_load %arg23[%get3A_173, %get3A_174] {strides = array<i32>} : memref<64x128xf32, #tpu.memory_space<vmem>>, vector<16xf32>,
      %mul3A_176 = arith.mulf %gather3A, %get3A_175 : vector<16xf32>
      %get3A_177 = arith.index_cast %scan3A_141 : i32 to index
      %get3A_178 = arith.constant 16 : index
      %get3A_179 = tpu.vector_load %arg24[%get3A_177, %get3A_178] {strides = array<i32>} : memref<64x128xf32, #tpu.memory_space<vmem>>, vector<16xf32>,
      %mul3A_180 = arith.mulf %gather3A_144, %get3A_179 : vector<16xf32>
      %add3A_181 = arith.addf %mul3A_176, %mul3A_180 : vector<16xf32>
      %get3A_182 = arith.index_cast %scan3A_141 : i32 to index
      %get3A_183 = arith.constant 16 : index
      %get3A_184 = tpu.vector_load %arg25[%get3A_182, %get3A_183] {strides = array<i32>} : memref<64x128xf32, #tpu.memory_space<vmem>>, vector<16xf32>,
      %mul3A_185 = arith.mulf %gather3A_145, %get3A_184 : vector<16xf32>
      %add3A_186 = arith.addf %add3A_181, %mul3A_185 : vector<16xf32>
      %get3A_187 = arith.index_cast %scan3A_141 : i32 to index
      %get3A_188 = arith.constant 16 : index
      %get3A_189 = tpu.vector_load %arg26[%get3A_187, %get3A_188] {strides = array<i32>} : memref<64x128xf32, #tpu.memory_space<vmem>>, vector<16xf32>,
      %add3A_190 = arith.addf %add3A_186, %get3A_189 : vector<16xf32>
      %swap3A_191 = arith.index_cast %add3A_172 : i32 to index
      %swap3A_192 = tpu.vector_load %arg18[%swap3A_191] {strides = array<i32>} : memref<6144xf32, #tpu.memory_space<vmem>>, vector<16xf32>,
      tpu.vector_store %arg18[%swap3A_191], %add3A_190 {strides = array<i32>} : memref<6144xf32, #tpu.memory_space<vmem>>, vector<16xf32>,
      %mul3A_193 = arith.constant 48 : i32
      %mul3A_194 = arith.muli %add3A_143, %mul3A_193 : i32
      %add3A_195 = arith.constant 32 : i32
      %add3A_196 = arith.addi %mul3A_194, %add3A_195 : i32
      %get3A_197 = arith.index_cast %scan3A_141 : i32 to index
      %get3A_198 = arith.constant 32 : index
      %get3A_199 = tpu.vector_load %arg23[%get3A_197, %get3A_198] {strides = array<i32>} : memref<64x128xf32, #tpu.memory_space<vmem>>, vector<16xf32>,
      %mul3A_200 = arith.mulf %gather3A, %get3A_199 : vector<16xf32>
      %get3A_201 = arith.index_cast %scan3A_141 : i32 to index
      %get3A_202 = arith.constant 32 : index
      %get3A_203 = tpu.vector_load %arg24[%get3A_201, %get3A_202] {strides = array<i32>} : memref<64x128xf32, #tpu.memory_space<vmem>>, vector<16xf32>,
      %mul3A_204 = arith.mulf %gather3A_144, %get3A_203 : vector<16xf32>
      %add3A_205 = arith.addf %mul3A_200, %mul3A_204 : vector<16xf32>
      %get3A_206 = arith.index_cast %scan3A_141 : i32 to index
      %get3A_207 = arith.constant 32 : index
      %get3A_208 = tpu.vector_load %arg25[%get3A_206, %get3A_207] {strides = array<i32>} : memref<64x128xf32, #tpu.memory_space<vmem>>, vector<16xf32>,
      %mul3A_209 = arith.mulf %gather3A_145, %get3A_208 : vector<16xf32>
      %add3A_210 = arith.addf %add3A_205, %mul3A_209 : vector<16xf32>
      %get3A_211 = arith.index_cast %scan3A_141 : i32 to index
      %get3A_212 = arith.constant 32 : index
      %get3A_213 = tpu.vector_load %arg26[%get3A_211, %get3A_212] {strides = array<i32>} : memref<64x128xf32, #tpu.memory_space<vmem>>, vector<16xf32>,
      %add3A_214 = arith.addf %add3A_210, %get3A_213 : vector<16xf32>
      %swap3A_215 = arith.index_cast %add3A_196 : i32 to index
      %swap3A_216 = tpu.vector_load %arg18[%swap3A_215] {strides = array<i32>} : memref<6144xf32, #tpu.memory_space<vmem>>, vector<16xf32>,
      tpu.vector_store %arg18[%swap3A_215], %add3A_214 {strides = array<i32>} : memref<6144xf32, #tpu.memory_space<vmem>>, vector<16xf32>,
    }
    %scan3A_138 = arith.constant 64 : i32
    %mul3A_139 = arith.constant 48 : i32
    %mul3A_140 = arith.muli %mul3A_2, %mul3A_139 : i32
    "tpu.region"() ({
      %run_scoped3A = tpu.sem_alloc : memref<!tpu.dma_semaphore, #tpu.memory_space<semaphore_mem>>
      %dma_start3A_141 = tpu.memref_slice %arg10[%mul3A_140] : memref<196608xf32, #tpu.memory_space<hbm>> -> memref<6144xf32, #tpu.memory_space<hbm>>
      %dma_start3A_142 = tpu.memref_slice %arg10[%mul3A_140] : memref<196608xf32, #tpu.memory_space<hbm>> -> memref<6144xf32, #tpu.memory_space<hbm>>
      tpu.enqueue_dma source(%arg18 : memref<6144xf32, #tpu.memory_space<vmem>>) target(%dma_start3A_142 : memref<6144xf32, #tpu.memory_space<hbm>>) target_semaphore(%run_scoped3A : memref<!tpu.dma_semaphore, #tpu.memory_space<semaphore_mem>>)
      %dma_wait3A_143 = tpu.memref_slice %arg10[%mul3A_140] : memref<196608xf32, #tpu.memory_space<hbm>> -> memref<6144xf32, #tpu.memory_space<hbm>>
      %dma_wait3A_144 = tpu.memref_slice %arg10[%mul3A_140] : memref<196608xf32, #tpu.memory_space<hbm>> -> memref<6144xf32, #tpu.memory_space<hbm>>
      tpu.wait_dma2 semaphore(%run_scoped3A : memref<!tpu.dma_semaphore, #tpu.memory_space<semaphore_mem>>) src(%arg18 : memref<6144xf32, #tpu.memory_space<vmem>>) dst(%dma_wait3A_144 : memref<6144xf32, #tpu.memory_space<hbm>>)
      tpu.yield
    }) : () -> ()
    return
  }
}

module attributes {stable_mosaic.version = 14 : i64} {
  func.func @_f2_body(%arg0: i32, %arg1: memref<512x96xf32, #tpu.memory_space<vmem>>, %arg2: memref<1x96xf32, #tpu.memory_space<vmem>>, %arg3: memref<1x96xf32, #tpu.memory_space<vmem>>, %arg4: memref<96x48xf32, #tpu.memory_space<vmem>>, %arg5: memref<1x48xf32, #tpu.memory_space<vmem>>, %arg6: memref<512x128xf32, #tpu.memory_space<vmem>>) attributes {dimension_semantics = [#tpu.dimension_semantics<arbitrary>], iteration_bounds = array<i64: 8>, scalar_prefetch = 0 : i64, scratch_operands = 0 : i64, tpu.core_type = #tpu.core_type<tc>, window_params = [{transform_indices = @transform_0, window_bounds = array<i64: 512, 96>}, {pipeline_mode = #tpu.pipeline_mode<synchronous>, transform_indices = @transform_1, window_bounds = array<i64: 1, 96>}, {pipeline_mode = #tpu.pipeline_mode<synchronous>, transform_indices = @transform_2, window_bounds = array<i64: 1, 96>}, {pipeline_mode = #tpu.pipeline_mode<synchronous>, transform_indices = @transform_3, window_bounds = array<i64: 96, 48>}, {pipeline_mode = #tpu.pipeline_mode<synchronous>, transform_indices = @transform_4, window_bounds = array<i64: 1, 48>}, {transform_indices = @transform_5, window_bounds = array<i64: 512, 128>}]} {
    %get3A = arith.constant 0 : index
    %get3A_0 = arith.constant 0 : index
    %get3A_1 = vector.load %arg1[%get3A, %get3A_0] : memref<512x96xf32, #tpu.memory_space<vmem>>, vector<512x96xf32>
    %reduce_sum3A = arith.constant dense<0.000000e+00> : vector<512xf32>
    %reduce_sum3A_2 = vector.multi_reduction <add>, %get3A_1, %reduce_sum3A [1] : vector<512x96xf32> to vector<512xf32>
    %broadcast_in_dim3A = vector.shape_cast %reduce_sum3A_2 : vector<512xf32> to vector<512x1xf32>
    %div3A = arith.constant 9.600000e+01 : f32
    %div3A_3 = vector.broadcast %div3A : f32 to vector<512x1xf32>
    %div3A_4 = arith.divf %broadcast_in_dim3A, %div3A_3 : vector<512x1xf32>
    %sub3A = vector.broadcast %div3A_4 : vector<512x1xf32> to vector<512x96xf32>
    %sub3A_5 = arith.subf %get3A_1, %sub3A : vector<512x96xf32>
    %mul3A = arith.mulf %sub3A_5, %sub3A_5 : vector<512x96xf32>
    %reduce_sum3A_6 = arith.constant dense<0.000000e+00> : vector<512xf32>
    %reduce_sum3A_7 = vector.multi_reduction <add>, %mul3A, %reduce_sum3A_6 [1] : vector<512x96xf32> to vector<512xf32>
    %broadcast_in_dim3A_8 = vector.shape_cast %reduce_sum3A_7 : vector<512xf32> to vector<512x1xf32>
    %div3A_9 = arith.constant 9.600000e+01 : f32
    %div3A_10 = vector.broadcast %div3A_9 : f32 to vector<512x1xf32>
    %div3A_11 = arith.divf %broadcast_in_dim3A_8, %div3A_10 : vector<512x1xf32>
    %add3A = arith.constant 9.99999974E-6 : f32
    %add3A_12 = vector.broadcast %add3A : f32 to vector<512x1xf32>
    %add3A_13 = arith.addf %div3A_11, %add3A_12 : vector<512x1xf32>
    %sqrt3A = math.sqrt %add3A_13 : vector<512x1xf32>
    %div3A_14 = vector.broadcast %sqrt3A : vector<512x1xf32> to vector<512x96xf32>
    %div3A_15 = arith.divf %sub3A_5, %div3A_14 : vector<512x96xf32>
    %get3A_16 = arith.constant 0 : index
    %get3A_17 = arith.constant 0 : index
    %get3A_18 = vector.load %arg2[%get3A_16, %get3A_17] : memref<1x96xf32, #tpu.memory_space<vmem>>, vector<1x96xf32>
    %mul3A_19 = vector.broadcast %get3A_18 : vector<1x96xf32> to vector<512x96xf32>
    %mul3A_20 = arith.mulf %div3A_15, %mul3A_19 : vector<512x96xf32>
    %get3A_21 = arith.constant 0 : index
    %get3A_22 = arith.constant 0 : index
    %get3A_23 = vector.load %arg3[%get3A_21, %get3A_22] : memref<1x96xf32, #tpu.memory_space<vmem>>, vector<1x96xf32>
    %add3A_24 = vector.broadcast %get3A_23 : vector<1x96xf32> to vector<512x96xf32>
    %add3A_25 = arith.addf %mul3A_20, %add3A_24 : vector<512x96xf32>
    %get3A_26 = arith.constant 0 : index
    %get3A_27 = arith.constant 0 : index
    %get3A_28 = vector.load %arg4[%get3A_26, %get3A_27] : memref<96x48xf32, #tpu.memory_space<vmem>>, vector<96x48xf32>
    %dot_general3A = arith.constant dense<0.000000e+00> : vector<512x48xf32>
    %dot_general3A_29 = tpu.matmul %add3A_25, %get3A_28, %dot_general3A {dimension_numbers = #tpu.dot_dimension_numbers<[1], [0], [0], [1], [0, 0, 1, 1], [], []>, precision = #tpu.contract_precision<fp32>, transpose_lhs_hint = false} : vector<512x96xf32>, vector<96x48xf32>, vector<512x48xf32> -> vector<512x48xf32>
    %get3A_30 = arith.constant 0 : index
    %get3A_31 = arith.constant 0 : index
    %get3A_32 = vector.load %arg5[%get3A_30, %get3A_31] : memref<1x48xf32, #tpu.memory_space<vmem>>, vector<1x48xf32>
    %add3A_33 = vector.broadcast %get3A_32 : vector<1x48xf32> to vector<512x48xf32>
    %add3A_34 = arith.addf %dot_general3A_29, %add3A_33 : vector<512x48xf32>
    %broadcast_in_dim3A_35 = arith.constant 0.000000e+00 : f32
    %broadcast_in_dim3A_36 = vector.broadcast %broadcast_in_dim3A_35 : f32 to vector<512x80xf32>
    %concatenate3A = tpu.concatenate %add3A_34, %broadcast_in_dim3A_36 in 1 : vector<512x48xf32>, vector<512x80xf32> -> vector<512x128xf32>
    %swap3A = arith.constant 0 : index
    %swap3A_37 = arith.constant 0 : index
    %swap3A_38 = vector.load %arg6[%swap3A, %swap3A_37] : memref<512x128xf32, #tpu.memory_space<vmem>>, vector<512x128xf32>
    tpu.vector_store %arg6[%swap3A, %swap3A_37], %concatenate3A {strides = array<i32>} : memref<512x128xf32, #tpu.memory_space<vmem>>, vector<512x128xf32>,
    return
  }
  func.func @transform_0(%arg0: i32) -> (i32, i32) {
    %c0_i32 = arith.constant 0 : i32
    %c0_i32_0 = arith.constant 0 : i32
    return %arg0, %c0_i32 : i32, i32
  }
  func.func @transform_1(%arg0: i32) -> (i32, i32) {
    %c0_i32 = arith.constant 0 : i32
    %c0_i32_0 = arith.constant 0 : i32
    %c0_i32_1 = arith.constant 0 : i32
    return %c0_i32, %c0_i32_0 : i32, i32
  }
  func.func @transform_2(%arg0: i32) -> (i32, i32) {
    %c0_i32 = arith.constant 0 : i32
    %c0_i32_0 = arith.constant 0 : i32
    %c0_i32_1 = arith.constant 0 : i32
    return %c0_i32, %c0_i32_0 : i32, i32
  }
  func.func @transform_3(%arg0: i32) -> (i32, i32) {
    %c0_i32 = arith.constant 0 : i32
    %c0_i32_0 = arith.constant 0 : i32
    %c0_i32_1 = arith.constant 0 : i32
    return %c0_i32, %c0_i32_0 : i32, i32
  }
  func.func @transform_4(%arg0: i32) -> (i32, i32) {
    %c0_i32 = arith.constant 0 : i32
    %c0_i32_0 = arith.constant 0 : i32
    %c0_i32_1 = arith.constant 0 : i32
    return %c0_i32, %c0_i32_0 : i32, i32
  }
  func.func @transform_5(%arg0: i32) -> (i32, i32) {
    %c0_i32 = arith.constant 0 : i32
    %c0_i32_0 = arith.constant 0 : i32
    return %arg0, %c0_i32 : i32, i32
  }
}

module attributes {stable_mosaic.version = 14 : i64} {
  func.func @_knn_body(%arg0: i32, %arg1: i32, %arg2: memref<1x8x512xf32, #tpu.memory_space<vmem>>, %arg3: memref<1024x8xf32, #tpu.memory_space<vmem>>, %arg4: memref<512x48xf32, #tpu.memory_space<vmem>>, %arg5: memref<1x48xf32, #tpu.memory_space<vmem>>, %arg6: memref<1x48xf32, #tpu.memory_space<vmem>>, %arg7: memref<48x48xf32, #tpu.memory_space<vmem>>, %arg8: memref<1x48xf32, #tpu.memory_space<vmem>>, %arg9: memref<512xi32, #tpu.memory_space<vmem>>, %arg10: memref<512xi32, #tpu.memory_space<vmem>>, %arg11: memref<512xi32, #tpu.memory_space<vmem>>, %arg12: memref<512xf32, #tpu.memory_space<vmem>>, %arg13: memref<512xf32, #tpu.memory_space<vmem>>, %arg14: memref<512xf32, #tpu.memory_space<vmem>>, %arg15: memref<512x128xf32, #tpu.memory_space<vmem>>) attributes {dimension_semantics = [#tpu.dimension_semantics<arbitrary>, #tpu.dimension_semantics<arbitrary>], iteration_bounds = array<i64: 1, 8>, scalar_prefetch = 0 : i64, scratch_operands = 0 : i64, tpu.core_type = #tpu.core_type<tc>, window_params = [{transform_indices = @transform_0, window_bounds = array<i64: 1, 8, 512>}, {transform_indices = @transform_1, window_bounds = array<i64: 1024, 8>}, {transform_indices = @transform_2, window_bounds = array<i64: 512, 48>}, {pipeline_mode = #tpu.pipeline_mode<synchronous>, transform_indices = @transform_3, window_bounds = array<i64: 1, 48>}, {pipeline_mode = #tpu.pipeline_mode<synchronous>, transform_indices = @transform_4, window_bounds = array<i64: 1, 48>}, {pipeline_mode = #tpu.pipeline_mode<synchronous>, transform_indices = @transform_5, window_bounds = array<i64: 48, 48>}, {pipeline_mode = #tpu.pipeline_mode<synchronous>, transform_indices = @transform_6, window_bounds = array<i64: 1, 48>}, {transform_indices = @transform_7, window_bounds = array<i64: 512>}, {transform_indices = @transform_8, window_bounds = array<i64: 512>}, {transform_indices = @transform_9, window_bounds = array<i64: 512>}, {transform_indices = @transform_10, window_bounds = array<i64: 512>}, {transform_indices = @transform_11, window_bounds = array<i64: 512>}, {transform_indices = @transform_12, window_bounds = array<i64: 512>}, {transform_indices = @transform_13, window_bounds = array<i64: 512, 128>}]} {
    %add3A = arith.constant 0 : i32
    %add3A_0 = arith.addi %add3A, %arg0 : i32
    %get3A = arith.constant 0 : index
    %get3A_1 = arith.constant 0 : index
    %get3A_2 = arith.constant 0 : index
    %get3A_3 = vector.load %arg2[%get3A, %get3A_1, %get3A_2] : memref<1x8x512xf32, #tpu.memory_space<vmem>>, vector<1x1x512xf32>
    %get3A_4 = vector.shape_cast %get3A_3 : vector<1x1x512xf32> to vector<1x512xf32>
    %get3A_5 = arith.constant 0 : index
    %get3A_6 = arith.constant 1 : index
    %get3A_7 = arith.constant 0 : index
    %get3A_8 = vector.load %arg2[%get3A_5, %get3A_6, %get3A_7] : memref<1x8x512xf32, #tpu.memory_space<vmem>>, vector<1x1x512xf32>
    %get3A_9 = vector.shape_cast %get3A_8 : vector<1x1x512xf32> to vector<1x512xf32>
    %get3A_10 = arith.constant 0 : index
    %get3A_11 = arith.constant 2 : index
    %get3A_12 = arith.constant 0 : index
    %get3A_13 = vector.load %arg2[%get3A_10, %get3A_11, %get3A_12] : memref<1x8x512xf32, #tpu.memory_space<vmem>>, vector<1x1x512xf32>
    %get3A_14 = vector.shape_cast %get3A_13 : vector<1x1x512xf32> to vector<1x512xf32>
    %get3A_15 = arith.constant 0 : index
    %get3A_16 = arith.constant 0 : index
    %get3A_17 = vector.load %arg3[%get3A_15, %get3A_16] : memref<1024x8xf32, #tpu.memory_space<vmem>>, vector<1024x1xf32>
    %get3A_18 = arith.constant 0 : index
    %get3A_19 = arith.constant 1 : index
    %get3A_20 = vector.load %arg3[%get3A_18, %get3A_19] : memref<1024x8xf32, #tpu.memory_space<vmem>>, vector<1024x1xf32>
    %get3A_21 = arith.constant 0 : index
    %get3A_22 = arith.constant 2 : index
    %get3A_23 = vector.load %arg3[%get3A_21, %get3A_22] : memref<1024x8xf32, #tpu.memory_space<vmem>>, vector<1024x1xf32>
    %sub3A = vector.broadcast %get3A_17 : vector<1024x1xf32> to vector<1024x512xf32>
    %sub3A_24 = vector.broadcast %get3A_4 : vector<1x512xf32> to vector<1024x512xf32>
    %sub3A_25 = arith.subf %sub3A, %sub3A_24 : vector<1024x512xf32>
    %sub3A_26 = vector.broadcast %get3A_20 : vector<1024x1xf32> to vector<1024x512xf32>
    %sub3A_27 = vector.broadcast %get3A_9 : vector<1x512xf32> to vector<1024x512xf32>
    %sub3A_28 = arith.subf %sub3A_26, %sub3A_27 : vector<1024x512xf32>
    %sub3A_29 = vector.broadcast %get3A_23 : vector<1024x1xf32> to vector<1024x512xf32>
    %sub3A_30 = vector.broadcast %get3A_14 : vector<1x512xf32> to vector<1024x512xf32>
    %sub3A_31 = arith.subf %sub3A_29, %sub3A_30 : vector<1024x512xf32>
    %mul3A = arith.mulf %sub3A_25, %sub3A_25 : vector<1024x512xf32>
    %mul3A_32 = arith.mulf %sub3A_28, %sub3A_28 : vector<1024x512xf32>
    %add3A_33 = arith.addf %mul3A, %mul3A_32 : vector<1024x512xf32>
    %mul3A_34 = arith.mulf %sub3A_31, %sub3A_31 : vector<1024x512xf32>
    %add3A_35 = arith.addf %add3A_33, %mul3A_34 : vector<1024x512xf32>
    %iota3A = tpu.iota {dimensions = array<i32: 0>} : vector<1024x512xi32>
    %convert_element_type3A = arith.sitofp %iota3A : vector<1024x512xi32> to vector<1024x512xf32>
    %reduce_min3A = arith.constant dense<0x7F800000> : vector<512xf32>
    %reduce_min3A_36 = vector.multi_reduction <minimumf>, %add3A_35, %reduce_min3A [0] : vector<1024x512xf32> to vector<512xf32>
    %broadcast_in_dim3A = vector.shape_cast %reduce_min3A_36 : vector<512xf32> to vector<1x512xf32>
    %eq3A = vector.broadcast %broadcast_in_dim3A : vector<1x512xf32> to vector<1024x512xf32>
    %eq3A_37 = arith.cmpf oeq, %add3A_35, %eq3A : vector<1024x512xf32>
    %jit3A = arith.constant 1.024000e+03 : f32
    %broadcast_in_dim3A_38 = vector.broadcast %jit3A : f32 to vector<1024x512xf32>
    %select_n3A = arith.select %eq3A_37, %convert_element_type3A, %broadcast_in_dim3A_38 : vector<1024x512xi1>, vector<1024x512xf32>
    %reduce_min3A_39 = arith.constant dense<0x7F800000> : vector<512xf32>
    %reduce_min3A_40 = vector.multi_reduction <minimumf>, %select_n3A, %reduce_min3A_39 [0] : vector<1024x512xf32> to vector<512xf32>
    %broadcast_in_dim3A_41 = vector.shape_cast %reduce_min3A_40 : vector<512xf32> to vector<1x512xf32>
    %eq3A_42 = vector.broadcast %broadcast_in_dim3A_41 : vector<1x512xf32> to vector<1024x512xf32>
    %eq3A_43 = arith.cmpf oeq, %convert_element_type3A, %eq3A_42 : vector<1024x512xf32>
    %jit3A_44 = arith.constant 0x7F800000 : f32
    %broadcast_in_dim3A_45 = vector.broadcast %jit3A_44 : f32 to vector<1024x512xf32>
    %select_n3A_46 = arith.select %eq3A_43, %broadcast_in_dim3A_45, %add3A_35 : vector<1024x512xi1>, vector<1024x512xf32>
    %max3A = arith.constant 9.99999996E-13 : f32
    %max3A_47 = vector.broadcast %max3A : f32 to vector<1x512xf32>
    %max3A_48 = arith.maximumf %broadcast_in_dim3A, %max3A_47 : vector<1x512xf32>
    %sqrt3A = math.sqrt %max3A_48 : vector<1x512xf32>
    %add3A_49 = arith.constant 9.99999993E-9 : f32
    %add3A_50 = vector.broadcast %add3A_49 : f32 to vector<1x512xf32>
    %add3A_51 = arith.addf %sqrt3A, %add3A_50 : vector<1x512xf32>
    %div3A = arith.constant 1.000000e+00 : f32
    %div3A_52 = vector.broadcast %div3A : f32 to vector<1x512xf32>
    %div3A_53 = arith.divf %div3A_52, %add3A_51 : vector<1x512xf32>
    %reduce_min3A_54 = arith.constant dense<0x7F800000> : vector<512xf32>
    %reduce_min3A_55 = vector.multi_reduction <minimumf>, %select_n3A_46, %reduce_min3A_54 [0] : vector<1024x512xf32> to vector<512xf32>
    %broadcast_in_dim3A_56 = vector.shape_cast %reduce_min3A_55 : vector<512xf32> to vector<1x512xf32>
    %eq3A_57 = vector.broadcast %broadcast_in_dim3A_56 : vector<1x512xf32> to vector<1024x512xf32>
    %eq3A_58 = arith.cmpf oeq, %select_n3A_46, %eq3A_57 : vector<1024x512xf32>
    %jit3A_59 = arith.constant 1.024000e+03 : f32
    %broadcast_in_dim3A_60 = vector.broadcast %jit3A_59 : f32 to vector<1024x512xf32>
    %select_n3A_61 = arith.select %eq3A_58, %convert_element_type3A, %broadcast_in_dim3A_60 : vector<1024x512xi1>, vector<1024x512xf32>
    %reduce_min3A_62 = arith.constant dense<0x7F800000> : vector<512xf32>
    %reduce_min3A_63 = vector.multi_reduction <minimumf>, %select_n3A_61, %reduce_min3A_62 [0] : vector<1024x512xf32> to vector<512xf32>
    %broadcast_in_dim3A_64 = vector.shape_cast %reduce_min3A_63 : vector<512xf32> to vector<1x512xf32>
    %eq3A_65 = vector.broadcast %broadcast_in_dim3A_64 : vector<1x512xf32> to vector<1024x512xf32>
    %eq3A_66 = arith.cmpf oeq, %convert_element_type3A, %eq3A_65 : vector<1024x512xf32>
    %jit3A_67 = arith.constant 0x7F800000 : f32
    %broadcast_in_dim3A_68 = vector.broadcast %jit3A_67 : f32 to vector<1024x512xf32>
    %select_n3A_69 = arith.select %eq3A_66, %broadcast_in_dim3A_68, %select_n3A_46 : vector<1024x512xi1>, vector<1024x512xf32>
    %max3A_70 = arith.constant 9.99999996E-13 : f32
    %max3A_71 = vector.broadcast %max3A_70 : f32 to vector<1x512xf32>
    %max3A_72 = arith.maximumf %broadcast_in_dim3A_56, %max3A_71 : vector<1x512xf32>
    %sqrt3A_73 = math.sqrt %max3A_72 : vector<1x512xf32>
    %add3A_74 = arith.constant 9.99999993E-9 : f32
    %add3A_75 = vector.broadcast %add3A_74 : f32 to vector<1x512xf32>
    %add3A_76 = arith.addf %sqrt3A_73, %add3A_75 : vector<1x512xf32>
    %div3A_77 = arith.constant 1.000000e+00 : f32
    %div3A_78 = vector.broadcast %div3A_77 : f32 to vector<1x512xf32>
    %div3A_79 = arith.divf %div3A_78, %add3A_76 : vector<1x512xf32>
    %reduce_min3A_80 = arith.constant dense<0x7F800000> : vector<512xf32>
    %reduce_min3A_81 = vector.multi_reduction <minimumf>, %select_n3A_69, %reduce_min3A_80 [0] : vector<1024x512xf32> to vector<512xf32>
    %broadcast_in_dim3A_82 = vector.shape_cast %reduce_min3A_81 : vector<512xf32> to vector<1x512xf32>
    %eq3A_83 = vector.broadcast %broadcast_in_dim3A_82 : vector<1x512xf32> to vector<1024x512xf32>
    %eq3A_84 = arith.cmpf oeq, %select_n3A_69, %eq3A_83 : vector<1024x512xf32>
    %jit3A_85 = arith.constant 1.024000e+03 : f32
    %broadcast_in_dim3A_86 = vector.broadcast %jit3A_85 : f32 to vector<1024x512xf32>
    %select_n3A_87 = arith.select %eq3A_84, %convert_element_type3A, %broadcast_in_dim3A_86 : vector<1024x512xi1>, vector<1024x512xf32>
    %reduce_min3A_88 = arith.constant dense<0x7F800000> : vector<512xf32>
    %reduce_min3A_89 = vector.multi_reduction <minimumf>, %select_n3A_87, %reduce_min3A_88 [0] : vector<1024x512xf32> to vector<512xf32>
    %broadcast_in_dim3A_90 = vector.shape_cast %reduce_min3A_89 : vector<512xf32> to vector<1x512xf32>
    %max3A_91 = arith.constant 9.99999996E-13 : f32
    %max3A_92 = vector.broadcast %max3A_91 : f32 to vector<1x512xf32>
    %max3A_93 = arith.maximumf %broadcast_in_dim3A_82, %max3A_92 : vector<1x512xf32>
    %sqrt3A_94 = math.sqrt %max3A_93 : vector<1x512xf32>
    %add3A_95 = arith.constant 9.99999993E-9 : f32
    %add3A_96 = vector.broadcast %add3A_95 : f32 to vector<1x512xf32>
    %add3A_97 = arith.addf %sqrt3A_94, %add3A_96 : vector<1x512xf32>
    %div3A_98 = arith.constant 1.000000e+00 : f32
    %div3A_99 = vector.broadcast %div3A_98 : f32 to vector<1x512xf32>
    %div3A_100 = arith.divf %div3A_99, %add3A_97 : vector<1x512xf32>
    %add3A_101 = arith.addf %div3A_53, %div3A_79 : vector<1x512xf32>
    %add3A_102 = arith.addf %add3A_101, %div3A_100 : vector<1x512xf32>
    %div3A_103 = arith.divf %div3A_53, %add3A_102 : vector<1x512xf32>
    %div3A_104 = arith.divf %div3A_79, %add3A_102 : vector<1x512xf32>
    %div3A_105 = arith.divf %div3A_100, %add3A_102 : vector<1x512xf32>
    %convert_element_type3A_106 = arith.fptosi %broadcast_in_dim3A_41 : vector<1x512xf32> to vector<1x512xi32>
    %mul3A_107 = arith.constant 1024 : i32
    %mul3A_108 = arith.muli %add3A_0, %mul3A_107 : i32
    %add3A_109 = vector.broadcast %mul3A_108 : i32 to vector<1x512xi32>
    %add3A_110 = arith.addi %convert_element_type3A_106, %add3A_109 : vector<1x512xi32>
    %convert_element_type3A_111 = arith.fptosi %broadcast_in_dim3A_64 : vector<1x512xf32> to vector<1x512xi32>
    %mul3A_112 = arith.constant 1024 : i32
    %mul3A_113 = arith.muli %add3A_0, %mul3A_112 : i32
    %add3A_114 = vector.broadcast %mul3A_113 : i32 to vector<1x512xi32>
    %add3A_115 = arith.addi %convert_element_type3A_111, %add3A_114 : vector<1x512xi32>
    %convert_element_type3A_116 = arith.fptosi %broadcast_in_dim3A_90 : vector<1x512xf32> to vector<1x512xi32>
    %mul3A_117 = arith.constant 1024 : i32
    %mul3A_118 = arith.muli %add3A_0, %mul3A_117 : i32
    %add3A_119 = vector.broadcast %mul3A_118 : i32 to vector<1x512xi32>
    %add3A_120 = arith.addi %convert_element_type3A_116, %add3A_119 : vector<1x512xi32>
    %reshape3A = vector.shape_cast %add3A_110 : vector<1x512xi32> to vector<512xi32>
    %swap3A = arith.constant 0 : index
    %swap3A_121 = vector.load %arg9[%swap3A] : memref<512xi32, #tpu.memory_space<vmem>>, vector<512xi32>
    tpu.vector_store %arg9[%swap3A], %reshape3A {strides = array<i32>} : memref<512xi32, #tpu.memory_space<vmem>>, vector<512xi32>,
    %reshape3A_122 = vector.shape_cast %add3A_115 : vector<1x512xi32> to vector<512xi32>
    %swap3A_123 = arith.constant 0 : index
    %swap3A_124 = vector.load %arg10[%swap3A_123] : memref<512xi32, #tpu.memory_space<vmem>>, vector<512xi32>
    tpu.vector_store %arg10[%swap3A_123], %reshape3A_122 {strides = array<i32>} : memref<512xi32, #tpu.memory_space<vmem>>, vector<512xi32>,
    %reshape3A_125 = vector.shape_cast %add3A_120 : vector<1x512xi32> to vector<512xi32>
    %swap3A_126 = arith.constant 0 : index
    %swap3A_127 = vector.load %arg11[%swap3A_126] : memref<512xi32, #tpu.memory_space<vmem>>, vector<512xi32>
    tpu.vector_store %arg11[%swap3A_126], %reshape3A_125 {strides = array<i32>} : memref<512xi32, #tpu.memory_space<vmem>>, vector<512xi32>,
    %reshape3A_128 = vector.shape_cast %div3A_103 : vector<1x512xf32> to vector<512xf32>
    %swap3A_129 = arith.constant 0 : index
    %swap3A_130 = vector.load %arg12[%swap3A_129] : memref<512xf32, #tpu.memory_space<vmem>>, vector<512xf32>
    tpu.vector_store %arg12[%swap3A_129], %reshape3A_128 {strides = array<i32>} : memref<512xf32, #tpu.memory_space<vmem>>, vector<512xf32>,
    %reshape3A_131 = vector.shape_cast %div3A_104 : vector<1x512xf32> to vector<512xf32>
    %swap3A_132 = arith.constant 0 : index
    %swap3A_133 = vector.load %arg13[%swap3A_132] : memref<512xf32, #tpu.memory_space<vmem>>, vector<512xf32>
    tpu.vector_store %arg13[%swap3A_132], %reshape3A_131 {strides = array<i32>} : memref<512xf32, #tpu.memory_space<vmem>>, vector<512xf32>,
    %reshape3A_134 = vector.shape_cast %div3A_105 : vector<1x512xf32> to vector<512xf32>
    %swap3A_135 = arith.constant 0 : index
    %swap3A_136 = vector.load %arg14[%swap3A_135] : memref<512xf32, #tpu.memory_space<vmem>>, vector<512xf32>
    tpu.vector_store %arg14[%swap3A_135], %reshape3A_134 {strides = array<i32>} : memref<512xf32, #tpu.memory_space<vmem>>, vector<512xf32>,
    %get3A_137 = arith.constant 0 : index
    %get3A_138 = arith.constant 0 : index
    %get3A_139 = vector.load %arg4[%get3A_137, %get3A_138] : memref<512x48xf32, #tpu.memory_space<vmem>>, vector<512x48xf32>
    %reduce_sum3A = arith.constant dense<0.000000e+00> : vector<512xf32>
    %reduce_sum3A_140 = vector.multi_reduction <add>, %get3A_139, %reduce_sum3A [1] : vector<512x48xf32> to vector<512xf32>
    %broadcast_in_dim3A_141 = vector.shape_cast %reduce_sum3A_140 : vector<512xf32> to vector<512x1xf32>
    %div3A_142 = arith.constant 4.800000e+01 : f32
    %div3A_143 = vector.broadcast %div3A_142 : f32 to vector<512x1xf32>
    %div3A_144 = arith.divf %broadcast_in_dim3A_141, %div3A_143 : vector<512x1xf32>
    %sub3A_145 = vector.broadcast %div3A_144 : vector<512x1xf32> to vector<512x48xf32>
    %sub3A_146 = arith.subf %get3A_139, %sub3A_145 : vector<512x48xf32>
    %mul3A_147 = arith.mulf %sub3A_146, %sub3A_146 : vector<512x48xf32>
    %reduce_sum3A_148 = arith.constant dense<0.000000e+00> : vector<512xf32>
    %reduce_sum3A_149 = vector.multi_reduction <add>, %mul3A_147, %reduce_sum3A_148 [1] : vector<512x48xf32> to vector<512xf32>
    %broadcast_in_dim3A_150 = vector.shape_cast %reduce_sum3A_149 : vector<512xf32> to vector<512x1xf32>
    %div3A_151 = arith.constant 4.800000e+01 : f32
    %div3A_152 = vector.broadcast %div3A_151 : f32 to vector<512x1xf32>
    %div3A_153 = arith.divf %broadcast_in_dim3A_150, %div3A_152 : vector<512x1xf32>
    %add3A_154 = arith.constant 9.99999974E-6 : f32
    %add3A_155 = vector.broadcast %add3A_154 : f32 to vector<512x1xf32>
    %add3A_156 = arith.addf %div3A_153, %add3A_155 : vector<512x1xf32>
    %sqrt3A_157 = math.sqrt %add3A_156 : vector<512x1xf32>
    %div3A_158 = vector.broadcast %sqrt3A_157 : vector<512x1xf32> to vector<512x48xf32>
    %div3A_159 = arith.divf %sub3A_146, %div3A_158 : vector<512x48xf32>
    %get3A_160 = arith.constant 0 : index
    %get3A_161 = arith.constant 0 : index
    %get3A_162 = vector.load %arg5[%get3A_160, %get3A_161] : memref<1x48xf32, #tpu.memory_space<vmem>>, vector<1x48xf32>
    %mul3A_163 = vector.broadcast %get3A_162 : vector<1x48xf32> to vector<512x48xf32>
    %mul3A_164 = arith.mulf %div3A_159, %mul3A_163 : vector<512x48xf32>
    %get3A_165 = arith.constant 0 : index
    %get3A_166 = arith.constant 0 : index
    %get3A_167 = vector.load %arg6[%get3A_165, %get3A_166] : memref<1x48xf32, #tpu.memory_space<vmem>>, vector<1x48xf32>
    %add3A_168 = vector.broadcast %get3A_167 : vector<1x48xf32> to vector<512x48xf32>
    %add3A_169 = arith.addf %mul3A_164, %add3A_168 : vector<512x48xf32>
    %get3A_170 = arith.constant 0 : index
    %get3A_171 = arith.constant 0 : index
    %get3A_172 = vector.load %arg7[%get3A_170, %get3A_171] : memref<48x48xf32, #tpu.memory_space<vmem>>, vector<48x48xf32>
    %dot_general3A = arith.constant dense<0.000000e+00> : vector<512x48xf32>
    %dot_general3A_173 = tpu.matmul %add3A_169, %get3A_172, %dot_general3A {dimension_numbers = #tpu.dot_dimension_numbers<[1], [0], [0], [1], [0, 0, 1, 1], [], []>, precision = #tpu.contract_precision<fp32>, transpose_lhs_hint = false} : vector<512x48xf32>, vector<48x48xf32>, vector<512x48xf32> -> vector<512x48xf32>
    %get3A_174 = arith.constant 0 : index
    %get3A_175 = arith.constant 0 : index
    %get3A_176 = vector.load %arg8[%get3A_174, %get3A_175] : memref<1x48xf32, #tpu.memory_space<vmem>>, vector<1x48xf32>
    %add3A_177 = vector.broadcast %get3A_176 : vector<1x48xf32> to vector<512x48xf32>
    %add3A_178 = arith.addf %dot_general3A_173, %add3A_177 : vector<512x48xf32>
    %broadcast_in_dim3A_179 = arith.constant 0.000000e+00 : f32
    %broadcast_in_dim3A_180 = vector.broadcast %broadcast_in_dim3A_179 : f32 to vector<512x80xf32>
    %concatenate3A = tpu.concatenate %add3A_178, %broadcast_in_dim3A_180 in 1 : vector<512x48xf32>, vector<512x80xf32> -> vector<512x128xf32>
    %swap3A_181 = arith.constant 0 : index
    %swap3A_182 = arith.constant 0 : index
    %swap3A_183 = vector.load %arg15[%swap3A_181, %swap3A_182] : memref<512x128xf32, #tpu.memory_space<vmem>>, vector<512x128xf32>
    tpu.vector_store %arg15[%swap3A_181, %swap3A_182], %concatenate3A {strides = array<i32>} : memref<512x128xf32, #tpu.memory_space<vmem>>, vector<512x128xf32>,
    return
  }
  func.func @transform_0(%arg0: i32, %arg1: i32) -> (i32, i32, i32) {
    %add3A = arith.constant 0 : i32
    %add3A_0 = arith.addi %add3A, %arg0 : i32
    %mul3A = arith.constant 8 : i32
    %mul3A_1 = arith.muli %add3A_0, %mul3A : i32
    %add3A_2 = arith.addi %mul3A_1, %arg1 : i32
    %c0_i32 = arith.constant 0 : i32
    %c0_i32_3 = arith.constant 0 : i32
    %c0_i32_4 = arith.constant 0 : i32
    return %c0_i32, %c0_i32_3, %add3A_2 : i32, i32, i32
  }
  func.func @transform_1(%arg0: i32, %arg1: i32) -> (i32, i32) {
    %add3A = arith.constant 0 : i32
    %add3A_0 = arith.addi %add3A, %arg0 : i32
    %c0_i32 = arith.constant 0 : i32
    %c0_i32_1 = arith.constant 0 : i32
    return %add3A_0, %c0_i32 : i32, i32
  }
  func.func @transform_2(%arg0: i32, %arg1: i32) -> (i32, i32) {
    %add3A = arith.constant 0 : i32
    %add3A_0 = arith.addi %add3A, %arg0 : i32
    %mul3A = arith.constant 8 : i32
    %mul3A_1 = arith.muli %add3A_0, %mul3A : i32
    %add3A_2 = arith.addi %mul3A_1, %arg1 : i32
    %c0_i32 = arith.constant 0 : i32
    %c0_i32_3 = arith.constant 0 : i32
    return %add3A_2, %c0_i32 : i32, i32
  }
  func.func @transform_3(%arg0: i32, %arg1: i32) -> (i32, i32) {
    %c0_i32 = arith.constant 0 : i32
    %c0_i32_0 = arith.constant 0 : i32
    %c0_i32_1 = arith.constant 0 : i32
    return %c0_i32, %c0_i32_0 : i32, i32
  }
  func.func @transform_4(%arg0: i32, %arg1: i32) -> (i32, i32) {
    %c0_i32 = arith.constant 0 : i32
    %c0_i32_0 = arith.constant 0 : i32
    %c0_i32_1 = arith.constant 0 : i32
    return %c0_i32, %c0_i32_0 : i32, i32
  }
  func.func @transform_5(%arg0: i32, %arg1: i32) -> (i32, i32) {
    %c0_i32 = arith.constant 0 : i32
    %c0_i32_0 = arith.constant 0 : i32
    %c0_i32_1 = arith.constant 0 : i32
    return %c0_i32, %c0_i32_0 : i32, i32
  }
  func.func @transform_6(%arg0: i32, %arg1: i32) -> (i32, i32) {
    %c0_i32 = arith.constant 0 : i32
    %c0_i32_0 = arith.constant 0 : i32
    %c0_i32_1 = arith.constant 0 : i32
    return %c0_i32, %c0_i32_0 : i32, i32
  }
  func.func @transform_7(%arg0: i32, %arg1: i32) -> i32 {
    %mul3A = arith.constant 8 : i32
    %mul3A_0 = arith.muli %arg0, %mul3A : i32
    %add3A = arith.addi %mul3A_0, %arg1 : i32
    %c0_i32 = arith.constant 0 : i32
    return %add3A : i32
  }
  func.func @transform_8(%arg0: i32, %arg1: i32) -> i32 {
    %mul3A = arith.constant 8 : i32
    %mul3A_0 = arith.muli %arg0, %mul3A : i32
    %add3A = arith.addi %mul3A_0, %arg1 : i32
    %c0_i32 = arith.constant 0 : i32
    return %add3A : i32
  }
  func.func @transform_9(%arg0: i32, %arg1: i32) -> i32 {
    %mul3A = arith.constant 8 : i32
    %mul3A_0 = arith.muli %arg0, %mul3A : i32
    %add3A = arith.addi %mul3A_0, %arg1 : i32
    %c0_i32 = arith.constant 0 : i32
    return %add3A : i32
  }
  func.func @transform_10(%arg0: i32, %arg1: i32) -> i32 {
    %mul3A = arith.constant 8 : i32
    %mul3A_0 = arith.muli %arg0, %mul3A : i32
    %add3A = arith.addi %mul3A_0, %arg1 : i32
    %c0_i32 = arith.constant 0 : i32
    return %add3A : i32
  }
  func.func @transform_11(%arg0: i32, %arg1: i32) -> i32 {
    %mul3A = arith.constant 8 : i32
    %mul3A_0 = arith.muli %arg0, %mul3A : i32
    %add3A = arith.addi %mul3A_0, %arg1 : i32
    %c0_i32 = arith.constant 0 : i32
    return %add3A : i32
  }
  func.func @transform_12(%arg0: i32, %arg1: i32) -> i32 {
    %mul3A = arith.constant 8 : i32
    %mul3A_0 = arith.muli %arg0, %mul3A : i32
    %add3A = arith.addi %mul3A_0, %arg1 : i32
    %c0_i32 = arith.constant 0 : i32
    return %add3A : i32
  }
  func.func @transform_13(%arg0: i32, %arg1: i32) -> (i32, i32) {
    %mul3A = arith.constant 8 : i32
    %mul3A_0 = arith.muli %arg0, %mul3A : i32
    %add3A = arith.addi %mul3A_0, %arg1 : i32
    %c0_i32 = arith.constant 0 : i32
    %c0_i32_1 = arith.constant 0 : i32
    return %add3A, %c0_i32 : i32, i32
  }
}

module attributes {stable_mosaic.version = 14 : i64} {
  func.func @_knn_body(%arg0: i32, %arg1: i32, %arg2: memref<1x8x512xf32, #tpu.memory_space<vmem>>, %arg3: memref<1024x8xf32, #tpu.memory_space<vmem>>, %arg4: memref<512x48xf32, #tpu.memory_space<vmem>>, %arg5: memref<1x48xf32, #tpu.memory_space<vmem>>, %arg6: memref<1x48xf32, #tpu.memory_space<vmem>>, %arg7: memref<48x48xf32, #tpu.memory_space<vmem>>, %arg8: memref<1x48xf32, #tpu.memory_space<vmem>>, %arg9: memref<512xi32, #tpu.memory_space<vmem>>, %arg10: memref<512xi32, #tpu.memory_space<vmem>>, %arg11: memref<512xi32, #tpu.memory_space<vmem>>, %arg12: memref<512xf32, #tpu.memory_space<vmem>>, %arg13: memref<512xf32, #tpu.memory_space<vmem>>, %arg14: memref<512xf32, #tpu.memory_space<vmem>>, %arg15: memref<512x128xf32, #tpu.memory_space<vmem>>) attributes {dimension_semantics = [#tpu.dimension_semantics<arbitrary>, #tpu.dimension_semantics<arbitrary>], iteration_bounds = array<i64: 1, 8>, scalar_prefetch = 0 : i64, scratch_operands = 0 : i64, tpu.core_type = #tpu.core_type<tc>, window_params = [{transform_indices = @transform_0, window_bounds = array<i64: 1, 8, 512>}, {transform_indices = @transform_1, window_bounds = array<i64: 1024, 8>}, {transform_indices = @transform_2, window_bounds = array<i64: 512, 48>}, {pipeline_mode = #tpu.pipeline_mode<synchronous>, transform_indices = @transform_3, window_bounds = array<i64: 1, 48>}, {pipeline_mode = #tpu.pipeline_mode<synchronous>, transform_indices = @transform_4, window_bounds = array<i64: 1, 48>}, {pipeline_mode = #tpu.pipeline_mode<synchronous>, transform_indices = @transform_5, window_bounds = array<i64: 48, 48>}, {pipeline_mode = #tpu.pipeline_mode<synchronous>, transform_indices = @transform_6, window_bounds = array<i64: 1, 48>}, {transform_indices = @transform_7, window_bounds = array<i64: 512>}, {transform_indices = @transform_8, window_bounds = array<i64: 512>}, {transform_indices = @transform_9, window_bounds = array<i64: 512>}, {transform_indices = @transform_10, window_bounds = array<i64: 512>}, {transform_indices = @transform_11, window_bounds = array<i64: 512>}, {transform_indices = @transform_12, window_bounds = array<i64: 512>}, {transform_indices = @transform_13, window_bounds = array<i64: 512, 128>}]} {
    %add3A = arith.constant 1 : i32
    %add3A_0 = arith.addi %add3A, %arg0 : i32
    %get3A = arith.constant 0 : index
    %get3A_1 = arith.constant 0 : index
    %get3A_2 = arith.constant 0 : index
    %get3A_3 = vector.load %arg2[%get3A, %get3A_1, %get3A_2] : memref<1x8x512xf32, #tpu.memory_space<vmem>>, vector<1x1x512xf32>
    %get3A_4 = vector.shape_cast %get3A_3 : vector<1x1x512xf32> to vector<1x512xf32>
    %get3A_5 = arith.constant 0 : index
    %get3A_6 = arith.constant 1 : index
    %get3A_7 = arith.constant 0 : index
    %get3A_8 = vector.load %arg2[%get3A_5, %get3A_6, %get3A_7] : memref<1x8x512xf32, #tpu.memory_space<vmem>>, vector<1x1x512xf32>
    %get3A_9 = vector.shape_cast %get3A_8 : vector<1x1x512xf32> to vector<1x512xf32>
    %get3A_10 = arith.constant 0 : index
    %get3A_11 = arith.constant 2 : index
    %get3A_12 = arith.constant 0 : index
    %get3A_13 = vector.load %arg2[%get3A_10, %get3A_11, %get3A_12] : memref<1x8x512xf32, #tpu.memory_space<vmem>>, vector<1x1x512xf32>
    %get3A_14 = vector.shape_cast %get3A_13 : vector<1x1x512xf32> to vector<1x512xf32>
    %get3A_15 = arith.constant 0 : index
    %get3A_16 = arith.constant 0 : index
    %get3A_17 = vector.load %arg3[%get3A_15, %get3A_16] : memref<1024x8xf32, #tpu.memory_space<vmem>>, vector<1024x1xf32>
    %get3A_18 = arith.constant 0 : index
    %get3A_19 = arith.constant 1 : index
    %get3A_20 = vector.load %arg3[%get3A_18, %get3A_19] : memref<1024x8xf32, #tpu.memory_space<vmem>>, vector<1024x1xf32>
    %get3A_21 = arith.constant 0 : index
    %get3A_22 = arith.constant 2 : index
    %get3A_23 = vector.load %arg3[%get3A_21, %get3A_22] : memref<1024x8xf32, #tpu.memory_space<vmem>>, vector<1024x1xf32>
    %sub3A = vector.broadcast %get3A_17 : vector<1024x1xf32> to vector<1024x512xf32>
    %sub3A_24 = vector.broadcast %get3A_4 : vector<1x512xf32> to vector<1024x512xf32>
    %sub3A_25 = arith.subf %sub3A, %sub3A_24 : vector<1024x512xf32>
    %sub3A_26 = vector.broadcast %get3A_20 : vector<1024x1xf32> to vector<1024x512xf32>
    %sub3A_27 = vector.broadcast %get3A_9 : vector<1x512xf32> to vector<1024x512xf32>
    %sub3A_28 = arith.subf %sub3A_26, %sub3A_27 : vector<1024x512xf32>
    %sub3A_29 = vector.broadcast %get3A_23 : vector<1024x1xf32> to vector<1024x512xf32>
    %sub3A_30 = vector.broadcast %get3A_14 : vector<1x512xf32> to vector<1024x512xf32>
    %sub3A_31 = arith.subf %sub3A_29, %sub3A_30 : vector<1024x512xf32>
    %mul3A = arith.mulf %sub3A_25, %sub3A_25 : vector<1024x512xf32>
    %mul3A_32 = arith.mulf %sub3A_28, %sub3A_28 : vector<1024x512xf32>
    %add3A_33 = arith.addf %mul3A, %mul3A_32 : vector<1024x512xf32>
    %mul3A_34 = arith.mulf %sub3A_31, %sub3A_31 : vector<1024x512xf32>
    %add3A_35 = arith.addf %add3A_33, %mul3A_34 : vector<1024x512xf32>
    %iota3A = tpu.iota {dimensions = array<i32: 0>} : vector<1024x512xi32>
    %convert_element_type3A = arith.sitofp %iota3A : vector<1024x512xi32> to vector<1024x512xf32>
    %reduce_min3A = arith.constant dense<0x7F800000> : vector<512xf32>
    %reduce_min3A_36 = vector.multi_reduction <minimumf>, %add3A_35, %reduce_min3A [0] : vector<1024x512xf32> to vector<512xf32>
    %broadcast_in_dim3A = vector.shape_cast %reduce_min3A_36 : vector<512xf32> to vector<1x512xf32>
    %eq3A = vector.broadcast %broadcast_in_dim3A : vector<1x512xf32> to vector<1024x512xf32>
    %eq3A_37 = arith.cmpf oeq, %add3A_35, %eq3A : vector<1024x512xf32>
    %jit3A = arith.constant 1.024000e+03 : f32
    %broadcast_in_dim3A_38 = vector.broadcast %jit3A : f32 to vector<1024x512xf32>
    %select_n3A = arith.select %eq3A_37, %convert_element_type3A, %broadcast_in_dim3A_38 : vector<1024x512xi1>, vector<1024x512xf32>
    %reduce_min3A_39 = arith.constant dense<0x7F800000> : vector<512xf32>
    %reduce_min3A_40 = vector.multi_reduction <minimumf>, %select_n3A, %reduce_min3A_39 [0] : vector<1024x512xf32> to vector<512xf32>
    %broadcast_in_dim3A_41 = vector.shape_cast %reduce_min3A_40 : vector<512xf32> to vector<1x512xf32>
    %eq3A_42 = vector.broadcast %broadcast_in_dim3A_41 : vector<1x512xf32> to vector<1024x512xf32>
    %eq3A_43 = arith.cmpf oeq, %convert_element_type3A, %eq3A_42 : vector<1024x512xf32>
    %jit3A_44 = arith.constant 0x7F800000 : f32
    %broadcast_in_dim3A_45 = vector.broadcast %jit3A_44 : f32 to vector<1024x512xf32>
    %select_n3A_46 = arith.select %eq3A_43, %broadcast_in_dim3A_45, %add3A_35 : vector<1024x512xi1>, vector<1024x512xf32>
    %max3A = arith.constant 9.99999996E-13 : f32
    %max3A_47 = vector.broadcast %max3A : f32 to vector<1x512xf32>
    %max3A_48 = arith.maximumf %broadcast_in_dim3A, %max3A_47 : vector<1x512xf32>
    %sqrt3A = math.sqrt %max3A_48 : vector<1x512xf32>
    %add3A_49 = arith.constant 9.99999993E-9 : f32
    %add3A_50 = vector.broadcast %add3A_49 : f32 to vector<1x512xf32>
    %add3A_51 = arith.addf %sqrt3A, %add3A_50 : vector<1x512xf32>
    %div3A = arith.constant 1.000000e+00 : f32
    %div3A_52 = vector.broadcast %div3A : f32 to vector<1x512xf32>
    %div3A_53 = arith.divf %div3A_52, %add3A_51 : vector<1x512xf32>
    %reduce_min3A_54 = arith.constant dense<0x7F800000> : vector<512xf32>
    %reduce_min3A_55 = vector.multi_reduction <minimumf>, %select_n3A_46, %reduce_min3A_54 [0] : vector<1024x512xf32> to vector<512xf32>
    %broadcast_in_dim3A_56 = vector.shape_cast %reduce_min3A_55 : vector<512xf32> to vector<1x512xf32>
    %eq3A_57 = vector.broadcast %broadcast_in_dim3A_56 : vector<1x512xf32> to vector<1024x512xf32>
    %eq3A_58 = arith.cmpf oeq, %select_n3A_46, %eq3A_57 : vector<1024x512xf32>
    %jit3A_59 = arith.constant 1.024000e+03 : f32
    %broadcast_in_dim3A_60 = vector.broadcast %jit3A_59 : f32 to vector<1024x512xf32>
    %select_n3A_61 = arith.select %eq3A_58, %convert_element_type3A, %broadcast_in_dim3A_60 : vector<1024x512xi1>, vector<1024x512xf32>
    %reduce_min3A_62 = arith.constant dense<0x7F800000> : vector<512xf32>
    %reduce_min3A_63 = vector.multi_reduction <minimumf>, %select_n3A_61, %reduce_min3A_62 [0] : vector<1024x512xf32> to vector<512xf32>
    %broadcast_in_dim3A_64 = vector.shape_cast %reduce_min3A_63 : vector<512xf32> to vector<1x512xf32>
    %eq3A_65 = vector.broadcast %broadcast_in_dim3A_64 : vector<1x512xf32> to vector<1024x512xf32>
    %eq3A_66 = arith.cmpf oeq, %convert_element_type3A, %eq3A_65 : vector<1024x512xf32>
    %jit3A_67 = arith.constant 0x7F800000 : f32
    %broadcast_in_dim3A_68 = vector.broadcast %jit3A_67 : f32 to vector<1024x512xf32>
    %select_n3A_69 = arith.select %eq3A_66, %broadcast_in_dim3A_68, %select_n3A_46 : vector<1024x512xi1>, vector<1024x512xf32>
    %max3A_70 = arith.constant 9.99999996E-13 : f32
    %max3A_71 = vector.broadcast %max3A_70 : f32 to vector<1x512xf32>
    %max3A_72 = arith.maximumf %broadcast_in_dim3A_56, %max3A_71 : vector<1x512xf32>
    %sqrt3A_73 = math.sqrt %max3A_72 : vector<1x512xf32>
    %add3A_74 = arith.constant 9.99999993E-9 : f32
    %add3A_75 = vector.broadcast %add3A_74 : f32 to vector<1x512xf32>
    %add3A_76 = arith.addf %sqrt3A_73, %add3A_75 : vector<1x512xf32>
    %div3A_77 = arith.constant 1.000000e+00 : f32
    %div3A_78 = vector.broadcast %div3A_77 : f32 to vector<1x512xf32>
    %div3A_79 = arith.divf %div3A_78, %add3A_76 : vector<1x512xf32>
    %reduce_min3A_80 = arith.constant dense<0x7F800000> : vector<512xf32>
    %reduce_min3A_81 = vector.multi_reduction <minimumf>, %select_n3A_69, %reduce_min3A_80 [0] : vector<1024x512xf32> to vector<512xf32>
    %broadcast_in_dim3A_82 = vector.shape_cast %reduce_min3A_81 : vector<512xf32> to vector<1x512xf32>
    %eq3A_83 = vector.broadcast %broadcast_in_dim3A_82 : vector<1x512xf32> to vector<1024x512xf32>
    %eq3A_84 = arith.cmpf oeq, %select_n3A_69, %eq3A_83 : vector<1024x512xf32>
    %jit3A_85 = arith.constant 1.024000e+03 : f32
    %broadcast_in_dim3A_86 = vector.broadcast %jit3A_85 : f32 to vector<1024x512xf32>
    %select_n3A_87 = arith.select %eq3A_84, %convert_element_type3A, %broadcast_in_dim3A_86 : vector<1024x512xi1>, vector<1024x512xf32>
    %reduce_min3A_88 = arith.constant dense<0x7F800000> : vector<512xf32>
    %reduce_min3A_89 = vector.multi_reduction <minimumf>, %select_n3A_87, %reduce_min3A_88 [0] : vector<1024x512xf32> to vector<512xf32>
    %broadcast_in_dim3A_90 = vector.shape_cast %reduce_min3A_89 : vector<512xf32> to vector<1x512xf32>
    %max3A_91 = arith.constant 9.99999996E-13 : f32
    %max3A_92 = vector.broadcast %max3A_91 : f32 to vector<1x512xf32>
    %max3A_93 = arith.maximumf %broadcast_in_dim3A_82, %max3A_92 : vector<1x512xf32>
    %sqrt3A_94 = math.sqrt %max3A_93 : vector<1x512xf32>
    %add3A_95 = arith.constant 9.99999993E-9 : f32
    %add3A_96 = vector.broadcast %add3A_95 : f32 to vector<1x512xf32>
    %add3A_97 = arith.addf %sqrt3A_94, %add3A_96 : vector<1x512xf32>
    %div3A_98 = arith.constant 1.000000e+00 : f32
    %div3A_99 = vector.broadcast %div3A_98 : f32 to vector<1x512xf32>
    %div3A_100 = arith.divf %div3A_99, %add3A_97 : vector<1x512xf32>
    %add3A_101 = arith.addf %div3A_53, %div3A_79 : vector<1x512xf32>
    %add3A_102 = arith.addf %add3A_101, %div3A_100 : vector<1x512xf32>
    %div3A_103 = arith.divf %div3A_53, %add3A_102 : vector<1x512xf32>
    %div3A_104 = arith.divf %div3A_79, %add3A_102 : vector<1x512xf32>
    %div3A_105 = arith.divf %div3A_100, %add3A_102 : vector<1x512xf32>
    %convert_element_type3A_106 = arith.fptosi %broadcast_in_dim3A_41 : vector<1x512xf32> to vector<1x512xi32>
    %mul3A_107 = arith.constant 1024 : i32
    %mul3A_108 = arith.muli %add3A_0, %mul3A_107 : i32
    %add3A_109 = vector.broadcast %mul3A_108 : i32 to vector<1x512xi32>
    %add3A_110 = arith.addi %convert_element_type3A_106, %add3A_109 : vector<1x512xi32>
    %convert_element_type3A_111 = arith.fptosi %broadcast_in_dim3A_64 : vector<1x512xf32> to vector<1x512xi32>
    %mul3A_112 = arith.constant 1024 : i32
    %mul3A_113 = arith.muli %add3A_0, %mul3A_112 : i32
    %add3A_114 = vector.broadcast %mul3A_113 : i32 to vector<1x512xi32>
    %add3A_115 = arith.addi %convert_element_type3A_111, %add3A_114 : vector<1x512xi32>
    %convert_element_type3A_116 = arith.fptosi %broadcast_in_dim3A_90 : vector<1x512xf32> to vector<1x512xi32>
    %mul3A_117 = arith.constant 1024 : i32
    %mul3A_118 = arith.muli %add3A_0, %mul3A_117 : i32
    %add3A_119 = vector.broadcast %mul3A_118 : i32 to vector<1x512xi32>
    %add3A_120 = arith.addi %convert_element_type3A_116, %add3A_119 : vector<1x512xi32>
    %reshape3A = vector.shape_cast %add3A_110 : vector<1x512xi32> to vector<512xi32>
    %swap3A = arith.constant 0 : index
    %swap3A_121 = vector.load %arg9[%swap3A] : memref<512xi32, #tpu.memory_space<vmem>>, vector<512xi32>
    tpu.vector_store %arg9[%swap3A], %reshape3A {strides = array<i32>} : memref<512xi32, #tpu.memory_space<vmem>>, vector<512xi32>,
    %reshape3A_122 = vector.shape_cast %add3A_115 : vector<1x512xi32> to vector<512xi32>
    %swap3A_123 = arith.constant 0 : index
    %swap3A_124 = vector.load %arg10[%swap3A_123] : memref<512xi32, #tpu.memory_space<vmem>>, vector<512xi32>
    tpu.vector_store %arg10[%swap3A_123], %reshape3A_122 {strides = array<i32>} : memref<512xi32, #tpu.memory_space<vmem>>, vector<512xi32>,
    %reshape3A_125 = vector.shape_cast %add3A_120 : vector<1x512xi32> to vector<512xi32>
    %swap3A_126 = arith.constant 0 : index
    %swap3A_127 = vector.load %arg11[%swap3A_126] : memref<512xi32, #tpu.memory_space<vmem>>, vector<512xi32>
    tpu.vector_store %arg11[%swap3A_126], %reshape3A_125 {strides = array<i32>} : memref<512xi32, #tpu.memory_space<vmem>>, vector<512xi32>,
    %reshape3A_128 = vector.shape_cast %div3A_103 : vector<1x512xf32> to vector<512xf32>
    %swap3A_129 = arith.constant 0 : index
    %swap3A_130 = vector.load %arg12[%swap3A_129] : memref<512xf32, #tpu.memory_space<vmem>>, vector<512xf32>
    tpu.vector_store %arg12[%swap3A_129], %reshape3A_128 {strides = array<i32>} : memref<512xf32, #tpu.memory_space<vmem>>, vector<512xf32>,
    %reshape3A_131 = vector.shape_cast %div3A_104 : vector<1x512xf32> to vector<512xf32>
    %swap3A_132 = arith.constant 0 : index
    %swap3A_133 = vector.load %arg13[%swap3A_132] : memref<512xf32, #tpu.memory_space<vmem>>, vector<512xf32>
    tpu.vector_store %arg13[%swap3A_132], %reshape3A_131 {strides = array<i32>} : memref<512xf32, #tpu.memory_space<vmem>>, vector<512xf32>,
    %reshape3A_134 = vector.shape_cast %div3A_105 : vector<1x512xf32> to vector<512xf32>
    %swap3A_135 = arith.constant 0 : index
    %swap3A_136 = vector.load %arg14[%swap3A_135] : memref<512xf32, #tpu.memory_space<vmem>>, vector<512xf32>
    tpu.vector_store %arg14[%swap3A_135], %reshape3A_134 {strides = array<i32>} : memref<512xf32, #tpu.memory_space<vmem>>, vector<512xf32>,
    %get3A_137 = arith.constant 0 : index
    %get3A_138 = arith.constant 0 : index
    %get3A_139 = vector.load %arg4[%get3A_137, %get3A_138] : memref<512x48xf32, #tpu.memory_space<vmem>>, vector<512x48xf32>
    %reduce_sum3A = arith.constant dense<0.000000e+00> : vector<512xf32>
    %reduce_sum3A_140 = vector.multi_reduction <add>, %get3A_139, %reduce_sum3A [1] : vector<512x48xf32> to vector<512xf32>
    %broadcast_in_dim3A_141 = vector.shape_cast %reduce_sum3A_140 : vector<512xf32> to vector<512x1xf32>
    %div3A_142 = arith.constant 4.800000e+01 : f32
    %div3A_143 = vector.broadcast %div3A_142 : f32 to vector<512x1xf32>
    %div3A_144 = arith.divf %broadcast_in_dim3A_141, %div3A_143 : vector<512x1xf32>
    %sub3A_145 = vector.broadcast %div3A_144 : vector<512x1xf32> to vector<512x48xf32>
    %sub3A_146 = arith.subf %get3A_139, %sub3A_145 : vector<512x48xf32>
    %mul3A_147 = arith.mulf %sub3A_146, %sub3A_146 : vector<512x48xf32>
    %reduce_sum3A_148 = arith.constant dense<0.000000e+00> : vector<512xf32>
    %reduce_sum3A_149 = vector.multi_reduction <add>, %mul3A_147, %reduce_sum3A_148 [1] : vector<512x48xf32> to vector<512xf32>
    %broadcast_in_dim3A_150 = vector.shape_cast %reduce_sum3A_149 : vector<512xf32> to vector<512x1xf32>
    %div3A_151 = arith.constant 4.800000e+01 : f32
    %div3A_152 = vector.broadcast %div3A_151 : f32 to vector<512x1xf32>
    %div3A_153 = arith.divf %broadcast_in_dim3A_150, %div3A_152 : vector<512x1xf32>
    %add3A_154 = arith.constant 9.99999974E-6 : f32
    %add3A_155 = vector.broadcast %add3A_154 : f32 to vector<512x1xf32>
    %add3A_156 = arith.addf %div3A_153, %add3A_155 : vector<512x1xf32>
    %sqrt3A_157 = math.sqrt %add3A_156 : vector<512x1xf32>
    %div3A_158 = vector.broadcast %sqrt3A_157 : vector<512x1xf32> to vector<512x48xf32>
    %div3A_159 = arith.divf %sub3A_146, %div3A_158 : vector<512x48xf32>
    %get3A_160 = arith.constant 0 : index
    %get3A_161 = arith.constant 0 : index
    %get3A_162 = vector.load %arg5[%get3A_160, %get3A_161] : memref<1x48xf32, #tpu.memory_space<vmem>>, vector<1x48xf32>
    %mul3A_163 = vector.broadcast %get3A_162 : vector<1x48xf32> to vector<512x48xf32>
    %mul3A_164 = arith.mulf %div3A_159, %mul3A_163 : vector<512x48xf32>
    %get3A_165 = arith.constant 0 : index
    %get3A_166 = arith.constant 0 : index
    %get3A_167 = vector.load %arg6[%get3A_165, %get3A_166] : memref<1x48xf32, #tpu.memory_space<vmem>>, vector<1x48xf32>
    %add3A_168 = vector.broadcast %get3A_167 : vector<1x48xf32> to vector<512x48xf32>
    %add3A_169 = arith.addf %mul3A_164, %add3A_168 : vector<512x48xf32>
    %get3A_170 = arith.constant 0 : index
    %get3A_171 = arith.constant 0 : index
    %get3A_172 = vector.load %arg7[%get3A_170, %get3A_171] : memref<48x48xf32, #tpu.memory_space<vmem>>, vector<48x48xf32>
    %dot_general3A = arith.constant dense<0.000000e+00> : vector<512x48xf32>
    %dot_general3A_173 = tpu.matmul %add3A_169, %get3A_172, %dot_general3A {dimension_numbers = #tpu.dot_dimension_numbers<[1], [0], [0], [1], [0, 0, 1, 1], [], []>, precision = #tpu.contract_precision<fp32>, transpose_lhs_hint = false} : vector<512x48xf32>, vector<48x48xf32>, vector<512x48xf32> -> vector<512x48xf32>
    %get3A_174 = arith.constant 0 : index
    %get3A_175 = arith.constant 0 : index
    %get3A_176 = vector.load %arg8[%get3A_174, %get3A_175] : memref<1x48xf32, #tpu.memory_space<vmem>>, vector<1x48xf32>
    %add3A_177 = vector.broadcast %get3A_176 : vector<1x48xf32> to vector<512x48xf32>
    %add3A_178 = arith.addf %dot_general3A_173, %add3A_177 : vector<512x48xf32>
    %broadcast_in_dim3A_179 = arith.constant 0.000000e+00 : f32
    %broadcast_in_dim3A_180 = vector.broadcast %broadcast_in_dim3A_179 : f32 to vector<512x80xf32>
    %concatenate3A = tpu.concatenate %add3A_178, %broadcast_in_dim3A_180 in 1 : vector<512x48xf32>, vector<512x80xf32> -> vector<512x128xf32>
    %swap3A_181 = arith.constant 0 : index
    %swap3A_182 = arith.constant 0 : index
    %swap3A_183 = vector.load %arg15[%swap3A_181, %swap3A_182] : memref<512x128xf32, #tpu.memory_space<vmem>>, vector<512x128xf32>
    tpu.vector_store %arg15[%swap3A_181, %swap3A_182], %concatenate3A {strides = array<i32>} : memref<512x128xf32, #tpu.memory_space<vmem>>, vector<512x128xf32>,
    return
  }
  func.func @transform_0(%arg0: i32, %arg1: i32) -> (i32, i32, i32) {
    %add3A = arith.constant 1 : i32
    %add3A_0 = arith.addi %add3A, %arg0 : i32
    %mul3A = arith.constant 8 : i32
    %mul3A_1 = arith.muli %add3A_0, %mul3A : i32
    %add3A_2 = arith.addi %mul3A_1, %arg1 : i32
    %c0_i32 = arith.constant 0 : i32
    %c0_i32_3 = arith.constant 0 : i32
    %c0_i32_4 = arith.constant 0 : i32
    return %c0_i32, %c0_i32_3, %add3A_2 : i32, i32, i32
  }
  func.func @transform_1(%arg0: i32, %arg1: i32) -> (i32, i32) {
    %add3A = arith.constant 1 : i32
    %add3A_0 = arith.addi %add3A, %arg0 : i32
    %c0_i32 = arith.constant 0 : i32
    %c0_i32_1 = arith.constant 0 : i32
    return %add3A_0, %c0_i32 : i32, i32
  }
  func.func @transform_2(%arg0: i32, %arg1: i32) -> (i32, i32) {
    %add3A = arith.constant 1 : i32
    %add3A_0 = arith.addi %add3A, %arg0 : i32
    %mul3A = arith.constant 8 : i32
    %mul3A_1 = arith.muli %add3A_0, %mul3A : i32
    %add3A_2 = arith.addi %mul3A_1, %arg1 : i32
    %c0_i32 = arith.constant 0 : i32
    %c0_i32_3 = arith.constant 0 : i32
    return %add3A_2, %c0_i32 : i32, i32
  }
  func.func @transform_3(%arg0: i32, %arg1: i32) -> (i32, i32) {
    %c0_i32 = arith.constant 0 : i32
    %c0_i32_0 = arith.constant 0 : i32
    %c0_i32_1 = arith.constant 0 : i32
    return %c0_i32, %c0_i32_0 : i32, i32
  }
  func.func @transform_4(%arg0: i32, %arg1: i32) -> (i32, i32) {
    %c0_i32 = arith.constant 0 : i32
    %c0_i32_0 = arith.constant 0 : i32
    %c0_i32_1 = arith.constant 0 : i32
    return %c0_i32, %c0_i32_0 : i32, i32
  }
  func.func @transform_5(%arg0: i32, %arg1: i32) -> (i32, i32) {
    %c0_i32 = arith.constant 0 : i32
    %c0_i32_0 = arith.constant 0 : i32
    %c0_i32_1 = arith.constant 0 : i32
    return %c0_i32, %c0_i32_0 : i32, i32
  }
  func.func @transform_6(%arg0: i32, %arg1: i32) -> (i32, i32) {
    %c0_i32 = arith.constant 0 : i32
    %c0_i32_0 = arith.constant 0 : i32
    %c0_i32_1 = arith.constant 0 : i32
    return %c0_i32, %c0_i32_0 : i32, i32
  }
  func.func @transform_7(%arg0: i32, %arg1: i32) -> i32 {
    %mul3A = arith.constant 8 : i32
    %mul3A_0 = arith.muli %arg0, %mul3A : i32
    %add3A = arith.addi %mul3A_0, %arg1 : i32
    %c0_i32 = arith.constant 0 : i32
    return %add3A : i32
  }
  func.func @transform_8(%arg0: i32, %arg1: i32) -> i32 {
    %mul3A = arith.constant 8 : i32
    %mul3A_0 = arith.muli %arg0, %mul3A : i32
    %add3A = arith.addi %mul3A_0, %arg1 : i32
    %c0_i32 = arith.constant 0 : i32
    return %add3A : i32
  }
  func.func @transform_9(%arg0: i32, %arg1: i32) -> i32 {
    %mul3A = arith.constant 8 : i32
    %mul3A_0 = arith.muli %arg0, %mul3A : i32
    %add3A = arith.addi %mul3A_0, %arg1 : i32
    %c0_i32 = arith.constant 0 : i32
    return %add3A : i32
  }
  func.func @transform_10(%arg0: i32, %arg1: i32) -> i32 {
    %mul3A = arith.constant 8 : i32
    %mul3A_0 = arith.muli %arg0, %mul3A : i32
    %add3A = arith.addi %mul3A_0, %arg1 : i32
    %c0_i32 = arith.constant 0 : i32
    return %add3A : i32
  }
  func.func @transform_11(%arg0: i32, %arg1: i32) -> i32 {
    %mul3A = arith.constant 8 : i32
    %mul3A_0 = arith.muli %arg0, %mul3A : i32
    %add3A = arith.addi %mul3A_0, %arg1 : i32
    %c0_i32 = arith.constant 0 : i32
    return %add3A : i32
  }
  func.func @transform_12(%arg0: i32, %arg1: i32) -> i32 {
    %mul3A = arith.constant 8 : i32
    %mul3A_0 = arith.muli %arg0, %mul3A : i32
    %add3A = arith.addi %mul3A_0, %arg1 : i32
    %c0_i32 = arith.constant 0 : i32
    return %add3A : i32
  }
  func.func @transform_13(%arg0: i32, %arg1: i32) -> (i32, i32) {
    %mul3A = arith.constant 8 : i32
    %mul3A_0 = arith.muli %arg0, %mul3A : i32
    %add3A = arith.addi %mul3A_0, %arg1 : i32
    %c0_i32 = arith.constant 0 : i32
    %c0_i32_1 = arith.constant 0 : i32
    return %add3A, %c0_i32 : i32, i32
  }
}

module attributes {stable_mosaic.version = 14 : i64} {
  func.func @_knn_body(%arg0: i32, %arg1: i32, %arg2: memref<1x8x512xf32, #tpu.memory_space<vmem>>, %arg3: memref<1024x8xf32, #tpu.memory_space<vmem>>, %arg4: memref<512x48xf32, #tpu.memory_space<vmem>>, %arg5: memref<1x48xf32, #tpu.memory_space<vmem>>, %arg6: memref<1x48xf32, #tpu.memory_space<vmem>>, %arg7: memref<48x48xf32, #tpu.memory_space<vmem>>, %arg8: memref<1x48xf32, #tpu.memory_space<vmem>>, %arg9: memref<512xi32, #tpu.memory_space<vmem>>, %arg10: memref<512xi32, #tpu.memory_space<vmem>>, %arg11: memref<512xi32, #tpu.memory_space<vmem>>, %arg12: memref<512xf32, #tpu.memory_space<vmem>>, %arg13: memref<512xf32, #tpu.memory_space<vmem>>, %arg14: memref<512xf32, #tpu.memory_space<vmem>>, %arg15: memref<512x128xf32, #tpu.memory_space<vmem>>) attributes {dimension_semantics = [#tpu.dimension_semantics<arbitrary>, #tpu.dimension_semantics<arbitrary>], iteration_bounds = array<i64: 1, 8>, scalar_prefetch = 0 : i64, scratch_operands = 0 : i64, tpu.core_type = #tpu.core_type<tc>, window_params = [{transform_indices = @transform_0, window_bounds = array<i64: 1, 8, 512>}, {transform_indices = @transform_1, window_bounds = array<i64: 1024, 8>}, {transform_indices = @transform_2, window_bounds = array<i64: 512, 48>}, {pipeline_mode = #tpu.pipeline_mode<synchronous>, transform_indices = @transform_3, window_bounds = array<i64: 1, 48>}, {pipeline_mode = #tpu.pipeline_mode<synchronous>, transform_indices = @transform_4, window_bounds = array<i64: 1, 48>}, {pipeline_mode = #tpu.pipeline_mode<synchronous>, transform_indices = @transform_5, window_bounds = array<i64: 48, 48>}, {pipeline_mode = #tpu.pipeline_mode<synchronous>, transform_indices = @transform_6, window_bounds = array<i64: 1, 48>}, {transform_indices = @transform_7, window_bounds = array<i64: 512>}, {transform_indices = @transform_8, window_bounds = array<i64: 512>}, {transform_indices = @transform_9, window_bounds = array<i64: 512>}, {transform_indices = @transform_10, window_bounds = array<i64: 512>}, {transform_indices = @transform_11, window_bounds = array<i64: 512>}, {transform_indices = @transform_12, window_bounds = array<i64: 512>}, {transform_indices = @transform_13, window_bounds = array<i64: 512, 128>}]} {
    %add3A = arith.constant 2 : i32
    %add3A_0 = arith.addi %add3A, %arg0 : i32
    %get3A = arith.constant 0 : index
    %get3A_1 = arith.constant 0 : index
    %get3A_2 = arith.constant 0 : index
    %get3A_3 = vector.load %arg2[%get3A, %get3A_1, %get3A_2] : memref<1x8x512xf32, #tpu.memory_space<vmem>>, vector<1x1x512xf32>
    %get3A_4 = vector.shape_cast %get3A_3 : vector<1x1x512xf32> to vector<1x512xf32>
    %get3A_5 = arith.constant 0 : index
    %get3A_6 = arith.constant 1 : index
    %get3A_7 = arith.constant 0 : index
    %get3A_8 = vector.load %arg2[%get3A_5, %get3A_6, %get3A_7] : memref<1x8x512xf32, #tpu.memory_space<vmem>>, vector<1x1x512xf32>
    %get3A_9 = vector.shape_cast %get3A_8 : vector<1x1x512xf32> to vector<1x512xf32>
    %get3A_10 = arith.constant 0 : index
    %get3A_11 = arith.constant 2 : index
    %get3A_12 = arith.constant 0 : index
    %get3A_13 = vector.load %arg2[%get3A_10, %get3A_11, %get3A_12] : memref<1x8x512xf32, #tpu.memory_space<vmem>>, vector<1x1x512xf32>
    %get3A_14 = vector.shape_cast %get3A_13 : vector<1x1x512xf32> to vector<1x512xf32>
    %get3A_15 = arith.constant 0 : index
    %get3A_16 = arith.constant 0 : index
    %get3A_17 = vector.load %arg3[%get3A_15, %get3A_16] : memref<1024x8xf32, #tpu.memory_space<vmem>>, vector<1024x1xf32>
    %get3A_18 = arith.constant 0 : index
    %get3A_19 = arith.constant 1 : index
    %get3A_20 = vector.load %arg3[%get3A_18, %get3A_19] : memref<1024x8xf32, #tpu.memory_space<vmem>>, vector<1024x1xf32>
    %get3A_21 = arith.constant 0 : index
    %get3A_22 = arith.constant 2 : index
    %get3A_23 = vector.load %arg3[%get3A_21, %get3A_22] : memref<1024x8xf32, #tpu.memory_space<vmem>>, vector<1024x1xf32>
    %sub3A = vector.broadcast %get3A_17 : vector<1024x1xf32> to vector<1024x512xf32>
    %sub3A_24 = vector.broadcast %get3A_4 : vector<1x512xf32> to vector<1024x512xf32>
    %sub3A_25 = arith.subf %sub3A, %sub3A_24 : vector<1024x512xf32>
    %sub3A_26 = vector.broadcast %get3A_20 : vector<1024x1xf32> to vector<1024x512xf32>
    %sub3A_27 = vector.broadcast %get3A_9 : vector<1x512xf32> to vector<1024x512xf32>
    %sub3A_28 = arith.subf %sub3A_26, %sub3A_27 : vector<1024x512xf32>
    %sub3A_29 = vector.broadcast %get3A_23 : vector<1024x1xf32> to vector<1024x512xf32>
    %sub3A_30 = vector.broadcast %get3A_14 : vector<1x512xf32> to vector<1024x512xf32>
    %sub3A_31 = arith.subf %sub3A_29, %sub3A_30 : vector<1024x512xf32>
    %mul3A = arith.mulf %sub3A_25, %sub3A_25 : vector<1024x512xf32>
    %mul3A_32 = arith.mulf %sub3A_28, %sub3A_28 : vector<1024x512xf32>
    %add3A_33 = arith.addf %mul3A, %mul3A_32 : vector<1024x512xf32>
    %mul3A_34 = arith.mulf %sub3A_31, %sub3A_31 : vector<1024x512xf32>
    %add3A_35 = arith.addf %add3A_33, %mul3A_34 : vector<1024x512xf32>
    %iota3A = tpu.iota {dimensions = array<i32: 0>} : vector<1024x512xi32>
    %convert_element_type3A = arith.sitofp %iota3A : vector<1024x512xi32> to vector<1024x512xf32>
    %reduce_min3A = arith.constant dense<0x7F800000> : vector<512xf32>
    %reduce_min3A_36 = vector.multi_reduction <minimumf>, %add3A_35, %reduce_min3A [0] : vector<1024x512xf32> to vector<512xf32>
    %broadcast_in_dim3A = vector.shape_cast %reduce_min3A_36 : vector<512xf32> to vector<1x512xf32>
    %eq3A = vector.broadcast %broadcast_in_dim3A : vector<1x512xf32> to vector<1024x512xf32>
    %eq3A_37 = arith.cmpf oeq, %add3A_35, %eq3A : vector<1024x512xf32>
    %jit3A = arith.constant 1.024000e+03 : f32
    %broadcast_in_dim3A_38 = vector.broadcast %jit3A : f32 to vector<1024x512xf32>
    %select_n3A = arith.select %eq3A_37, %convert_element_type3A, %broadcast_in_dim3A_38 : vector<1024x512xi1>, vector<1024x512xf32>
    %reduce_min3A_39 = arith.constant dense<0x7F800000> : vector<512xf32>
    %reduce_min3A_40 = vector.multi_reduction <minimumf>, %select_n3A, %reduce_min3A_39 [0] : vector<1024x512xf32> to vector<512xf32>
    %broadcast_in_dim3A_41 = vector.shape_cast %reduce_min3A_40 : vector<512xf32> to vector<1x512xf32>
    %eq3A_42 = vector.broadcast %broadcast_in_dim3A_41 : vector<1x512xf32> to vector<1024x512xf32>
    %eq3A_43 = arith.cmpf oeq, %convert_element_type3A, %eq3A_42 : vector<1024x512xf32>
    %jit3A_44 = arith.constant 0x7F800000 : f32
    %broadcast_in_dim3A_45 = vector.broadcast %jit3A_44 : f32 to vector<1024x512xf32>
    %select_n3A_46 = arith.select %eq3A_43, %broadcast_in_dim3A_45, %add3A_35 : vector<1024x512xi1>, vector<1024x512xf32>
    %max3A = arith.constant 9.99999996E-13 : f32
    %max3A_47 = vector.broadcast %max3A : f32 to vector<1x512xf32>
    %max3A_48 = arith.maximumf %broadcast_in_dim3A, %max3A_47 : vector<1x512xf32>
    %sqrt3A = math.sqrt %max3A_48 : vector<1x512xf32>
    %add3A_49 = arith.constant 9.99999993E-9 : f32
    %add3A_50 = vector.broadcast %add3A_49 : f32 to vector<1x512xf32>
    %add3A_51 = arith.addf %sqrt3A, %add3A_50 : vector<1x512xf32>
    %div3A = arith.constant 1.000000e+00 : f32
    %div3A_52 = vector.broadcast %div3A : f32 to vector<1x512xf32>
    %div3A_53 = arith.divf %div3A_52, %add3A_51 : vector<1x512xf32>
    %reduce_min3A_54 = arith.constant dense<0x7F800000> : vector<512xf32>
    %reduce_min3A_55 = vector.multi_reduction <minimumf>, %select_n3A_46, %reduce_min3A_54 [0] : vector<1024x512xf32> to vector<512xf32>
    %broadcast_in_dim3A_56 = vector.shape_cast %reduce_min3A_55 : vector<512xf32> to vector<1x512xf32>
    %eq3A_57 = vector.broadcast %broadcast_in_dim3A_56 : vector<1x512xf32> to vector<1024x512xf32>
    %eq3A_58 = arith.cmpf oeq, %select_n3A_46, %eq3A_57 : vector<1024x512xf32>
    %jit3A_59 = arith.constant 1.024000e+03 : f32
    %broadcast_in_dim3A_60 = vector.broadcast %jit3A_59 : f32 to vector<1024x512xf32>
    %select_n3A_61 = arith.select %eq3A_58, %convert_element_type3A, %broadcast_in_dim3A_60 : vector<1024x512xi1>, vector<1024x512xf32>
    %reduce_min3A_62 = arith.constant dense<0x7F800000> : vector<512xf32>
    %reduce_min3A_63 = vector.multi_reduction <minimumf>, %select_n3A_61, %reduce_min3A_62 [0] : vector<1024x512xf32> to vector<512xf32>
    %broadcast_in_dim3A_64 = vector.shape_cast %reduce_min3A_63 : vector<512xf32> to vector<1x512xf32>
    %eq3A_65 = vector.broadcast %broadcast_in_dim3A_64 : vector<1x512xf32> to vector<1024x512xf32>
    %eq3A_66 = arith.cmpf oeq, %convert_element_type3A, %eq3A_65 : vector<1024x512xf32>
    %jit3A_67 = arith.constant 0x7F800000 : f32
    %broadcast_in_dim3A_68 = vector.broadcast %jit3A_67 : f32 to vector<1024x512xf32>
    %select_n3A_69 = arith.select %eq3A_66, %broadcast_in_dim3A_68, %select_n3A_46 : vector<1024x512xi1>, vector<1024x512xf32>
    %max3A_70 = arith.constant 9.99999996E-13 : f32
    %max3A_71 = vector.broadcast %max3A_70 : f32 to vector<1x512xf32>
    %max3A_72 = arith.maximumf %broadcast_in_dim3A_56, %max3A_71 : vector<1x512xf32>
    %sqrt3A_73 = math.sqrt %max3A_72 : vector<1x512xf32>
    %add3A_74 = arith.constant 9.99999993E-9 : f32
    %add3A_75 = vector.broadcast %add3A_74 : f32 to vector<1x512xf32>
    %add3A_76 = arith.addf %sqrt3A_73, %add3A_75 : vector<1x512xf32>
    %div3A_77 = arith.constant 1.000000e+00 : f32
    %div3A_78 = vector.broadcast %div3A_77 : f32 to vector<1x512xf32>
    %div3A_79 = arith.divf %div3A_78, %add3A_76 : vector<1x512xf32>
    %reduce_min3A_80 = arith.constant dense<0x7F800000> : vector<512xf32>
    %reduce_min3A_81 = vector.multi_reduction <minimumf>, %select_n3A_69, %reduce_min3A_80 [0] : vector<1024x512xf32> to vector<512xf32>
    %broadcast_in_dim3A_82 = vector.shape_cast %reduce_min3A_81 : vector<512xf32> to vector<1x512xf32>
    %eq3A_83 = vector.broadcast %broadcast_in_dim3A_82 : vector<1x512xf32> to vector<1024x512xf32>
    %eq3A_84 = arith.cmpf oeq, %select_n3A_69, %eq3A_83 : vector<1024x512xf32>
    %jit3A_85 = arith.constant 1.024000e+03 : f32
    %broadcast_in_dim3A_86 = vector.broadcast %jit3A_85 : f32 to vector<1024x512xf32>
    %select_n3A_87 = arith.select %eq3A_84, %convert_element_type3A, %broadcast_in_dim3A_86 : vector<1024x512xi1>, vector<1024x512xf32>
    %reduce_min3A_88 = arith.constant dense<0x7F800000> : vector<512xf32>
    %reduce_min3A_89 = vector.multi_reduction <minimumf>, %select_n3A_87, %reduce_min3A_88 [0] : vector<1024x512xf32> to vector<512xf32>
    %broadcast_in_dim3A_90 = vector.shape_cast %reduce_min3A_89 : vector<512xf32> to vector<1x512xf32>
    %max3A_91 = arith.constant 9.99999996E-13 : f32
    %max3A_92 = vector.broadcast %max3A_91 : f32 to vector<1x512xf32>
    %max3A_93 = arith.maximumf %broadcast_in_dim3A_82, %max3A_92 : vector<1x512xf32>
    %sqrt3A_94 = math.sqrt %max3A_93 : vector<1x512xf32>
    %add3A_95 = arith.constant 9.99999993E-9 : f32
    %add3A_96 = vector.broadcast %add3A_95 : f32 to vector<1x512xf32>
    %add3A_97 = arith.addf %sqrt3A_94, %add3A_96 : vector<1x512xf32>
    %div3A_98 = arith.constant 1.000000e+00 : f32
    %div3A_99 = vector.broadcast %div3A_98 : f32 to vector<1x512xf32>
    %div3A_100 = arith.divf %div3A_99, %add3A_97 : vector<1x512xf32>
    %add3A_101 = arith.addf %div3A_53, %div3A_79 : vector<1x512xf32>
    %add3A_102 = arith.addf %add3A_101, %div3A_100 : vector<1x512xf32>
    %div3A_103 = arith.divf %div3A_53, %add3A_102 : vector<1x512xf32>
    %div3A_104 = arith.divf %div3A_79, %add3A_102 : vector<1x512xf32>
    %div3A_105 = arith.divf %div3A_100, %add3A_102 : vector<1x512xf32>
    %convert_element_type3A_106 = arith.fptosi %broadcast_in_dim3A_41 : vector<1x512xf32> to vector<1x512xi32>
    %mul3A_107 = arith.constant 1024 : i32
    %mul3A_108 = arith.muli %add3A_0, %mul3A_107 : i32
    %add3A_109 = vector.broadcast %mul3A_108 : i32 to vector<1x512xi32>
    %add3A_110 = arith.addi %convert_element_type3A_106, %add3A_109 : vector<1x512xi32>
    %convert_element_type3A_111 = arith.fptosi %broadcast_in_dim3A_64 : vector<1x512xf32> to vector<1x512xi32>
    %mul3A_112 = arith.constant 1024 : i32
    %mul3A_113 = arith.muli %add3A_0, %mul3A_112 : i32
    %add3A_114 = vector.broadcast %mul3A_113 : i32 to vector<1x512xi32>
    %add3A_115 = arith.addi %convert_element_type3A_111, %add3A_114 : vector<1x512xi32>
    %convert_element_type3A_116 = arith.fptosi %broadcast_in_dim3A_90 : vector<1x512xf32> to vector<1x512xi32>
    %mul3A_117 = arith.constant 1024 : i32
    %mul3A_118 = arith.muli %add3A_0, %mul3A_117 : i32
    %add3A_119 = vector.broadcast %mul3A_118 : i32 to vector<1x512xi32>
    %add3A_120 = arith.addi %convert_element_type3A_116, %add3A_119 : vector<1x512xi32>
    %reshape3A = vector.shape_cast %add3A_110 : vector<1x512xi32> to vector<512xi32>
    %swap3A = arith.constant 0 : index
    %swap3A_121 = vector.load %arg9[%swap3A] : memref<512xi32, #tpu.memory_space<vmem>>, vector<512xi32>
    tpu.vector_store %arg9[%swap3A], %reshape3A {strides = array<i32>} : memref<512xi32, #tpu.memory_space<vmem>>, vector<512xi32>,
    %reshape3A_122 = vector.shape_cast %add3A_115 : vector<1x512xi32> to vector<512xi32>
    %swap3A_123 = arith.constant 0 : index
    %swap3A_124 = vector.load %arg10[%swap3A_123] : memref<512xi32, #tpu.memory_space<vmem>>, vector<512xi32>
    tpu.vector_store %arg10[%swap3A_123], %reshape3A_122 {strides = array<i32>} : memref<512xi32, #tpu.memory_space<vmem>>, vector<512xi32>,
    %reshape3A_125 = vector.shape_cast %add3A_120 : vector<1x512xi32> to vector<512xi32>
    %swap3A_126 = arith.constant 0 : index
    %swap3A_127 = vector.load %arg11[%swap3A_126] : memref<512xi32, #tpu.memory_space<vmem>>, vector<512xi32>
    tpu.vector_store %arg11[%swap3A_126], %reshape3A_125 {strides = array<i32>} : memref<512xi32, #tpu.memory_space<vmem>>, vector<512xi32>,
    %reshape3A_128 = vector.shape_cast %div3A_103 : vector<1x512xf32> to vector<512xf32>
    %swap3A_129 = arith.constant 0 : index
    %swap3A_130 = vector.load %arg12[%swap3A_129] : memref<512xf32, #tpu.memory_space<vmem>>, vector<512xf32>
    tpu.vector_store %arg12[%swap3A_129], %reshape3A_128 {strides = array<i32>} : memref<512xf32, #tpu.memory_space<vmem>>, vector<512xf32>,
    %reshape3A_131 = vector.shape_cast %div3A_104 : vector<1x512xf32> to vector<512xf32>
    %swap3A_132 = arith.constant 0 : index
    %swap3A_133 = vector.load %arg13[%swap3A_132] : memref<512xf32, #tpu.memory_space<vmem>>, vector<512xf32>
    tpu.vector_store %arg13[%swap3A_132], %reshape3A_131 {strides = array<i32>} : memref<512xf32, #tpu.memory_space<vmem>>, vector<512xf32>,
    %reshape3A_134 = vector.shape_cast %div3A_105 : vector<1x512xf32> to vector<512xf32>
    %swap3A_135 = arith.constant 0 : index
    %swap3A_136 = vector.load %arg14[%swap3A_135] : memref<512xf32, #tpu.memory_space<vmem>>, vector<512xf32>
    tpu.vector_store %arg14[%swap3A_135], %reshape3A_134 {strides = array<i32>} : memref<512xf32, #tpu.memory_space<vmem>>, vector<512xf32>,
    %get3A_137 = arith.constant 0 : index
    %get3A_138 = arith.constant 0 : index
    %get3A_139 = vector.load %arg4[%get3A_137, %get3A_138] : memref<512x48xf32, #tpu.memory_space<vmem>>, vector<512x48xf32>
    %reduce_sum3A = arith.constant dense<0.000000e+00> : vector<512xf32>
    %reduce_sum3A_140 = vector.multi_reduction <add>, %get3A_139, %reduce_sum3A [1] : vector<512x48xf32> to vector<512xf32>
    %broadcast_in_dim3A_141 = vector.shape_cast %reduce_sum3A_140 : vector<512xf32> to vector<512x1xf32>
    %div3A_142 = arith.constant 4.800000e+01 : f32
    %div3A_143 = vector.broadcast %div3A_142 : f32 to vector<512x1xf32>
    %div3A_144 = arith.divf %broadcast_in_dim3A_141, %div3A_143 : vector<512x1xf32>
    %sub3A_145 = vector.broadcast %div3A_144 : vector<512x1xf32> to vector<512x48xf32>
    %sub3A_146 = arith.subf %get3A_139, %sub3A_145 : vector<512x48xf32>
    %mul3A_147 = arith.mulf %sub3A_146, %sub3A_146 : vector<512x48xf32>
    %reduce_sum3A_148 = arith.constant dense<0.000000e+00> : vector<512xf32>
    %reduce_sum3A_149 = vector.multi_reduction <add>, %mul3A_147, %reduce_sum3A_148 [1] : vector<512x48xf32> to vector<512xf32>
    %broadcast_in_dim3A_150 = vector.shape_cast %reduce_sum3A_149 : vector<512xf32> to vector<512x1xf32>
    %div3A_151 = arith.constant 4.800000e+01 : f32
    %div3A_152 = vector.broadcast %div3A_151 : f32 to vector<512x1xf32>
    %div3A_153 = arith.divf %broadcast_in_dim3A_150, %div3A_152 : vector<512x1xf32>
    %add3A_154 = arith.constant 9.99999974E-6 : f32
    %add3A_155 = vector.broadcast %add3A_154 : f32 to vector<512x1xf32>
    %add3A_156 = arith.addf %div3A_153, %add3A_155 : vector<512x1xf32>
    %sqrt3A_157 = math.sqrt %add3A_156 : vector<512x1xf32>
    %div3A_158 = vector.broadcast %sqrt3A_157 : vector<512x1xf32> to vector<512x48xf32>
    %div3A_159 = arith.divf %sub3A_146, %div3A_158 : vector<512x48xf32>
    %get3A_160 = arith.constant 0 : index
    %get3A_161 = arith.constant 0 : index
    %get3A_162 = vector.load %arg5[%get3A_160, %get3A_161] : memref<1x48xf32, #tpu.memory_space<vmem>>, vector<1x48xf32>
    %mul3A_163 = vector.broadcast %get3A_162 : vector<1x48xf32> to vector<512x48xf32>
    %mul3A_164 = arith.mulf %div3A_159, %mul3A_163 : vector<512x48xf32>
    %get3A_165 = arith.constant 0 : index
    %get3A_166 = arith.constant 0 : index
    %get3A_167 = vector.load %arg6[%get3A_165, %get3A_166] : memref<1x48xf32, #tpu.memory_space<vmem>>, vector<1x48xf32>
    %add3A_168 = vector.broadcast %get3A_167 : vector<1x48xf32> to vector<512x48xf32>
    %add3A_169 = arith.addf %mul3A_164, %add3A_168 : vector<512x48xf32>
    %get3A_170 = arith.constant 0 : index
    %get3A_171 = arith.constant 0 : index
    %get3A_172 = vector.load %arg7[%get3A_170, %get3A_171] : memref<48x48xf32, #tpu.memory_space<vmem>>, vector<48x48xf32>
    %dot_general3A = arith.constant dense<0.000000e+00> : vector<512x48xf32>
    %dot_general3A_173 = tpu.matmul %add3A_169, %get3A_172, %dot_general3A {dimension_numbers = #tpu.dot_dimension_numbers<[1], [0], [0], [1], [0, 0, 1, 1], [], []>, precision = #tpu.contract_precision<fp32>, transpose_lhs_hint = false} : vector<512x48xf32>, vector<48x48xf32>, vector<512x48xf32> -> vector<512x48xf32>
    %get3A_174 = arith.constant 0 : index
    %get3A_175 = arith.constant 0 : index
    %get3A_176 = vector.load %arg8[%get3A_174, %get3A_175] : memref<1x48xf32, #tpu.memory_space<vmem>>, vector<1x48xf32>
    %add3A_177 = vector.broadcast %get3A_176 : vector<1x48xf32> to vector<512x48xf32>
    %add3A_178 = arith.addf %dot_general3A_173, %add3A_177 : vector<512x48xf32>
    %broadcast_in_dim3A_179 = arith.constant 0.000000e+00 : f32
    %broadcast_in_dim3A_180 = vector.broadcast %broadcast_in_dim3A_179 : f32 to vector<512x80xf32>
    %concatenate3A = tpu.concatenate %add3A_178, %broadcast_in_dim3A_180 in 1 : vector<512x48xf32>, vector<512x80xf32> -> vector<512x128xf32>
    %swap3A_181 = arith.constant 0 : index
    %swap3A_182 = arith.constant 0 : index
    %swap3A_183 = vector.load %arg15[%swap3A_181, %swap3A_182] : memref<512x128xf32, #tpu.memory_space<vmem>>, vector<512x128xf32>
    tpu.vector_store %arg15[%swap3A_181, %swap3A_182], %concatenate3A {strides = array<i32>} : memref<512x128xf32, #tpu.memory_space<vmem>>, vector<512x128xf32>,
    return
  }
  func.func @transform_0(%arg0: i32, %arg1: i32) -> (i32, i32, i32) {
    %add3A = arith.constant 2 : i32
    %add3A_0 = arith.addi %add3A, %arg0 : i32
    %mul3A = arith.constant 8 : i32
    %mul3A_1 = arith.muli %add3A_0, %mul3A : i32
    %add3A_2 = arith.addi %mul3A_1, %arg1 : i32
    %c0_i32 = arith.constant 0 : i32
    %c0_i32_3 = arith.constant 0 : i32
    %c0_i32_4 = arith.constant 0 : i32
    return %c0_i32, %c0_i32_3, %add3A_2 : i32, i32, i32
  }
  func.func @transform_1(%arg0: i32, %arg1: i32) -> (i32, i32) {
    %add3A = arith.constant 2 : i32
    %add3A_0 = arith.addi %add3A, %arg0 : i32
    %c0_i32 = arith.constant 0 : i32
    %c0_i32_1 = arith.constant 0 : i32
    return %add3A_0, %c0_i32 : i32, i32
  }
  func.func @transform_2(%arg0: i32, %arg1: i32) -> (i32, i32) {
    %add3A = arith.constant 2 : i32
    %add3A_0 = arith.addi %add3A, %arg0 : i32
    %mul3A = arith.constant 8 : i32
    %mul3A_1 = arith.muli %add3A_0, %mul3A : i32
    %add3A_2 = arith.addi %mul3A_1, %arg1 : i32
    %c0_i32 = arith.constant 0 : i32
    %c0_i32_3 = arith.constant 0 : i32
    return %add3A_2, %c0_i32 : i32, i32
  }
  func.func @transform_3(%arg0: i32, %arg1: i32) -> (i32, i32) {
    %c0_i32 = arith.constant 0 : i32
    %c0_i32_0 = arith.constant 0 : i32
    %c0_i32_1 = arith.constant 0 : i32
    return %c0_i32, %c0_i32_0 : i32, i32
  }
  func.func @transform_4(%arg0: i32, %arg1: i32) -> (i32, i32) {
    %c0_i32 = arith.constant 0 : i32
    %c0_i32_0 = arith.constant 0 : i32
    %c0_i32_1 = arith.constant 0 : i32
    return %c0_i32, %c0_i32_0 : i32, i32
  }
  func.func @transform_5(%arg0: i32, %arg1: i32) -> (i32, i32) {
    %c0_i32 = arith.constant 0 : i32
    %c0_i32_0 = arith.constant 0 : i32
    %c0_i32_1 = arith.constant 0 : i32
    return %c0_i32, %c0_i32_0 : i32, i32
  }
  func.func @transform_6(%arg0: i32, %arg1: i32) -> (i32, i32) {
    %c0_i32 = arith.constant 0 : i32
    %c0_i32_0 = arith.constant 0 : i32
    %c0_i32_1 = arith.constant 0 : i32
    return %c0_i32, %c0_i32_0 : i32, i32
  }
  func.func @transform_7(%arg0: i32, %arg1: i32) -> i32 {
    %mul3A = arith.constant 8 : i32
    %mul3A_0 = arith.muli %arg0, %mul3A : i32
    %add3A = arith.addi %mul3A_0, %arg1 : i32
    %c0_i32 = arith.constant 0 : i32
    return %add3A : i32
  }
  func.func @transform_8(%arg0: i32, %arg1: i32) -> i32 {
    %mul3A = arith.constant 8 : i32
    %mul3A_0 = arith.muli %arg0, %mul3A : i32
    %add3A = arith.addi %mul3A_0, %arg1 : i32
    %c0_i32 = arith.constant 0 : i32
    return %add3A : i32
  }
  func.func @transform_9(%arg0: i32, %arg1: i32) -> i32 {
    %mul3A = arith.constant 8 : i32
    %mul3A_0 = arith.muli %arg0, %mul3A : i32
    %add3A = arith.addi %mul3A_0, %arg1 : i32
    %c0_i32 = arith.constant 0 : i32
    return %add3A : i32
  }
  func.func @transform_10(%arg0: i32, %arg1: i32) -> i32 {
    %mul3A = arith.constant 8 : i32
    %mul3A_0 = arith.muli %arg0, %mul3A : i32
    %add3A = arith.addi %mul3A_0, %arg1 : i32
    %c0_i32 = arith.constant 0 : i32
    return %add3A : i32
  }
  func.func @transform_11(%arg0: i32, %arg1: i32) -> i32 {
    %mul3A = arith.constant 8 : i32
    %mul3A_0 = arith.muli %arg0, %mul3A : i32
    %add3A = arith.addi %mul3A_0, %arg1 : i32
    %c0_i32 = arith.constant 0 : i32
    return %add3A : i32
  }
  func.func @transform_12(%arg0: i32, %arg1: i32) -> i32 {
    %mul3A = arith.constant 8 : i32
    %mul3A_0 = arith.muli %arg0, %mul3A : i32
    %add3A = arith.addi %mul3A_0, %arg1 : i32
    %c0_i32 = arith.constant 0 : i32
    return %add3A : i32
  }
  func.func @transform_13(%arg0: i32, %arg1: i32) -> (i32, i32) {
    %mul3A = arith.constant 8 : i32
    %mul3A_0 = arith.muli %arg0, %mul3A : i32
    %add3A = arith.addi %mul3A_0, %arg1 : i32
    %c0_i32 = arith.constant 0 : i32
    %c0_i32_1 = arith.constant 0 : i32
    return %add3A, %c0_i32 : i32, i32
  }
}

module attributes {stable_mosaic.version = 14 : i64} {
  func.func @_knn_body(%arg0: i32, %arg1: i32, %arg2: memref<1x8x512xf32, #tpu.memory_space<vmem>>, %arg3: memref<1024x8xf32, #tpu.memory_space<vmem>>, %arg4: memref<512x48xf32, #tpu.memory_space<vmem>>, %arg5: memref<1x48xf32, #tpu.memory_space<vmem>>, %arg6: memref<1x48xf32, #tpu.memory_space<vmem>>, %arg7: memref<48x48xf32, #tpu.memory_space<vmem>>, %arg8: memref<1x48xf32, #tpu.memory_space<vmem>>, %arg9: memref<512xi32, #tpu.memory_space<vmem>>, %arg10: memref<512xi32, #tpu.memory_space<vmem>>, %arg11: memref<512xi32, #tpu.memory_space<vmem>>, %arg12: memref<512xf32, #tpu.memory_space<vmem>>, %arg13: memref<512xf32, #tpu.memory_space<vmem>>, %arg14: memref<512xf32, #tpu.memory_space<vmem>>, %arg15: memref<512x128xf32, #tpu.memory_space<vmem>>) attributes {dimension_semantics = [#tpu.dimension_semantics<arbitrary>, #tpu.dimension_semantics<arbitrary>], iteration_bounds = array<i64: 1, 8>, scalar_prefetch = 0 : i64, scratch_operands = 0 : i64, tpu.core_type = #tpu.core_type<tc>, window_params = [{transform_indices = @transform_0, window_bounds = array<i64: 1, 8, 512>}, {transform_indices = @transform_1, window_bounds = array<i64: 1024, 8>}, {transform_indices = @transform_2, window_bounds = array<i64: 512, 48>}, {pipeline_mode = #tpu.pipeline_mode<synchronous>, transform_indices = @transform_3, window_bounds = array<i64: 1, 48>}, {pipeline_mode = #tpu.pipeline_mode<synchronous>, transform_indices = @transform_4, window_bounds = array<i64: 1, 48>}, {pipeline_mode = #tpu.pipeline_mode<synchronous>, transform_indices = @transform_5, window_bounds = array<i64: 48, 48>}, {pipeline_mode = #tpu.pipeline_mode<synchronous>, transform_indices = @transform_6, window_bounds = array<i64: 1, 48>}, {transform_indices = @transform_7, window_bounds = array<i64: 512>}, {transform_indices = @transform_8, window_bounds = array<i64: 512>}, {transform_indices = @transform_9, window_bounds = array<i64: 512>}, {transform_indices = @transform_10, window_bounds = array<i64: 512>}, {transform_indices = @transform_11, window_bounds = array<i64: 512>}, {transform_indices = @transform_12, window_bounds = array<i64: 512>}, {transform_indices = @transform_13, window_bounds = array<i64: 512, 128>}]} {
    %add3A = arith.constant 3 : i32
    %add3A_0 = arith.addi %add3A, %arg0 : i32
    %get3A = arith.constant 0 : index
    %get3A_1 = arith.constant 0 : index
    %get3A_2 = arith.constant 0 : index
    %get3A_3 = vector.load %arg2[%get3A, %get3A_1, %get3A_2] : memref<1x8x512xf32, #tpu.memory_space<vmem>>, vector<1x1x512xf32>
    %get3A_4 = vector.shape_cast %get3A_3 : vector<1x1x512xf32> to vector<1x512xf32>
    %get3A_5 = arith.constant 0 : index
    %get3A_6 = arith.constant 1 : index
    %get3A_7 = arith.constant 0 : index
    %get3A_8 = vector.load %arg2[%get3A_5, %get3A_6, %get3A_7] : memref<1x8x512xf32, #tpu.memory_space<vmem>>, vector<1x1x512xf32>
    %get3A_9 = vector.shape_cast %get3A_8 : vector<1x1x512xf32> to vector<1x512xf32>
    %get3A_10 = arith.constant 0 : index
    %get3A_11 = arith.constant 2 : index
    %get3A_12 = arith.constant 0 : index
    %get3A_13 = vector.load %arg2[%get3A_10, %get3A_11, %get3A_12] : memref<1x8x512xf32, #tpu.memory_space<vmem>>, vector<1x1x512xf32>
    %get3A_14 = vector.shape_cast %get3A_13 : vector<1x1x512xf32> to vector<1x512xf32>
    %get3A_15 = arith.constant 0 : index
    %get3A_16 = arith.constant 0 : index
    %get3A_17 = vector.load %arg3[%get3A_15, %get3A_16] : memref<1024x8xf32, #tpu.memory_space<vmem>>, vector<1024x1xf32>
    %get3A_18 = arith.constant 0 : index
    %get3A_19 = arith.constant 1 : index
    %get3A_20 = vector.load %arg3[%get3A_18, %get3A_19] : memref<1024x8xf32, #tpu.memory_space<vmem>>, vector<1024x1xf32>
    %get3A_21 = arith.constant 0 : index
    %get3A_22 = arith.constant 2 : index
    %get3A_23 = vector.load %arg3[%get3A_21, %get3A_22] : memref<1024x8xf32, #tpu.memory_space<vmem>>, vector<1024x1xf32>
    %sub3A = vector.broadcast %get3A_17 : vector<1024x1xf32> to vector<1024x512xf32>
    %sub3A_24 = vector.broadcast %get3A_4 : vector<1x512xf32> to vector<1024x512xf32>
    %sub3A_25 = arith.subf %sub3A, %sub3A_24 : vector<1024x512xf32>
    %sub3A_26 = vector.broadcast %get3A_20 : vector<1024x1xf32> to vector<1024x512xf32>
    %sub3A_27 = vector.broadcast %get3A_9 : vector<1x512xf32> to vector<1024x512xf32>
    %sub3A_28 = arith.subf %sub3A_26, %sub3A_27 : vector<1024x512xf32>
    %sub3A_29 = vector.broadcast %get3A_23 : vector<1024x1xf32> to vector<1024x512xf32>
    %sub3A_30 = vector.broadcast %get3A_14 : vector<1x512xf32> to vector<1024x512xf32>
    %sub3A_31 = arith.subf %sub3A_29, %sub3A_30 : vector<1024x512xf32>
    %mul3A = arith.mulf %sub3A_25, %sub3A_25 : vector<1024x512xf32>
    %mul3A_32 = arith.mulf %sub3A_28, %sub3A_28 : vector<1024x512xf32>
    %add3A_33 = arith.addf %mul3A, %mul3A_32 : vector<1024x512xf32>
    %mul3A_34 = arith.mulf %sub3A_31, %sub3A_31 : vector<1024x512xf32>
    %add3A_35 = arith.addf %add3A_33, %mul3A_34 : vector<1024x512xf32>
    %iota3A = tpu.iota {dimensions = array<i32: 0>} : vector<1024x512xi32>
    %convert_element_type3A = arith.sitofp %iota3A : vector<1024x512xi32> to vector<1024x512xf32>
    %reduce_min3A = arith.constant dense<0x7F800000> : vector<512xf32>
    %reduce_min3A_36 = vector.multi_reduction <minimumf>, %add3A_35, %reduce_min3A [0] : vector<1024x512xf32> to vector<512xf32>
    %broadcast_in_dim3A = vector.shape_cast %reduce_min3A_36 : vector<512xf32> to vector<1x512xf32>
    %eq3A = vector.broadcast %broadcast_in_dim3A : vector<1x512xf32> to vector<1024x512xf32>
    %eq3A_37 = arith.cmpf oeq, %add3A_35, %eq3A : vector<1024x512xf32>
    %jit3A = arith.constant 1.024000e+03 : f32
    %broadcast_in_dim3A_38 = vector.broadcast %jit3A : f32 to vector<1024x512xf32>
    %select_n3A = arith.select %eq3A_37, %convert_element_type3A, %broadcast_in_dim3A_38 : vector<1024x512xi1>, vector<1024x512xf32>
    %reduce_min3A_39 = arith.constant dense<0x7F800000> : vector<512xf32>
    %reduce_min3A_40 = vector.multi_reduction <minimumf>, %select_n3A, %reduce_min3A_39 [0] : vector<1024x512xf32> to vector<512xf32>
    %broadcast_in_dim3A_41 = vector.shape_cast %reduce_min3A_40 : vector<512xf32> to vector<1x512xf32>
    %eq3A_42 = vector.broadcast %broadcast_in_dim3A_41 : vector<1x512xf32> to vector<1024x512xf32>
    %eq3A_43 = arith.cmpf oeq, %convert_element_type3A, %eq3A_42 : vector<1024x512xf32>
    %jit3A_44 = arith.constant 0x7F800000 : f32
    %broadcast_in_dim3A_45 = vector.broadcast %jit3A_44 : f32 to vector<1024x512xf32>
    %select_n3A_46 = arith.select %eq3A_43, %broadcast_in_dim3A_45, %add3A_35 : vector<1024x512xi1>, vector<1024x512xf32>
    %max3A = arith.constant 9.99999996E-13 : f32
    %max3A_47 = vector.broadcast %max3A : f32 to vector<1x512xf32>
    %max3A_48 = arith.maximumf %broadcast_in_dim3A, %max3A_47 : vector<1x512xf32>
    %sqrt3A = math.sqrt %max3A_48 : vector<1x512xf32>
    %add3A_49 = arith.constant 9.99999993E-9 : f32
    %add3A_50 = vector.broadcast %add3A_49 : f32 to vector<1x512xf32>
    %add3A_51 = arith.addf %sqrt3A, %add3A_50 : vector<1x512xf32>
    %div3A = arith.constant 1.000000e+00 : f32
    %div3A_52 = vector.broadcast %div3A : f32 to vector<1x512xf32>
    %div3A_53 = arith.divf %div3A_52, %add3A_51 : vector<1x512xf32>
    %reduce_min3A_54 = arith.constant dense<0x7F800000> : vector<512xf32>
    %reduce_min3A_55 = vector.multi_reduction <minimumf>, %select_n3A_46, %reduce_min3A_54 [0] : vector<1024x512xf32> to vector<512xf32>
    %broadcast_in_dim3A_56 = vector.shape_cast %reduce_min3A_55 : vector<512xf32> to vector<1x512xf32>
    %eq3A_57 = vector.broadcast %broadcast_in_dim3A_56 : vector<1x512xf32> to vector<1024x512xf32>
    %eq3A_58 = arith.cmpf oeq, %select_n3A_46, %eq3A_57 : vector<1024x512xf32>
    %jit3A_59 = arith.constant 1.024000e+03 : f32
    %broadcast_in_dim3A_60 = vector.broadcast %jit3A_59 : f32 to vector<1024x512xf32>
    %select_n3A_61 = arith.select %eq3A_58, %convert_element_type3A, %broadcast_in_dim3A_60 : vector<1024x512xi1>, vector<1024x512xf32>
    %reduce_min3A_62 = arith.constant dense<0x7F800000> : vector<512xf32>
    %reduce_min3A_63 = vector.multi_reduction <minimumf>, %select_n3A_61, %reduce_min3A_62 [0] : vector<1024x512xf32> to vector<512xf32>
    %broadcast_in_dim3A_64 = vector.shape_cast %reduce_min3A_63 : vector<512xf32> to vector<1x512xf32>
    %eq3A_65 = vector.broadcast %broadcast_in_dim3A_64 : vector<1x512xf32> to vector<1024x512xf32>
    %eq3A_66 = arith.cmpf oeq, %convert_element_type3A, %eq3A_65 : vector<1024x512xf32>
    %jit3A_67 = arith.constant 0x7F800000 : f32
    %broadcast_in_dim3A_68 = vector.broadcast %jit3A_67 : f32 to vector<1024x512xf32>
    %select_n3A_69 = arith.select %eq3A_66, %broadcast_in_dim3A_68, %select_n3A_46 : vector<1024x512xi1>, vector<1024x512xf32>
    %max3A_70 = arith.constant 9.99999996E-13 : f32
    %max3A_71 = vector.broadcast %max3A_70 : f32 to vector<1x512xf32>
    %max3A_72 = arith.maximumf %broadcast_in_dim3A_56, %max3A_71 : vector<1x512xf32>
    %sqrt3A_73 = math.sqrt %max3A_72 : vector<1x512xf32>
    %add3A_74 = arith.constant 9.99999993E-9 : f32
    %add3A_75 = vector.broadcast %add3A_74 : f32 to vector<1x512xf32>
    %add3A_76 = arith.addf %sqrt3A_73, %add3A_75 : vector<1x512xf32>
    %div3A_77 = arith.constant 1.000000e+00 : f32
    %div3A_78 = vector.broadcast %div3A_77 : f32 to vector<1x512xf32>
    %div3A_79 = arith.divf %div3A_78, %add3A_76 : vector<1x512xf32>
    %reduce_min3A_80 = arith.constant dense<0x7F800000> : vector<512xf32>
    %reduce_min3A_81 = vector.multi_reduction <minimumf>, %select_n3A_69, %reduce_min3A_80 [0] : vector<1024x512xf32> to vector<512xf32>
    %broadcast_in_dim3A_82 = vector.shape_cast %reduce_min3A_81 : vector<512xf32> to vector<1x512xf32>
    %eq3A_83 = vector.broadcast %broadcast_in_dim3A_82 : vector<1x512xf32> to vector<1024x512xf32>
    %eq3A_84 = arith.cmpf oeq, %select_n3A_69, %eq3A_83 : vector<1024x512xf32>
    %jit3A_85 = arith.constant 1.024000e+03 : f32
    %broadcast_in_dim3A_86 = vector.broadcast %jit3A_85 : f32 to vector<1024x512xf32>
    %select_n3A_87 = arith.select %eq3A_84, %convert_element_type3A, %broadcast_in_dim3A_86 : vector<1024x512xi1>, vector<1024x512xf32>
    %reduce_min3A_88 = arith.constant dense<0x7F800000> : vector<512xf32>
    %reduce_min3A_89 = vector.multi_reduction <minimumf>, %select_n3A_87, %reduce_min3A_88 [0] : vector<1024x512xf32> to vector<512xf32>
    %broadcast_in_dim3A_90 = vector.shape_cast %reduce_min3A_89 : vector<512xf32> to vector<1x512xf32>
    %max3A_91 = arith.constant 9.99999996E-13 : f32
    %max3A_92 = vector.broadcast %max3A_91 : f32 to vector<1x512xf32>
    %max3A_93 = arith.maximumf %broadcast_in_dim3A_82, %max3A_92 : vector<1x512xf32>
    %sqrt3A_94 = math.sqrt %max3A_93 : vector<1x512xf32>
    %add3A_95 = arith.constant 9.99999993E-9 : f32
    %add3A_96 = vector.broadcast %add3A_95 : f32 to vector<1x512xf32>
    %add3A_97 = arith.addf %sqrt3A_94, %add3A_96 : vector<1x512xf32>
    %div3A_98 = arith.constant 1.000000e+00 : f32
    %div3A_99 = vector.broadcast %div3A_98 : f32 to vector<1x512xf32>
    %div3A_100 = arith.divf %div3A_99, %add3A_97 : vector<1x512xf32>
    %add3A_101 = arith.addf %div3A_53, %div3A_79 : vector<1x512xf32>
    %add3A_102 = arith.addf %add3A_101, %div3A_100 : vector<1x512xf32>
    %div3A_103 = arith.divf %div3A_53, %add3A_102 : vector<1x512xf32>
    %div3A_104 = arith.divf %div3A_79, %add3A_102 : vector<1x512xf32>
    %div3A_105 = arith.divf %div3A_100, %add3A_102 : vector<1x512xf32>
    %convert_element_type3A_106 = arith.fptosi %broadcast_in_dim3A_41 : vector<1x512xf32> to vector<1x512xi32>
    %mul3A_107 = arith.constant 1024 : i32
    %mul3A_108 = arith.muli %add3A_0, %mul3A_107 : i32
    %add3A_109 = vector.broadcast %mul3A_108 : i32 to vector<1x512xi32>
    %add3A_110 = arith.addi %convert_element_type3A_106, %add3A_109 : vector<1x512xi32>
    %convert_element_type3A_111 = arith.fptosi %broadcast_in_dim3A_64 : vector<1x512xf32> to vector<1x512xi32>
    %mul3A_112 = arith.constant 1024 : i32
    %mul3A_113 = arith.muli %add3A_0, %mul3A_112 : i32
    %add3A_114 = vector.broadcast %mul3A_113 : i32 to vector<1x512xi32>
    %add3A_115 = arith.addi %convert_element_type3A_111, %add3A_114 : vector<1x512xi32>
    %convert_element_type3A_116 = arith.fptosi %broadcast_in_dim3A_90 : vector<1x512xf32> to vector<1x512xi32>
    %mul3A_117 = arith.constant 1024 : i32
    %mul3A_118 = arith.muli %add3A_0, %mul3A_117 : i32
    %add3A_119 = vector.broadcast %mul3A_118 : i32 to vector<1x512xi32>
    %add3A_120 = arith.addi %convert_element_type3A_116, %add3A_119 : vector<1x512xi32>
    %reshape3A = vector.shape_cast %add3A_110 : vector<1x512xi32> to vector<512xi32>
    %swap3A = arith.constant 0 : index
    %swap3A_121 = vector.load %arg9[%swap3A] : memref<512xi32, #tpu.memory_space<vmem>>, vector<512xi32>
    tpu.vector_store %arg9[%swap3A], %reshape3A {strides = array<i32>} : memref<512xi32, #tpu.memory_space<vmem>>, vector<512xi32>,
    %reshape3A_122 = vector.shape_cast %add3A_115 : vector<1x512xi32> to vector<512xi32>
    %swap3A_123 = arith.constant 0 : index
    %swap3A_124 = vector.load %arg10[%swap3A_123] : memref<512xi32, #tpu.memory_space<vmem>>, vector<512xi32>
    tpu.vector_store %arg10[%swap3A_123], %reshape3A_122 {strides = array<i32>} : memref<512xi32, #tpu.memory_space<vmem>>, vector<512xi32>,
    %reshape3A_125 = vector.shape_cast %add3A_120 : vector<1x512xi32> to vector<512xi32>
    %swap3A_126 = arith.constant 0 : index
    %swap3A_127 = vector.load %arg11[%swap3A_126] : memref<512xi32, #tpu.memory_space<vmem>>, vector<512xi32>
    tpu.vector_store %arg11[%swap3A_126], %reshape3A_125 {strides = array<i32>} : memref<512xi32, #tpu.memory_space<vmem>>, vector<512xi32>,
    %reshape3A_128 = vector.shape_cast %div3A_103 : vector<1x512xf32> to vector<512xf32>
    %swap3A_129 = arith.constant 0 : index
    %swap3A_130 = vector.load %arg12[%swap3A_129] : memref<512xf32, #tpu.memory_space<vmem>>, vector<512xf32>
    tpu.vector_store %arg12[%swap3A_129], %reshape3A_128 {strides = array<i32>} : memref<512xf32, #tpu.memory_space<vmem>>, vector<512xf32>,
    %reshape3A_131 = vector.shape_cast %div3A_104 : vector<1x512xf32> to vector<512xf32>
    %swap3A_132 = arith.constant 0 : index
    %swap3A_133 = vector.load %arg13[%swap3A_132] : memref<512xf32, #tpu.memory_space<vmem>>, vector<512xf32>
    tpu.vector_store %arg13[%swap3A_132], %reshape3A_131 {strides = array<i32>} : memref<512xf32, #tpu.memory_space<vmem>>, vector<512xf32>,
    %reshape3A_134 = vector.shape_cast %div3A_105 : vector<1x512xf32> to vector<512xf32>
    %swap3A_135 = arith.constant 0 : index
    %swap3A_136 = vector.load %arg14[%swap3A_135] : memref<512xf32, #tpu.memory_space<vmem>>, vector<512xf32>
    tpu.vector_store %arg14[%swap3A_135], %reshape3A_134 {strides = array<i32>} : memref<512xf32, #tpu.memory_space<vmem>>, vector<512xf32>,
    %get3A_137 = arith.constant 0 : index
    %get3A_138 = arith.constant 0 : index
    %get3A_139 = vector.load %arg4[%get3A_137, %get3A_138] : memref<512x48xf32, #tpu.memory_space<vmem>>, vector<512x48xf32>
    %reduce_sum3A = arith.constant dense<0.000000e+00> : vector<512xf32>
    %reduce_sum3A_140 = vector.multi_reduction <add>, %get3A_139, %reduce_sum3A [1] : vector<512x48xf32> to vector<512xf32>
    %broadcast_in_dim3A_141 = vector.shape_cast %reduce_sum3A_140 : vector<512xf32> to vector<512x1xf32>
    %div3A_142 = arith.constant 4.800000e+01 : f32
    %div3A_143 = vector.broadcast %div3A_142 : f32 to vector<512x1xf32>
    %div3A_144 = arith.divf %broadcast_in_dim3A_141, %div3A_143 : vector<512x1xf32>
    %sub3A_145 = vector.broadcast %div3A_144 : vector<512x1xf32> to vector<512x48xf32>
    %sub3A_146 = arith.subf %get3A_139, %sub3A_145 : vector<512x48xf32>
    %mul3A_147 = arith.mulf %sub3A_146, %sub3A_146 : vector<512x48xf32>
    %reduce_sum3A_148 = arith.constant dense<0.000000e+00> : vector<512xf32>
    %reduce_sum3A_149 = vector.multi_reduction <add>, %mul3A_147, %reduce_sum3A_148 [1] : vector<512x48xf32> to vector<512xf32>
    %broadcast_in_dim3A_150 = vector.shape_cast %reduce_sum3A_149 : vector<512xf32> to vector<512x1xf32>
    %div3A_151 = arith.constant 4.800000e+01 : f32
    %div3A_152 = vector.broadcast %div3A_151 : f32 to vector<512x1xf32>
    %div3A_153 = arith.divf %broadcast_in_dim3A_150, %div3A_152 : vector<512x1xf32>
    %add3A_154 = arith.constant 9.99999974E-6 : f32
    %add3A_155 = vector.broadcast %add3A_154 : f32 to vector<512x1xf32>
    %add3A_156 = arith.addf %div3A_153, %add3A_155 : vector<512x1xf32>
    %sqrt3A_157 = math.sqrt %add3A_156 : vector<512x1xf32>
    %div3A_158 = vector.broadcast %sqrt3A_157 : vector<512x1xf32> to vector<512x48xf32>
    %div3A_159 = arith.divf %sub3A_146, %div3A_158 : vector<512x48xf32>
    %get3A_160 = arith.constant 0 : index
    %get3A_161 = arith.constant 0 : index
    %get3A_162 = vector.load %arg5[%get3A_160, %get3A_161] : memref<1x48xf32, #tpu.memory_space<vmem>>, vector<1x48xf32>
    %mul3A_163 = vector.broadcast %get3A_162 : vector<1x48xf32> to vector<512x48xf32>
    %mul3A_164 = arith.mulf %div3A_159, %mul3A_163 : vector<512x48xf32>
    %get3A_165 = arith.constant 0 : index
    %get3A_166 = arith.constant 0 : index
    %get3A_167 = vector.load %arg6[%get3A_165, %get3A_166] : memref<1x48xf32, #tpu.memory_space<vmem>>, vector<1x48xf32>
    %add3A_168 = vector.broadcast %get3A_167 : vector<1x48xf32> to vector<512x48xf32>
    %add3A_169 = arith.addf %mul3A_164, %add3A_168 : vector<512x48xf32>
    %get3A_170 = arith.constant 0 : index
    %get3A_171 = arith.constant 0 : index
    %get3A_172 = vector.load %arg7[%get3A_170, %get3A_171] : memref<48x48xf32, #tpu.memory_space<vmem>>, vector<48x48xf32>
    %dot_general3A = arith.constant dense<0.000000e+00> : vector<512x48xf32>
    %dot_general3A_173 = tpu.matmul %add3A_169, %get3A_172, %dot_general3A {dimension_numbers = #tpu.dot_dimension_numbers<[1], [0], [0], [1], [0, 0, 1, 1], [], []>, precision = #tpu.contract_precision<fp32>, transpose_lhs_hint = false} : vector<512x48xf32>, vector<48x48xf32>, vector<512x48xf32> -> vector<512x48xf32>
    %get3A_174 = arith.constant 0 : index
    %get3A_175 = arith.constant 0 : index
    %get3A_176 = vector.load %arg8[%get3A_174, %get3A_175] : memref<1x48xf32, #tpu.memory_space<vmem>>, vector<1x48xf32>
    %add3A_177 = vector.broadcast %get3A_176 : vector<1x48xf32> to vector<512x48xf32>
    %add3A_178 = arith.addf %dot_general3A_173, %add3A_177 : vector<512x48xf32>
    %broadcast_in_dim3A_179 = arith.constant 0.000000e+00 : f32
    %broadcast_in_dim3A_180 = vector.broadcast %broadcast_in_dim3A_179 : f32 to vector<512x80xf32>
    %concatenate3A = tpu.concatenate %add3A_178, %broadcast_in_dim3A_180 in 1 : vector<512x48xf32>, vector<512x80xf32> -> vector<512x128xf32>
    %swap3A_181 = arith.constant 0 : index
    %swap3A_182 = arith.constant 0 : index
    %swap3A_183 = vector.load %arg15[%swap3A_181, %swap3A_182] : memref<512x128xf32, #tpu.memory_space<vmem>>, vector<512x128xf32>
    tpu.vector_store %arg15[%swap3A_181, %swap3A_182], %concatenate3A {strides = array<i32>} : memref<512x128xf32, #tpu.memory_space<vmem>>, vector<512x128xf32>,
    return
  }
  func.func @transform_0(%arg0: i32, %arg1: i32) -> (i32, i32, i32) {
    %add3A = arith.constant 3 : i32
    %add3A_0 = arith.addi %add3A, %arg0 : i32
    %mul3A = arith.constant 8 : i32
    %mul3A_1 = arith.muli %add3A_0, %mul3A : i32
    %add3A_2 = arith.addi %mul3A_1, %arg1 : i32
    %c0_i32 = arith.constant 0 : i32
    %c0_i32_3 = arith.constant 0 : i32
    %c0_i32_4 = arith.constant 0 : i32
    return %c0_i32, %c0_i32_3, %add3A_2 : i32, i32, i32
  }
  func.func @transform_1(%arg0: i32, %arg1: i32) -> (i32, i32) {
    %add3A = arith.constant 3 : i32
    %add3A_0 = arith.addi %add3A, %arg0 : i32
    %c0_i32 = arith.constant 0 : i32
    %c0_i32_1 = arith.constant 0 : i32
    return %add3A_0, %c0_i32 : i32, i32
  }
  func.func @transform_2(%arg0: i32, %arg1: i32) -> (i32, i32) {
    %add3A = arith.constant 3 : i32
    %add3A_0 = arith.addi %add3A, %arg0 : i32
    %mul3A = arith.constant 8 : i32
    %mul3A_1 = arith.muli %add3A_0, %mul3A : i32
    %add3A_2 = arith.addi %mul3A_1, %arg1 : i32
    %c0_i32 = arith.constant 0 : i32
    %c0_i32_3 = arith.constant 0 : i32
    return %add3A_2, %c0_i32 : i32, i32
  }
  func.func @transform_3(%arg0: i32, %arg1: i32) -> (i32, i32) {
    %c0_i32 = arith.constant 0 : i32
    %c0_i32_0 = arith.constant 0 : i32
    %c0_i32_1 = arith.constant 0 : i32
    return %c0_i32, %c0_i32_0 : i32, i32
  }
  func.func @transform_4(%arg0: i32, %arg1: i32) -> (i32, i32) {
    %c0_i32 = arith.constant 0 : i32
    %c0_i32_0 = arith.constant 0 : i32
    %c0_i32_1 = arith.constant 0 : i32
    return %c0_i32, %c0_i32_0 : i32, i32
  }
  func.func @transform_5(%arg0: i32, %arg1: i32) -> (i32, i32) {
    %c0_i32 = arith.constant 0 : i32
    %c0_i32_0 = arith.constant 0 : i32
    %c0_i32_1 = arith.constant 0 : i32
    return %c0_i32, %c0_i32_0 : i32, i32
  }
  func.func @transform_6(%arg0: i32, %arg1: i32) -> (i32, i32) {
    %c0_i32 = arith.constant 0 : i32
    %c0_i32_0 = arith.constant 0 : i32
    %c0_i32_1 = arith.constant 0 : i32
    return %c0_i32, %c0_i32_0 : i32, i32
  }
  func.func @transform_7(%arg0: i32, %arg1: i32) -> i32 {
    %mul3A = arith.constant 8 : i32
    %mul3A_0 = arith.muli %arg0, %mul3A : i32
    %add3A = arith.addi %mul3A_0, %arg1 : i32
    %c0_i32 = arith.constant 0 : i32
    return %add3A : i32
  }
  func.func @transform_8(%arg0: i32, %arg1: i32) -> i32 {
    %mul3A = arith.constant 8 : i32
    %mul3A_0 = arith.muli %arg0, %mul3A : i32
    %add3A = arith.addi %mul3A_0, %arg1 : i32
    %c0_i32 = arith.constant 0 : i32
    return %add3A : i32
  }
  func.func @transform_9(%arg0: i32, %arg1: i32) -> i32 {
    %mul3A = arith.constant 8 : i32
    %mul3A_0 = arith.muli %arg0, %mul3A : i32
    %add3A = arith.addi %mul3A_0, %arg1 : i32
    %c0_i32 = arith.constant 0 : i32
    return %add3A : i32
  }
  func.func @transform_10(%arg0: i32, %arg1: i32) -> i32 {
    %mul3A = arith.constant 8 : i32
    %mul3A_0 = arith.muli %arg0, %mul3A : i32
    %add3A = arith.addi %mul3A_0, %arg1 : i32
    %c0_i32 = arith.constant 0 : i32
    return %add3A : i32
  }
  func.func @transform_11(%arg0: i32, %arg1: i32) -> i32 {
    %mul3A = arith.constant 8 : i32
    %mul3A_0 = arith.muli %arg0, %mul3A : i32
    %add3A = arith.addi %mul3A_0, %arg1 : i32
    %c0_i32 = arith.constant 0 : i32
    return %add3A : i32
  }
  func.func @transform_12(%arg0: i32, %arg1: i32) -> i32 {
    %mul3A = arith.constant 8 : i32
    %mul3A_0 = arith.muli %arg0, %mul3A : i32
    %add3A = arith.addi %mul3A_0, %arg1 : i32
    %c0_i32 = arith.constant 0 : i32
    return %add3A : i32
  }
  func.func @transform_13(%arg0: i32, %arg1: i32) -> (i32, i32) {
    %mul3A = arith.constant 8 : i32
    %mul3A_0 = arith.muli %arg0, %mul3A : i32
    %add3A = arith.addi %mul3A_0, %arg1 : i32
    %c0_i32 = arith.constant 0 : i32
    %c0_i32_1 = arith.constant 0 : i32
    return %add3A, %c0_i32 : i32, i32
  }
}

</mosaic_0001>

<sc_bundles>
// kernel: kernel.11.cloned.1.call-start
scs
__scs_entry_jumppad:
0x0: {  	(pc) =	sbr.rel $0x88, $3  }
0x1: {  	(tag) =	ssettag $0x0;
	lr =	simm.s32 $0x1  }
0x2: {  	[smem:$0x3F94] =	sst lr;
	_ =	strace $0xD0000000  }
0x3: {  	_ = 	snop  }
0x4: {  	_ = 	snop  }
0x5: {  	_ = 	snop  }
0x6: {  	_ = 	snop  }
0x7: {  	_ = 	snop  }
__scs_overlays_trampoline_lowered:
0x8: {  	[smem:$0x3FA3] =	sst s0  }
0x9: {  	[smem:$0x3FA4] =	sst s1  }
0xa: {  	[smem:$0x3FA5] =	sst s2  }
0xb: {  	[smem:$0x3FA6] =	sst s3  }
0xc: {  	[smem:$0x3FA7] =	sst s4  }
0xd: {  	[smem:$0x3FA8] =	sst s5  }
0xe: {  	[smem:$0x3FA9] =	sst s6  }
0xf: {  	[smem:$0x3FAA] =	sst s7  }
0x10: {  	[smem:$0x3FAB] =	sst s8  }
0x11: {  	[smem:$0x3FAC] =	sst s9;
	s0 =	simm.s32 @!p0 $0x0  }
0x12: {  	s1 =	sld [smem:$0x3F92];
	s0 =	simm.s32 @p0 $0x1  }
0x13: {  	[smem:$0x3FAD] =	sst s0;
	s0 =	simm.s32 @!p1 $0x0  }
0x14: {  	s2 =	sld [smem:$0x3F91];
	s0 =	simm.s32 @p1 $0x1  }
0x15: {  	[smem:$0x3FAE] =	sst s0;
	s0 =	simm.s32 @!p2 $0x0  }
0x16: {  	s3 =	sld [smem:$0x3FDB];
	s0 =	simm.s32 @p2 $0x1  }
0x17: {  	s4 =	simm.s32 $0x1BF5;
	[smem:$0x3FB0] =	sst s0  }
0x18: {  	s0 =	sld [smem:$0x3F93];
	_ =	swait.ge [sflag:s4], $0x0  }
0x19: {  	s7 =	sld [smem:$0x3F94]  }
0x1a: {  	s8 =	sadd.s32 $0xFFFFE003, lr  }
0x1b: {  	s9 =	sadd.s32 $0xFFFFFEF7, lr;
	s5 =	simm.s32 $0xFFFFFFFF;
	p2 =	slt.u32 s8, $0xFFFFF086  }
0x1c: {  	p1 =	slt.u32 s9, $0xF7A;
	s5 =	simm.s32 @!p2 $0x0  }
0x1d: {  	s5 =	simm.s32 @p1 $0x1;
	p0 =	seq.s32 s7, s2  }
0x1e: {  	s7 =	smul.u32 @!p0 $0xF7A, s2;
	p2 =	seq.s32 @!p0 s5, $0x0  }
0x1f: {  	s9 =	smul.u32 $0xF7A, s1;
	s8 =	simm.s32 @!p0 $0x1BF5;
	p2 =	por !p2, p0  }
0x20: {  	[sflag:s8] =	ssyncset.s32 @!p0 $0xFFFFF086;
	s6 =	sadd.s32 @!p0 s3, s7;
	s7 =	simm.s32 @!p0 $0x108  }
0x21: {  	s3 =	sadd.s32 s3, s9;
	s6 =	sadd.s32 @!p0 $0x88, s6;
	s7 =	simm.s32 @p2 $0x1082  }
0x22: {  	[simem:s7], [sflag:s8] =	dma.local @!p0 [hbm:s6], $0xF7A  }
0x23: {  	s9 =	sor.u32 $0xD0000000, s2;
	s6 =	simm.s32 $0x108;
	_ =	swait.ge @!p0 [sflag:s8], $0x0  }
0x24: {  	s3 =	sadd.s32 $0x88, s3;
	s6 =	simm.s32 @!p1 $0x1082;
	[sflag:s4] =	ssyncset.s32 $0xFFFFF086  }
0x25: {  	[simem:s6], [sflag:s4] =	dma.local [hbm:s3], $0xF7A  }
0x26: {  	[smem:$0x3F94] =	sst s1;
	(tag) =	ssettag s2;
	_ =	strace s9  }
0x27: {  	s1 =	sld [smem:$0x3FA4]  }
0x28: {  	s2 =	sld [smem:$0x3FA5]  }
0x29: {  	s4 =	sld [smem:$0x3FA7]  }
0x2a: {  	p0 =	seq.s32 s5, $0x0;
	s5 =	sld [smem:$0x3FA8]  }
0x2b: {  	s6 =	sld [smem:$0x3FA9]  }
0x2c: {  	s7 =	sld [smem:$0x3FAA]  }
0x2d: {  	s3 =	simm.s32 $0x108;
	s8 =	sld [smem:$0x3FAB]  }
0x2e: {  	s3 =	simm.s32 @!p0 $0x1082;
	s9 =	sld [smem:$0x3FAC]  }
0x2f: {  	lr =	sadd.s32 s0, s3;
	s0 =	sld [smem:$0x3FA3]  }
0x30: {  	s3 =	sld [smem:$0x3FA6]  }
0x31: {  	[smem:$0x3FAF] =	sst s10  }
0x32: {  	s10 =	sld [smem:$0x3FAD];
	_ =	sdelay $0x3  }
0x33: {  	p0 =	seq.s32 s10, $0x1;
	s10 =	sld [smem:$0x3FAF];
	_ =	sdelay $0x3  }
0x34: {  	[smem:$0x3FAF] =	sst s10  }
0x35: {  	s10 =	sld [smem:$0x3FAE];
	_ =	sdelay $0x3  }
0x36: {  	p1 =	seq.s32 s10, $0x1;
	s10 =	sld [smem:$0x3FAF];
	_ =	sdelay $0x3  }
0x37: {  	[smem:$0x3FAF] =	sst s10  }
0x38: {  	s10 =	sld [smem:$0x3FB0]  }
0x39: {  	_ = 	snop;
	(pc) =	sbr.ind lr, $3  }
0x3a: {  	_ = 	snop  }
0x3b: {  	_ = 	snop  }
0x3c: {  	p2 =	seq.s32 s10, $0x1;
	s10 =	sld [smem:$0x3FAF]  }
0x3d: {  	_ =	shalt  }
0x3e: {  	_ =	shalt  }
0x3f: {  	_ =	shalt  }
0x40: {  	_ =	shalt  }
0x41: {  	_ =	shalt  }
0x42: {  	_ =	shalt  }
0x43: {  	_ =	shalt  }
0x44: {  	_ =	shalt  }
0x45: {  	_ =	shalt  }
0x46: {  	_ =	shalt  }
0x47: {  	_ =	shalt  }
0x48: {  	_ =	shalt  }
0x49: {  	_ =	shalt  }
0x4a: {  	_ =	shalt  }
0x4b: {  	_ =	shalt  }
0x4c: {  	_ =	shalt  }
0x4d: {  	_ =	shalt  }
0x4e: {  	_ =	shalt  }
0x4f: {  	_ =	shalt  }
0x50: {  	_ =	shalt  }
0x51: {  	_ =	shalt  }
0x52: {  	_ =	shalt  }
0x53: {  	_ =	shalt  }
0x54: {  	_ =	shalt  }
0x55: {  	_ =	shalt  }
0x56: {  	_ =	shalt  }
0x57: {  	_ =	shalt  }
0x58: {  	_ =	shalt  }
0x59: {  	_ =	shalt  }
0x5a: {  	_ =	shalt  }
0x5b: {  	_ =	shalt  }
0x5c: {  	_ =	shalt  }
0x5d: {  	_ =	shalt  }
0x5e: {  	_ =	shalt  }
0x5f: {  	_ =	shalt  }
0x60: {  	_ =	shalt  }
0x61: {  	_ =	shalt  }
0x62: {  	_ =	shalt  }
0x63: {  	_ =	shalt  }
0x64: {  	_ =	shalt  }
0x65: {  	_ =	shalt  }
0x66: {  	_ =	shalt  }
0x67: {  	_ =	shalt  }
0x68: {  	_ =	shalt  }
0x69: {  	_ =	shalt  }
0x6a: {  	_ =	shalt  }
0x6b: {  	_ =	shalt  }
0x6c: {  	_ =	shalt  }
0x6d: {  	_ =	shalt  }
0x6e: {  	_ =	shalt  }
0x6f: {  	_ =	shalt  }
0x70: {  	_ =	shalt  }
0x71: {  	_ =	shalt  }
0x72: {  	_ =	shalt  }
0x73: {  	_ =	shalt  }
0x74: {  	_ =	shalt  }
0x75: {  	_ =	shalt  }
0x76: {  	_ =	shalt  }
0x77: {  	_ =	shalt  }
0x78: {  	_ =	shalt  }
0x79: {  	_ =	shalt  }
0x7a: {  	_ =	shalt  }
0x7b: {  	_ =	shalt  }
0x7c: {  	_ =	shalt  }
0x7d: {  	_ =	shalt  }
0x7e: {  	_ =	shalt  }
0x7f: {  	_ =	shalt  }
0x80: {  	_ =	shalt  }
0x81: {  	_ =	shalt  }
0x82: {  	_ =	shalt  }
0x83: {  	_ =	shalt  }
0x84: {  	_ =	shalt  }
0x85: {  	_ =	shalt  }
0x86: {  	_ =	shalt  }
0x87: {  	_ =	shalt  }
.Lfunc_end0:
.L_simem_size_0:
called_computation_lowered:
.L_overlay_start_0:
0x88: {  	s2 =	sld [smem:$0x3FD9]  }
0x89: {  	s3 =	sld [smem:$0x3FFE];
	_ =	sdelay $0x1  }
0x8a: {  	s1 =	srdreg.scid  }
0x8b: {  	s0 =	sand.u32 $0x1, s1  }
0x8c: {  	s14 =	sshll.u32 s0, $0xA;
	s2 =	sadd.s32 s3, s2  }
0x8d: {  	s2 =	sadd.s32 s2, s14  }
0x8e: {  	[smem:$0x3FBB] =	sst s2  }
0x8f: {  	_ = 	snop  }
0x90: {  	s2 =	sld [smem:$0x3FD0];
	_ =	sdelay $0x2  }
0x91: {  	s15 =	simm.s32 $0xD;
	s4 =	simm.s32 $0x10  }
0x92: {  	[smem:s4], [sflag:s15] =	dma.local [hbm:s2], $0x1  }
0x93: {  	_ =	swait.eq [sflag:s15], $0x1  }
0x94: {  	[sflag:s15] =	ssyncset.done $0x0  }
0x95: {  	[sflag:s15] =	ssyncadd.s32 $0xFFFFFFFF  }
0x96: {  	s16 =	sld [smem:$0x10];
	(tm) =	ssettm $0x1  }
0x97: {  	s17 =	sld [smem:$0x3FFB];
	_ =	sdelay $0x3  }
0x98: {  	_ =	strace s17  }
0x99: {  	s3 =	sld [smem:$0x3FFC];
	_ =	sdelay $0x3  }
0x9a: {  	_ =	strace s3  }
0x9b: {  	s3 =	sld [smem:$0x3FFD];
	_ =	sdelay $0x3  }
0x9c: {  	_ =	strace s3  }
0x9d: {  	_ =	strace $0x8FFFFFFF  }
0x9e: {  	s18 =	sld [smem:$0x3FDB];
	_ =	sdelay $0x1  }
0x9f: {  	s19 =	simm.s32 $_scs_section_size  }
0xa0: {  	s5 =	simm.s32 $_size__tile_overlayer_lowered;
	s6 =	simm.s32 $_tile_overlayer_lowered  }
0xa1: {  	s22 =	simm.s32 $0x1BFF;
	s21 =	sshll.u32 s6, $0x1;
	s3 =	sadd.s32 s19, s18  }
0xa2: {  	s7 =	simm.s32 $0x0;
	s20 =	sshll.u32 s5, $0x1;
	s5 =	sadd.s32 s21, s3  }
0xa3: {  	[timem:s7], [sflag:s22] =	dma.local [hbm:s5], s20  }
0xa4: {  	_ =	swait.ge [sflag:s22], s20  }
0xa5: {  	s4 =	ssub.s32 $0x0, s20;
	[sflag:s22] =	ssyncset.done $0x0  }
0xa6: {  	[sflag:s22] =	ssyncadd.s32 s4;
	_ =	sdelay $0x1  }
0xa7: {  	s23 =	simm.s32 $0x1B8B  }
0xa8: {  	_ =	swait.ge [sflag:s23], $0x1  }
0xa9: {  	[sflag:s23] =	ssyncset.done $0x0  }
0xaa: {  	s25 =	simm.s32 $0x1B8E;
	s24 =	sld [smem:$0x3FFE];
	[sflag:s23] =	ssyncadd.s32 $0xFFFFFFFF  }
0xab: {  	s26 =	simm.s32 $execute0_lowered;
	[smem:$0x3FD2] =	sst s25  }
0xac: {  	s5 =	sshll.u32 s26, $0x1;
	_ =	strace $0x80000046;
	[dreg:$0x1] =	wrdreg $0xFFFFFFFF  }
0xad: {  	s28 =	simm.s32 $_size_execute0_lowered;
	s3 =	sadd.s32 s3, s5;
	[dreg:$0x0] =	wrdreg $0x0  }
0xae: {  	s5 =	sshll.u32 s28, $0x1;
	[dreg:$0x2] =	wrdreg s3  }
0xaf: {  	[dreg:$0x3] =	wrdreg s5  }
0xb0: {  	[dreg:$0x4] =	wrdreg $0xC0  }
0xb1: {  	_ =	task [dreg:s7], $0x5FFFF  }
0xb2: {  	[dreg:$0x1] =	wrdreg $0xFFFFFFFF  }
0xb3: {  	[dreg:$0x0] =	wrdreg $0x60  }
0xb4: {  	[dreg:$0x2] =	wrdreg s16  }
0xb5: {  	[dreg:$0x3] =	wrdreg s24  }
0xb6: {  	[dreg:$0x4] =	wrdreg $0x9  }
0xb7: {  	_ =	task.clear_ibuf [dreg:s7], $0x5FFFF;
	_ =	strace $0x90000046  }
0xb8: {  	s29 =	simm.s32 $0x9;
	_ =	strace $0x80000048  }
0xb9: {  	_ =	swait.ge [sflag:s29], $0x1  }
0xba: {  	[sflag:s29] =	ssyncadd.s32 $0xFFFFFFFF  }
0xbb: {  	_ =	strace $0x90000048  }
0xbc: {  	_ =	sfence  }
0xbd: {  	s30 =	sld [smem:$0x0];
	_ =	sdelay $0x2  }
0xbe: {  	s31 =	sshll.u32 s1, $0xD;
	s1 =	sshrl.u32 s1, $0x2  }
0xbf: {  	s3 =	sand.u32 $0x4000, s31;
	s1 =	sadd.s32 s1, s30  }
0xc0: {  	s0 =	sor.u32 s3, s0;
	s1 =	sshll.u32 s1, $0x11  }
0xc1: {  	s0 =	sor.u32 s1, s0  }
0xc2: {  	s0 =	sadd.s32 $0x8F2B, s0  }
0xc3: {  	[sflag:s0] =	ssyncadd.remote.s32 $0x1  }
0xc4: {  	_ =	sfence.sel $0xFFFF  }
0xc5: {  	[dreg:$0x0] =	wrdreg $0xFFFFFFFF;
	(pc) =	sbr.abs _section_cstart, $3  }
0xc6: {  	[dreg:$0x1] =	wrdreg $0xFFFFFFFF  }
0xc7: {  	_ =	task.clear_ibuf [dreg:s7], $0x2FFFF;
	_ =	strace $0x9FFFFFFF  }
0xc8: {  	(tm) =	ssettm $0x7FFFFFFF  }
0xc9: {  	_ =	shalt  }
tec
execute0_lowered:
.L_overlay_start_1:
0x0: {  	(tag) =	ssettag $0x1  }
0x1: {  	s2 =	rddreg [dreg:$0x0]  }
0x2: {  	s0 =	rddreg [dreg:$0x1];
	s1 =	srdreg.scid  }
0x3: {  	s4 =	stileid.u32;
	s3 =	simm.s32 $0x0;
	s13 =	simm.s32 $0x3  }
0x4: {  	s14 =	simm.s32 $0x80;
	s15 =	simm.s32 $0x100;
	s16 =	simm.s32 $0x180  }
0x5: {  	s17 =	simm.s32 $0x200;
	s18 =	simm.s32 $0x280;
	s19 =	simm.s32 $0x40  }
0x6: {  	s1 =	sand.u32 $0x1, s1;
	s4 =	sshll.u32 s4, $0x1;
	[smem:$0x7FF] =	sst s3  }
0x7: {  	s25 =	simm.s32 $0x1;
	s5 =	sor.u32 s1, s4;
	_ =	strace $0x80000047  }
0x8: {  	s1 =	ssub.s32 $0x2, s1;
	s4 =	sshll.u32 s5, $0x4;
	s6 =	smul.u32 $0x300, s5  }
0x9: {  	s31 =	sshrl.u32 s1, $0x1;
	s20 =	sshll.u32 s5, $0x7;
	s10 =	sadd.s32 s4, s0  }
0xa: {  	s4 =	sadd.s32 $0x6A00, s0;
	s1 =	ssub.s32 s1, s31;
	s21 =	sor.u32 $0x10, s20  }
0xb: {  	s22 =	sor.u32 $0x20, s20;
	s23 =	sor.u32 $0x30, s20;
	s24 =	sor.u32 $0x40, s20  }
0xc: {  	v7 =	vlaneseq.u32;
	s26 =	sor.u32 $0x50, s20;
	s28 =	sor.u32 $0x60, s20;
	s29 =	sor.u32 $0x70, s20  }
0xd: {  	v0 =	vor.u32 s20, v7;
	s20 =	simm.s32 $0x2;
	s0 =	sadd.s32 s6, s0;
	s5 =	sadd.s32 $0x16A00, s10  }
0xe: {  	s6 =	sadd.s32 $0x16C00, s10;
	s7 =	sadd.s32 $0x16E00, s10;
	s8 =	sadd.s32 $0x17000, s10;
	v1 =	vor.u32 s21, v7  }
0xf: {  	s9 =	sadd.s32 $0x17200, s10;
	s10 =	sadd.s32 $0x17400, s10;
	s12 =	smax.u32 s1, $0x1;
	v2 =	vor.u32 s22, v7;
	v3 =	vor.u32 s23, v7;
	v4 =	vor.u32 s24, v7  }
0x10: {  	v5 =	vor.u32 s26, v7;
	v6 =	vor.u32 s28, v7;
	v7 =	vor.u32 s29, v7;
	s21 =	simm.s32 $0x380;
	s22 =	simm.s32 $0x0;
	s11 =	sadd.s32 $0x17600, s0  }
.LBB2_1:
0x11: {  	[tilespmem:$0x300] =	vst v0  }
0x12: {  	[tilespmem:$0x310] =	vst v1  }
0x13: {  	[tilespmem:$0x320] =	vst v2  }
0x14: {  	[tilespmem:$0x330] =	vst v3  }
0x15: {  	[tilespmem:$0x340] =	vst v4  }
0x16: {  	[tilespmem:$0x350] =	vst v5  }
0x17: {  	[tilespmem:$0x360] =	vst v6  }
0x18: {  	[tilespmem:$0x370] =	vst v7  }
0x19: {  	[tilespmem:s3], [sflag:$0x3] =	stream.linear.gather [hbm4b:s5+s3], $0x80, $0x38;
	[tilespmem:$0x11B80] =	vst v63  }
0x1a: {  	_ =	swait.ge [sflag:s13], $0x80  }
0x1b: {  	[sflag:s13] =	ssyncset.done $0x0  }
0x1c: {  	[sflag:s13] =	ssyncadd.s32 $0xFFFFFF80  }
0x1d: {  	[tilespmem:s14], [sflag:$0x3] =	stream.linear.gather [hbm4b:s6+s3], $0x80, $0x38;
	[tilespmem:$0x11B80] =	vst v63  }
0x1e: {  	_ =	swait.ge [sflag:s13], $0x80  }
0x1f: {  	[sflag:s13] =	ssyncset.done $0x0  }
0x20: {  	[sflag:s13] =	ssyncadd.s32 $0xFFFFFF80  }
0x21: {  	[tilespmem:s15], [sflag:$0x3] =	stream.linear.gather [hbm4b:s7+s3], $0x80, $0x38;
	[tilespmem:$0x11B80] =	vst v63  }
0x22: {  	_ =	swait.ge [sflag:s13], $0x80  }
0x23: {  	[sflag:s13] =	ssyncset.done $0x0  }
0x24: {  	[sflag:s13] =	ssyncadd.s32 $0xFFFFFF80  }
0x25: {  	[tilespmem:s16], [sflag:$0x3] =	stream.linear.gather [hbm4b:s8+s3], $0x80, $0x38;
	[tilespmem:$0x11B80] =	vst v63  }
0x26: {  	_ =	swait.ge [sflag:s13], $0x80  }
0x27: {  	[sflag:s13] =	ssyncset.done $0x0  }
0x28: {  	[sflag:s13] =	ssyncadd.s32 $0xFFFFFF80  }
0x29: {  	[tilespmem:s17], [sflag:$0x3] =	stream.linear.gather [hbm4b:s9+s3], $0x80, $0x38;
	[tilespmem:$0x11B80] =	vst v63  }
0x2a: {  	_ =	swait.ge [sflag:s13], $0x80  }
0x2b: {  	[sflag:s13] =	ssyncset.done $0x0  }
0x2c: {  	[sflag:s13] =	ssyncadd.s32 $0xFFFFFF80  }
0x2d: {  	[tilespmem:s18], [sflag:$0x3] =	stream.linear.gather [hbm4b:s10+s3], $0x80, $0x38;
	[tilespmem:$0x11B80] =	vst v63  }
0x2e: {  	_ =	swait.ge [sflag:s13], $0x80  }
0x2f: {  	[sflag:s13] =	ssyncset.done $0x0  }
0x30: {  	s0 =	simm.s32 $0x1B80;
	[sflag:s13] =	ssyncadd.s32 $0xFFFFFF80  }
0x31: {  	[tilespmem:s0], [sflag:$0x1] =	stream.indirect.gather [hbm4b:s2+s19], $0x80, s3, s19, $0xb8;
	[tilespmem:$0x11B80] =	vst v63  }
0x32: {  	s23 =	simm.s32 $0x3B80  }
0x33: {  	[tilespmem:s23], [sflag:$0x1] =	stream.indirect.gather [hbm4b:s2+s19], $0x80, s14, s19, $0xb8;
	[tilespmem:$0x11B80] =	vst v63  }
0x34: {  	s24 =	simm.s32 $0x5B80  }
0x35: {  	[tilespmem:s24], [sflag:$0x1] =	stream.indirect.gather [hbm4b:s2+s19], $0x80, s15, s19, $0xb8;
	[tilespmem:$0x11B80] =	vst v63  }
0x36: {  	s26 =	simm.s32 $0x300;
	s1 =	simm.s32 $0x7B80  }
0x37: {  	[tilespmem:s1], [sflag:$0x1] =	stream.indirect.gather [hbm4b:s4+s19], $0x80, s26, s19, $0xb8;
	[tilespmem:$0x11B80] =	vst v63  }
0x38: {  	_ =	swait.ge [sflag:s25], $0x2000  }
0x39: {  	[sflag:s25] =	ssyncset.done $0x0  }
0x3a: {  	[sflag:s25] =	ssyncadd.s32 $0xFFFFE000  }
0x3b: {  	_ =	swait.ge [sflag:s25], $0x2000  }
0x3c: {  	[sflag:s25] =	ssyncset.done $0x0  }
0x3d: {  	[sflag:s25] =	ssyncadd.s32 $0xFFFFE000  }
0x3e: {  	_ =	swait.ge [sflag:s25], $0x2000  }
0x3f: {  	[sflag:s25] =	ssyncset.done $0x0  }
0x40: {  	[sflag:s25] =	ssyncadd.s32 $0xFFFFE000  }
0x41: {  	_ =	swait.ge [sflag:s25], $0x2000  }
0x42: {  	[sflag:s25] =	ssyncset.done $0x0  }
0x43: {  	s23 =	simm.s32 $0x9B80;
	[sflag:s25] =	ssyncadd.s32 $0xFFFFE000  }
0x44: {  	[tilespmem:s23], [sflag:$0x2] =	stream.indirect.gather [hbm4b:s2+s19], $0x80, s19, s19, $0xb8;
	[tilespmem:$0x11B80] =	vst v63  }
0x45: {  	s24 =	simm.s32 $0xC0;
	s26 =	simm.s32 $0xBB80  }
0x46: {  	[tilespmem:s26], [sflag:$0x2] =	stream.indirect.gather [hbm4b:s2+s19], $0x80, s24, s19, $0xb8;
	[tilespmem:$0x11B80] =	vst v63  }
0x47: {  	v8 =	vmov s3;
	s1 =	simm.s32 $0x140;
	s23 =	simm.s32 $0xDB80  }
0x48: {  	[tilespmem:s23], [sflag:$0x2] =	stream.indirect.gather [hbm4b:s2+s19], $0x80, s1, s19, $0xb8;
	[tilespmem:$0x11B80] =	vst v63  }
0x49: {  	s24 =	simm.s32 $0x340;
	s26 =	simm.s32 $0xFB80;
	s1 =	simm.s32 $0x1B90  }
0x4a: {  	[tilespmem:s26], [sflag:$0x2] =	stream.indirect.gather [hbm4b:s4+s19], $0x80, s24, s19, $0xb8;
	[tilespmem:$0x11B80] =	vst v63  }
0x4b: {  	v9 =	vld [tilespmem:s1+$0xFFFFFFF0]  }
0x4c: {  	v10 =	vld.idx.msk [tilespmem:v8+s16+$0x0], $0xffff  }
0x4d: {  	s26 =	simm.s32 $0x3B90;
	v11 =	vld.idx.msk [tilespmem:v8+s17+$0x0], $0xffff  }
0x4e: {  	v12 =	vld [tilespmem:s26+$0xFFFFFFF0]  }
0x4f: {  	s23 =	simm.s32 $0x5B90;
	v13 =	vld.idx.msk [tilespmem:v8+s18+$0x0], $0xffff  }
0x50: {  	v8 =	vld [tilespmem:s23+$0xFFFFFFF0];
	_ =	sdelay $0x2  }
0x51: {  	s28 =	simm.s32 $0x7BA0;
	v9 =	vmul.f32 v9, v10;
	v12 =	vmul.f32 v12, v11  }
0x52: {  	v14 =	vld [tilespmem:s28+$0xFFFFFFE0]  }
0x53: {  	v8 =	vmul.f32 v8, v13;
	v9 =	vadd.f32 v12, v9;
	_ =	sdelay $0x1  }
0x54: {  	v8 =	vadd.f32 v8, v9;
	_ =	sdelay $0x1  }
0x55: {  	v8 =	vadd.f32 v8, v14  }
0x56: {  	s24 =	simm.s32 $0x3A0  }
0x57: {  	[tilespmem:s24+$0xFFFFFFE0] =	vst v8  }
0x58: {  	v8 =	vld [tilespmem:s1+$0x0]  }
0x59: {  	v9 =	vld [tilespmem:s26+$0x0];
	_ =	sdelay $0x1  }
0x5a: {  	v61 =	vld [tilespmem:s23+$0x0];
	_ =	sdelay $0x2  }
0x5b: {  	v8 =	vmul.f32 v8, v10;
	v9 =	vmul.f32 v9, v11  }
0x5c: {  	v62 =	vld [tilespmem:s28+$0xFFFFFFF0]  }
0x5d: {  	v8 =	vadd.f32 v9, v8;
	v9 =	vmul.f32 v61, v13;
	_ =	sdelay $0x1  }
0x5e: {  	v8 =	vadd.f32 v9, v8;
	_ =	sdelay $0x1  }
0x5f: {  	v8 =	vadd.f32 v8, v62;
	_ =	sdelay $0x1  }
0x60: {  	[tilespmem:s24+$0xFFFFFFF0] =	vst v8  }
0x61: {  	v8 =	vld [tilespmem:s1+$0x10]  }
0x62: {  	v9 =	vld [tilespmem:s26+$0x10];
	_ =	sdelay $0x1  }
0x63: {  	v63 =	vld [tilespmem:s23+$0x10];
	_ =	sdelay $0x2  }
0x64: {  	v10 =	vmul.f32 v8, v10;
	v9 =	vmul.f32 v9, v11  }
0x65: {  	s30 =	simm.s32 $0x1;
	s29 =	simm.s32 $0x3C10;
	s31 =	simm.s32 $0x3A0;
	v8 =	vld [tilespmem:s28+$0x0]  }
0x66: {  	s0 =	simm.s32 $0x2;
	s26 =	simm.s32 $0x7C20;
	s28 =	simm.s32 $0x1C10;
	v9 =	vadd.f32 v9, v10;
	v10 =	vmul.f32 v63, v13  }
.LBB2_2:
0x67: {  	s24 =	sadd.s32 $0x30, s24  }
0x68: {  	v11 =	vmov s30;
	v9 =	vadd.f32 v10, v9;
	s23 =	sadd.s32 $0x80, s23;
	s30 =	smov.u32 s0;
	s1 =	sadd.s32 $0x1, s0  }
0x69: {  	p0 =	sne.s32 s0, $0x3F  }
0x6a: {  	v8 =	vadd.f32 v9, v8;
	_ =	sdelay $0x1  }
0x6b: {  	[tilespmem:s31+$0x0] =	vst v8;
	s31 =	smov.u32 s24  }
0x6c: {  	v8 =	vld [tilespmem:s28+$0xFFFFFFF0]  }
0x6d: {  	v9 =	vld.idx.msk [tilespmem:v11+s16+$0x0], $0xffff  }
0x6e: {  	v10 =	vld.idx.msk [tilespmem:v11+s17+$0x0], $0xffff  }
0x6f: {  	v12 =	vld [tilespmem:s29+$0xFFFFFFF0]  }
0x70: {  	v11 =	vld.idx.msk [tilespmem:v11+s18+$0x0], $0xffff  }
0x71: {  	v13 =	vld [tilespmem:s23+$0xFFFFFFF0];
	_ =	sdelay $0x1  }
0x72: {  	v8 =	vmul.f32 v8, v9  }
0x73: {  	v12 =	vmul.f32 v12, v10  }
0x74: {  	v14 =	vld [tilespmem:s26+$0xFFFFFFE0]  }
0x75: {  	v8 =	vadd.f32 v12, v8;
	v12 =	vmul.f32 v13, v11;
	_ =	sdelay $0x1  }
0x76: {  	v8 =	vadd.f32 v12, v8;
	_ =	sdelay $0x1  }
0x77: {  	v8 =	vadd.f32 v8, v14;
	_ =	sdelay $0x1  }
0x78: {  	[tilespmem:s24+$0xFFFFFFE0] =	vst v8  }
0x79: {  	v8 =	vld [tilespmem:s28+$0x0]  }
0x7a: {  	v12 =	vld [tilespmem:s29+$0x0];
	_ =	sdelay $0x1  }
0x7b: {  	v13 =	vld [tilespmem:s23+$0x0];
	_ =	sdelay $0x1  }
0x7c: {  	v8 =	vmul.f32 v8, v9  }
0x7d: {  	v12 =	vmul.f32 v12, v10  }
0x7e: {  	v14 =	vld [tilespmem:s26+$0xFFFFFFF0]  }
0x7f: {  	v8 =	vadd.f32 v12, v8;
	v12 =	vmul.f32 v13, v11;
	_ =	sdelay $0x1  }
0x80: {  	v8 =	vadd.f32 v12, v8;
	_ =	sdelay $0x1  }
0x81: {  	v8 =	vadd.f32 v8, v14;
	_ =	sdelay $0x1  }
0x82: {  	[tilespmem:s24+$0xFFFFFFF0] =	vst v8  }
0x83: {  	v8 =	vld [tilespmem:s28+$0x10]  }
0x84: {  	v12 =	vld [tilespmem:s29+$0x10]  }
0x85: {  	v13 =	vld [tilespmem:s23+$0x10];
	_ =	sdelay $0x2  }
.Ltmp0:
0x86: {  	v9 =	vmul.f32 v8, v9;
	(pc) =	sbr.rel @p0 .LBB2_2-.Ltmp0, $4  }
0x87: {  	v10 =	vmul.f32 v12, v10  }
0x88: {  	v8 =	vld [tilespmem:s26+$0x0]  }
0x89: {  	s0 =	smov.u32 s1;
	v9 =	vadd.f32 v10, v9;
	v10 =	vmul.f32 v13, v11  }
0x8a: {  	s28 =	sadd.s32 $0x80, s28;
	s29 =	sadd.s32 $0x80, s29;
	s26 =	sadd.s32 $0x80, s26  }
0x8b: {  	v9 =	vadd.f32 v10, v9  }
0x8c: {  	v10 =	vmov s30  }
0x8d: {  	v8 =	vadd.f32 v9, v8;
	_ =	sdelay $0x1  }
0x8e: {  	[tilespmem:s31+$0x0] =	vst v8  }
0x8f: {  	v8 =	vld [tilespmem:s28+$0xFFFFFFF0]  }
0x90: {  	v9 =	vld.idx.msk [tilespmem:v10+s16+$0x0], $0xffff  }
0x91: {  	v11 =	vld.idx.msk [tilespmem:v10+s17+$0x0], $0xffff  }
0x92: {  	v12 =	vld [tilespmem:s29+$0xFFFFFFF0]  }
0x93: {  	s0 =	sadd.s32 $0x80, s23;
	v10 =	vld.idx.msk [tilespmem:v10+s18+$0x0], $0xffff  }
0x94: {  	v13 =	vld [tilespmem:s0+$0xFFFFFFF0];
	_ =	sdelay $0x2  }
0x95: {  	v8 =	vmul.f32 v8, v9;
	v12 =	vmul.f32 v12, v11  }
0x96: {  	v14 =	vld [tilespmem:s26+$0xFFFFFFE0]  }
0x97: {  	v51 =	vmul.f32 v13, v10;
	v8 =	vadd.f32 v12, v8;
	_ =	sdelay $0x1  }
0x98: {  	v8 =	vadd.f32 v51, v8;
	_ =	sdelay $0x1  }
0x99: {  	v8 =	vadd.f32 v8, v14  }
0x9a: {  	s1 =	sadd.s32 $0x30, s24  }
0x9b: {  	[tilespmem:s1+$0xFFFFFFE0] =	vst v8  }
0x9c: {  	v8 =	vld [tilespmem:s28+$0x0]  }
0x9d: {  	v52 =	vld [tilespmem:s29+$0x0];
	_ =	sdelay $0x1  }
0x9e: {  	v53 =	vld [tilespmem:s0+$0x0];
	_ =	sdelay $0x2  }
0x9f: {  	v8 =	vmul.f32 v8, v9;
	v12 =	vmul.f32 v52, v11  }
0xa0: {  	v54 =	vld [tilespmem:s26+$0xFFFFFFF0]  }
0xa1: {  	v55 =	vmul.f32 v53, v10;
	v8 =	vadd.f32 v12, v8;
	_ =	sdelay $0x1  }
0xa2: {  	v8 =	vadd.f32 v55, v8;
	_ =	sdelay $0x1  }
0xa3: {  	v8 =	vadd.f32 v8, v54;
	_ =	sdelay $0x1  }
0xa4: {  	[tilespmem:s1+$0xFFFFFFF0] =	vst v8  }
0xa5: {  	v8 =	vld [tilespmem:s28+$0x10]  }
0xa6: {  	v56 =	vld [tilespmem:s29+$0x10];
	_ =	sdelay $0x1  }
0xa7: {  	v57 =	vld [tilespmem:s0+$0x10];
	_ =	sdelay $0x2  }
0xa8: {  	v8 =	vmul.f32 v8, v9;
	v9 =	vmul.f32 v56, v11  }
0xa9: {  	v11 =	vld [tilespmem:s26+$0x0]  }
0xaa: {  	v8 =	vadd.f32 v9, v8;
	v9 =	vmul.f32 v57, v10;
	_ =	sdelay $0x1  }
0xab: {  	v8 =	vadd.f32 v9, v8;
	_ =	sdelay $0x1  }
0xac: {  	v8 =	vadd.f32 v8, v11;
	_ =	sdelay $0x1  }
0xad: {  	[tilespmem:s1+$0x0] =	vst v8  }
0xae: {  	_ =	swait.ge [sflag:s20], $0x2000  }
0xaf: {  	[sflag:s20] =	ssyncset.done $0x0  }
0xb0: {  	[sflag:s20] =	ssyncadd.s32 $0xFFFFE000  }
0xb1: {  	_ =	swait.ge [sflag:s20], $0x2000  }
0xb2: {  	[sflag:s20] =	ssyncset.done $0x0  }
0xb3: {  	[sflag:s20] =	ssyncadd.s32 $0xFFFFE000  }
0xb4: {  	_ =	swait.ge [sflag:s20], $0x2000  }
0xb5: {  	s26 =	simm.s32 $0x40;
	[sflag:s20] =	ssyncset.done $0x0  }
0xb6: {  	v8 =	vmov s26;
	[sflag:s20] =	ssyncadd.s32 $0xFFFFE000  }
0xb7: {  	_ =	swait.ge [sflag:s20], $0x2000  }
0xb8: {  	[sflag:s20] =	ssyncset.done $0x0  }
0xb9: {  	s1 =	simm.s32 $0x9B90;
	[sflag:s20] =	ssyncadd.s32 $0xFFFFE000  }
0xba: {  	v9 =	vld [tilespmem:s1+$0xFFFFFFF0]  }
0xbb: {  	v10 =	vld.idx.msk [tilespmem:v8+s16+$0x0], $0xffff  }
0xbc: {  	s26 =	simm.s32 $0xBB90;
	v11 =	vld.idx.msk [tilespmem:v8+s17+$0x0], $0xffff  }
0xbd: {  	v58 =	vld [tilespmem:s26+$0xFFFFFFF0]  }
0xbe: {  	s23 =	simm.s32 $0xDB90;
	v59 =	vld.idx.msk [tilespmem:v8+s18+$0x0], $0xffff  }
0xbf: {  	v8 =	vld [tilespmem:s23+$0xFFFFFFF0];
	_ =	sdelay $0x2  }
0xc0: {  	s28 =	simm.s32 $0xFBA0;
	v9 =	vmul.f32 v9, v10;
	v12 =	vmul.f32 v58, v11  }
0xc1: {  	v60 =	vld [tilespmem:s28+$0xFFFFFFE0]  }
0xc2: {  	v8 =	vmul.f32 v8, v59;
	v9 =	vadd.f32 v12, v9;
	_ =	sdelay $0x1  }
0xc3: {  	v8 =	vadd.f32 v8, v9;
	_ =	sdelay $0x1  }
0xc4: {  	v8 =	vadd.f32 v8, v60  }
0xc5: {  	s24 =	simm.s32 $0xFA0  }
0xc6: {  	[tilespmem:s24+$0xFFFFFFE0] =	vst v8  }
0xc7: {  	v8 =	vld [tilespmem:s1+$0x0]  }
0xc8: {  	v9 =	vld [tilespmem:s26+$0x0];
	_ =	sdelay $0x1  }
0xc9: {  	v61 =	vld [tilespmem:s23+$0x0];
	_ =	sdelay $0x2  }
0xca: {  	v8 =	vmul.f32 v8, v10;
	v9 =	vmul.f32 v9, v11  }
0xcb: {  	v62 =	vld [tilespmem:s28+$0xFFFFFFF0]  }
0xcc: {  	v8 =	vadd.f32 v9, v8;
	v9 =	vmul.f32 v61, v59;
	_ =	sdelay $0x1  }
0xcd: {  	v8 =	vadd.f32 v9, v8;
	_ =	sdelay $0x1  }
0xce: {  	v8 =	vadd.f32 v8, v62;
	_ =	sdelay $0x1  }
0xcf: {  	[tilespmem:s24+$0xFFFFFFF0] =	vst v8  }
0xd0: {  	v8 =	vld [tilespmem:s1+$0x10]  }
0xd1: {  	v9 =	vld [tilespmem:s26+$0x10];
	_ =	sdelay $0x1  }
0xd2: {  	v63 =	vld [tilespmem:s23+$0x10];
	_ =	sdelay $0x2  }
0xd3: {  	v10 =	vmul.f32 v8, v10;
	v9 =	vmul.f32 v9, v11  }
0xd4: {  	s30 =	simm.s32 $0x41;
	s31 =	simm.s32 $0xFA0;
	s29 =	simm.s32 $0xBC10;
	v8 =	vld [tilespmem:s28+$0x0]  }
0xd5: {  	s1 =	simm.s32 $0x42;
	s26 =	simm.s32 $0xFC20;
	s28 =	simm.s32 $0x9C10;
	v9 =	vadd.f32 v9, v10;
	v10 =	vmul.f32 v63, v59  }
.LBB2_4:
0xd6: {  	s24 =	sadd.s32 $0x30, s24  }
0xd7: {  	v11 =	vmov s30;
	v9 =	vadd.f32 v10, v9;
	s23 =	sadd.s32 $0x80, s23;
	s30 =	smov.u32 s1;
	s0 =	sadd.s32 $0x1, s1  }
0xd8: {  	p0 =	sne.s32 s1, $0x7F  }
0xd9: {  	v8 =	vadd.f32 v9, v8;
	_ =	sdelay $0x1  }
0xda: {  	[tilespmem:s31+$0x0] =	vst v8;
	s31 =	smov.u32 s24  }
0xdb: {  	v8 =	vld [tilespmem:s28+$0xFFFFFFF0]  }
0xdc: {  	v9 =	vld.idx.msk [tilespmem:v11+s16+$0x0], $0xffff  }
0xdd: {  	v10 =	vld.idx.msk [tilespmem:v11+s17+$0x0], $0xffff  }
0xde: {  	v12 =	vld [tilespmem:s29+$0xFFFFFFF0]  }
0xdf: {  	v11 =	vld.idx.msk [tilespmem:v11+s18+$0x0], $0xffff  }
0xe0: {  	v13 =	vld [tilespmem:s23+$0xFFFFFFF0];
	_ =	sdelay $0x1  }
0xe1: {  	v8 =	vmul.f32 v8, v9  }
0xe2: {  	v12 =	vmul.f32 v12, v10  }
0xe3: {  	v14 =	vld [tilespmem:s26+$0xFFFFFFE0]  }
0xe4: {  	v8 =	vadd.f32 v12, v8;
	v12 =	vmul.f32 v13, v11;
	_ =	sdelay $0x1  }
0xe5: {  	v8 =	vadd.f32 v12, v8;
	_ =	sdelay $0x1  }
0xe6: {  	v8 =	vadd.f32 v8, v14;
	_ =	sdelay $0x1  }
0xe7: {  	[tilespmem:s24+$0xFFFFFFE0] =	vst v8  }
0xe8: {  	v8 =	vld [tilespmem:s28+$0x0]  }
0xe9: {  	v12 =	vld [tilespmem:s29+$0x0];
	_ =	sdelay $0x1  }
0xea: {  	v13 =	vld [tilespmem:s23+$0x0];
	_ =	sdelay $0x1  }
0xeb: {  	v8 =	vmul.f32 v8, v9  }
0xec: {  	v12 =	vmul.f32 v12, v10  }
0xed: {  	v14 =	vld [tilespmem:s26+$0xFFFFFFF0]  }
0xee: {  	v8 =	vadd.f32 v12, v8;
	v12 =	vmul.f32 v13, v11;
	_ =	sdelay $0x1  }
0xef: {  	v8 =	vadd.f32 v12, v8;
	_ =	sdelay $0x1  }
0xf0: {  	v8 =	vadd.f32 v8, v14;
	_ =	sdelay $0x1  }
0xf1: {  	[tilespmem:s24+$0xFFFFFFF0] =	vst v8  }
0xf2: {  	v8 =	vld [tilespmem:s28+$0x10]  }
0xf3: {  	v12 =	vld [tilespmem:s29+$0x10]  }
0xf4: {  	v13 =	vld [tilespmem:s23+$0x10];
	_ =	sdelay $0x2  }
.Ltmp1:
0xf5: {  	v9 =	vmul.f32 v8, v9;
	(pc) =	sbr.rel @p0 .LBB2_4-.Ltmp1, $4  }
0xf6: {  	v10 =	vmul.f32 v12, v10  }
0xf7: {  	v8 =	vld [tilespmem:s26+$0x0]  }
0xf8: {  	s1 =	smov.u32 s0;
	v9 =	vadd.f32 v10, v9;
	v10 =	vmul.f32 v13, v11  }
0xf9: {  	s28 =	sadd.s32 $0x80, s28;
	s29 =	sadd.s32 $0x80, s29;
	s26 =	sadd.s32 $0x80, s26  }
0xfa: {  	v9 =	vadd.f32 v10, v9  }
0xfb: {  	v52 =	vmov s30  }
0xfc: {  	v8 =	vadd.f32 v9, v8;
	_ =	sdelay $0x1  }
0xfd: {  	[tilespmem:s31+$0x0] =	vst v8  }
0xfe: {  	v8 =	vld [tilespmem:s28+$0xFFFFFFF0]  }
0xff: {  	v53 =	vld.idx.msk [tilespmem:v52+s16+$0x0], $0xffff  }
0x100: {  	v11 =	vld.idx.msk [tilespmem:v52+s17+$0x0], $0xffff  }
0x101: {  	v12 =	vld [tilespmem:s29+$0xFFFFFFF0]  }
0x102: {  	s0 =	sadd.s32 $0x80, s23;
	v10 =	vld.idx.msk [tilespmem:v52+s18+$0x0], $0xffff  }
0x103: {  	v13 =	vld [tilespmem:s0+$0xFFFFFFF0];
	_ =	sdelay $0x2  }
0x104: {  	v8 =	vmul.f32 v8, v53;
	v12 =	vmul.f32 v12, v11  }
0x105: {  	v14 =	vld [tilespmem:s26+$0xFFFFFFE0]  }
0x106: {  	v54 =	vmul.f32 v13, v10;
	v8 =	vadd.f32 v12, v8;
	_ =	sdelay $0x1  }
0x107: {  	v8 =	vadd.f32 v54, v8;
	_ =	sdelay $0x1  }
0x108: {  	v8 =	vadd.f32 v8, v14  }
0x109: {  	s1 =	sadd.s32 $0x30, s24  }
0x10a: {  	[tilespmem:s1+$0xFFFFFFE0] =	vst v8  }
0x10b: {  	v8 =	vld [tilespmem:s28+$0x0]  }
0x10c: {  	v55 =	vld [tilespmem:s29+$0x0];
	_ =	sdelay $0x1  }
0x10d: {  	v56 =	vld [tilespmem:s0+$0x0];
	_ =	sdelay $0x2  }
0x10e: {  	v8 =	vmul.f32 v8, v53;
	v12 =	vmul.f32 v55, v11  }
0x10f: {  	v57 =	vld [tilespmem:s26+$0xFFFFFFF0]  }
0x110: {  	v58 =	vmul.f32 v56, v10;
	v8 =	vadd.f32 v12, v8;
	_ =	sdelay $0x1  }
0x111: {  	v8 =	vadd.f32 v58, v8;
	_ =	sdelay $0x1  }
0x112: {  	v8 =	vadd.f32 v8, v57;
	_ =	sdelay $0x1  }
0x113: {  	[tilespmem:s1+$0xFFFFFFF0] =	vst v8  }
0x114: {  	v8 =	vld [tilespmem:s28+$0x10]  }
0x115: {  	v59 =	vld [tilespmem:s29+$0x10];
	_ =	sdelay $0x1  }
0x116: {  	v60 =	vld [tilespmem:s0+$0x10];
	_ =	sdelay $0x2  }
0x117: {  	v8 =	vmul.f32 v8, v53;
	v61 =	vmul.f32 v59, v11  }
0x118: {  	v62 =	vld [tilespmem:s26+$0x0]  }
0x119: {  	v63 =	vmul.f32 v60, v10;
	v8 =	vadd.f32 v61, v8;
	_ =	sdelay $0x1  }
0x11a: {  	v8 =	vadd.f32 v63, v8;
	_ =	sdelay $0x1  }
0x11b: {  	s22 =	sadd.s32 $0x1, s22;
	v8 =	vadd.f32 v8, v62  }
0x11c: {  	p0 =	sne.s32 s22, s12  }
.Ltmp2:
0x11d: {  	[tilespmem:s1+$0x0] =	vst v8;
	(pc) =	sbr.rel @p0 .LBB2_1-.Ltmp2, $4  }
0x11e: {  	[hbm4b:s11+s3] =	stream.linear.scatter [tilespmem:s21], [sflag:$0x3], $0x1800, $0x38;
	[tilespmem:$0x11B80] =	vst v63  }
0x11f: {  	_ =	swait.ge [sflag:s13], $0x1800  }
0x120: {  	[sflag:s13] =	ssyncset.done $0x0  }
0x121: {  	[sflag:s13] =	ssyncadd.s32 $0xFFFFE800  }
0x122: {  	_ =	sfence.sel $0x180000  }
0x123: {  	[bflag:$0x0] =	sbarrier.arrive $0xFFFF  }
0x124: {  	_ =	strace $0x90000047  }
0x125: {  	s0 =	stileid.u32;
	[bflag:$0x2] =	sbarrier.arrive $0xFFFF  }
0x126: {  	p0 =	sne.s32 s0, $0x0;
	s0 =	rddreg [dreg:$0x2]  }
0x127: {  	s0 =	sadd.s32 @!p0 $0x100000, s0  }
0x128: {  	[sflag:s0] =	ssyncadd.tile.s32 @!p0 $0x1;
	_ =	shalt  }
.Lfunc_end2:
_tile_overlayer_lowered:
.L_overlay_start_2:
0x129: {  	(tag) =	ssettag $0x2  }
0x12a: {  	s0 =	rddreg [dreg:$0x0];
	s2 =	stileid.u32  }
0x12b: {  	s1 =	rddreg [dreg:$0x1];
	p0 =	sne.s32 s2, $0x0  }
0x12c: {  	s3 =	rddreg [dreg:$0x2];
	[bflag:$0x3] =	sbarrier.arrive $0xFFFF;
	s2 =	simm.s32 @!p0 $0x1C03  }
0x12d: {  	[timem:s3], [sflag:s2] =	dma.local @!p0 [hbm:s0], s1  }
0x12e: {  	s0 =	simm.s32 @!p0 $0x3  }
0x12f: {  	_ =	swait.ge @!p0 [sflag:s0], s1  }
0x130: {  	s1 =	ssub.s32 @!p0 $0x0, s1;
	[sflag:s0] =	ssyncset.done @!p0 $0x0  }
0x131: {  	[sflag:s0] =	ssyncadd.s32 @!p0 s1  }
0x132: {  	[bflag:$0x3] =	sbarrier.arrive $0xFFFF  }
0x133: {  	_ =	shalt  }

// kernel: kernel.14.cloned.1.call-start
scs
__scs_entry_jumppad:
0x0: {  	(pc) =	sbr.rel $0x88, $3  }
0x1: {  	(tag) =	ssettag $0x0;
	lr =	simm.s32 $0x1  }
0x2: {  	[smem:$0x3F94] =	sst lr;
	_ =	strace $0xD0000000  }
0x3: {  	_ = 	snop  }
0x4: {  	_ = 	snop  }
0x5: {  	_ = 	snop  }
0x6: {  	_ = 	snop  }
0x7: {  	_ = 	snop  }
__scs_overlays_trampoline_lowered:
0x8: {  	[smem:$0x3FA3] =	sst s0  }
0x9: {  	[smem:$0x3FA4] =	sst s1  }
0xa: {  	[smem:$0x3FA5] =	sst s2  }
0xb: {  	[smem:$0x3FA6] =	sst s3  }
0xc: {  	[smem:$0x3FA7] =	sst s4  }
0xd: {  	[smem:$0x3FA8] =	sst s5  }
0xe: {  	[smem:$0x3FA9] =	sst s6  }
0xf: {  	[smem:$0x3FAA] =	sst s7  }
0x10: {  	[smem:$0x3FAB] =	sst s8  }
0x11: {  	[smem:$0x3FAC] =	sst s9;
	s0 =	simm.s32 @!p0 $0x0  }
0x12: {  	s1 =	sld [smem:$0x3F92];
	s0 =	simm.s32 @p0 $0x1  }
0x13: {  	[smem:$0x3FAD] =	sst s0;
	s0 =	simm.s32 @!p1 $0x0  }
0x14: {  	s2 =	sld [smem:$0x3F91];
	s0 =	simm.s32 @p1 $0x1  }
0x15: {  	[smem:$0x3FAE] =	sst s0;
	s0 =	simm.s32 @!p2 $0x0  }
0x16: {  	s3 =	sld [smem:$0x3FDB];
	s0 =	simm.s32 @p2 $0x1  }
0x17: {  	s4 =	simm.s32 $0x1BF5;
	[smem:$0x3FB0] =	sst s0  }
0x18: {  	s0 =	sld [smem:$0x3F93];
	_ =	swait.ge [sflag:s4], $0x0  }
0x19: {  	s7 =	sld [smem:$0x3F94]  }
0x1a: {  	s8 =	sadd.s32 $0xFFFFE003, lr  }
0x1b: {  	s9 =	sadd.s32 $0xFFFFFEF7, lr;
	s5 =	simm.s32 $0xFFFFFFFF;
	p2 =	slt.u32 s8, $0xFFFFF086  }
0x1c: {  	p1 =	slt.u32 s9, $0xF7A;
	s5 =	simm.s32 @!p2 $0x0  }
0x1d: {  	s5 =	simm.s32 @p1 $0x1;
	p0 =	seq.s32 s7, s2  }
0x1e: {  	s7 =	smul.u32 @!p0 $0xF7A, s2;
	p2 =	seq.s32 @!p0 s5, $0x0  }
0x1f: {  	s9 =	smul.u32 $0xF7A, s1;
	s8 =	simm.s32 @!p0 $0x1BF5;
	p2 =	por !p2, p0  }
0x20: {  	[sflag:s8] =	ssyncset.s32 @!p0 $0xFFFFF086;
	s6 =	sadd.s32 @!p0 s3, s7;
	s7 =	simm.s32 @!p0 $0x108  }
0x21: {  	s3 =	sadd.s32 s3, s9;
	s6 =	sadd.s32 @!p0 $0x88, s6;
	s7 =	simm.s32 @p2 $0x1082  }
0x22: {  	[simem:s7], [sflag:s8] =	dma.local @!p0 [hbm:s6], $0xF7A  }
0x23: {  	s9 =	sor.u32 $0xD0000000, s2;
	s6 =	simm.s32 $0x108;
	_ =	swait.ge @!p0 [sflag:s8], $0x0  }
0x24: {  	s3 =	sadd.s32 $0x88, s3;
	s6 =	simm.s32 @!p1 $0x1082;
	[sflag:s4] =	ssyncset.s32 $0xFFFFF086  }
0x25: {  	[simem:s6], [sflag:s4] =	dma.local [hbm:s3], $0xF7A  }
0x26: {  	[smem:$0x3F94] =	sst s1;
	(tag) =	ssettag s2;
	_ =	strace s9  }
0x27: {  	s1 =	sld [smem:$0x3FA4]  }
0x28: {  	s2 =	sld [smem:$0x3FA5]  }
0x29: {  	s4 =	sld [smem:$0x3FA7]  }
0x2a: {  	p0 =	seq.s32 s5, $0x0;
	s5 =	sld [smem:$0x3FA8]  }
0x2b: {  	s6 =	sld [smem:$0x3FA9]  }
0x2c: {  	s7 =	sld [smem:$0x3FAA]  }
0x2d: {  	s3 =	simm.s32 $0x108;
	s8 =	sld [smem:$0x3FAB]  }
0x2e: {  	s3 =	simm.s32 @!p0 $0x1082;
	s9 =	sld [smem:$0x3FAC]  }
0x2f: {  	lr =	sadd.s32 s0, s3;
	s0 =	sld [smem:$0x3FA3]  }
0x30: {  	s3 =	sld [smem:$0x3FA6]  }
0x31: {  	[smem:$0x3FAF] =	sst s10  }
0x32: {  	s10 =	sld [smem:$0x3FAD];
	_ =	sdelay $0x3  }
0x33: {  	p0 =	seq.s32 s10, $0x1;
	s10 =	sld [smem:$0x3FAF];
	_ =	sdelay $0x3  }
0x34: {  	[smem:$0x3FAF] =	sst s10  }
0x35: {  	s10 =	sld [smem:$0x3FAE];
	_ =	sdelay $0x3  }
0x36: {  	p1 =	seq.s32 s10, $0x1;
	s10 =	sld [smem:$0x3FAF];
	_ =	sdelay $0x3  }
0x37: {  	[smem:$0x3FAF] =	sst s10  }
0x38: {  	s10 =	sld [smem:$0x3FB0]  }
0x39: {  	_ = 	snop;
	(pc) =	sbr.ind lr, $3  }
0x3a: {  	_ = 	snop  }
0x3b: {  	_ = 	snop  }
0x3c: {  	p2 =	seq.s32 s10, $0x1;
	s10 =	sld [smem:$0x3FAF]  }
0x3d: {  	_ =	shalt  }
0x3e: {  	_ =	shalt  }
0x3f: {  	_ =	shalt  }
0x40: {  	_ =	shalt  }
0x41: {  	_ =	shalt  }
0x42: {  	_ =	shalt  }
0x43: {  	_ =	shalt  }
0x44: {  	_ =	shalt  }
0x45: {  	_ =	shalt  }
0x46: {  	_ =	shalt  }
0x47: {  	_ =	shalt  }
0x48: {  	_ =	shalt  }
0x49: {  	_ =	shalt  }
0x4a: {  	_ =	shalt  }
0x4b: {  	_ =	shalt  }
0x4c: {  	_ =	shalt  }
0x4d: {  	_ =	shalt  }
0x4e: {  	_ =	shalt  }
0x4f: {  	_ =	shalt  }
0x50: {  	_ =	shalt  }
0x51: {  	_ =	shalt  }
0x52: {  	_ =	shalt  }
0x53: {  	_ =	shalt  }
0x54: {  	_ =	shalt  }
0x55: {  	_ =	shalt  }
0x56: {  	_ =	shalt  }
0x57: {  	_ =	shalt  }
0x58: {  	_ =	shalt  }
0x59: {  	_ =	shalt  }
0x5a: {  	_ =	shalt  }
0x5b: {  	_ =	shalt  }
0x5c: {  	_ =	shalt  }
0x5d: {  	_ =	shalt  }
0x5e: {  	_ =	shalt  }
0x5f: {  	_ =	shalt  }
0x60: {  	_ =	shalt  }
0x61: {  	_ =	shalt  }
0x62: {  	_ =	shalt  }
0x63: {  	_ =	shalt  }
0x64: {  	_ =	shalt  }
0x65: {  	_ =	shalt  }
0x66: {  	_ =	shalt  }
0x67: {  	_ =	shalt  }
0x68: {  	_ =	shalt  }
0x69: {  	_ =	shalt  }
0x6a: {  	_ =	shalt  }
0x6b: {  	_ =	shalt  }
0x6c: {  	_ =	shalt  }
0x6d: {  	_ =	shalt  }
0x6e: {  	_ =	shalt  }
0x6f: {  	_ =	shalt  }
0x70: {  	_ =	shalt  }
0x71: {  	_ =	shalt  }
0x72: {  	_ =	shalt  }
0x73: {  	_ =	shalt  }
0x74: {  	_ =	shalt  }
0x75: {  	_ =	shalt  }
0x76: {  	_ =	shalt  }
0x77: {  	_ =	shalt  }
0x78: {  	_ =	shalt  }
0x79: {  	_ =	shalt  }
0x7a: {  	_ =	shalt  }
0x7b: {  	_ =	shalt  }
0x7c: {  	_ =	shalt  }
0x7d: {  	_ =	shalt  }
0x7e: {  	_ =	shalt  }
0x7f: {  	_ =	shalt  }
0x80: {  	_ =	shalt  }
0x81: {  	_ =	shalt  }
0x82: {  	_ =	shalt  }
0x83: {  	_ =	shalt  }
0x84: {  	_ =	shalt  }
0x85: {  	_ =	shalt  }
0x86: {  	_ =	shalt  }
0x87: {  	_ =	shalt  }
.Lfunc_end0:
.L_simem_size_0:
called_computation.1_lowered:
.L_overlay_start_0:
0x88: {  	s2 =	sld [smem:$0x3FD9]  }
0x89: {  	s3 =	sld [smem:$0x3FFE];
	_ =	sdelay $0x1  }
0x8a: {  	s1 =	srdreg.scid  }
0x8b: {  	s0 =	sand.u32 $0x1, s1  }
0x8c: {  	s15 =	sshll.u32 s0, $0xA;
	s2 =	sadd.s32 s3, s2  }
0x8d: {  	s2 =	sadd.s32 s2, s15  }
0x8e: {  	[smem:$0x3FBB] =	sst s2  }
0x8f: {  	_ = 	snop  }
0x90: {  	s2 =	sld [smem:$0x3FD0];
	_ =	sdelay $0x2  }
0x91: {  	s16 =	simm.s32 $0xD;
	s4 =	simm.s32 $0x10  }
0x92: {  	[smem:s4], [sflag:s16] =	dma.local [hbm:s2], $0x1  }
0x93: {  	_ =	swait.eq [sflag:s16], $0x1  }
0x94: {  	[sflag:s16] =	ssyncset.done $0x0  }
0x95: {  	[sflag:s16] =	ssyncadd.s32 $0xFFFFFFFF  }
0x96: {  	s17 =	sld [smem:$0x10];
	(tm) =	ssettm $0x1  }
0x97: {  	s18 =	sld [smem:$0x3FFB];
	_ =	sdelay $0x3  }
0x98: {  	_ =	strace s18  }
0x99: {  	s2 =	sld [smem:$0x3FFC];
	_ =	sdelay $0x3  }
0x9a: {  	_ =	strace s2  }
0x9b: {  	s2 =	sld [smem:$0x3FFD];
	_ =	sdelay $0x3  }
0x9c: {  	_ =	strace s2  }
0x9d: {  	_ =	strace $0x8FFFFFFF  }
0x9e: {  	s19 =	sld [smem:$0x3FDB];
	_ =	sdelay $0x1  }
0x9f: {  	s20 =	simm.s32 $_scs_section_size  }
0xa0: {  	s5 =	simm.s32 $_size__tile_overlayer_lowered;
	s6 =	simm.s32 $_tile_overlayer_lowered  }
0xa1: {  	s7 =	simm.s32 $0x1BFF;
	s21 =	sshll.u32 s6, $0x1;
	s4 =	sadd.s32 s20, s19  }
0xa2: {  	s22 =	simm.s32 $0x0;
	s5 =	sshll.u32 s5, $0x1;
	s6 =	sadd.s32 s21, s4  }
0xa3: {  	[timem:s22], [sflag:s7] =	dma.local [hbm:s6], s5  }
0xa4: {  	_ =	swait.ge [sflag:s7], s5  }
0xa5: {  	s5 =	ssub.s32 $0x0, s5;
	[sflag:s7] =	ssyncset.done $0x0  }
0xa6: {  	[sflag:s7] =	ssyncadd.s32 s5;
	_ =	sdelay $0x1  }
0xa7: {  	s23 =	simm.s32 $0x1B8B  }
0xa8: {  	_ =	swait.ge [sflag:s23], $0x1  }
0xa9: {  	[sflag:s23] =	ssyncset.done $0x0  }
0xaa: {  	[sflag:s23] =	ssyncadd.s32 $0xFFFFFFFF  }
0xab: {  	s5 =	sld [smem:$0x0]  }
0xac: {  	s6 =	sand.u32 $0xFFFFFFFE, s1  }
0xad: {  	p0 =	sne.s32 s1, s6  }
0xae: {  	s6 =	sshll.u32 @p0 s6, $0xE  }
0xaf: {  	s6 =	sadd.s32 @p0 $0x11B8D, s6;
	s7 =	sshll.u32 @p0 s5, $0x11  }
0xb0: {  	s6 =	sor.u32 @p0 s7, s6  }
0xb1: {  	[sflag:s6] =	ssyncadd.remote.s32 @p0 $0x1;
	_ =	sdelay $0x1  }
0xb2: {  	s6 =	simm.s32 @p0 $0x1B8D  }
0xb3: {  	_ =	swait.eq @p0 [sflag:s6], $0x1  }
0xb4: {  	[sflag:s6] =	ssyncadd.s32 @p0 $0xFFFFFFFF  }
0xb5: {  	s7 =	sshll.u32 @!p0 s1, $0xE  }
0xb6: {  	s7 =	sor.u32 @!p0 $0x4000, s7;
	s6 =	simm.s32 @!p0 $0x1B8D  }
0xb7: {  	s5 =	sshll.u32 @!p0 s5, $0x11;
	s7 =	sadd.s32 @!p0 $0x11B8D, s7;
	_ =	swait.eq @!p0 [sflag:s6], $0x1  }
0xb8: {  	s5 =	sor.u32 @!p0 s5, s7;
	[sflag:s6] =	ssyncadd.s32 @!p0 $0xFFFFFFFF  }
0xb9: {  	s25 =	simm.s32 $0x1B8E;
	s24 =	sld [smem:$0x3FFE];
	[sflag:s5] =	ssyncadd.remote.s32 @!p0 $0x1  }
0xba: {  	s26 =	simm.s32 $execute0_lowered;
	[smem:$0x3FD2] =	sst s25  }
0xbb: {  	s6 =	sshll.u32 s26, $0x1;
	_ =	strace $0x80000049;
	[dreg:$0x1] =	wrdreg $0xFFFFFFFF  }
0xbc: {  	s28 =	simm.s32 $_size_execute0_lowered;
	s4 =	sadd.s32 s4, s6;
	[dreg:$0x0] =	wrdreg $0x0  }
0xbd: {  	s6 =	sshll.u32 s28, $0x1;
	[dreg:$0x2] =	wrdreg s4  }
0xbe: {  	[dreg:$0x3] =	wrdreg s6  }
0xbf: {  	[dreg:$0x4] =	wrdreg $0xC0  }
0xc0: {  	_ =	task [dreg:s22], $0x5FFFF  }
0xc1: {  	[dreg:$0x1] =	wrdreg $0xFFFFFFFF  }
0xc2: {  	[dreg:$0x0] =	wrdreg $0x60  }
0xc3: {  	[dreg:$0x2] =	wrdreg s17  }
0xc4: {  	[dreg:$0x3] =	wrdreg s24  }
0xc5: {  	[dreg:$0x4] =	wrdreg $0xA  }
0xc6: {  	_ =	task.clear_ibuf [dreg:s22], $0x5FFFF;
	_ =	strace $0x90000049  }
0xc7: {  	s29 =	simm.s32 $0xA;
	_ =	strace $0x8000004B  }
0xc8: {  	_ =	swait.ge [sflag:s29], $0x1  }
0xc9: {  	[sflag:s29] =	ssyncadd.s32 $0xFFFFFFFF  }
0xca: {  	_ =	strace $0x9000004B  }
0xcb: {  	_ =	sfence  }
0xcc: {  	s30 =	sld [smem:$0x0];
	_ =	sdelay $0x2  }
0xcd: {  	s31 =	sshll.u32 s1, $0xD;
	s1 =	sshrl.u32 s1, $0x2  }
0xce: {  	s4 =	sand.u32 $0x4000, s31;
	s1 =	sadd.s32 s1, s30  }
0xcf: {  	s0 =	sor.u32 s4, s0;
	s1 =	sshll.u32 s1, $0x11  }
0xd0: {  	s0 =	sor.u32 s1, s0  }
0xd1: {  	s0 =	sadd.s32 $0x8F2B, s0  }
0xd2: {  	[sflag:s0] =	ssyncadd.remote.s32 $0x1  }
0xd3: {  	_ =	sfence.sel $0xFFFF  }
0xd4: {  	[dreg:$0x0] =	wrdreg $0xFFFFFFFF;
	(pc) =	sbr.abs _section_cstart, $3  }
0xd5: {  	[dreg:$0x1] =	wrdreg $0xFFFFFFFF  }
0xd6: {  	_ =	task.clear_ibuf [dreg:s22], $0x2FFFF;
	_ =	strace $0x9FFFFFFF  }
0xd7: {  	(tm) =	ssettm $0x7FFFFFFF  }
tec
execute0_lowered:
.L_overlay_start_1:
0x0: {  	(tag) =	ssettag $0x1  }
0x1: {  	s2 =	rddreg [dreg:$0x0]  }
0x2: {  	s0 =	rddreg [dreg:$0x1];
	s1 =	srdreg.scid  }
0x3: {  	s4 =	stileid.u32;
	s3 =	simm.s32 $0x0;
	s13 =	simm.s32 $0x3  }
0x4: {  	s14 =	simm.s32 $0x80;
	s15 =	simm.s32 $0x100;
	s16 =	simm.s32 $0x180  }
0x5: {  	s17 =	simm.s32 $0x200;
	s18 =	simm.s32 $0x280;
	s19 =	simm.s32 $0x40  }
0x6: {  	s1 =	sand.u32 $0x1, s1;
	s4 =	sshll.u32 s4, $0x1;
	[smem:$0x7FF] =	sst s3  }
0x7: {  	s25 =	simm.s32 $0x1;
	s5 =	sor.u32 s1, s4;
	_ =	strace $0x8000004A  }
0x8: {  	s1 =	ssub.s32 $0x2, s1;
	s4 =	sshll.u32 s5, $0x4;
	s6 =	smul.u32 $0x300, s5  }
0x9: {  	s31 =	sshrl.u32 s1, $0x1;
	s20 =	sshll.u32 s5, $0x7;
	s10 =	sadd.s32 s4, s0  }
0xa: {  	s4 =	sadd.s32 $0x1D600, s0;
	s1 =	ssub.s32 s1, s31;
	s21 =	sor.u32 $0x10, s20  }
0xb: {  	s22 =	sor.u32 $0x20, s20;
	s23 =	sor.u32 $0x30, s20;
	s24 =	sor.u32 $0x40, s20  }
0xc: {  	v7 =	vlaneseq.u32;
	s26 =	sor.u32 $0x50, s20;
	s28 =	sor.u32 $0x60, s20;
	s29 =	sor.u32 $0x70, s20  }
0xd: {  	v0 =	vor.u32 s20, v7;
	s20 =	simm.s32 $0x2;
	s0 =	sadd.s32 s6, s0;
	s5 =	sadd.s32 $0x2D600, s10  }
0xe: {  	s6 =	sadd.s32 $0x2D800, s10;
	s7 =	sadd.s32 $0x2DA00, s10;
	s8 =	sadd.s32 $0x2DC00, s10;
	v1 =	vor.u32 s21, v7  }
0xf: {  	s9 =	sadd.s32 $0x2DE00, s10;
	s10 =	sadd.s32 $0x2E000, s10;
	s12 =	smax.u32 s1, $0x1;
	v2 =	vor.u32 s22, v7;
	v3 =	vor.u32 s23, v7;
	v4 =	vor.u32 s24, v7  }
0x10: {  	v5 =	vor.u32 s26, v7;
	v6 =	vor.u32 s28, v7;
	v7 =	vor.u32 s29, v7;
	s21 =	simm.s32 $0x380;
	s22 =	simm.s32 $0x0;
	s11 =	sadd.s32 $0x2E200, s0  }
.LBB2_1:
0x11: {  	[tilespmem:$0x300] =	vst v0  }
0x12: {  	[tilespmem:$0x310] =	vst v1  }
0x13: {  	[tilespmem:$0x320] =	vst v2  }
0x14: {  	[tilespmem:$0x330] =	vst v3  }
0x15: {  	[tilespmem:$0x340] =	vst v4  }
0x16: {  	[tilespmem:$0x350] =	vst v5  }
0x17: {  	[tilespmem:$0x360] =	vst v6  }
0x18: {  	[tilespmem:$0x370] =	vst v7  }
0x19: {  	[tilespmem:s3], [sflag:$0x3] =	stream.linear.gather [hbm4b:s5+s3], $0x80, $0x38;
	[tilespmem:$0x11B80] =	vst v63  }
0x1a: {  	_ =	swait.ge [sflag:s13], $0x80  }
0x1b: {  	[sflag:s13] =	ssyncset.done $0x0  }
0x1c: {  	[sflag:s13] =	ssyncadd.s32 $0xFFFFFF80  }
0x1d: {  	[tilespmem:s14], [sflag:$0x3] =	stream.linear.gather [hbm4b:s6+s3], $0x80, $0x38;
	[tilespmem:$0x11B80] =	vst v63  }
0x1e: {  	_ =	swait.ge [sflag:s13], $0x80  }
0x1f: {  	[sflag:s13] =	ssyncset.done $0x0  }
0x20: {  	[sflag:s13] =	ssyncadd.s32 $0xFFFFFF80  }
0x21: {  	[tilespmem:s15], [sflag:$0x3] =	stream.linear.gather [hbm4b:s7+s3], $0x80, $0x38;
	[tilespmem:$0x11B80] =	vst v63  }
0x22: {  	_ =	swait.ge [sflag:s13], $0x80  }
0x23: {  	[sflag:s13] =	ssyncset.done $0x0  }
0x24: {  	[sflag:s13] =	ssyncadd.s32 $0xFFFFFF80  }
0x25: {  	[tilespmem:s16], [sflag:$0x3] =	stream.linear.gather [hbm4b:s8+s3], $0x80, $0x38;
	[tilespmem:$0x11B80] =	vst v63  }
0x26: {  	_ =	swait.ge [sflag:s13], $0x80  }
0x27: {  	[sflag:s13] =	ssyncset.done $0x0  }
0x28: {  	[sflag:s13] =	ssyncadd.s32 $0xFFFFFF80  }
0x29: {  	[tilespmem:s17], [sflag:$0x3] =	stream.linear.gather [hbm4b:s9+s3], $0x80, $0x38;
	[tilespmem:$0x11B80] =	vst v63  }
0x2a: {  	_ =	swait.ge [sflag:s13], $0x80  }
0x2b: {  	[sflag:s13] =	ssyncset.done $0x0  }
0x2c: {  	[sflag:s13] =	ssyncadd.s32 $0xFFFFFF80  }
0x2d: {  	[tilespmem:s18], [sflag:$0x3] =	stream.linear.gather [hbm4b:s10+s3], $0x80, $0x38;
	[tilespmem:$0x11B80] =	vst v63  }
0x2e: {  	_ =	swait.ge [sflag:s13], $0x80  }
0x2f: {  	[sflag:s13] =	ssyncset.done $0x0  }
0x30: {  	s0 =	simm.s32 $0x1B80;
	[sflag:s13] =	ssyncadd.s32 $0xFFFFFF80  }
0x31: {  	[tilespmem:s0], [sflag:$0x1] =	stream.indirect.gather [hbm4b:s2+s19], $0x80, s3, s19, $0xb8;
	[tilespmem:$0x11B80] =	vst v63  }
0x32: {  	s23 =	simm.s32 $0x3B80  }
0x33: {  	[tilespmem:s23], [sflag:$0x1] =	stream.indirect.gather [hbm4b:s2+s19], $0x80, s14, s19, $0xb8;
	[tilespmem:$0x11B80] =	vst v63  }
0x34: {  	s24 =	simm.s32 $0x5B80  }
0x35: {  	[tilespmem:s24], [sflag:$0x1] =	stream.indirect.gather [hbm4b:s2+s19], $0x80, s15, s19, $0xb8;
	[tilespmem:$0x11B80] =	vst v63  }
0x36: {  	s26 =	simm.s32 $0x300;
	s1 =	simm.s32 $0x7B80  }
0x37: {  	[tilespmem:s1], [sflag:$0x1] =	stream.indirect.gather [hbm4b:s4+s19], $0x80, s26, s19, $0xb8;
	[tilespmem:$0x11B80] =	vst v63  }
0x38: {  	_ =	swait.ge [sflag:s25], $0x2000  }
0x39: {  	[sflag:s25] =	ssyncset.done $0x0  }
0x3a: {  	[sflag:s25] =	ssyncadd.s32 $0xFFFFE000  }
0x3b: {  	_ =	swait.ge [sflag:s25], $0x2000  }
0x3c: {  	[sflag:s25] =	ssyncset.done $0x0  }
0x3d: {  	[sflag:s25] =	ssyncadd.s32 $0xFFFFE000  }
0x3e: {  	_ =	swait.ge [sflag:s25], $0x2000  }
0x3f: {  	[sflag:s25] =	ssyncset.done $0x0  }
0x40: {  	[sflag:s25] =	ssyncadd.s32 $0xFFFFE000  }
0x41: {  	_ =	swait.ge [sflag:s25], $0x2000  }
0x42: {  	[sflag:s25] =	ssyncset.done $0x0  }
0x43: {  	s23 =	simm.s32 $0x9B80;
	[sflag:s25] =	ssyncadd.s32 $0xFFFFE000  }
0x44: {  	[tilespmem:s23], [sflag:$0x2] =	stream.indirect.gather [hbm4b:s2+s19], $0x80, s19, s19, $0xb8;
	[tilespmem:$0x11B80] =	vst v63  }
0x45: {  	s24 =	simm.s32 $0xC0;
	s26 =	simm.s32 $0xBB80  }
0x46: {  	[tilespmem:s26], [sflag:$0x2] =	stream.indirect.gather [hbm4b:s2+s19], $0x80, s24, s19, $0xb8;
	[tilespmem:$0x11B80] =	vst v63  }
0x47: {  	v8 =	vmov s3;
	s1 =	simm.s32 $0x140;
	s23 =	simm.s32 $0xDB80  }
0x48: {  	[tilespmem:s23], [sflag:$0x2] =	stream.indirect.gather [hbm4b:s2+s19], $0x80, s1, s19, $0xb8;
	[tilespmem:$0x11B80] =	vst v63  }
0x49: {  	s24 =	simm.s32 $0x340;
	s26 =	simm.s32 $0xFB80;
	s1 =	simm.s32 $0x1B90  }
0x4a: {  	[tilespmem:s26], [sflag:$0x2] =	stream.indirect.gather [hbm4b:s4+s19], $0x80, s24, s19, $0xb8;
	[tilespmem:$0x11B80] =	vst v63  }
0x4b: {  	v9 =	vld [tilespmem:s1+$0xFFFFFFF0]  }
0x4c: {  	v10 =	vld.idx.msk [tilespmem:v8+s16+$0x0], $0xffff  }
0x4d: {  	s26 =	simm.s32 $0x3B90;
	v11 =	vld.idx.msk [tilespmem:v8+s17+$0x0], $0xffff  }
0x4e: {  	v12 =	vld [tilespmem:s26+$0xFFFFFFF0]  }
0x4f: {  	s23 =	simm.s32 $0x5B90;
	v13 =	vld.idx.msk [tilespmem:v8+s18+$0x0], $0xffff  }
0x50: {  	v8 =	vld [tilespmem:s23+$0xFFFFFFF0];
	_ =	sdelay $0x2  }
0x51: {  	s28 =	simm.s32 $0x7BA0;
	v9 =	vmul.f32 v9, v10;
	v12 =	vmul.f32 v12, v11  }
0x52: {  	v14 =	vld [tilespmem:s28+$0xFFFFFFE0]  }
0x53: {  	v8 =	vmul.f32 v8, v13;
	v9 =	vadd.f32 v12, v9;
	_ =	sdelay $0x1  }
0x54: {  	v8 =	vadd.f32 v8, v9;
	_ =	sdelay $0x1  }
0x55: {  	v8 =	vadd.f32 v8, v14  }
0x56: {  	s24 =	simm.s32 $0x3A0  }
0x57: {  	[tilespmem:s24+$0xFFFFFFE0] =	vst v8  }
0x58: {  	v8 =	vld [tilespmem:s1+$0x0]  }
0x59: {  	v9 =	vld [tilespmem:s26+$0x0];
	_ =	sdelay $0x1  }
0x5a: {  	v61 =	vld [tilespmem:s23+$0x0];
	_ =	sdelay $0x2  }
0x5b: {  	v8 =	vmul.f32 v8, v10;
	v9 =	vmul.f32 v9, v11  }
0x5c: {  	v62 =	vld [tilespmem:s28+$0xFFFFFFF0]  }
0x5d: {  	v8 =	vadd.f32 v9, v8;
	v9 =	vmul.f32 v61, v13;
	_ =	sdelay $0x1  }
0x5e: {  	v8 =	vadd.f32 v9, v8;
	_ =	sdelay $0x1  }
0x5f: {  	v8 =	vadd.f32 v8, v62;
	_ =	sdelay $0x1  }
0x60: {  	[tilespmem:s24+$0xFFFFFFF0] =	vst v8  }
0x61: {  	v8 =	vld [tilespmem:s1+$0x10]  }
0x62: {  	v9 =	vld [tilespmem:s26+$0x10];
	_ =	sdelay $0x1  }
0x63: {  	v63 =	vld [tilespmem:s23+$0x10];
	_ =	sdelay $0x2  }
0x64: {  	v10 =	vmul.f32 v8, v10;
	v9 =	vmul.f32 v9, v11  }
0x65: {  	s30 =	simm.s32 $0x1;
	s29 =	simm.s32 $0x3C10;
	s31 =	simm.s32 $0x3A0;
	v8 =	vld [tilespmem:s28+$0x0]  }
0x66: {  	s0 =	simm.s32 $0x2;
	s26 =	simm.s32 $0x7C20;
	s28 =	simm.s32 $0x1C10;
	v9 =	vadd.f32 v9, v10;
	v10 =	vmul.f32 v63, v13  }
.LBB2_2:
0x67: {  	s24 =	sadd.s32 $0x30, s24  }
0x68: {  	v11 =	vmov s30;
	v9 =	vadd.f32 v10, v9;
	s23 =	sadd.s32 $0x80, s23;
	s30 =	smov.u32 s0;
	s1 =	sadd.s32 $0x1, s0  }
0x69: {  	p0 =	sne.s32 s0, $0x3F  }
0x6a: {  	v8 =	vadd.f32 v9, v8;
	_ =	sdelay $0x1  }
0x6b: {  	[tilespmem:s31+$0x0] =	vst v8;
	s31 =	smov.u32 s24  }
0x6c: {  	v8 =	vld [tilespmem:s28+$0xFFFFFFF0]  }
0x6d: {  	v9 =	vld.idx.msk [tilespmem:v11+s16+$0x0], $0xffff  }
0x6e: {  	v10 =	vld.idx.msk [tilespmem:v11+s17+$0x0], $0xffff  }
0x6f: {  	v12 =	vld [tilespmem:s29+$0xFFFFFFF0]  }
0x70: {  	v11 =	vld.idx.msk [tilespmem:v11+s18+$0x0], $0xffff  }
0x71: {  	v13 =	vld [tilespmem:s23+$0xFFFFFFF0];
	_ =	sdelay $0x1  }
0x72: {  	v8 =	vmul.f32 v8, v9  }
0x73: {  	v12 =	vmul.f32 v12, v10  }
0x74: {  	v14 =	vld [tilespmem:s26+$0xFFFFFFE0]  }
0x75: {  	v8 =	vadd.f32 v12, v8;
	v12 =	vmul.f32 v13, v11;
	_ =	sdelay $0x1  }
0x76: {  	v8 =	vadd.f32 v12, v8;
	_ =	sdelay $0x1  }
0x77: {  	v8 =	vadd.f32 v8, v14;
	_ =	sdelay $0x1  }
0x78: {  	[tilespmem:s24+$0xFFFFFFE0] =	vst v8  }
0x79: {  	v8 =	vld [tilespmem:s28+$0x0]  }
0x7a: {  	v12 =	vld [tilespmem:s29+$0x0];
	_ =	sdelay $0x1  }
0x7b: {  	v13 =	vld [tilespmem:s23+$0x0];
	_ =	sdelay $0x1  }
0x7c: {  	v8 =	vmul.f32 v8, v9  }
0x7d: {  	v12 =	vmul.f32 v12, v10  }
0x7e: {  	v14 =	vld [tilespmem:s26+$0xFFFFFFF0]  }
0x7f: {  	v8 =	vadd.f32 v12, v8;
	v12 =	vmul.f32 v13, v11;
	_ =	sdelay $0x1  }
0x80: {  	v8 =	vadd.f32 v12, v8;
	_ =	sdelay $0x1  }
0x81: {  	v8 =	vadd.f32 v8, v14;
	_ =	sdelay $0x1  }
0x82: {  	[tilespmem:s24+$0xFFFFFFF0] =	vst v8  }
0x83: {  	v8 =	vld [tilespmem:s28+$0x10]  }
0x84: {  	v12 =	vld [tilespmem:s29+$0x10]  }
0x85: {  	v13 =	vld [tilespmem:s23+$0x10];
	_ =	sdelay $0x2  }
.Ltmp0:
0x86: {  	v9 =	vmul.f32 v8, v9;
	(pc) =	sbr.rel @p0 .LBB2_2-.Ltmp0, $4  }
0x87: {  	v10 =	vmul.f32 v12, v10  }
0x88: {  	v8 =	vld [tilespmem:s26+$0x0]  }
0x89: {  	s0 =	smov.u32 s1;
	v9 =	vadd.f32 v10, v9;
	v10 =	vmul.f32 v13, v11  }
0x8a: {  	s28 =	sadd.s32 $0x80, s28;
	s29 =	sadd.s32 $0x80, s29;
	s26 =	sadd.s32 $0x80, s26  }
0x8b: {  	v9 =	vadd.f32 v10, v9  }
0x8c: {  	v10 =	vmov s30  }
0x8d: {  	v8 =	vadd.f32 v9, v8;
	_ =	sdelay $0x1  }
0x8e: {  	[tilespmem:s31+$0x0] =	vst v8  }
0x8f: {  	v8 =	vld [tilespmem:s28+$0xFFFFFFF0]  }
0x90: {  	v9 =	vld.idx.msk [tilespmem:v10+s16+$0x0], $0xffff  }
0x91: {  	v11 =	vld.idx.msk [tilespmem:v10+s17+$0x0], $0xffff  }
0x92: {  	v12 =	vld [tilespmem:s29+$0xFFFFFFF0]  }
0x93: {  	s0 =	sadd.s32 $0x80, s23;
	v10 =	vld.idx.msk [tilespmem:v10+s18+$0x0], $0xffff  }
0x94: {  	v13 =	vld [tilespmem:s0+$0xFFFFFFF0];
	_ =	sdelay $0x2  }
0x95: {  	v8 =	vmul.f32 v8, v9;
	v12 =	vmul.f32 v12, v11  }
0x96: {  	v14 =	vld [tilespmem:s26+$0xFFFFFFE0]  }
0x97: {  	v51 =	vmul.f32 v13, v10;
	v8 =	vadd.f32 v12, v8;
	_ =	sdelay $0x1  }
0x98: {  	v8 =	vadd.f32 v51, v8;
	_ =	sdelay $0x1  }
0x99: {  	v8 =	vadd.f32 v8, v14  }
0x9a: {  	s1 =	sadd.s32 $0x30, s24  }
0x9b: {  	[tilespmem:s1+$0xFFFFFFE0] =	vst v8  }
0x9c: {  	v8 =	vld [tilespmem:s28+$0x0]  }
0x9d: {  	v52 =	vld [tilespmem:s29+$0x0];
	_ =	sdelay $0x1  }
0x9e: {  	v53 =	vld [tilespmem:s0+$0x0];
	_ =	sdelay $0x2  }
0x9f: {  	v8 =	vmul.f32 v8, v9;
	v12 =	vmul.f32 v52, v11  }
0xa0: {  	v54 =	vld [tilespmem:s26+$0xFFFFFFF0]  }
0xa1: {  	v55 =	vmul.f32 v53, v10;
	v8 =	vadd.f32 v12, v8;
	_ =	sdelay $0x1  }
0xa2: {  	v8 =	vadd.f32 v55, v8;
	_ =	sdelay $0x1  }
0xa3: {  	v8 =	vadd.f32 v8, v54;
	_ =	sdelay $0x1  }
0xa4: {  	[tilespmem:s1+$0xFFFFFFF0] =	vst v8  }
0xa5: {  	v8 =	vld [tilespmem:s28+$0x10]  }
0xa6: {  	v56 =	vld [tilespmem:s29+$0x10];
	_ =	sdelay $0x1  }
0xa7: {  	v57 =	vld [tilespmem:s0+$0x10];
	_ =	sdelay $0x2  }
0xa8: {  	v8 =	vmul.f32 v8, v9;
	v9 =	vmul.f32 v56, v11  }
0xa9: {  	v11 =	vld [tilespmem:s26+$0x0]  }
0xaa: {  	v8 =	vadd.f32 v9, v8;
	v9 =	vmul.f32 v57, v10;
	_ =	sdelay $0x1  }
0xab: {  	v8 =	vadd.f32 v9, v8;
	_ =	sdelay $0x1  }
0xac: {  	v8 =	vadd.f32 v8, v11;
	_ =	sdelay $0x1  }
0xad: {  	[tilespmem:s1+$0x0] =	vst v8  }
0xae: {  	_ =	swait.ge [sflag:s20], $0x2000  }
0xaf: {  	[sflag:s20] =	ssyncset.done $0x0  }
0xb0: {  	[sflag:s20] =	ssyncadd.s32 $0xFFFFE000  }
0xb1: {  	_ =	swait.ge [sflag:s20], $0x2000  }
0xb2: {  	[sflag:s20] =	ssyncset.done $0x0  }
0xb3: {  	[sflag:s20] =	ssyncadd.s32 $0xFFFFE000  }
0xb4: {  	_ =	swait.ge [sflag:s20], $0x2000  }
0xb5: {  	s26 =	simm.s32 $0x40;
	[sflag:s20] =	ssyncset.done $0x0  }
0xb6: {  	v8 =	vmov s26;
	[sflag:s20] =	ssyncadd.s32 $0xFFFFE000  }
0xb7: {  	_ =	swait.ge [sflag:s20], $0x2000  }
0xb8: {  	[sflag:s20] =	ssyncset.done $0x0  }
0xb9: {  	s1 =	simm.s32 $0x9B90;
	[sflag:s20] =	ssyncadd.s32 $0xFFFFE000  }
0xba: {  	v9 =	vld [tilespmem:s1+$0xFFFFFFF0]  }
0xbb: {  	v10 =	vld.idx.msk [tilespmem:v8+s16+$0x0], $0xffff  }
0xbc: {  	s26 =	simm.s32 $0xBB90;
	v11 =	vld.idx.msk [tilespmem:v8+s17+$0x0], $0xffff  }
0xbd: {  	v58 =	vld [tilespmem:s26+$0xFFFFFFF0]  }
0xbe: {  	s23 =	simm.s32 $0xDB90;
	v59 =	vld.idx.msk [tilespmem:v8+s18+$0x0], $0xffff  }
0xbf: {  	v8 =	vld [tilespmem:s23+$0xFFFFFFF0];
	_ =	sdelay $0x2  }
0xc0: {  	s28 =	simm.s32 $0xFBA0;
	v9 =	vmul.f32 v9, v10;
	v12 =	vmul.f32 v58, v11  }
0xc1: {  	v60 =	vld [tilespmem:s28+$0xFFFFFFE0]  }
0xc2: {  	v8 =	vmul.f32 v8, v59;
	v9 =	vadd.f32 v12, v9;
	_ =	sdelay $0x1  }
0xc3: {  	v8 =	vadd.f32 v8, v9;
	_ =	sdelay $0x1  }
0xc4: {  	v8 =	vadd.f32 v8, v60  }
0xc5: {  	s24 =	simm.s32 $0xFA0  }
0xc6: {  	[tilespmem:s24+$0xFFFFFFE0] =	vst v8  }
0xc7: {  	v8 =	vld [tilespmem:s1+$0x0]  }
0xc8: {  	v9 =	vld [tilespmem:s26+$0x0];
	_ =	sdelay $0x1  }
0xc9: {  	v61 =	vld [tilespmem:s23+$0x0];
	_ =	sdelay $0x2  }
0xca: {  	v8 =	vmul.f32 v8, v10;
	v9 =	vmul.f32 v9, v11  }
0xcb: {  	v62 =	vld [tilespmem:s28+$0xFFFFFFF0]  }
0xcc: {  	v8 =	vadd.f32 v9, v8;
	v9 =	vmul.f32 v61, v59;
	_ =	sdelay $0x1  }
0xcd: {  	v8 =	vadd.f32 v9, v8;
	_ =	sdelay $0x1  }
0xce: {  	v8 =	vadd.f32 v8, v62;
	_ =	sdelay $0x1  }
0xcf: {  	[tilespmem:s24+$0xFFFFFFF0] =	vst v8  }
0xd0: {  	v8 =	vld [tilespmem:s1+$0x10]  }
0xd1: {  	v9 =	vld [tilespmem:s26+$0x10];
	_ =	sdelay $0x1  }
0xd2: {  	v63 =	vld [tilespmem:s23+$0x10];
	_ =	sdelay $0x2  }
0xd3: {  	v10 =	vmul.f32 v8, v10;
	v9 =	vmul.f32 v9, v11  }
0xd4: {  	s30 =	simm.s32 $0x41;
	s31 =	simm.s32 $0xFA0;
	s29 =	simm.s32 $0xBC10;
	v8 =	vld [tilespmem:s28+$0x0]  }
0xd5: {  	s1 =	simm.s32 $0x42;
	s26 =	simm.s32 $0xFC20;
	s28 =	simm.s32 $0x9C10;
	v9 =	vadd.f32 v9, v10;
	v10 =	vmul.f32 v63, v59  }
.LBB2_4:
0xd6: {  	s24 =	sadd.s32 $0x30, s24  }
0xd7: {  	v11 =	vmov s30;
	v9 =	vadd.f32 v10, v9;
	s23 =	sadd.s32 $0x80, s23;
	s30 =	smov.u32 s1;
	s0 =	sadd.s32 $0x1, s1  }
0xd8: {  	p0 =	sne.s32 s1, $0x7F  }
0xd9: {  	v8 =	vadd.f32 v9, v8;
	_ =	sdelay $0x1  }
0xda: {  	[tilespmem:s31+$0x0] =	vst v8;
	s31 =	smov.u32 s24  }
0xdb: {  	v8 =	vld [tilespmem:s28+$0xFFFFFFF0]  }
0xdc: {  	v9 =	vld.idx.msk [tilespmem:v11+s16+$0x0], $0xffff  }
0xdd: {  	v10 =	vld.idx.msk [tilespmem:v11+s17+$0x0], $0xffff  }
0xde: {  	v12 =	vld [tilespmem:s29+$0xFFFFFFF0]  }
0xdf: {  	v11 =	vld.idx.msk [tilespmem:v11+s18+$0x0], $0xffff  }
0xe0: {  	v13 =	vld [tilespmem:s23+$0xFFFFFFF0];
	_ =	sdelay $0x1  }
0xe1: {  	v8 =	vmul.f32 v8, v9  }
0xe2: {  	v12 =	vmul.f32 v12, v10  }
0xe3: {  	v14 =	vld [tilespmem:s26+$0xFFFFFFE0]  }
0xe4: {  	v8 =	vadd.f32 v12, v8;
	v12 =	vmul.f32 v13, v11;
	_ =	sdelay $0x1  }
0xe5: {  	v8 =	vadd.f32 v12, v8;
	_ =	sdelay $0x1  }
0xe6: {  	v8 =	vadd.f32 v8, v14;
	_ =	sdelay $0x1  }
0xe7: {  	[tilespmem:s24+$0xFFFFFFE0] =	vst v8  }
0xe8: {  	v8 =	vld [tilespmem:s28+$0x0]  }
0xe9: {  	v12 =	vld [tilespmem:s29+$0x0];
	_ =	sdelay $0x1  }
0xea: {  	v13 =	vld [tilespmem:s23+$0x0];
	_ =	sdelay $0x1  }
0xeb: {  	v8 =	vmul.f32 v8, v9  }
0xec: {  	v12 =	vmul.f32 v12, v10  }
0xed: {  	v14 =	vld [tilespmem:s26+$0xFFFFFFF0]  }
0xee: {  	v8 =	vadd.f32 v12, v8;
	v12 =	vmul.f32 v13, v11;
	_ =	sdelay $0x1  }
0xef: {  	v8 =	vadd.f32 v12, v8;
	_ =	sdelay $0x1  }
0xf0: {  	v8 =	vadd.f32 v8, v14;
	_ =	sdelay $0x1  }
0xf1: {  	[tilespmem:s24+$0xFFFFFFF0] =	vst v8  }
0xf2: {  	v8 =	vld [tilespmem:s28+$0x10]  }
0xf3: {  	v12 =	vld [tilespmem:s29+$0x10]  }
0xf4: {  	v13 =	vld [tilespmem:s23+$0x10];
	_ =	sdelay $0x2  }
.Ltmp1:
0xf5: {  	v9 =	vmul.f32 v8, v9;
	(pc) =	sbr.rel @p0 .LBB2_4-.Ltmp1, $4  }
0xf6: {  	v10 =	vmul.f32 v12, v10  }
0xf7: {  	v8 =	vld [tilespmem:s26+$0x0]  }
0xf8: {  	s1 =	smov.u32 s0;
	v9 =	vadd.f32 v10, v9;
	v10 =	vmul.f32 v13, v11  }
0xf9: {  	s28 =	sadd.s32 $0x80, s28;
	s29 =	sadd.s32 $0x80, s29;
	s26 =	sadd.s32 $0x80, s26  }
0xfa: {  	v9 =	vadd.f32 v10, v9  }
0xfb: {  	v52 =	vmov s30  }
0xfc: {  	v8 =	vadd.f32 v9, v8;
	_ =	sdelay $0x1  }
0xfd: {  	[tilespmem:s31+$0x0] =	vst v8  }
0xfe: {  	v8 =	vld [tilespmem:s28+$0xFFFFFFF0]  }
0xff: {  	v53 =	vld.idx.msk [tilespmem:v52+s16+$0x0], $0xffff  }
0x100: {  	v11 =	vld.idx.msk [tilespmem:v52+s17+$0x0], $0xffff  }
0x101: {  	v12 =	vld [tilespmem:s29+$0xFFFFFFF0]  }
0x102: {  	s0 =	sadd.s32 $0x80, s23;
	v10 =	vld.idx.msk [tilespmem:v52+s18+$0x0], $0xffff  }
0x103: {  	v13 =	vld [tilespmem:s0+$0xFFFFFFF0];
	_ =	sdelay $0x2  }
0x104: {  	v8 =	vmul.f32 v8, v53;
	v12 =	vmul.f32 v12, v11  }
0x105: {  	v14 =	vld [tilespmem:s26+$0xFFFFFFE0]  }
0x106: {  	v54 =	vmul.f32 v13, v10;
	v8 =	vadd.f32 v12, v8;
	_ =	sdelay $0x1  }
0x107: {  	v8 =	vadd.f32 v54, v8;
	_ =	sdelay $0x1  }
0x108: {  	v8 =	vadd.f32 v8, v14  }
0x109: {  	s1 =	sadd.s32 $0x30, s24  }
0x10a: {  	[tilespmem:s1+$0xFFFFFFE0] =	vst v8  }
0x10b: {  	v8 =	vld [tilespmem:s28+$0x0]  }
0x10c: {  	v55 =	vld [tilespmem:s29+$0x0];
	_ =	sdelay $0x1  }
0x10d: {  	v56 =	vld [tilespmem:s0+$0x0];
	_ =	sdelay $0x2  }
0x10e: {  	v8 =	vmul.f32 v8, v53;
	v12 =	vmul.f32 v55, v11  }
0x10f: {  	v57 =	vld [tilespmem:s26+$0xFFFFFFF0]  }
0x110: {  	v58 =	vmul.f32 v56, v10;
	v8 =	vadd.f32 v12, v8;
	_ =	sdelay $0x1  }
0x111: {  	v8 =	vadd.f32 v58, v8;
	_ =	sdelay $0x1  }
0x112: {  	v8 =	vadd.f32 v8, v57;
	_ =	sdelay $0x1  }
0x113: {  	[tilespmem:s1+$0xFFFFFFF0] =	vst v8  }
0x114: {  	v8 =	vld [tilespmem:s28+$0x10]  }
0x115: {  	v59 =	vld [tilespmem:s29+$0x10];
	_ =	sdelay $0x1  }
0x116: {  	v60 =	vld [tilespmem:s0+$0x10];
	_ =	sdelay $0x2  }
0x117: {  	v8 =	vmul.f32 v8, v53;
	v61 =	vmul.f32 v59, v11  }
0x118: {  	v62 =	vld [tilespmem:s26+$0x0]  }
0x119: {  	v63 =	vmul.f32 v60, v10;
	v8 =	vadd.f32 v61, v8;
	_ =	sdelay $0x1  }
0x11a: {  	v8 =	vadd.f32 v63, v8;
	_ =	sdelay $0x1  }
0x11b: {  	s22 =	sadd.s32 $0x1, s22;
	v8 =	vadd.f32 v8, v62  }
0x11c: {  	p0 =	sne.s32 s22, s12  }
.Ltmp2:
0x11d: {  	[tilespmem:s1+$0x0] =	vst v8;
	(pc) =	sbr.rel @p0 .LBB2_1-.Ltmp2, $4  }
0x11e: {  	[hbm4b:s11+s3] =	stream.linear.scatter [tilespmem:s21], [sflag:$0x3], $0x1800, $0x38;
	[tilespmem:$0x11B80] =	vst v63  }
0x11f: {  	_ =	swait.ge [sflag:s13], $0x1800  }
0x120: {  	[sflag:s13] =	ssyncset.done $0x0  }
0x121: {  	[sflag:s13] =	ssyncadd.s32 $0xFFFFE800  }
0x122: {  	_ =	sfence.sel $0x180000  }
0x123: {  	[bflag:$0x0] =	sbarrier.arrive $0xFFFF  }
0x124: {  	_ =	strace $0x9000004A  }
0x125: {  	s0 =	stileid.u32;
	[bflag:$0x2] =	sbarrier.arrive $0xFFFF  }
0x126: {  	p0 =	sne.s32 s0, $0x0;
	s0 =	rddreg [dreg:$0x2]  }
0x127: {  	s0 =	sadd.s32 @!p0 $0x100000, s0  }
0x128: {  	[sflag:s0] =	ssyncadd.tile.s32 @!p0 $0x1;
	_ =	shalt  }
.Lfunc_end2:
_tile_overlayer_lowered:
.L_overlay_start_2:
0x129: {  	(tag) =	ssettag $0x2  }
0x12a: {  	s0 =	rddreg [dreg:$0x0];
	s2 =	stileid.u32  }
0x12b: {  	s1 =	rddreg [dreg:$0x1];
	p0 =	sne.s32 s2, $0x0  }
0x12c: {  	s3 =	rddreg [dreg:$0x2];
	[bflag:$0x3] =	sbarrier.arrive $0xFFFF;
	s2 =	simm.s32 @!p0 $0x1C03  }
0x12d: {  	[timem:s3], [sflag:s2] =	dma.local @!p0 [hbm:s0], s1  }
0x12e: {  	s0 =	simm.s32 @!p0 $0x3  }
0x12f: {  	_ =	swait.ge @!p0 [sflag:s0], s1  }
0x130: {  	s1 =	ssub.s32 @!p0 $0x0, s1;
	[sflag:s0] =	ssyncset.done @!p0 $0x0  }
0x131: {  	[sflag:s0] =	ssyncadd.s32 @!p0 s1  }
0x132: {  	[bflag:$0x3] =	sbarrier.arrive $0xFFFF  }
0x133: {  	_ =	shalt  }

// kernel: kernel.17.cloned.1.call-start
scs
__scs_entry_jumppad:
0x0: {  	(pc) =	sbr.rel $0x88, $3  }
0x1: {  	(tag) =	ssettag $0x0;
	lr =	simm.s32 $0x1  }
0x2: {  	[smem:$0x3F94] =	sst lr;
	_ =	strace $0xD0000000  }
0x3: {  	_ = 	snop  }
0x4: {  	_ = 	snop  }
0x5: {  	_ = 	snop  }
0x6: {  	_ = 	snop  }
0x7: {  	_ = 	snop  }
__scs_overlays_trampoline_lowered:
0x8: {  	[smem:$0x3FA3] =	sst s0  }
0x9: {  	[smem:$0x3FA4] =	sst s1  }
0xa: {  	[smem:$0x3FA5] =	sst s2  }
0xb: {  	[smem:$0x3FA6] =	sst s3  }
0xc: {  	[smem:$0x3FA7] =	sst s4  }
0xd: {  	[smem:$0x3FA8] =	sst s5  }
0xe: {  	[smem:$0x3FA9] =	sst s6  }
0xf: {  	[smem:$0x3FAA] =	sst s7  }
0x10: {  	[smem:$0x3FAB] =	sst s8  }
0x11: {  	[smem:$0x3FAC] =	sst s9;
	s0 =	simm.s32 @!p0 $0x0  }
0x12: {  	s1 =	sld [smem:$0x3F92];
	s0 =	simm.s32 @p0 $0x1  }
0x13: {  	[smem:$0x3FAD] =	sst s0;
	s0 =	simm.s32 @!p1 $0x0  }
0x14: {  	s2 =	sld [smem:$0x3F91];
	s0 =	simm.s32 @p1 $0x1  }
0x15: {  	[smem:$0x3FAE] =	sst s0;
	s0 =	simm.s32 @!p2 $0x0  }
0x16: {  	s3 =	sld [smem:$0x3FDB];
	s0 =	simm.s32 @p2 $0x1  }
0x17: {  	s4 =	simm.s32 $0x1BF5;
	[smem:$0x3FB0] =	sst s0  }
0x18: {  	s0 =	sld [smem:$0x3F93];
	_ =	swait.ge [sflag:s4], $0x0  }
0x19: {  	s7 =	sld [smem:$0x3F94]  }
0x1a: {  	s8 =	sadd.s32 $0xFFFFE003, lr  }
0x1b: {  	s9 =	sadd.s32 $0xFFFFFEF7, lr;
	s5 =	simm.s32 $0xFFFFFFFF;
	p2 =	slt.u32 s8, $0xFFFFF086  }
0x1c: {  	p1 =	slt.u32 s9, $0xF7A;
	s5 =	simm.s32 @!p2 $0x0  }
0x1d: {  	s5 =	simm.s32 @p1 $0x1;
	p0 =	seq.s32 s7, s2  }
0x1e: {  	s7 =	smul.u32 @!p0 $0xF7A, s2;
	p2 =	seq.s32 @!p0 s5, $0x0  }
0x1f: {  	s9 =	smul.u32 $0xF7A, s1;
	s8 =	simm.s32 @!p0 $0x1BF5;
	p2 =	por !p2, p0  }
0x20: {  	[sflag:s8] =	ssyncset.s32 @!p0 $0xFFFFF086;
	s6 =	sadd.s32 @!p0 s3, s7;
	s7 =	simm.s32 @!p0 $0x108  }
0x21: {  	s3 =	sadd.s32 s3, s9;
	s6 =	sadd.s32 @!p0 $0x88, s6;
	s7 =	simm.s32 @p2 $0x1082  }
0x22: {  	[simem:s7], [sflag:s8] =	dma.local @!p0 [hbm:s6], $0xF7A  }
0x23: {  	s9 =	sor.u32 $0xD0000000, s2;
	s6 =	simm.s32 $0x108;
	_ =	swait.ge @!p0 [sflag:s8], $0x0  }
0x24: {  	s3 =	sadd.s32 $0x88, s3;
	s6 =	simm.s32 @!p1 $0x1082;
	[sflag:s4] =	ssyncset.s32 $0xFFFFF086  }
0x25: {  	[simem:s6], [sflag:s4] =	dma.local [hbm:s3], $0xF7A  }
0x26: {  	[smem:$0x3F94] =	sst s1;
	(tag) =	ssettag s2;
	_ =	strace s9  }
0x27: {  	s1 =	sld [smem:$0x3FA4]  }
0x28: {  	s2 =	sld [smem:$0x3FA5]  }
0x29: {  	s4 =	sld [smem:$0x3FA7]  }
0x2a: {  	p0 =	seq.s32 s5, $0x0;
	s5 =	sld [smem:$0x3FA8]  }
0x2b: {  	s6 =	sld [smem:$0x3FA9]  }
0x2c: {  	s7 =	sld [smem:$0x3FAA]  }
0x2d: {  	s3 =	simm.s32 $0x108;
	s8 =	sld [smem:$0x3FAB]  }
0x2e: {  	s3 =	simm.s32 @!p0 $0x1082;
	s9 =	sld [smem:$0x3FAC]  }
0x2f: {  	lr =	sadd.s32 s0, s3;
	s0 =	sld [smem:$0x3FA3]  }
0x30: {  	s3 =	sld [smem:$0x3FA6]  }
0x31: {  	[smem:$0x3FAF] =	sst s10  }
0x32: {  	s10 =	sld [smem:$0x3FAD];
	_ =	sdelay $0x3  }
0x33: {  	p0 =	seq.s32 s10, $0x1;
	s10 =	sld [smem:$0x3FAF];
	_ =	sdelay $0x3  }
0x34: {  	[smem:$0x3FAF] =	sst s10  }
0x35: {  	s10 =	sld [smem:$0x3FAE];
	_ =	sdelay $0x3  }
0x36: {  	p1 =	seq.s32 s10, $0x1;
	s10 =	sld [smem:$0x3FAF];
	_ =	sdelay $0x3  }
0x37: {  	[smem:$0x3FAF] =	sst s10  }
0x38: {  	s10 =	sld [smem:$0x3FB0]  }
0x39: {  	_ = 	snop;
	(pc) =	sbr.ind lr, $3  }
0x3a: {  	_ = 	snop  }
0x3b: {  	_ = 	snop  }
0x3c: {  	p2 =	seq.s32 s10, $0x1;
	s10 =	sld [smem:$0x3FAF]  }
0x3d: {  	_ =	shalt  }
0x3e: {  	_ =	shalt  }
0x3f: {  	_ =	shalt  }
0x40: {  	_ =	shalt  }
0x41: {  	_ =	shalt  }
0x42: {  	_ =	shalt  }
0x43: {  	_ =	shalt  }
0x44: {  	_ =	shalt  }
0x45: {  	_ =	shalt  }
0x46: {  	_ =	shalt  }
0x47: {  	_ =	shalt  }
0x48: {  	_ =	shalt  }
0x49: {  	_ =	shalt  }
0x4a: {  	_ =	shalt  }
0x4b: {  	_ =	shalt  }
0x4c: {  	_ =	shalt  }
0x4d: {  	_ =	shalt  }
0x4e: {  	_ =	shalt  }
0x4f: {  	_ =	shalt  }
0x50: {  	_ =	shalt  }
0x51: {  	_ =	shalt  }
0x52: {  	_ =	shalt  }
0x53: {  	_ =	shalt  }
0x54: {  	_ =	shalt  }
0x55: {  	_ =	shalt  }
0x56: {  	_ =	shalt  }
0x57: {  	_ =	shalt  }
0x58: {  	_ =	shalt  }
0x59: {  	_ =	shalt  }
0x5a: {  	_ =	shalt  }
0x5b: {  	_ =	shalt  }
0x5c: {  	_ =	shalt  }
0x5d: {  	_ =	shalt  }
0x5e: {  	_ =	shalt  }
0x5f: {  	_ =	shalt  }
0x60: {  	_ =	shalt  }
0x61: {  	_ =	shalt  }
0x62: {  	_ =	shalt  }
0x63: {  	_ =	shalt  }
0x64: {  	_ =	shalt  }
0x65: {  	_ =	shalt  }
0x66: {  	_ =	shalt  }
0x67: {  	_ =	shalt  }
0x68: {  	_ =	shalt  }
0x69: {  	_ =	shalt  }
0x6a: {  	_ =	shalt  }
0x6b: {  	_ =	shalt  }
0x6c: {  	_ =	shalt  }
0x6d: {  	_ =	shalt  }
0x6e: {  	_ =	shalt  }
0x6f: {  	_ =	shalt  }
0x70: {  	_ =	shalt  }
0x71: {  	_ =	shalt  }
0x72: {  	_ =	shalt  }
0x73: {  	_ =	shalt  }
0x74: {  	_ =	shalt  }
0x75: {  	_ =	shalt  }
0x76: {  	_ =	shalt  }
0x77: {  	_ =	shalt  }
0x78: {  	_ =	shalt  }
0x79: {  	_ =	shalt  }
0x7a: {  	_ =	shalt  }
0x7b: {  	_ =	shalt  }
0x7c: {  	_ =	shalt  }
0x7d: {  	_ =	shalt  }
0x7e: {  	_ =	shalt  }
0x7f: {  	_ =	shalt  }
0x80: {  	_ =	shalt  }
0x81: {  	_ =	shalt  }
0x82: {  	_ =	shalt  }
0x83: {  	_ =	shalt  }
0x84: {  	_ =	shalt  }
0x85: {  	_ =	shalt  }
0x86: {  	_ =	shalt  }
0x87: {  	_ =	shalt  }
.Lfunc_end0:
.L_simem_size_0:
called_computation.2_lowered:
.L_overlay_start_0:
0x88: {  	s2 =	sld [smem:$0x3FD9]  }
0x89: {  	s3 =	sld [smem:$0x3FFE];
	_ =	sdelay $0x1  }
0x8a: {  	s1 =	srdreg.scid  }
0x8b: {  	s0 =	sand.u32 $0x1, s1  }
0x8c: {  	s15 =	sshll.u32 s0, $0xA;
	s2 =	sadd.s32 s3, s2  }
0x8d: {  	s2 =	sadd.s32 s2, s15  }
0x8e: {  	[smem:$0x3FBB] =	sst s2  }
0x8f: {  	_ = 	snop  }
0x90: {  	s2 =	sld [smem:$0x3FD0];
	_ =	sdelay $0x2  }
0x91: {  	s16 =	simm.s32 $0xD;
	s4 =	simm.s32 $0x10  }
0x92: {  	[smem:s4], [sflag:s16] =	dma.local [hbm:s2], $0x1  }
0x93: {  	_ =	swait.eq [sflag:s16], $0x1  }
0x94: {  	[sflag:s16] =	ssyncset.done $0x0  }
0x95: {  	[sflag:s16] =	ssyncadd.s32 $0xFFFFFFFF  }
0x96: {  	s17 =	sld [smem:$0x10];
	(tm) =	ssettm $0x1  }
0x97: {  	s18 =	sld [smem:$0x3FFB];
	_ =	sdelay $0x3  }
0x98: {  	_ =	strace s18  }
0x99: {  	s2 =	sld [smem:$0x3FFC];
	_ =	sdelay $0x3  }
0x9a: {  	_ =	strace s2  }
0x9b: {  	s2 =	sld [smem:$0x3FFD];
	_ =	sdelay $0x3  }
0x9c: {  	_ =	strace s2  }
0x9d: {  	_ =	strace $0x8FFFFFFF  }
0x9e: {  	s19 =	sld [smem:$0x3FDB];
	_ =	sdelay $0x1  }
0x9f: {  	s20 =	simm.s32 $_scs_section_size  }
0xa0: {  	s5 =	simm.s32 $_size__tile_overlayer_lowered;
	s6 =	simm.s32 $_tile_overlayer_lowered  }
0xa1: {  	s7 =	simm.s32 $0x1BFF;
	s21 =	sshll.u32 s6, $0x1;
	s4 =	sadd.s32 s20, s19  }
0xa2: {  	s22 =	simm.s32 $0x0;
	s5 =	sshll.u32 s5, $0x1;
	s6 =	sadd.s32 s21, s4  }
0xa3: {  	[timem:s22], [sflag:s7] =	dma.local [hbm:s6], s5  }
0xa4: {  	_ =	swait.ge [sflag:s7], s5  }
0xa5: {  	s5 =	ssub.s32 $0x0, s5;
	[sflag:s7] =	ssyncset.done $0x0  }
0xa6: {  	[sflag:s7] =	ssyncadd.s32 s5;
	_ =	sdelay $0x1  }
0xa7: {  	s23 =	simm.s32 $0x1B8B  }
0xa8: {  	_ =	swait.ge [sflag:s23], $0x1  }
0xa9: {  	[sflag:s23] =	ssyncset.done $0x0  }
0xaa: {  	[sflag:s23] =	ssyncadd.s32 $0xFFFFFFFF  }
0xab: {  	s5 =	sld [smem:$0x0]  }
0xac: {  	s6 =	sand.u32 $0xFFFFFFFE, s1  }
0xad: {  	p0 =	sne.s32 s1, s6  }
0xae: {  	s6 =	sshll.u32 @p0 s6, $0xE  }
0xaf: {  	s6 =	sadd.s32 @p0 $0x11B8D, s6;
	s7 =	sshll.u32 @p0 s5, $0x11  }
0xb0: {  	s6 =	sor.u32 @p0 s7, s6  }
0xb1: {  	[sflag:s6] =	ssyncadd.remote.s32 @p0 $0x1;
	_ =	sdelay $0x1  }
0xb2: {  	s6 =	simm.s32 @p0 $0x1B8D  }
0xb3: {  	_ =	swait.eq @p0 [sflag:s6], $0x1  }
0xb4: {  	[sflag:s6] =	ssyncadd.s32 @p0 $0xFFFFFFFF  }
0xb5: {  	s7 =	sshll.u32 @!p0 s1, $0xE  }
0xb6: {  	s7 =	sor.u32 @!p0 $0x4000, s7;
	s6 =	simm.s32 @!p0 $0x1B8D  }
0xb7: {  	s5 =	sshll.u32 @!p0 s5, $0x11;
	s7 =	sadd.s32 @!p0 $0x11B8D, s7;
	_ =	swait.eq @!p0 [sflag:s6], $0x1  }
0xb8: {  	s5 =	sor.u32 @!p0 s5, s7;
	[sflag:s6] =	ssyncadd.s32 @!p0 $0xFFFFFFFF  }
0xb9: {  	s25 =	simm.s32 $0x1B8E;
	s24 =	sld [smem:$0x3FFE];
	[sflag:s5] =	ssyncadd.remote.s32 @!p0 $0x1  }
0xba: {  	s26 =	simm.s32 $execute0_lowered;
	[smem:$0x3FD2] =	sst s25  }
0xbb: {  	s6 =	sshll.u32 s26, $0x1;
	_ =	strace $0x8000004C;
	[dreg:$0x1] =	wrdreg $0xFFFFFFFF  }
0xbc: {  	s28 =	simm.s32 $_size_execute0_lowered;
	s4 =	sadd.s32 s4, s6;
	[dreg:$0x0] =	wrdreg $0x0  }
0xbd: {  	s6 =	sshll.u32 s28, $0x1;
	[dreg:$0x2] =	wrdreg s4  }
0xbe: {  	[dreg:$0x3] =	wrdreg s6  }
0xbf: {  	[dreg:$0x4] =	wrdreg $0xC0  }
0xc0: {  	_ =	task [dreg:s22], $0x5FFFF  }
0xc1: {  	[dreg:$0x1] =	wrdreg $0xFFFFFFFF  }
0xc2: {  	[dreg:$0x0] =	wrdreg $0x60  }
0xc3: {  	[dreg:$0x2] =	wrdreg s17  }
0xc4: {  	[dreg:$0x3] =	wrdreg s24  }
0xc5: {  	[dreg:$0x4] =	wrdreg $0xB  }
0xc6: {  	_ =	task.clear_ibuf [dreg:s22], $0x5FFFF;
	_ =	strace $0x9000004C  }
0xc7: {  	s29 =	simm.s32 $0xB;
	_ =	strace $0x8000004E  }
0xc8: {  	_ =	swait.ge [sflag:s29], $0x1  }
0xc9: {  	[sflag:s29] =	ssyncadd.s32 $0xFFFFFFFF  }
0xca: {  	_ =	strace $0x9000004E  }
0xcb: {  	_ =	sfence  }
0xcc: {  	s30 =	sld [smem:$0x0];
	_ =	sdelay $0x2  }
0xcd: {  	s31 =	sshll.u32 s1, $0xD;
	s1 =	sshrl.u32 s1, $0x2  }
0xce: {  	s4 =	sand.u32 $0x4000, s31;
	s1 =	sadd.s32 s1, s30  }
0xcf: {  	s0 =	sor.u32 s4, s0;
	s1 =	sshll.u32 s1, $0x11  }
0xd0: {  	s0 =	sor.u32 s1, s0  }
0xd1: {  	s0 =	sadd.s32 $0x8F2B, s0  }
0xd2: {  	[sflag:s0] =	ssyncadd.remote.s32 $0x1  }
0xd3: {  	_ =	sfence.sel $0xFFFF  }
0xd4: {  	[dreg:$0x0] =	wrdreg $0xFFFFFFFF;
	(pc) =	sbr.abs _section_cstart, $3  }
0xd5: {  	[dreg:$0x1] =	wrdreg $0xFFFFFFFF  }
0xd6: {  	_ =	task.clear_ibuf [dreg:s22], $0x2FFFF;
	_ =	strace $0x9FFFFFFF  }
0xd7: {  	(tm) =	ssettm $0x7FFFFFFF  }
tec
execute0_lowered:
.L_overlay_start_1:
0x0: {  	(tag) =	ssettag $0x1  }
0x1: {  	s2 =	rddreg [dreg:$0x0]  }
0x2: {  	s0 =	rddreg [dreg:$0x1];
	s1 =	srdreg.scid  }
0x3: {  	s4 =	stileid.u32;
	s3 =	simm.s32 $0x0;
	s13 =	simm.s32 $0x3  }
0x4: {  	s14 =	simm.s32 $0x80;
	s15 =	simm.s32 $0x100;
	s16 =	simm.s32 $0x180  }
0x5: {  	s17 =	simm.s32 $0x200;
	s18 =	simm.s32 $0x280;
	s19 =	simm.s32 $0x40  }
0x6: {  	s1 =	sand.u32 $0x1, s1;
	s4 =	sshll.u32 s4, $0x1;
	[smem:$0x7FF] =	sst s3  }
0x7: {  	s25 =	simm.s32 $0x1;
	s5 =	sor.u32 s1, s4;
	_ =	strace $0x8000004D  }
0x8: {  	s1 =	ssub.s32 $0x2, s1;
	s4 =	sshll.u32 s5, $0x4;
	s6 =	smul.u32 $0x300, s5  }
0x9: {  	s31 =	sshrl.u32 s1, $0x1;
	s20 =	sshll.u32 s5, $0x7;
	s10 =	sadd.s32 s4, s0  }
0xa: {  	s4 =	sadd.s32 $0x34200, s0;
	s1 =	ssub.s32 s1, s31;
	s21 =	sor.u32 $0x10, s20  }
0xb: {  	s22 =	sor.u32 $0x20, s20;
	s23 =	sor.u32 $0x30, s20;
	s24 =	sor.u32 $0x40, s20  }
0xc: {  	v7 =	vlaneseq.u32;
	s26 =	sor.u32 $0x50, s20;
	s28 =	sor.u32 $0x60, s20;
	s29 =	sor.u32 $0x70, s20  }
0xd: {  	v0 =	vor.u32 s20, v7;
	s20 =	simm.s32 $0x2;
	s0 =	sadd.s32 s6, s0;
	s5 =	sadd.s32 $0x44200, s10  }
0xe: {  	s6 =	sadd.s32 $0x44400, s10;
	s7 =	sadd.s32 $0x44600, s10;
	s8 =	sadd.s32 $0x44800, s10;
	v1 =	vor.u32 s21, v7  }
0xf: {  	s9 =	sadd.s32 $0x44A00, s10;
	s10 =	sadd.s32 $0x44C00, s10;
	s12 =	smax.u32 s1, $0x1;
	v2 =	vor.u32 s22, v7;
	v3 =	vor.u32 s23, v7;
	v4 =	vor.u32 s24, v7  }
0x10: {  	v5 =	vor.u32 s26, v7;
	v6 =	vor.u32 s28, v7;
	v7 =	vor.u32 s29, v7;
	s21 =	simm.s32 $0x380;
	s22 =	simm.s32 $0x0;
	s11 =	sadd.s32 $0x44E00, s0  }
.LBB2_1:
0x11: {  	[tilespmem:$0x300] =	vst v0  }
0x12: {  	[tilespmem:$0x310] =	vst v1  }
0x13: {  	[tilespmem:$0x320] =	vst v2  }
0x14: {  	[tilespmem:$0x330] =	vst v3  }
0x15: {  	[tilespmem:$0x340] =	vst v4  }
0x16: {  	[tilespmem:$0x350] =	vst v5  }
0x17: {  	[tilespmem:$0x360] =	vst v6  }
0x18: {  	[tilespmem:$0x370] =	vst v7  }
0x19: {  	[tilespmem:s3], [sflag:$0x3] =	stream.linear.gather [hbm4b:s5+s3], $0x80, $0x38;
	[tilespmem:$0x11B80] =	vst v63  }
0x1a: {  	_ =	swait.ge [sflag:s13], $0x80  }
0x1b: {  	[sflag:s13] =	ssyncset.done $0x0  }
0x1c: {  	[sflag:s13] =	ssyncadd.s32 $0xFFFFFF80  }
0x1d: {  	[tilespmem:s14], [sflag:$0x3] =	stream.linear.gather [hbm4b:s6+s3], $0x80, $0x38;
	[tilespmem:$0x11B80] =	vst v63  }
0x1e: {  	_ =	swait.ge [sflag:s13], $0x80  }
0x1f: {  	[sflag:s13] =	ssyncset.done $0x0  }
0x20: {  	[sflag:s13] =	ssyncadd.s32 $0xFFFFFF80  }
0x21: {  	[tilespmem:s15], [sflag:$0x3] =	stream.linear.gather [hbm4b:s7+s3], $0x80, $0x38;
	[tilespmem:$0x11B80] =	vst v63  }
0x22: {  	_ =	swait.ge [sflag:s13], $0x80  }
0x23: {  	[sflag:s13] =	ssyncset.done $0x0  }
0x24: {  	[sflag:s13] =	ssyncadd.s32 $0xFFFFFF80  }
0x25: {  	[tilespmem:s16], [sflag:$0x3] =	stream.linear.gather [hbm4b:s8+s3], $0x80, $0x38;
	[tilespmem:$0x11B80] =	vst v63  }
0x26: {  	_ =	swait.ge [sflag:s13], $0x80  }
0x27: {  	[sflag:s13] =	ssyncset.done $0x0  }
0x28: {  	[sflag:s13] =	ssyncadd.s32 $0xFFFFFF80  }
0x29: {  	[tilespmem:s17], [sflag:$0x3] =	stream.linear.gather [hbm4b:s9+s3], $0x80, $0x38;
	[tilespmem:$0x11B80] =	vst v63  }
0x2a: {  	_ =	swait.ge [sflag:s13], $0x80  }
0x2b: {  	[sflag:s13] =	ssyncset.done $0x0  }
0x2c: {  	[sflag:s13] =	ssyncadd.s32 $0xFFFFFF80  }
0x2d: {  	[tilespmem:s18], [sflag:$0x3] =	stream.linear.gather [hbm4b:s10+s3], $0x80, $0x38;
	[tilespmem:$0x11B80] =	vst v63  }
0x2e: {  	_ =	swait.ge [sflag:s13], $0x80  }
0x2f: {  	[sflag:s13] =	ssyncset.done $0x0  }
0x30: {  	s0 =	simm.s32 $0x1B80;
	[sflag:s13] =	ssyncadd.s32 $0xFFFFFF80  }
0x31: {  	[tilespmem:s0], [sflag:$0x1] =	stream.indirect.gather [hbm4b:s2+s19], $0x80, s3, s19, $0xb8;
	[tilespmem:$0x11B80] =	vst v63  }
0x32: {  	s23 =	simm.s32 $0x3B80  }
0x33: {  	[tilespmem:s23], [sflag:$0x1] =	stream.indirect.gather [hbm4b:s2+s19], $0x80, s14, s19, $0xb8;
	[tilespmem:$0x11B80] =	vst v63  }
0x34: {  	s24 =	simm.s32 $0x5B80  }
0x35: {  	[tilespmem:s24], [sflag:$0x1] =	stream.indirect.gather [hbm4b:s2+s19], $0x80, s15, s19, $0xb8;
	[tilespmem:$0x11B80] =	vst v63  }
0x36: {  	s26 =	simm.s32 $0x300;
	s1 =	simm.s32 $0x7B80  }
0x37: {  	[tilespmem:s1], [sflag:$0x1] =	stream.indirect.gather [hbm4b:s4+s19], $0x80, s26, s19, $0xb8;
	[tilespmem:$0x11B80] =	vst v63  }
0x38: {  	_ =	swait.ge [sflag:s25], $0x2000  }
0x39: {  	[sflag:s25] =	ssyncset.done $0x0  }
0x3a: {  	[sflag:s25] =	ssyncadd.s32 $0xFFFFE000  }
0x3b: {  	_ =	swait.ge [sflag:s25], $0x2000  }
0x3c: {  	[sflag:s25] =	ssyncset.done $0x0  }
0x3d: {  	[sflag:s25] =	ssyncadd.s32 $0xFFFFE000  }
0x3e: {  	_ =	swait.ge [sflag:s25], $0x2000  }
0x3f: {  	[sflag:s25] =	ssyncset.done $0x0  }
0x40: {  	[sflag:s25] =	ssyncadd.s32 $0xFFFFE000  }
0x41: {  	_ =	swait.ge [sflag:s25], $0x2000  }
0x42: {  	[sflag:s25] =	ssyncset.done $0x0  }
0x43: {  	s23 =	simm.s32 $0x9B80;
	[sflag:s25] =	ssyncadd.s32 $0xFFFFE000  }
0x44: {  	[tilespmem:s23], [sflag:$0x2] =	stream.indirect.gather [hbm4b:s2+s19], $0x80, s19, s19, $0xb8;
	[tilespmem:$0x11B80] =	vst v63  }
0x45: {  	s24 =	simm.s32 $0xC0;
	s26 =	simm.s32 $0xBB80  }
0x46: {  	[tilespmem:s26], [sflag:$0x2] =	stream.indirect.gather [hbm4b:s2+s19], $0x80, s24, s19, $0xb8;
	[tilespmem:$0x11B80] =	vst v63  }
0x47: {  	v8 =	vmov s3;
	s1 =	simm.s32 $0x140;
	s23 =	simm.s32 $0xDB80  }
0x48: {  	[tilespmem:s23], [sflag:$0x2] =	stream.indirect.gather [hbm4b:s2+s19], $0x80, s1, s19, $0xb8;
	[tilespmem:$0x11B80] =	vst v63  }
0x49: {  	s24 =	simm.s32 $0x340;
	s26 =	simm.s32 $0xFB80;
	s1 =	simm.s32 $0x1B90  }
0x4a: {  	[tilespmem:s26], [sflag:$0x2] =	stream.indirect.gather [hbm4b:s4+s19], $0x80, s24, s19, $0xb8;
	[tilespmem:$0x11B80] =	vst v63  }
0x4b: {  	v9 =	vld [tilespmem:s1+$0xFFFFFFF0]  }
0x4c: {  	v10 =	vld.idx.msk [tilespmem:v8+s16+$0x0], $0xffff  }
0x4d: {  	s26 =	simm.s32 $0x3B90;
	v11 =	vld.idx.msk [tilespmem:v8+s17+$0x0], $0xffff  }
0x4e: {  	v12 =	vld [tilespmem:s26+$0xFFFFFFF0]  }
0x4f: {  	s23 =	simm.s32 $0x5B90;
	v13 =	vld.idx.msk [tilespmem:v8+s18+$0x0], $0xffff  }
0x50: {  	v8 =	vld [tilespmem:s23+$0xFFFFFFF0];
	_ =	sdelay $0x2  }
0x51: {  	s28 =	simm.s32 $0x7BA0;
	v9 =	vmul.f32 v9, v10;
	v12 =	vmul.f32 v12, v11  }
0x52: {  	v14 =	vld [tilespmem:s28+$0xFFFFFFE0]  }
0x53: {  	v8 =	vmul.f32 v8, v13;
	v9 =	vadd.f32 v12, v9;
	_ =	sdelay $0x1  }
0x54: {  	v8 =	vadd.f32 v8, v9;
	_ =	sdelay $0x1  }
0x55: {  	v8 =	vadd.f32 v8, v14  }
0x56: {  	s24 =	simm.s32 $0x3A0  }
0x57: {  	[tilespmem:s24+$0xFFFFFFE0] =	vst v8  }
0x58: {  	v8 =	vld [tilespmem:s1+$0x0]  }
0x59: {  	v9 =	vld [tilespmem:s26+$0x0];
	_ =	sdelay $0x1  }
0x5a: {  	v61 =	vld [tilespmem:s23+$0x0];
	_ =	sdelay $0x2  }
0x5b: {  	v8 =	vmul.f32 v8, v10;
	v9 =	vmul.f32 v9, v11  }
0x5c: {  	v62 =	vld [tilespmem:s28+$0xFFFFFFF0]  }
0x5d: {  	v8 =	vadd.f32 v9, v8;
	v9 =	vmul.f32 v61, v13;
	_ =	sdelay $0x1  }
0x5e: {  	v8 =	vadd.f32 v9, v8;
	_ =	sdelay $0x1  }
0x5f: {  	v8 =	vadd.f32 v8, v62;
	_ =	sdelay $0x1  }
0x60: {  	[tilespmem:s24+$0xFFFFFFF0] =	vst v8  }
0x61: {  	v8 =	vld [tilespmem:s1+$0x10]  }
0x62: {  	v9 =	vld [tilespmem:s26+$0x10];
	_ =	sdelay $0x1  }
0x63: {  	v63 =	vld [tilespmem:s23+$0x10];
	_ =	sdelay $0x2  }
0x64: {  	v10 =	vmul.f32 v8, v10;
	v9 =	vmul.f32 v9, v11  }
0x65: {  	s30 =	simm.s32 $0x1;
	s29 =	simm.s32 $0x3C10;
	s31 =	simm.s32 $0x3A0;
	v8 =	vld [tilespmem:s28+$0x0]  }
0x66: {  	s0 =	simm.s32 $0x2;
	s26 =	simm.s32 $0x7C20;
	s28 =	simm.s32 $0x1C10;
	v9 =	vadd.f32 v9, v10;
	v10 =	vmul.f32 v63, v13  }
.LBB2_2:
0x67: {  	s24 =	sadd.s32 $0x30, s24  }
0x68: {  	v11 =	vmov s30;
	v9 =	vadd.f32 v10, v9;
	s23 =	sadd.s32 $0x80, s23;
	s30 =	smov.u32 s0;
	s1 =	sadd.s32 $0x1, s0  }
0x69: {  	p0 =	sne.s32 s0, $0x3F  }
0x6a: {  	v8 =	vadd.f32 v9, v8;
	_ =	sdelay $0x1  }
0x6b: {  	[tilespmem:s31+$0x0] =	vst v8;
	s31 =	smov.u32 s24  }
0x6c: {  	v8 =	vld [tilespmem:s28+$0xFFFFFFF0]  }
0x6d: {  	v9 =	vld.idx.msk [tilespmem:v11+s16+$0x0], $0xffff  }
0x6e: {  	v10 =	vld.idx.msk [tilespmem:v11+s17+$0x0], $0xffff  }
0x6f: {  	v12 =	vld [tilespmem:s29+$0xFFFFFFF0]  }
0x70: {  	v11 =	vld.idx.msk [tilespmem:v11+s18+$0x0], $0xffff  }
0x71: {  	v13 =	vld [tilespmem:s23+$0xFFFFFFF0];
	_ =	sdelay $0x1  }
0x72: {  	v8 =	vmul.f32 v8, v9  }
0x73: {  	v12 =	vmul.f32 v12, v10  }
0x74: {  	v14 =	vld [tilespmem:s26+$0xFFFFFFE0]  }
0x75: {  	v8 =	vadd.f32 v12, v8;
	v12 =	vmul.f32 v13, v11;
	_ =	sdelay $0x1  }
0x76: {  	v8 =	vadd.f32 v12, v8;
	_ =	sdelay $0x1  }
0x77: {  	v8 =	vadd.f32 v8, v14;
	_ =	sdelay $0x1  }
0x78: {  	[tilespmem:s24+$0xFFFFFFE0] =	vst v8  }
0x79: {  	v8 =	vld [tilespmem:s28+$0x0]  }
0x7a: {  	v12 =	vld [tilespmem:s29+$0x0];
	_ =	sdelay $0x1  }
0x7b: {  	v13 =	vld [tilespmem:s23+$0x0];
	_ =	sdelay $0x1  }
0x7c: {  	v8 =	vmul.f32 v8, v9  }
0x7d: {  	v12 =	vmul.f32 v12, v10  }
0x7e: {  	v14 =	vld [tilespmem:s26+$0xFFFFFFF0]  }
0x7f: {  	v8 =	vadd.f32 v12, v8;
	v12 =	vmul.f32 v13, v11;
	_ =	sdelay $0x1  }
0x80: {  	v8 =	vadd.f32 v12, v8;
	_ =	sdelay $0x1  }
0x81: {  	v8 =	vadd.f32 v8, v14;
	_ =	sdelay $0x1  }
0x82: {  	[tilespmem:s24+$0xFFFFFFF0] =	vst v8  }
0x83: {  	v8 =	vld [tilespmem:s28+$0x10]  }
0x84: {  	v12 =	vld [tilespmem:s29+$0x10]  }
0x85: {  	v13 =	vld [tilespmem:s23+$0x10];
	_ =	sdelay $0x2  }
.Ltmp0:
0x86: {  	v9 =	vmul.f32 v8, v9;
	(pc) =	sbr.rel @p0 .LBB2_2-.Ltmp0, $4  }
0x87: {  	v10 =	vmul.f32 v12, v10  }
0x88: {  	v8 =	vld [tilespmem:s26+$0x0]  }
0x89: {  	s0 =	smov.u32 s1;
	v9 =	vadd.f32 v10, v9;
	v10 =	vmul.f32 v13, v11  }
0x8a: {  	s28 =	sadd.s32 $0x80, s28;
	s29 =	sadd.s32 $0x80, s29;
	s26 =	sadd.s32 $0x80, s26  }
0x8b: {  	v9 =	vadd.f32 v10, v9  }
0x8c: {  	v10 =	vmov s30  }
0x8d: {  	v8 =	vadd.f32 v9, v8;
	_ =	sdelay $0x1  }
0x8e: {  	[tilespmem:s31+$0x0] =	vst v8  }
0x8f: {  	v8 =	vld [tilespmem:s28+$0xFFFFFFF0]  }
0x90: {  	v9 =	vld.idx.msk [tilespmem:v10+s16+$0x0], $0xffff  }
0x91: {  	v11 =	vld.idx.msk [tilespmem:v10+s17+$0x0], $0xffff  }
0x92: {  	v12 =	vld [tilespmem:s29+$0xFFFFFFF0]  }
0x93: {  	s0 =	sadd.s32 $0x80, s23;
	v10 =	vld.idx.msk [tilespmem:v10+s18+$0x0], $0xffff  }
0x94: {  	v13 =	vld [tilespmem:s0+$0xFFFFFFF0];
	_ =	sdelay $0x2  }
0x95: {  	v8 =	vmul.f32 v8, v9;
	v12 =	vmul.f32 v12, v11  }
0x96: {  	v14 =	vld [tilespmem:s26+$0xFFFFFFE0]  }
0x97: {  	v51 =	vmul.f32 v13, v10;
	v8 =	vadd.f32 v12, v8;
	_ =	sdelay $0x1  }
0x98: {  	v8 =	vadd.f32 v51, v8;
	_ =	sdelay $0x1  }
0x99: {  	v8 =	vadd.f32 v8, v14  }
0x9a: {  	s1 =	sadd.s32 $0x30, s24  }
0x9b: {  	[tilespmem:s1+$0xFFFFFFE0] =	vst v8  }
0x9c: {  	v8 =	vld [tilespmem:s28+$0x0]  }
0x9d: {  	v52 =	vld [tilespmem:s29+$0x0];
	_ =	sdelay $0x1  }
0x9e: {  	v53 =	vld [tilespmem:s0+$0x0];
	_ =	sdelay $0x2  }
0x9f: {  	v8 =	vmul.f32 v8, v9;
	v12 =	vmul.f32 v52, v11  }
0xa0: {  	v54 =	vld [tilespmem:s26+$0xFFFFFFF0]  }
0xa1: {  	v55 =	vmul.f32 v53, v10;
	v8 =	vadd.f32 v12, v8;
	_ =	sdelay $0x1  }
0xa2: {  	v8 =	vadd.f32 v55, v8;
	_ =	sdelay $0x1  }
0xa3: {  	v8 =	vadd.f32 v8, v54;
	_ =	sdelay $0x1  }
0xa4: {  	[tilespmem:s1+$0xFFFFFFF0] =	vst v8  }
0xa5: {  	v8 =	vld [tilespmem:s28+$0x10]  }
0xa6: {  	v56 =	vld [tilespmem:s29+$0x10];
	_ =	sdelay $0x1  }
0xa7: {  	v57 =	vld [tilespmem:s0+$0x10];
	_ =	sdelay $0x2  }
0xa8: {  	v8 =	vmul.f32 v8, v9;
	v9 =	vmul.f32 v56, v11  }
0xa9: {  	v11 =	vld [tilespmem:s26+$0x0]  }
0xaa: {  	v8 =	vadd.f32 v9, v8;
	v9 =	vmul.f32 v57, v10;
	_ =	sdelay $0x1  }
0xab: {  	v8 =	vadd.f32 v9, v8;
	_ =	sdelay $0x1  }
0xac: {  	v8 =	vadd.f32 v8, v11;
	_ =	sdelay $0x1  }
0xad: {  	[tilespmem:s1+$0x0] =	vst v8  }
0xae: {  	_ =	swait.ge [sflag:s20], $0x2000  }
0xaf: {  	[sflag:s20] =	ssyncset.done $0x0  }
0xb0: {  	[sflag:s20] =	ssyncadd.s32 $0xFFFFE000  }
0xb1: {  	_ =	swait.ge [sflag:s20], $0x2000  }
0xb2: {  	[sflag:s20] =	ssyncset.done $0x0  }
0xb3: {  	[sflag:s20] =	ssyncadd.s32 $0xFFFFE000  }
0xb4: {  	_ =	swait.ge [sflag:s20], $0x2000  }
0xb5: {  	s26 =	simm.s32 $0x40;
	[sflag:s20] =	ssyncset.done $0x0  }
0xb6: {  	v8 =	vmov s26;
	[sflag:s20] =	ssyncadd.s32 $0xFFFFE000  }
0xb7: {  	_ =	swait.ge [sflag:s20], $0x2000  }
0xb8: {  	[sflag:s20] =	ssyncset.done $0x0  }
0xb9: {  	s1 =	simm.s32 $0x9B90;
	[sflag:s20] =	ssyncadd.s32 $0xFFFFE000  }
0xba: {  	v9 =	vld [tilespmem:s1+$0xFFFFFFF0]  }
0xbb: {  	v10 =	vld.idx.msk [tilespmem:v8+s16+$0x0], $0xffff  }
0xbc: {  	s26 =	simm.s32 $0xBB90;
	v11 =	vld.idx.msk [tilespmem:v8+s17+$0x0], $0xffff  }
0xbd: {  	v58 =	vld [tilespmem:s26+$0xFFFFFFF0]  }
0xbe: {  	s23 =	simm.s32 $0xDB90;
	v59 =	vld.idx.msk [tilespmem:v8+s18+$0x0], $0xffff  }
0xbf: {  	v8 =	vld [tilespmem:s23+$0xFFFFFFF0];
	_ =	sdelay $0x2  }
0xc0: {  	s28 =	simm.s32 $0xFBA0;
	v9 =	vmul.f32 v9, v10;
	v12 =	vmul.f32 v58, v11  }
0xc1: {  	v60 =	vld [tilespmem:s28+$0xFFFFFFE0]  }
0xc2: {  	v8 =	vmul.f32 v8, v59;
	v9 =	vadd.f32 v12, v9;
	_ =	sdelay $0x1  }
0xc3: {  	v8 =	vadd.f32 v8, v9;
	_ =	sdelay $0x1  }
0xc4: {  	v8 =	vadd.f32 v8, v60  }
0xc5: {  	s24 =	simm.s32 $0xFA0  }
0xc6: {  	[tilespmem:s24+$0xFFFFFFE0] =	vst v8  }
0xc7: {  	v8 =	vld [tilespmem:s1+$0x0]  }
0xc8: {  	v9 =	vld [tilespmem:s26+$0x0];
	_ =	sdelay $0x1  }
0xc9: {  	v61 =	vld [tilespmem:s23+$0x0];
	_ =	sdelay $0x2  }
0xca: {  	v8 =	vmul.f32 v8, v10;
	v9 =	vmul.f32 v9, v11  }
0xcb: {  	v62 =	vld [tilespmem:s28+$0xFFFFFFF0]  }
0xcc: {  	v8 =	vadd.f32 v9, v8;
	v9 =	vmul.f32 v61, v59;
	_ =	sdelay $0x1  }
0xcd: {  	v8 =	vadd.f32 v9, v8;
	_ =	sdelay $0x1  }
0xce: {  	v8 =	vadd.f32 v8, v62;
	_ =	sdelay $0x1  }
0xcf: {  	[tilespmem:s24+$0xFFFFFFF0] =	vst v8  }
0xd0: {  	v8 =	vld [tilespmem:s1+$0x10]  }
0xd1: {  	v9 =	vld [tilespmem:s26+$0x10];
	_ =	sdelay $0x1  }
0xd2: {  	v63 =	vld [tilespmem:s23+$0x10];
	_ =	sdelay $0x2  }
0xd3: {  	v10 =	vmul.f32 v8, v10;
	v9 =	vmul.f32 v9, v11  }
0xd4: {  	s30 =	simm.s32 $0x41;
	s31 =	simm.s32 $0xFA0;
	s29 =	simm.s32 $0xBC10;
	v8 =	vld [tilespmem:s28+$0x0]  }
0xd5: {  	s1 =	simm.s32 $0x42;
	s26 =	simm.s32 $0xFC20;
	s28 =	simm.s32 $0x9C10;
	v9 =	vadd.f32 v9, v10;
	v10 =	vmul.f32 v63, v59  }
.LBB2_4:
0xd6: {  	s24 =	sadd.s32 $0x30, s24  }
0xd7: {  	v11 =	vmov s30;
	v9 =	vadd.f32 v10, v9;
	s23 =	sadd.s32 $0x80, s23;
	s30 =	smov.u32 s1;
	s0 =	sadd.s32 $0x1, s1  }
0xd8: {  	p0 =	sne.s32 s1, $0x7F  }
0xd9: {  	v8 =	vadd.f32 v9, v8;
	_ =	sdelay $0x1  }
0xda: {  	[tilespmem:s31+$0x0] =	vst v8;
	s31 =	smov.u32 s24  }
0xdb: {  	v8 =	vld [tilespmem:s28+$0xFFFFFFF0]  }
0xdc: {  	v9 =	vld.idx.msk [tilespmem:v11+s16+$0x0], $0xffff  }
0xdd: {  	v10 =	vld.idx.msk [tilespmem:v11+s17+$0x0], $0xffff  }
0xde: {  	v12 =	vld [tilespmem:s29+$0xFFFFFFF0]  }
0xdf: {  	v11 =	vld.idx.msk [tilespmem:v11+s18+$0x0], $0xffff  }
0xe0: {  	v13 =	vld [tilespmem:s23+$0xFFFFFFF0];
	_ =	sdelay $0x1  }
0xe1: {  	v8 =	vmul.f32 v8, v9  }
0xe2: {  	v12 =	vmul.f32 v12, v10  }
0xe3: {  	v14 =	vld [tilespmem:s26+$0xFFFFFFE0]  }
0xe4: {  	v8 =	vadd.f32 v12, v8;
	v12 =	vmul.f32 v13, v11;
	_ =	sdelay $0x1  }
0xe5: {  	v8 =	vadd.f32 v12, v8;
	_ =	sdelay $0x1  }
0xe6: {  	v8 =	vadd.f32 v8, v14;
	_ =	sdelay $0x1  }
0xe7: {  	[tilespmem:s24+$0xFFFFFFE0] =	vst v8  }
0xe8: {  	v8 =	vld [tilespmem:s28+$0x0]  }
0xe9: {  	v12 =	vld [tilespmem:s29+$0x0];
	_ =	sdelay $0x1  }
0xea: {  	v13 =	vld [tilespmem:s23+$0x0];
	_ =	sdelay $0x1  }
0xeb: {  	v8 =	vmul.f32 v8, v9  }
0xec: {  	v12 =	vmul.f32 v12, v10  }
0xed: {  	v14 =	vld [tilespmem:s26+$0xFFFFFFF0]  }
0xee: {  	v8 =	vadd.f32 v12, v8;
	v12 =	vmul.f32 v13, v11;
	_ =	sdelay $0x1  }
0xef: {  	v8 =	vadd.f32 v12, v8;
	_ =	sdelay $0x1  }
0xf0: {  	v8 =	vadd.f32 v8, v14;
	_ =	sdelay $0x1  }
0xf1: {  	[tilespmem:s24+$0xFFFFFFF0] =	vst v8  }
0xf2: {  	v8 =	vld [tilespmem:s28+$0x10]  }
0xf3: {  	v12 =	vld [tilespmem:s29+$0x10]  }
0xf4: {  	v13 =	vld [tilespmem:s23+$0x10];
	_ =	sdelay $0x2  }
.Ltmp1:
0xf5: {  	v9 =	vmul.f32 v8, v9;
	(pc) =	sbr.rel @p0 .LBB2_4-.Ltmp1, $4  }
0xf6: {  	v10 =	vmul.f32 v12, v10  }
0xf7: {  	v8 =	vld [tilespmem:s26+$0x0]  }
0xf8: {  	s1 =	smov.u32 s0;
	v9 =	vadd.f32 v10, v9;
	v10 =	vmul.f32 v13, v11  }
0xf9: {  	s28 =	sadd.s32 $0x80, s28;
	s29 =	sadd.s32 $0x80, s29;
	s26 =	sadd.s32 $0x80, s26  }
0xfa: {  	v9 =	vadd.f32 v10, v9  }
0xfb: {  	v52 =	vmov s30  }
0xfc: {  	v8 =	vadd.f32 v9, v8;
	_ =	sdelay $0x1  }
0xfd: {  	[tilespmem:s31+$0x0] =	vst v8  }
0xfe: {  	v8 =	vld [tilespmem:s28+$0xFFFFFFF0]  }
0xff: {  	v53 =	vld.idx.msk [tilespmem:v52+s16+$0x0], $0xffff  }
0x100: {  	v11 =	vld.idx.msk [tilespmem:v52+s17+$0x0], $0xffff  }
0x101: {  	v12 =	vld [tilespmem:s29+$0xFFFFFFF0]  }
0x102: {  	s0 =	sadd.s32 $0x80, s23;
	v10 =	vld.idx.msk [tilespmem:v52+s18+$0x0], $0xffff  }
0x103: {  	v13 =	vld [tilespmem:s0+$0xFFFFFFF0];
	_ =	sdelay $0x2  }
0x104: {  	v8 =	vmul.f32 v8, v53;
	v12 =	vmul.f32 v12, v11  }
0x105: {  	v14 =	vld [tilespmem:s26+$0xFFFFFFE0]  }
0x106: {  	v54 =	vmul.f32 v13, v10;
	v8 =	vadd.f32 v12, v8;
	_ =	sdelay $0x1  }
0x107: {  	v8 =	vadd.f32 v54, v8;
	_ =	sdelay $0x1  }
0x108: {  	v8 =	vadd.f32 v8, v14  }
0x109: {  	s1 =	sadd.s32 $0x30, s24  }
0x10a: {  	[tilespmem:s1+$0xFFFFFFE0] =	vst v8  }
0x10b: {  	v8 =	vld [tilespmem:s28+$0x0]  }
0x10c: {  	v55 =	vld [tilespmem:s29+$0x0];
	_ =	sdelay $0x1  }
0x10d: {  	v56 =	vld [tilespmem:s0+$0x0];
	_ =	sdelay $0x2  }
0x10e: {  	v8 =	vmul.f32 v8, v53;
	v12 =	vmul.f32 v55, v11  }
0x10f: {  	v57 =	vld [tilespmem:s26+$0xFFFFFFF0]  }
0x110: {  	v58 =	vmul.f32 v56, v10;
	v8 =	vadd.f32 v12, v8;
	_ =	sdelay $0x1  }
0x111: {  	v8 =	vadd.f32 v58, v8;
	_ =	sdelay $0x1  }
0x112: {  	v8 =	vadd.f32 v8, v57;
	_ =	sdelay $0x1  }
0x113: {  	[tilespmem:s1+$0xFFFFFFF0] =	vst v8  }
0x114: {  	v8 =	vld [tilespmem:s28+$0x10]  }
0x115: {  	v59 =	vld [tilespmem:s29+$0x10];
	_ =	sdelay $0x1  }
0x116: {  	v60 =	vld [tilespmem:s0+$0x10];
	_ =	sdelay $0x2  }
0x117: {  	v8 =	vmul.f32 v8, v53;
	v61 =	vmul.f32 v59, v11  }
0x118: {  	v62 =	vld [tilespmem:s26+$0x0]  }
0x119: {  	v63 =	vmul.f32 v60, v10;
	v8 =	vadd.f32 v61, v8;
	_ =	sdelay $0x1  }
0x11a: {  	v8 =	vadd.f32 v63, v8;
	_ =	sdelay $0x1  }
0x11b: {  	s22 =	sadd.s32 $0x1, s22;
	v8 =	vadd.f32 v8, v62  }
0x11c: {  	p0 =	sne.s32 s22, s12  }
.Ltmp2:
0x11d: {  	[tilespmem:s1+$0x0] =	vst v8;
	(pc) =	sbr.rel @p0 .LBB2_1-.Ltmp2, $4  }
0x11e: {  	[hbm4b:s11+s3] =	stream.linear.scatter [tilespmem:s21], [sflag:$0x3], $0x1800, $0x38;
	[tilespmem:$0x11B80] =	vst v63  }
0x11f: {  	_ =	swait.ge [sflag:s13], $0x1800  }
0x120: {  	[sflag:s13] =	ssyncset.done $0x0  }
0x121: {  	[sflag:s13] =	ssyncadd.s32 $0xFFFFE800  }
0x122: {  	_ =	sfence.sel $0x180000  }
0x123: {  	[bflag:$0x0] =	sbarrier.arrive $0xFFFF  }
0x124: {  	_ =	strace $0x9000004D  }
0x125: {  	s0 =	stileid.u32;
	[bflag:$0x2] =	sbarrier.arrive $0xFFFF  }
0x126: {  	p0 =	sne.s32 s0, $0x0;
	s0 =	rddreg [dreg:$0x2]  }
0x127: {  	s0 =	sadd.s32 @!p0 $0x100000, s0  }
0x128: {  	[sflag:s0] =	ssyncadd.tile.s32 @!p0 $0x1;
	_ =	shalt  }
.Lfunc_end2:
_tile_overlayer_lowered:
.L_overlay_start_2:
0x129: {  	(tag) =	ssettag $0x2  }
0x12a: {  	s0 =	rddreg [dreg:$0x0];
	s2 =	stileid.u32  }
0x12b: {  	s1 =	rddreg [dreg:$0x1];
	p0 =	sne.s32 s2, $0x0  }
0x12c: {  	s3 =	rddreg [dreg:$0x2];
	[bflag:$0x3] =	sbarrier.arrive $0xFFFF;
	s2 =	simm.s32 @!p0 $0x1C03  }
0x12d: {  	[timem:s3], [sflag:s2] =	dma.local @!p0 [hbm:s0], s1  }
0x12e: {  	s0 =	simm.s32 @!p0 $0x3  }
0x12f: {  	_ =	swait.ge @!p0 [sflag:s0], s1  }
0x130: {  	s1 =	ssub.s32 @!p0 $0x0, s1;
	[sflag:s0] =	ssyncset.done @!p0 $0x0  }
0x131: {  	[sflag:s0] =	ssyncadd.s32 @!p0 s1  }
0x132: {  	[bflag:$0x3] =	sbarrier.arrive $0xFFFF  }
0x133: {  	_ =	shalt  }

// kernel: kernel.20.cloned.1.call-start
scs
__scs_entry_jumppad:
0x0: {  	(pc) =	sbr.rel $0x88, $3  }
0x1: {  	(tag) =	ssettag $0x0;
	lr =	simm.s32 $0x1  }
0x2: {  	[smem:$0x3F94] =	sst lr;
	_ =	strace $0xD0000000  }
0x3: {  	_ = 	snop  }
0x4: {  	_ = 	snop  }
0x5: {  	_ = 	snop  }
0x6: {  	_ = 	snop  }
0x7: {  	_ = 	snop  }
__scs_overlays_trampoline_lowered:
0x8: {  	[smem:$0x3FA3] =	sst s0  }
0x9: {  	[smem:$0x3FA4] =	sst s1  }
0xa: {  	[smem:$0x3FA5] =	sst s2  }
0xb: {  	[smem:$0x3FA6] =	sst s3  }
0xc: {  	[smem:$0x3FA7] =	sst s4  }
0xd: {  	[smem:$0x3FA8] =	sst s5  }
0xe: {  	[smem:$0x3FA9] =	sst s6  }
0xf: {  	[smem:$0x3FAA] =	sst s7  }
0x10: {  	[smem:$0x3FAB] =	sst s8  }
0x11: {  	[smem:$0x3FAC] =	sst s9;
	s0 =	simm.s32 @!p0 $0x0  }
0x12: {  	s1 =	sld [smem:$0x3F92];
	s0 =	simm.s32 @p0 $0x1  }
0x13: {  	[smem:$0x3FAD] =	sst s0;
	s0 =	simm.s32 @!p1 $0x0  }
0x14: {  	s2 =	sld [smem:$0x3F91];
	s0 =	simm.s32 @p1 $0x1  }
0x15: {  	[smem:$0x3FAE] =	sst s0;
	s0 =	simm.s32 @!p2 $0x0  }
0x16: {  	s3 =	sld [smem:$0x3FDB];
	s0 =	simm.s32 @p2 $0x1  }
0x17: {  	s4 =	simm.s32 $0x1BF5;
	[smem:$0x3FB0] =	sst s0  }
0x18: {  	s0 =	sld [smem:$0x3F93];
	_ =	swait.ge [sflag:s4], $0x0  }
0x19: {  	s7 =	sld [smem:$0x3F94]  }
0x1a: {  	s8 =	sadd.s32 $0xFFFFE003, lr  }
0x1b: {  	s9 =	sadd.s32 $0xFFFFFEF7, lr;
	s5 =	simm.s32 $0xFFFFFFFF;
	p2 =	slt.u32 s8, $0xFFFFF086  }
0x1c: {  	p1 =	slt.u32 s9, $0xF7A;
	s5 =	simm.s32 @!p2 $0x0  }
0x1d: {  	s5 =	simm.s32 @p1 $0x1;
	p0 =	seq.s32 s7, s2  }
0x1e: {  	s7 =	smul.u32 @!p0 $0xF7A, s2;
	p2 =	seq.s32 @!p0 s5, $0x0  }
0x1f: {  	s9 =	smul.u32 $0xF7A, s1;
	s8 =	simm.s32 @!p0 $0x1BF5;
	p2 =	por !p2, p0  }
0x20: {  	[sflag:s8] =	ssyncset.s32 @!p0 $0xFFFFF086;
	s6 =	sadd.s32 @!p0 s3, s7;
	s7 =	simm.s32 @!p0 $0x108  }
0x21: {  	s3 =	sadd.s32 s3, s9;
	s6 =	sadd.s32 @!p0 $0x88, s6;
	s7 =	simm.s32 @p2 $0x1082  }
0x22: {  	[simem:s7], [sflag:s8] =	dma.local @!p0 [hbm:s6], $0xF7A  }
0x23: {  	s9 =	sor.u32 $0xD0000000, s2;
	s6 =	simm.s32 $0x108;
	_ =	swait.ge @!p0 [sflag:s8], $0x0  }
0x24: {  	s3 =	sadd.s32 $0x88, s3;
	s6 =	simm.s32 @!p1 $0x1082;
	[sflag:s4] =	ssyncset.s32 $0xFFFFF086  }
0x25: {  	[simem:s6], [sflag:s4] =	dma.local [hbm:s3], $0xF7A  }
0x26: {  	[smem:$0x3F94] =	sst s1;
	(tag) =	ssettag s2;
	_ =	strace s9  }
0x27: {  	s1 =	sld [smem:$0x3FA4]  }
0x28: {  	s2 =	sld [smem:$0x3FA5]  }
0x29: {  	s4 =	sld [smem:$0x3FA7]  }
0x2a: {  	p0 =	seq.s32 s5, $0x0;
	s5 =	sld [smem:$0x3FA8]  }
0x2b: {  	s6 =	sld [smem:$0x3FA9]  }
0x2c: {  	s7 =	sld [smem:$0x3FAA]  }
0x2d: {  	s3 =	simm.s32 $0x108;
	s8 =	sld [smem:$0x3FAB]  }
0x2e: {  	s3 =	simm.s32 @!p0 $0x1082;
	s9 =	sld [smem:$0x3FAC]  }
0x2f: {  	lr =	sadd.s32 s0, s3;
	s0 =	sld [smem:$0x3FA3]  }
0x30: {  	s3 =	sld [smem:$0x3FA6]  }
0x31: {  	[smem:$0x3FAF] =	sst s10  }
0x32: {  	s10 =	sld [smem:$0x3FAD];
	_ =	sdelay $0x3  }
0x33: {  	p0 =	seq.s32 s10, $0x1;
	s10 =	sld [smem:$0x3FAF];
	_ =	sdelay $0x3  }
0x34: {  	[smem:$0x3FAF] =	sst s10  }
0x35: {  	s10 =	sld [smem:$0x3FAE];
	_ =	sdelay $0x3  }
0x36: {  	p1 =	seq.s32 s10, $0x1;
	s10 =	sld [smem:$0x3FAF];
	_ =	sdelay $0x3  }
0x37: {  	[smem:$0x3FAF] =	sst s10  }
0x38: {  	s10 =	sld [smem:$0x3FB0]  }
0x39: {  	_ = 	snop;
	(pc) =	sbr.ind lr, $3  }
0x3a: {  	_ = 	snop  }
0x3b: {  	_ = 	snop  }
0x3c: {  	p2 =	seq.s32 s10, $0x1;
	s10 =	sld [smem:$0x3FAF]  }
0x3d: {  	_ =	shalt  }
0x3e: {  	_ =	shalt  }
0x3f: {  	_ =	shalt  }
0x40: {  	_ =	shalt  }
0x41: {  	_ =	shalt  }
0x42: {  	_ =	shalt  }
0x43: {  	_ =	shalt  }
0x44: {  	_ =	shalt  }
0x45: {  	_ =	shalt  }
0x46: {  	_ =	shalt  }
0x47: {  	_ =	shalt  }
0x48: {  	_ =	shalt  }
0x49: {  	_ =	shalt  }
0x4a: {  	_ =	shalt  }
0x4b: {  	_ =	shalt  }
0x4c: {  	_ =	shalt  }
0x4d: {  	_ =	shalt  }
0x4e: {  	_ =	shalt  }
0x4f: {  	_ =	shalt  }
0x50: {  	_ =	shalt  }
0x51: {  	_ =	shalt  }
0x52: {  	_ =	shalt  }
0x53: {  	_ =	shalt  }
0x54: {  	_ =	shalt  }
0x55: {  	_ =	shalt  }
0x56: {  	_ =	shalt  }
0x57: {  	_ =	shalt  }
0x58: {  	_ =	shalt  }
0x59: {  	_ =	shalt  }
0x5a: {  	_ =	shalt  }
0x5b: {  	_ =	shalt  }
0x5c: {  	_ =	shalt  }
0x5d: {  	_ =	shalt  }
0x5e: {  	_ =	shalt  }
0x5f: {  	_ =	shalt  }
0x60: {  	_ =	shalt  }
0x61: {  	_ =	shalt  }
0x62: {  	_ =	shalt  }
0x63: {  	_ =	shalt  }
0x64: {  	_ =	shalt  }
0x65: {  	_ =	shalt  }
0x66: {  	_ =	shalt  }
0x67: {  	_ =	shalt  }
0x68: {  	_ =	shalt  }
0x69: {  	_ =	shalt  }
0x6a: {  	_ =	shalt  }
0x6b: {  	_ =	shalt  }
0x6c: {  	_ =	shalt  }
0x6d: {  	_ =	shalt  }
0x6e: {  	_ =	shalt  }
0x6f: {  	_ =	shalt  }
0x70: {  	_ =	shalt  }
0x71: {  	_ =	shalt  }
0x72: {  	_ =	shalt  }
0x73: {  	_ =	shalt  }
0x74: {  	_ =	shalt  }
0x75: {  	_ =	shalt  }
0x76: {  	_ =	shalt  }
0x77: {  	_ =	shalt  }
0x78: {  	_ =	shalt  }
0x79: {  	_ =	shalt  }
0x7a: {  	_ =	shalt  }
0x7b: {  	_ =	shalt  }
0x7c: {  	_ =	shalt  }
0x7d: {  	_ =	shalt  }
0x7e: {  	_ =	shalt  }
0x7f: {  	_ =	shalt  }
0x80: {  	_ =	shalt  }
0x81: {  	_ =	shalt  }
0x82: {  	_ =	shalt  }
0x83: {  	_ =	shalt  }
0x84: {  	_ =	shalt  }
0x85: {  	_ =	shalt  }
0x86: {  	_ =	shalt  }
0x87: {  	_ =	shalt  }
.Lfunc_end0:
.L_simem_size_0:
called_computation.3_lowered:
.L_overlay_start_0:
0x88: {  	s2 =	sld [smem:$0x3FD9]  }
0x89: {  	s3 =	sld [smem:$0x3FFE];
	_ =	sdelay $0x1  }
0x8a: {  	s1 =	srdreg.scid  }
0x8b: {  	s0 =	sand.u32 $0x1, s1  }
0x8c: {  	s15 =	sshll.u32 s0, $0xA;
	s2 =	sadd.s32 s3, s2  }
0x8d: {  	s2 =	sadd.s32 s2, s15  }
0x8e: {  	[smem:$0x3FBB] =	sst s2  }
0x8f: {  	_ = 	snop  }
0x90: {  	s2 =	sld [smem:$0x3FD0];
	_ =	sdelay $0x2  }
0x91: {  	s4 =	simm.s32 $0xD;
	s16 =	simm.s32 $0x10  }
0x92: {  	[smem:s16], [sflag:s4] =	dma.local [hbm:s2], $0x1  }
0x93: {  	_ =	swait.eq [sflag:s4], $0x1  }
0x94: {  	[sflag:s4] =	ssyncset.done $0x0  }
0x95: {  	s17 =	sld [smem:$0x10];
	[sflag:s4] =	ssyncadd.s32 $0xFFFFFFFF  }
0x96: {  	s18 =	sld [smem:$0x11];
	(tm) =	ssettm $0x1  }
0x97: {  	s19 =	sld [smem:$0x3FFB];
	_ =	sdelay $0x3  }
0x98: {  	_ =	strace s19  }
0x99: {  	s2 =	sld [smem:$0x3FFC];
	_ =	sdelay $0x3  }
0x9a: {  	_ =	strace s2  }
0x9b: {  	s2 =	sld [smem:$0x3FFD];
	_ =	sdelay $0x3  }
0x9c: {  	_ =	strace s2  }
0x9d: {  	_ =	strace $0x8FFFFFFF  }
0x9e: {  	s20 =	sld [smem:$0x3FDB];
	_ =	sdelay $0x1  }
0x9f: {  	s5 =	simm.s32 $_scs_section_size  }
0xa0: {  	s6 =	simm.s32 $_size__tile_overlayer_lowered;
	s7 =	simm.s32 $_tile_overlayer_lowered  }
0xa1: {  	s8 =	simm.s32 $0x1BFF;
	s21 =	sshll.u32 s7, $0x1;
	s5 =	sadd.s32 s5, s20  }
0xa2: {  	s22 =	simm.s32 $0x0;
	s6 =	sshll.u32 s6, $0x1;
	s7 =	sadd.s32 s21, s5  }
0xa3: {  	[timem:s22], [sflag:s8] =	dma.local [hbm:s7], s6  }
0xa4: {  	_ =	swait.ge [sflag:s8], s6  }
0xa5: {  	s6 =	ssub.s32 $0x0, s6;
	[sflag:s8] =	ssyncset.done $0x0  }
0xa6: {  	[sflag:s8] =	ssyncadd.s32 s6;
	_ =	sdelay $0x1  }
0xa7: {  	s23 =	simm.s32 $0x1B8B  }
0xa8: {  	_ =	swait.ge [sflag:s23], $0x1  }
0xa9: {  	[sflag:s23] =	ssyncset.done $0x0  }
0xaa: {  	[sflag:s23] =	ssyncadd.s32 $0xFFFFFFFF  }
0xab: {  	s6 =	sld [smem:$0x0]  }
0xac: {  	s7 =	sand.u32 $0xFFFFFFFE, s1  }
0xad: {  	p0 =	sne.s32 s1, s7  }
0xae: {  	s7 =	sshll.u32 @p0 s7, $0xE  }
0xaf: {  	s7 =	sadd.s32 @p0 $0x11B8D, s7;
	s8 =	sshll.u32 @p0 s6, $0x11  }
0xb0: {  	s7 =	sor.u32 @p0 s8, s7  }
0xb1: {  	[sflag:s7] =	ssyncadd.remote.s32 @p0 $0x1;
	_ =	sdelay $0x1  }
0xb2: {  	s7 =	simm.s32 @p0 $0x1B8D  }
0xb3: {  	_ =	swait.eq @p0 [sflag:s7], $0x1  }
0xb4: {  	[sflag:s7] =	ssyncadd.s32 @p0 $0xFFFFFFFF  }
0xb5: {  	s8 =	sshll.u32 @!p0 s1, $0xE  }
0xb6: {  	s8 =	sor.u32 @!p0 $0x4000, s8;
	s7 =	simm.s32 @!p0 $0x1B8D  }
0xb7: {  	s6 =	sshll.u32 @!p0 s6, $0x11;
	s8 =	sadd.s32 @!p0 $0x11B8D, s8;
	_ =	swait.eq @!p0 [sflag:s7], $0x1  }
0xb8: {  	s6 =	sor.u32 @!p0 s6, s8;
	[sflag:s7] =	ssyncadd.s32 @!p0 $0xFFFFFFFF  }
0xb9: {  	s25 =	simm.s32 $0x1B8E;
	s24 =	sld [smem:$0x3FFE];
	[sflag:s6] =	ssyncadd.remote.s32 @!p0 $0x1  }
0xba: {  	s26 =	simm.s32 $execute0_lowered;
	[smem:$0x3FD2] =	sst s25  }
0xbb: {  	s7 =	sshll.u32 s26, $0x1;
	_ =	strace $0x8000004F;
	[dreg:$0x1] =	wrdreg $0xFFFFFFFF  }
0xbc: {  	s28 =	simm.s32 $_size_execute0_lowered;
	s5 =	sadd.s32 s5, s7;
	[dreg:$0x0] =	wrdreg $0x0  }
0xbd: {  	s7 =	sshll.u32 s28, $0x1;
	[dreg:$0x2] =	wrdreg s5  }
0xbe: {  	[dreg:$0x3] =	wrdreg s7  }
0xbf: {  	[dreg:$0x4] =	wrdreg $0xC0  }
0xc0: {  	_ =	task [dreg:s22], $0x5FFFF  }
0xc1: {  	[dreg:$0x1] =	wrdreg $0xFFFFFFFF  }
0xc2: {  	[dreg:$0x0] =	wrdreg $0x60  }
0xc3: {  	[dreg:$0x2] =	wrdreg s17  }
0xc4: {  	[dreg:$0x3] =	wrdreg s18  }
0xc5: {  	[dreg:$0x4] =	wrdreg s24  }
0xc6: {  	[dreg:$0x5] =	wrdreg $0xC  }
0xc7: {  	_ =	task.clear_ibuf [dreg:s22], $0x6FFFF;
	_ =	strace $0x9000004F  }
0xc8: {  	s29 =	simm.s32 $0xC;
	_ =	strace $0x80000051  }
0xc9: {  	_ =	swait.ge [sflag:s29], $0x1  }
0xca: {  	[sflag:s29] =	ssyncadd.s32 $0xFFFFFFFF  }
0xcb: {  	_ =	strace $0x90000051  }
0xcc: {  	_ =	sfence  }
0xcd: {  	s30 =	sld [smem:$0x0];
	_ =	sdelay $0x2  }
0xce: {  	s31 =	sshll.u32 s1, $0xD;
	s1 =	sshrl.u32 s1, $0x2  }
0xcf: {  	s4 =	sand.u32 $0x4000, s31;
	s1 =	sadd.s32 s1, s30  }
0xd0: {  	s0 =	sor.u32 s4, s0;
	s1 =	sshll.u32 s1, $0x11  }
0xd1: {  	s0 =	sor.u32 s1, s0  }
0xd2: {  	s0 =	sadd.s32 $0x8F2B, s0  }
0xd3: {  	[sflag:s0] =	ssyncadd.remote.s32 $0x1  }
0xd4: {  	_ =	sfence.sel $0xFFFF  }
0xd5: {  	[dreg:$0x0] =	wrdreg $0xFFFFFFFF;
	(pc) =	sbr.abs _section_cstart, $3  }
0xd6: {  	[dreg:$0x1] =	wrdreg $0xFFFFFFFF  }
0xd7: {  	_ =	task.clear_ibuf [dreg:s22], $0x2FFFF;
	_ =	strace $0x9FFFFFFF  }
0xd8: {  	(tm) =	ssettm $0x7FFFFFFF  }
0xd9: {  	_ =	shalt  }
tec
execute0_lowered:
.L_overlay_start_1:
0x0: {  	(tag) =	ssettag $0x1  }
0x1: {  	s1 =	rddreg [dreg:$0x0]  }
0x2: {  	s0 =	rddreg [dreg:$0x1]  }
0x3: {  	s2 =	rddreg [dreg:$0x2];
	s4 =	srdreg.scid  }
0x4: {  	s6 =	stileid.u32;
	s3 =	simm.s32 $0x0;
	s13 =	simm.s32 $0x3  }
0x5: {  	s14 =	simm.s32 $0x80;
	s15 =	simm.s32 $0x100;
	s16 =	simm.s32 $0x180  }
0x6: {  	s17 =	simm.s32 $0x200;
	s18 =	simm.s32 $0x280;
	s19 =	simm.s32 $0x40  }
0x7: {  	s25 =	simm.s32 $0x1;
	s5 =	sand.u32 $0x1, s4;
	s30 =	sshll.u32 s6, $0x1  }
0x8: {  	[smem:$0x7FF] =	sst s3;
	s4 =	sadd.s32 $0x4AE00, s2;
	s6 =	sor.u32 s5, s30  }
0x9: {  	_ =	strace $0x80000050;
	s5 =	ssub.s32 $0x2, s5;
	s7 =	sshll.u32 s6, $0x4  }
0xa: {  	s8 =	smul.u32 $0x300, s6;
	s31 =	sshrl.u32 s5, $0x1;
	s20 =	sshll.u32 s6, $0x7  }
0xb: {  	s10 =	sadd.s32 s7, s2;
	s12 =	ssub.s32 s5, s31;
	s21 =	sor.u32 $0x10, s20  }
0xc: {  	s22 =	sor.u32 $0x20, s20;
	s23 =	sor.u32 $0x30, s20;
	s24 =	sor.u32 $0x40, s20  }
0xd: {  	v7 =	vlaneseq.u32;
	s26 =	sor.u32 $0x50, s20;
	s28 =	sor.u32 $0x60, s20;
	s29 =	sor.u32 $0x70, s20  }
0xe: {  	s5 =	sadd.s32 s0, s7;
	v0 =	vor.u32 s20, v7;
	s20 =	simm.s32 $0x2;
	s2 =	sadd.s32 s8, s2  }
0xf: {  	s6 =	sadd.s32 $0x5AE00, s10;
	s7 =	sadd.s32 $0x5B000, s10;
	s8 =	sadd.s32 $0x5B200, s10;
	v1 =	vor.u32 s21, v7  }
0x10: {  	s9 =	sadd.s32 $0x5B400, s10;
	s10 =	sadd.s32 $0x5B600, s10;
	s12 =	smax.u32 s12, $0x1;
	v2 =	vor.u32 s22, v7;
	v3 =	vor.u32 s23, v7;
	v4 =	vor.u32 s24, v7  }
0x11: {  	v5 =	vor.u32 s26, v7;
	v6 =	vor.u32 s28, v7;
	v7 =	vor.u32 s29, v7;
	s21 =	simm.s32 $0x380;
	s22 =	simm.s32 $0x0;
	s11 =	sadd.s32 $0x5B800, s2  }
.LBB2_1:
0x12: {  	[tilespmem:$0x300] =	vst v0  }
0x13: {  	[tilespmem:$0x310] =	vst v1  }
0x14: {  	[tilespmem:$0x320] =	vst v2  }
0x15: {  	[tilespmem:$0x330] =	vst v3  }
0x16: {  	[tilespmem:$0x340] =	vst v4  }
0x17: {  	[tilespmem:$0x350] =	vst v5  }
0x18: {  	[tilespmem:$0x360] =	vst v6  }
0x19: {  	[tilespmem:$0x370] =	vst v7  }
0x1a: {  	[tilespmem:s3], [sflag:$0x3] =	stream.linear.gather [hbm4b:s5+s3], $0x80, $0x38;
	[tilespmem:$0x11B80] =	vst v63  }
0x1b: {  	_ =	swait.ge [sflag:s13], $0x80  }
0x1c: {  	[sflag:s13] =	ssyncset.done $0x0  }
0x1d: {  	[sflag:s13] =	ssyncadd.s32 $0xFFFFFF80  }
0x1e: {  	[tilespmem:s14], [sflag:$0x3] =	stream.linear.gather [hbm4b:s6+s3], $0x80, $0x38;
	[tilespmem:$0x11B80] =	vst v63  }
0x1f: {  	_ =	swait.ge [sflag:s13], $0x80  }
0x20: {  	[sflag:s13] =	ssyncset.done $0x0  }
0x21: {  	[sflag:s13] =	ssyncadd.s32 $0xFFFFFF80  }
0x22: {  	[tilespmem:s15], [sflag:$0x3] =	stream.linear.gather [hbm4b:s7+s3], $0x80, $0x38;
	[tilespmem:$0x11B80] =	vst v63  }
0x23: {  	_ =	swait.ge [sflag:s13], $0x80  }
0x24: {  	[sflag:s13] =	ssyncset.done $0x0  }
0x25: {  	[sflag:s13] =	ssyncadd.s32 $0xFFFFFF80  }
0x26: {  	[tilespmem:s16], [sflag:$0x3] =	stream.linear.gather [hbm4b:s8+s3], $0x80, $0x38;
	[tilespmem:$0x11B80] =	vst v63  }
0x27: {  	_ =	swait.ge [sflag:s13], $0x80  }
0x28: {  	[sflag:s13] =	ssyncset.done $0x0  }
0x29: {  	[sflag:s13] =	ssyncadd.s32 $0xFFFFFF80  }
0x2a: {  	[tilespmem:s17], [sflag:$0x3] =	stream.linear.gather [hbm4b:s9+s3], $0x80, $0x38;
	[tilespmem:$0x11B80] =	vst v63  }
0x2b: {  	_ =	swait.ge [sflag:s13], $0x80  }
0x2c: {  	[sflag:s13] =	ssyncset.done $0x0  }
0x2d: {  	[sflag:s13] =	ssyncadd.s32 $0xFFFFFF80  }
0x2e: {  	[tilespmem:s18], [sflag:$0x3] =	stream.linear.gather [hbm4b:s10+s3], $0x80, $0x38;
	[tilespmem:$0x11B80] =	vst v63  }
0x2f: {  	_ =	swait.ge [sflag:s13], $0x80  }
0x30: {  	[sflag:s13] =	ssyncset.done $0x0  }
0x31: {  	s0 =	simm.s32 $0x1B80;
	[sflag:s13] =	ssyncadd.s32 $0xFFFFFF80  }
0x32: {  	[tilespmem:s0], [sflag:$0x1] =	stream.indirect.gather [hbm4b:s1+s19], $0x80, s3, s19, $0xb8;
	[tilespmem:$0x11B80] =	vst v63  }
0x33: {  	s23 =	simm.s32 $0x3B80  }
0x34: {  	[tilespmem:s23], [sflag:$0x1] =	stream.indirect.gather [hbm4b:s1+s19], $0x80, s14, s19, $0xb8;
	[tilespmem:$0x11B80] =	vst v63  }
0x35: {  	s24 =	simm.s32 $0x5B80  }
0x36: {  	[tilespmem:s24], [sflag:$0x1] =	stream.indirect.gather [hbm4b:s1+s19], $0x80, s15, s19, $0xb8;
	[tilespmem:$0x11B80] =	vst v63  }
0x37: {  	s26 =	simm.s32 $0x300;
	s2 =	simm.s32 $0x7B80  }
0x38: {  	[tilespmem:s2], [sflag:$0x1] =	stream.indirect.gather [hbm4b:s4+s19], $0x80, s26, s19, $0xb8;
	[tilespmem:$0x11B80] =	vst v63  }
0x39: {  	_ =	swait.ge [sflag:s25], $0x2000  }
0x3a: {  	[sflag:s25] =	ssyncset.done $0x0  }
0x3b: {  	[sflag:s25] =	ssyncadd.s32 $0xFFFFE000  }
0x3c: {  	_ =	swait.ge [sflag:s25], $0x2000  }
0x3d: {  	[sflag:s25] =	ssyncset.done $0x0  }
0x3e: {  	[sflag:s25] =	ssyncadd.s32 $0xFFFFE000  }
0x3f: {  	_ =	swait.ge [sflag:s25], $0x2000  }
0x40: {  	[sflag:s25] =	ssyncset.done $0x0  }
0x41: {  	[sflag:s25] =	ssyncadd.s32 $0xFFFFE000  }
0x42: {  	_ =	swait.ge [sflag:s25], $0x2000  }
0x43: {  	[sflag:s25] =	ssyncset.done $0x0  }
0x44: {  	s23 =	simm.s32 $0x9B80;
	[sflag:s25] =	ssyncadd.s32 $0xFFFFE000  }
0x45: {  	[tilespmem:s23], [sflag:$0x2] =	stream.indirect.gather [hbm4b:s1+s19], $0x80, s19, s19, $0xb8;
	[tilespmem:$0x11B80] =	vst v63  }
0x46: {  	s24 =	simm.s32 $0xC0;
	s26 =	simm.s32 $0xBB80  }
0x47: {  	[tilespmem:s26], [sflag:$0x2] =	stream.indirect.gather [hbm4b:s1+s19], $0x80, s24, s19, $0xb8;
	[tilespmem:$0x11B80] =	vst v63  }
0x48: {  	v8 =	vmov s3;
	s2 =	simm.s32 $0x140;
	s23 =	simm.s32 $0xDB80  }
0x49: {  	[tilespmem:s23], [sflag:$0x2] =	stream.indirect.gather [hbm4b:s1+s19], $0x80, s2, s19, $0xb8;
	[tilespmem:$0x11B80] =	vst v63  }
0x4a: {  	s24 =	simm.s32 $0x340;
	s26 =	simm.s32 $0xFB80;
	s2 =	simm.s32 $0x1B90  }
0x4b: {  	[tilespmem:s26], [sflag:$0x2] =	stream.indirect.gather [hbm4b:s4+s19], $0x80, s24, s19, $0xb8;
	[tilespmem:$0x11B80] =	vst v63  }
0x4c: {  	v9 =	vld [tilespmem:s2+$0xFFFFFFF0]  }
0x4d: {  	v10 =	vld.idx.msk [tilespmem:v8+s16+$0x0], $0xffff  }
0x4e: {  	s26 =	simm.s32 $0x3B90;
	v11 =	vld.idx.msk [tilespmem:v8+s17+$0x0], $0xffff  }
0x4f: {  	v12 =	vld [tilespmem:s26+$0xFFFFFFF0]  }
0x50: {  	s23 =	simm.s32 $0x5B90;
	v13 =	vld.idx.msk [tilespmem:v8+s18+$0x0], $0xffff  }
0x51: {  	v8 =	vld [tilespmem:s23+$0xFFFFFFF0];
	_ =	sdelay $0x2  }
0x52: {  	s28 =	simm.s32 $0x7BA0;
	v9 =	vmul.f32 v9, v10;
	v12 =	vmul.f32 v12, v11  }
0x53: {  	v14 =	vld [tilespmem:s28+$0xFFFFFFE0]  }
0x54: {  	v8 =	vmul.f32 v8, v13;
	v9 =	vadd.f32 v12, v9;
	_ =	sdelay $0x1  }
0x55: {  	v8 =	vadd.f32 v8, v9;
	_ =	sdelay $0x1  }
0x56: {  	v8 =	vadd.f32 v8, v14  }
0x57: {  	s24 =	simm.s32 $0x3A0  }
0x58: {  	[tilespmem:s24+$0xFFFFFFE0] =	vst v8  }
0x59: {  	v8 =	vld [tilespmem:s2+$0x0]  }
0x5a: {  	v9 =	vld [tilespmem:s26+$0x0];
	_ =	sdelay $0x1  }
0x5b: {  	v61 =	vld [tilespmem:s23+$0x0];
	_ =	sdelay $0x2  }
0x5c: {  	v8 =	vmul.f32 v8, v10;
	v9 =	vmul.f32 v9, v11  }
0x5d: {  	v62 =	vld [tilespmem:s28+$0xFFFFFFF0]  }
0x5e: {  	v8 =	vadd.f32 v9, v8;
	v9 =	vmul.f32 v61, v13;
	_ =	sdelay $0x1  }
0x5f: {  	v8 =	vadd.f32 v9, v8;
	_ =	sdelay $0x1  }
0x60: {  	v8 =	vadd.f32 v8, v62;
	_ =	sdelay $0x1  }
0x61: {  	[tilespmem:s24+$0xFFFFFFF0] =	vst v8  }
0x62: {  	v8 =	vld [tilespmem:s2+$0x10]  }
0x63: {  	v9 =	vld [tilespmem:s26+$0x10];
	_ =	sdelay $0x1  }
0x64: {  	v63 =	vld [tilespmem:s23+$0x10];
	_ =	sdelay $0x2  }
0x65: {  	v10 =	vmul.f32 v8, v10;
	v9 =	vmul.f32 v9, v11  }
0x66: {  	s30 =	simm.s32 $0x1;
	s29 =	simm.s32 $0x3C10;
	s31 =	simm.s32 $0x3A0;
	v8 =	vld [tilespmem:s28+$0x0]  }
0x67: {  	s0 =	simm.s32 $0x2;
	s26 =	simm.s32 $0x7C20;
	s28 =	simm.s32 $0x1C10;
	v9 =	vadd.f32 v9, v10;
	v10 =	vmul.f32 v63, v13  }
.LBB2_2:
0x68: {  	s24 =	sadd.s32 $0x30, s24  }
0x69: {  	v11 =	vmov s30;
	v9 =	vadd.f32 v10, v9;
	s23 =	sadd.s32 $0x80, s23;
	s30 =	smov.u32 s0;
	s2 =	sadd.s32 $0x1, s0  }
0x6a: {  	p0 =	sne.s32 s0, $0x3F  }
0x6b: {  	v8 =	vadd.f32 v9, v8;
	_ =	sdelay $0x1  }
0x6c: {  	[tilespmem:s31+$0x0] =	vst v8;
	s31 =	smov.u32 s24  }
0x6d: {  	v8 =	vld [tilespmem:s28+$0xFFFFFFF0]  }
0x6e: {  	v9 =	vld.idx.msk [tilespmem:v11+s16+$0x0], $0xffff  }
0x6f: {  	v10 =	vld.idx.msk [tilespmem:v11+s17+$0x0], $0xffff  }
0x70: {  	v12 =	vld [tilespmem:s29+$0xFFFFFFF0]  }
0x71: {  	v11 =	vld.idx.msk [tilespmem:v11+s18+$0x0], $0xffff  }
0x72: {  	v13 =	vld [tilespmem:s23+$0xFFFFFFF0];
	_ =	sdelay $0x1  }
0x73: {  	v8 =	vmul.f32 v8, v9  }
0x74: {  	v12 =	vmul.f32 v12, v10  }
0x75: {  	v14 =	vld [tilespmem:s26+$0xFFFFFFE0]  }
0x76: {  	v8 =	vadd.f32 v12, v8;
	v12 =	vmul.f32 v13, v11;
	_ =	sdelay $0x1  }
0x77: {  	v8 =	vadd.f32 v12, v8;
	_ =	sdelay $0x1  }
0x78: {  	v8 =	vadd.f32 v8, v14;
	_ =	sdelay $0x1  }
0x79: {  	[tilespmem:s24+$0xFFFFFFE0] =	vst v8  }
0x7a: {  	v8 =	vld [tilespmem:s28+$0x0]  }
0x7b: {  	v12 =	vld [tilespmem:s29+$0x0];
	_ =	sdelay $0x1  }
0x7c: {  	v13 =	vld [tilespmem:s23+$0x0];
	_ =	sdelay $0x1  }
0x7d: {  	v8 =	vmul.f32 v8, v9  }
0x7e: {  	v12 =	vmul.f32 v12, v10  }
0x7f: {  	v14 =	vld [tilespmem:s26+$0xFFFFFFF0]  }
0x80: {  	v8 =	vadd.f32 v12, v8;
	v12 =	vmul.f32 v13, v11;
	_ =	sdelay $0x1  }
0x81: {  	v8 =	vadd.f32 v12, v8;
	_ =	sdelay $0x1  }
0x82: {  	v8 =	vadd.f32 v8, v14;
	_ =	sdelay $0x1  }
0x83: {  	[tilespmem:s24+$0xFFFFFFF0] =	vst v8  }
0x84: {  	v8 =	vld [tilespmem:s28+$0x10]  }
0x85: {  	v12 =	vld [tilespmem:s29+$0x10]  }
0x86: {  	v13 =	vld [tilespmem:s23+$0x10];
	_ =	sdelay $0x2  }
.Ltmp0:
0x87: {  	v9 =	vmul.f32 v8, v9;
	(pc) =	sbr.rel @p0 .LBB2_2-.Ltmp0, $4  }
0x88: {  	v10 =	vmul.f32 v12, v10  }
0x89: {  	v8 =	vld [tilespmem:s26+$0x0]  }
0x8a: {  	s0 =	smov.u32 s2;
	v9 =	vadd.f32 v10, v9;
	v10 =	vmul.f32 v13, v11  }
0x8b: {  	s28 =	sadd.s32 $0x80, s28;
	s29 =	sadd.s32 $0x80, s29;
	s26 =	sadd.s32 $0x80, s26  }
0x8c: {  	v9 =	vadd.f32 v10, v9  }
0x8d: {  	v10 =	vmov s30  }
0x8e: {  	v8 =	vadd.f32 v9, v8;
	_ =	sdelay $0x1  }
0x8f: {  	[tilespmem:s31+$0x0] =	vst v8  }
0x90: {  	v8 =	vld [tilespmem:s28+$0xFFFFFFF0]  }
0x91: {  	v9 =	vld.idx.msk [tilespmem:v10+s16+$0x0], $0xffff  }
0x92: {  	v11 =	vld.idx.msk [tilespmem:v10+s17+$0x0], $0xffff  }
0x93: {  	v12 =	vld [tilespmem:s29+$0xFFFFFFF0]  }
0x94: {  	s0 =	sadd.s32 $0x80, s23;
	v10 =	vld.idx.msk [tilespmem:v10+s18+$0x0], $0xffff  }
0x95: {  	v13 =	vld [tilespmem:s0+$0xFFFFFFF0];
	_ =	sdelay $0x2  }
0x96: {  	v8 =	vmul.f32 v8, v9;
	v12 =	vmul.f32 v12, v11  }
0x97: {  	v14 =	vld [tilespmem:s26+$0xFFFFFFE0]  }
0x98: {  	v51 =	vmul.f32 v13, v10;
	v8 =	vadd.f32 v12, v8;
	_ =	sdelay $0x1  }
0x99: {  	v8 =	vadd.f32 v51, v8;
	_ =	sdelay $0x1  }
0x9a: {  	v8 =	vadd.f32 v8, v14  }
0x9b: {  	s2 =	sadd.s32 $0x30, s24  }
0x9c: {  	[tilespmem:s2+$0xFFFFFFE0] =	vst v8  }
0x9d: {  	v8 =	vld [tilespmem:s28+$0x0]  }
0x9e: {  	v52 =	vld [tilespmem:s29+$0x0];
	_ =	sdelay $0x1  }
0x9f: {  	v53 =	vld [tilespmem:s0+$0x0];
	_ =	sdelay $0x2  }
0xa0: {  	v8 =	vmul.f32 v8, v9;
	v12 =	vmul.f32 v52, v11  }
0xa1: {  	v54 =	vld [tilespmem:s26+$0xFFFFFFF0]  }
0xa2: {  	v55 =	vmul.f32 v53, v10;
	v8 =	vadd.f32 v12, v8;
	_ =	sdelay $0x1  }
0xa3: {  	v8 =	vadd.f32 v55, v8;
	_ =	sdelay $0x1  }
0xa4: {  	v8 =	vadd.f32 v8, v54;
	_ =	sdelay $0x1  }
0xa5: {  	[tilespmem:s2+$0xFFFFFFF0] =	vst v8  }
0xa6: {  	v8 =	vld [tilespmem:s28+$0x10]  }
0xa7: {  	v56 =	vld [tilespmem:s29+$0x10];
	_ =	sdelay $0x1  }
0xa8: {  	v57 =	vld [tilespmem:s0+$0x10];
	_ =	sdelay $0x2  }
0xa9: {  	v8 =	vmul.f32 v8, v9;
	v9 =	vmul.f32 v56, v11  }
0xaa: {  	v11 =	vld [tilespmem:s26+$0x0]  }
0xab: {  	v8 =	vadd.f32 v9, v8;
	v9 =	vmul.f32 v57, v10;
	_ =	sdelay $0x1  }
0xac: {  	v8 =	vadd.f32 v9, v8;
	_ =	sdelay $0x1  }
0xad: {  	v8 =	vadd.f32 v8, v11;
	_ =	sdelay $0x1  }
0xae: {  	[tilespmem:s2+$0x0] =	vst v8  }
0xaf: {  	_ =	swait.ge [sflag:s20], $0x2000  }
0xb0: {  	[sflag:s20] =	ssyncset.done $0x0  }
0xb1: {  	[sflag:s20] =	ssyncadd.s32 $0xFFFFE000  }
0xb2: {  	_ =	swait.ge [sflag:s20], $0x2000  }
0xb3: {  	[sflag:s20] =	ssyncset.done $0x0  }
0xb4: {  	[sflag:s20] =	ssyncadd.s32 $0xFFFFE000  }
0xb5: {  	_ =	swait.ge [sflag:s20], $0x2000  }
0xb6: {  	s26 =	simm.s32 $0x40;
	[sflag:s20] =	ssyncset.done $0x0  }
0xb7: {  	v8 =	vmov s26;
	[sflag:s20] =	ssyncadd.s32 $0xFFFFE000  }
0xb8: {  	_ =	swait.ge [sflag:s20], $0x2000  }
0xb9: {  	[sflag:s20] =	ssyncset.done $0x0  }
0xba: {  	s2 =	simm.s32 $0x9B90;
	[sflag:s20] =	ssyncadd.s32 $0xFFFFE000  }
0xbb: {  	v9 =	vld [tilespmem:s2+$0xFFFFFFF0]  }
0xbc: {  	v10 =	vld.idx.msk [tilespmem:v8+s16+$0x0], $0xffff  }
0xbd: {  	s26 =	simm.s32 $0xBB90;
	v11 =	vld.idx.msk [tilespmem:v8+s17+$0x0], $0xffff  }
0xbe: {  	v58 =	vld [tilespmem:s26+$0xFFFFFFF0]  }
0xbf: {  	s23 =	simm.s32 $0xDB90;
	v59 =	vld.idx.msk [tilespmem:v8+s18+$0x0], $0xffff  }
0xc0: {  	v8 =	vld [tilespmem:s23+$0xFFFFFFF0];
	_ =	sdelay $0x2  }
0xc1: {  	s28 =	simm.s32 $0xFBA0;
	v9 =	vmul.f32 v9, v10;
	v12 =	vmul.f32 v58, v11  }
0xc2: {  	v60 =	vld [tilespmem:s28+$0xFFFFFFE0]  }
0xc3: {  	v8 =	vmul.f32 v8, v59;
	v9 =	vadd.f32 v12, v9;
	_ =	sdelay $0x1  }
0xc4: {  	v8 =	vadd.f32 v8, v9;
	_ =	sdelay $0x1  }
0xc5: {  	v8 =	vadd.f32 v8, v60  }
0xc6: {  	s24 =	simm.s32 $0xFA0  }
0xc7: {  	[tilespmem:s24+$0xFFFFFFE0] =	vst v8  }
0xc8: {  	v8 =	vld [tilespmem:s2+$0x0]  }
0xc9: {  	v9 =	vld [tilespmem:s26+$0x0];
	_ =	sdelay $0x1  }
0xca: {  	v61 =	vld [tilespmem:s23+$0x0];
	_ =	sdelay $0x2  }
0xcb: {  	v8 =	vmul.f32 v8, v10;
	v9 =	vmul.f32 v9, v11  }
0xcc: {  	v62 =	vld [tilespmem:s28+$0xFFFFFFF0]  }
0xcd: {  	v8 =	vadd.f32 v9, v8;
	v9 =	vmul.f32 v61, v59;
	_ =	sdelay $0x1  }
0xce: {  	v8 =	vadd.f32 v9, v8;
	_ =	sdelay $0x1  }
0xcf: {  	v8 =	vadd.f32 v8, v62;
	_ =	sdelay $0x1  }
0xd0: {  	[tilespmem:s24+$0xFFFFFFF0] =	vst v8  }
0xd1: {  	v8 =	vld [tilespmem:s2+$0x10]  }
0xd2: {  	v9 =	vld [tilespmem:s26+$0x10];
	_ =	sdelay $0x1  }
0xd3: {  	v63 =	vld [tilespmem:s23+$0x10];
	_ =	sdelay $0x2  }
0xd4: {  	v10 =	vmul.f32 v8, v10;
	v9 =	vmul.f32 v9, v11  }
0xd5: {  	s30 =	simm.s32 $0x41;
	s31 =	simm.s32 $0xFA0;
	s29 =	simm.s32 $0xBC10;
	v8 =	vld [tilespmem:s28+$0x0]  }
0xd6: {  	s2 =	simm.s32 $0x42;
	s26 =	simm.s32 $0xFC20;
	s28 =	simm.s32 $0x9C10;
	v9 =	vadd.f32 v9, v10;
	v10 =	vmul.f32 v63, v59  }
.LBB2_4:
0xd7: {  	s24 =	sadd.s32 $0x30, s24  }
0xd8: {  	v11 =	vmov s30;
	v9 =	vadd.f32 v10, v9;
	s23 =	sadd.s32 $0x80, s23;
	s30 =	smov.u32 s2;
	s0 =	sadd.s32 $0x1, s2  }
0xd9: {  	p0 =	sne.s32 s2, $0x7F  }
0xda: {  	v8 =	vadd.f32 v9, v8;
	_ =	sdelay $0x1  }
0xdb: {  	[tilespmem:s31+$0x0] =	vst v8;
	s31 =	smov.u32 s24  }
0xdc: {  	v8 =	vld [tilespmem:s28+$0xFFFFFFF0]  }
0xdd: {  	v9 =	vld.idx.msk [tilespmem:v11+s16+$0x0], $0xffff  }
0xde: {  	v10 =	vld.idx.msk [tilespmem:v11+s17+$0x0], $0xffff  }
0xdf: {  	v12 =	vld [tilespmem:s29+$0xFFFFFFF0]  }
0xe0: {  	v11 =	vld.idx.msk [tilespmem:v11+s18+$0x0], $0xffff  }
0xe1: {  	v13 =	vld [tilespmem:s23+$0xFFFFFFF0];
	_ =	sdelay $0x1  }
0xe2: {  	v8 =	vmul.f32 v8, v9  }
0xe3: {  	v12 =	vmul.f32 v12, v10  }
0xe4: {  	v14 =	vld [tilespmem:s26+$0xFFFFFFE0]  }
0xe5: {  	v8 =	vadd.f32 v12, v8;
	v12 =	vmul.f32 v13, v11;
	_ =	sdelay $0x1  }
0xe6: {  	v8 =	vadd.f32 v12, v8;
	_ =	sdelay $0x1  }
0xe7: {  	v8 =	vadd.f32 v8, v14;
	_ =	sdelay $0x1  }
0xe8: {  	[tilespmem:s24+$0xFFFFFFE0] =	vst v8  }
0xe9: {  	v8 =	vld [tilespmem:s28+$0x0]  }
0xea: {  	v12 =	vld [tilespmem:s29+$0x0];
	_ =	sdelay $0x1  }
0xeb: {  	v13 =	vld [tilespmem:s23+$0x0];
	_ =	sdelay $0x1  }
0xec: {  	v8 =	vmul.f32 v8, v9  }
0xed: {  	v12 =	vmul.f32 v12, v10  }
0xee: {  	v14 =	vld [tilespmem:s26+$0xFFFFFFF0]  }
0xef: {  	v8 =	vadd.f32 v12, v8;
	v12 =	vmul.f32 v13, v11;
	_ =	sdelay $0x1  }
0xf0: {  	v8 =	vadd.f32 v12, v8;
	_ =	sdelay $0x1  }
0xf1: {  	v8 =	vadd.f32 v8, v14;
	_ =	sdelay $0x1  }
0xf2: {  	[tilespmem:s24+$0xFFFFFFF0] =	vst v8  }
0xf3: {  	v8 =	vld [tilespmem:s28+$0x10]  }
0xf4: {  	v12 =	vld [tilespmem:s29+$0x10]  }
0xf5: {  	v13 =	vld [tilespmem:s23+$0x10];
	_ =	sdelay $0x2  }
.Ltmp1:
0xf6: {  	v9 =	vmul.f32 v8, v9;
	(pc) =	sbr.rel @p0 .LBB2_4-.Ltmp1, $4  }
0xf7: {  	v10 =	vmul.f32 v12, v10  }
0xf8: {  	v8 =	vld [tilespmem:s26+$0x0]  }
0xf9: {  	s2 =	smov.u32 s0;
	v9 =	vadd.f32 v10, v9;
	v10 =	vmul.f32 v13, v11  }
0xfa: {  	s28 =	sadd.s32 $0x80, s28;
	s29 =	sadd.s32 $0x80, s29;
	s26 =	sadd.s32 $0x80, s26  }
0xfb: {  	v9 =	vadd.f32 v10, v9  }
0xfc: {  	v52 =	vmov s30  }
0xfd: {  	v8 =	vadd.f32 v9, v8;
	_ =	sdelay $0x1  }
0xfe: {  	[tilespmem:s31+$0x0] =	vst v8  }
0xff: {  	v8 =	vld [tilespmem:s28+$0xFFFFFFF0]  }
0x100: {  	v53 =	vld.idx.msk [tilespmem:v52+s16+$0x0], $0xffff  }
0x101: {  	v11 =	vld.idx.msk [tilespmem:v52+s17+$0x0], $0xffff  }
0x102: {  	v12 =	vld [tilespmem:s29+$0xFFFFFFF0]  }
0x103: {  	s0 =	sadd.s32 $0x80, s23;
	v10 =	vld.idx.msk [tilespmem:v52+s18+$0x0], $0xffff  }
0x104: {  	v13 =	vld [tilespmem:s0+$0xFFFFFFF0];
	_ =	sdelay $0x2  }
0x105: {  	v8 =	vmul.f32 v8, v53;
	v12 =	vmul.f32 v12, v11  }
0x106: {  	v14 =	vld [tilespmem:s26+$0xFFFFFFE0]  }
0x107: {  	v54 =	vmul.f32 v13, v10;
	v8 =	vadd.f32 v12, v8;
	_ =	sdelay $0x1  }
0x108: {  	v8 =	vadd.f32 v54, v8;
	_ =	sdelay $0x1  }
0x109: {  	v8 =	vadd.f32 v8, v14  }
0x10a: {  	s2 =	sadd.s32 $0x30, s24  }
0x10b: {  	[tilespmem:s2+$0xFFFFFFE0] =	vst v8  }
0x10c: {  	v8 =	vld [tilespmem:s28+$0x0]  }
0x10d: {  	v55 =	vld [tilespmem:s29+$0x0];
	_ =	sdelay $0x1  }
0x10e: {  	v56 =	vld [tilespmem:s0+$0x0];
	_ =	sdelay $0x2  }
0x10f: {  	v8 =	vmul.f32 v8, v53;
	v12 =	vmul.f32 v55, v11  }
0x110: {  	v57 =	vld [tilespmem:s26+$0xFFFFFFF0]  }
0x111: {  	v58 =	vmul.f32 v56, v10;
	v8 =	vadd.f32 v12, v8;
	_ =	sdelay $0x1  }
0x112: {  	v8 =	vadd.f32 v58, v8;
	_ =	sdelay $0x1  }
0x113: {  	v8 =	vadd.f32 v8, v57;
	_ =	sdelay $0x1  }
0x114: {  	[tilespmem:s2+$0xFFFFFFF0] =	vst v8  }
0x115: {  	v8 =	vld [tilespmem:s28+$0x10]  }
0x116: {  	v59 =	vld [tilespmem:s29+$0x10];
	_ =	sdelay $0x1  }
0x117: {  	v60 =	vld [tilespmem:s0+$0x10];
	_ =	sdelay $0x2  }
0x118: {  	v8 =	vmul.f32 v8, v53;
	v61 =	vmul.f32 v59, v11  }
0x119: {  	v62 =	vld [tilespmem:s26+$0x0]  }
0x11a: {  	v63 =	vmul.f32 v60, v10;
	v8 =	vadd.f32 v61, v8;
	_ =	sdelay $0x1  }
0x11b: {  	v8 =	vadd.f32 v63, v8;
	_ =	sdelay $0x1  }
0x11c: {  	s22 =	sadd.s32 $0x1, s22;
	v8 =	vadd.f32 v8, v62  }
0x11d: {  	p0 =	sne.s32 s22, s12  }
.Ltmp2:
0x11e: {  	[tilespmem:s2+$0x0] =	vst v8;
	(pc) =	sbr.rel @p0 .LBB2_1-.Ltmp2, $4  }
0x11f: {  	[hbm4b:s11+s3] =	stream.linear.scatter [tilespmem:s21], [sflag:$0x3], $0x1800, $0x38;
	[tilespmem:$0x11B80] =	vst v63  }
0x120: {  	_ =	swait.ge [sflag:s13], $0x1800  }
0x121: {  	[sflag:s13] =	ssyncset.done $0x0  }
0x122: {  	[sflag:s13] =	ssyncadd.s32 $0xFFFFE800  }
0x123: {  	_ =	sfence.sel $0x180000  }
0x124: {  	[bflag:$0x0] =	sbarrier.arrive $0xFFFF  }
0x125: {  	_ =	strace $0x90000050  }
0x126: {  	s0 =	stileid.u32;
	[bflag:$0x2] =	sbarrier.arrive $0xFFFF  }
0x127: {  	p0 =	sne.s32 s0, $0x0;
	s0 =	rddreg [dreg:$0x3]  }
0x128: {  	s0 =	sadd.s32 @!p0 $0x100000, s0  }
0x129: {  	[sflag:s0] =	ssyncadd.tile.s32 @!p0 $0x1;
	_ =	shalt  }
.Lfunc_end2:
_tile_overlayer_lowered:
.L_overlay_start_2:
0x12a: {  	(tag) =	ssettag $0x2  }
0x12b: {  	s0 =	rddreg [dreg:$0x0];
	s2 =	stileid.u32  }
0x12c: {  	s1 =	rddreg [dreg:$0x1];
	p0 =	sne.s32 s2, $0x0  }
0x12d: {  	s3 =	rddreg [dreg:$0x2];
	[bflag:$0x3] =	sbarrier.arrive $0xFFFF;
	s2 =	simm.s32 @!p0 $0x1C03  }
0x12e: {  	[timem:s3], [sflag:s2] =	dma.local @!p0 [hbm:s0], s1  }
0x12f: {  	s0 =	simm.s32 @!p0 $0x3  }
0x130: {  	_ =	swait.ge @!p0 [sflag:s0], s1  }
0x131: {  	s1 =	ssub.s32 @!p0 $0x0, s1;
	[sflag:s0] =	ssyncset.done @!p0 $0x0  }
0x132: {  	[sflag:s0] =	ssyncadd.s32 @!p0 s1  }
0x133: {  	[bflag:$0x3] =	sbarrier.arrive $0xFFFF  }
0x134: {  	_ =	shalt  }

</sc_bundles>
